<compile_context>
chip_gen: v7x
topology: tpu7x:2x2x1
jax: 0.10.2.dev20260603
libtpu: 0.0.44.dev20260713+nightly
codegen_flags: <defaults>
</compile_context>

<pallas_src>
import jax
import jax.numpy as jnp
from jax import lax
from jax.experimental import pallas as pl
from jax.experimental.pallas import tpu as pltpu
from jax.experimental.pallas import tpu_sc as plsc

N_NODES = 10000
N_EDGES = 320000
N_EMBED = 128

NC = 2
NS = 16
NW = NC * NS
CHUNK = 24
N_CHUNKS = 420
E_PER_TILE = N_CHUNKS * CHUNK
E_PAD = NW * E_PER_TILE + 4 * CHUNK
N_PAD = 10112
ROWS_PER_TILE = N_PAD // NS

_f32 = jnp.float32



def _sc_agg_body(h_hbm, src_hbm, dst_hbm, zrow_hbm,
                 agg_hbm,
                 agg_sh, src0, src1, dst0, dst1, dst2, dst3, rows0, rows1,
                 sem_g0, sem_g1, sem_s0, sem_s1,
                 sem_is0, sem_is1, sem_id0, sem_id1, sem_id2, sem_id3):
    c = lax.axis_index("c")
    s = lax.axis_index("s")
    wid = c * NS + s
    ebase = wid * E_PER_TILE
    base = s * ROWS_PER_TILE

    srcs = (src0, src1)
    dsts = (dst0, dst1, dst2, dst3)
    rows = (rows0, rows1)
    sem_g = (sem_g0, sem_g1)
    sem_s = (sem_s0, sem_s1)
    sem_is = (sem_is0, sem_is1)
    sem_id = (sem_id0, sem_id1, sem_id2, sem_id3)

    def eoff(chunk_id):
        return pl.multiple_of(ebase + chunk_id * CHUNK, 8)

    def load_src(chunk_id, k):
        pltpu.async_copy(src_hbm.at[pl.ds(eoff(chunk_id), 2 * CHUNK)],
                         srcs[k], sem_is[k])

    def load_dst(chunk_id, d):
        pltpu.async_copy(dst_hbm.at[pl.ds(eoff(chunk_id), CHUNK)],
                         dsts[d], sem_id[d])

    def wait_src(k):
        pltpu.make_async_copy(src_hbm.at[pl.ds(0, 2 * CHUNK)], srcs[k],
                              sem_is[k]).wait()

    def wait_dst(d):
        pltpu.make_async_copy(dst_hbm.at[pl.ds(0, CHUNK)], dsts[d],
                              sem_id[d]).wait()

    def wait_scatter(k, d):
        pltpu.make_async_copy(rows[k], agg_sh.at[dsts[d]], sem_s[k]).wait()

    pltpu.sync_copy(zrow_hbm, agg_sh.at[pl.ds(base, ROWS_PER_TILE)])
    plsc.subcore_barrier()

    load_src(0, 0)
    load_src(2, 1)
    load_dst(0, 0)
    load_dst(1, 1)

    def halfstep(a, k, d, sp, half, src_wait, first):
        if not first:
            wait_scatter(k, (d - 2) % 4)
        load_dst(a + 2, (d + 2) % 4)
        if src_wait:
            wait_src(sp)
        wait_dst(d)
        pltpu.async_copy(h_hbm.at[srcs[sp].at[pl.ds(half * CHUNK, CHUNK)]],
                         rows[k], sem_g[k])

    def finish(a, k, d, sp, half, src_load):
        pltpu.make_async_copy(
            h_hbm.at[srcs[sp].at[pl.ds(half * CHUNK, CHUNK)]],
            rows[k], sem_g[k]).wait()
        pltpu.async_copy(rows[k], agg_sh.at[dsts[d]], sem_s[k], add=True)
        if src_load:
            load_src(a + 3, sp)

    def quad(t, first):
        a = 4 * t
        halfstep(a + 0, 0, 0, 0, 0, True, first)
        halfstep(a + 1, 1, 1, 0, 1, False, first)
        finish(a + 0, 0, 0, 0, 0, False)
        finish(a + 1, 1, 1, 0, 1, True)
        halfstep(a + 2, 0, 2, 1, 0, True, False)
        halfstep(a + 3, 1, 3, 1, 1, False, False)
        finish(a + 2, 0, 2, 1, 0, False)
        finish(a + 3, 1, 3, 1, 1, True)

    quad(0, True)

    def loop_body(t, carry):
        quad(t, False)
        return carry

    lax.fori_loop(1, N_CHUNKS // 4, loop_body, 0)

    wait_scatter(0, 2)
    wait_scatter(1, 3)
    wait_src(0)
    wait_src(1)
    wait_dst(0)
    wait_dst(1)
    plsc.subcore_barrier()
    pltpu.sync_copy(agg_sh.at[pl.ds(base, ROWS_PER_TILE)],
                    agg_hbm.at[c, pl.ds(base, ROWS_PER_TILE)])


_SC_MESH = plsc.VectorSubcoreMesh(core_axis_name="c", subcore_axis_name="s")

_sc_agg = pl.kernel(
    _sc_agg_body,
    out_type=jax.ShapeDtypeStruct((NC, N_PAD, N_EMBED), _f32),
    scratch_types=[
        pltpu.VMEM_SHARED((N_PAD, N_EMBED), _f32),
        pltpu.VMEM((2 * CHUNK,), jnp.int32),
        pltpu.VMEM((2 * CHUNK,), jnp.int32),
        pltpu.VMEM((CHUNK,), jnp.int32),
        pltpu.VMEM((CHUNK,), jnp.int32),
        pltpu.VMEM((CHUNK,), jnp.int32),
        pltpu.VMEM((CHUNK,), jnp.int32),
        pltpu.VMEM((CHUNK, N_EMBED), _f32),
        pltpu.VMEM((CHUNK, N_EMBED), _f32),
        pltpu.SemaphoreType.DMA,
        pltpu.SemaphoreType.DMA,
        pltpu.SemaphoreType.DMA,
        pltpu.SemaphoreType.DMA,
        pltpu.SemaphoreType.DMA,
        pltpu.SemaphoreType.DMA,
        pltpu.SemaphoreType.DMA,
        pltpu.SemaphoreType.DMA,
        pltpu.SemaphoreType.DMA,
        pltpu.SemaphoreType.DMA,
    ],
    mesh=_SC_MESH,
)



BLK = 1000


def _dense_body(h_ref, agg_ref, degp_ref, e_ref, ws_ref, wn_ref, b_ref, o_ref):
    hb = h_ref[...]
    ab = agg_ref[0] + agg_ref[1]
    deg = degp_ref[0, :, 0:1] + degp_ref[1, :, 0:1]
    ab = ab / jnp.maximum(deg, 1.0)
    z = (jnp.dot(hb, ws_ref[...], preferred_element_type=_f32)
         + jnp.dot(ab, wn_ref[...], preferred_element_type=_f32)
         + b_ref[...])
    z = jnp.maximum(z, 0.0)
    n = jnp.sqrt(jnp.sum(z * z, axis=-1, keepdims=True))
    o_ref[...] = z / jnp.maximum(n, 1e-12) + e_ref[...]


_dense = pl.pallas_call(
    _dense_body,
    grid=(N_NODES // BLK,),
    in_specs=[
        pl.BlockSpec((BLK, N_EMBED), lambda i: (i, 0)),
        pl.BlockSpec((NC, BLK, N_EMBED), lambda i: (0, i, 0)),
        pl.BlockSpec((NC, BLK, N_EMBED), lambda i: (0, i, 0)),
        pl.BlockSpec((BLK, N_EMBED), lambda i: (i, 0)),
        pl.BlockSpec((N_EMBED, N_EMBED), lambda i: (0, 0)),
        pl.BlockSpec((N_EMBED, N_EMBED), lambda i: (0, 0)),
        pl.BlockSpec((1, N_EMBED), lambda i: (0, 0)),
    ],
    out_specs=pl.BlockSpec((BLK, N_EMBED), lambda i: (i, 0)),
    out_shape=jax.ShapeDtypeStruct((N_NODES, N_EMBED), _f32),
)


def kernel(x, edge_index, emb, W_self0, W_neigh0, b0, W_self1, W_neigh1, b1,
           W_self2, W_neigh2, b2):
    del x
    e = emb
    npad = E_PAD - N_EDGES
    src = jnp.concatenate([edge_index[0], jnp.zeros((npad,), jnp.int32)])
    dst = jnp.concatenate([edge_index[1],
                           jnp.full((npad,), N_NODES, jnp.int32)])
    zrow = jnp.zeros((ROWS_PER_TILE, N_EMBED), _f32)
    ones_h = jnp.ones((N_NODES, N_EMBED), _f32)

    degp = _sc_agg(ones_h, src, dst, zrow)

    def layer(h, Ws, Wn, b):
        agg = _sc_agg(h, src, dst, zrow)
        return _dense(h, agg, degp, e, Ws, Wn, b.reshape(1, N_EMBED))

    h = layer(e, W_self0, W_neigh0, b0)
    h = layer(h, W_self1, W_neigh1, b1)
    h = layer(h, W_self2, W_neigh2, b2)
    return h

# --- scband reference (transcript-rebuilt; emitter-appended) ---
"""Pipeline reference for scband-encoder-4097398800995 (READ-ONLY COPY).

The authoritative reference and input builder live on the scoring server;
editing this copy changes nothing except your own understanding.
"""

import jax, jax.numpy as jnp
import numpy as np

N_NODES = 10000
N_EDGES = 320000
N_EMBED = 128
N_LAYERS = 3

def setup_inputs(seed: int = 0) -> dict:
    key = jax.random.key(seed)
    keys = jax.random.split(key, 2 + 3 * N_LAYERS)
    x = jnp.arange(N_NODES, dtype=jnp.int32)
    edge_index = jax.random.randint(keys[0], (2, N_EDGES), 0, N_NODES, dtype=jnp.int32)
    emb = jax.random.normal(keys[1], (N_NODES, N_EMBED), dtype=jnp.float32) * 0.02
    inp = {"x": x, "edge_index": edge_index, "emb": emb}
    for l in range(N_LAYERS):
        inp[f"W_self{l}"] = jax.random.normal(keys[2 + 3 * l], (N_EMBED, N_EMBED), dtype=jnp.float32) * 0.05
        inp[f"W_neigh{l}"] = jax.random.normal(keys[3 + 3 * l], (N_EMBED, N_EMBED), dtype=jnp.float32) * 0.05
        inp[f"b{l}"] = jnp.zeros((N_EMBED,), dtype=jnp.float32)
    return inp

def _l2norm(h):
    # F.normalize(p=2, dim=-1, eps=1e-12)
    n = jnp.sqrt(jnp.sum(h * h, axis=-1, keepdims=True))
    return h / jnp.maximum(n, 1e-12)

def reference(x, edge_index, emb, W_self0, W_neigh0, b0, W_self1, W_neigh1, b1, W_self2, W_neigh2, b2):
    params = [(W_self0, W_neigh0, b0), (W_self1, W_neigh1, b1), (W_self2, W_neigh2, b2)]
    e = jnp.take(emb, x, axis=0)            # nn.Embedding lookup
    h = e
    src = edge_index[0]
    dst = edge_index[1]
    deg = jax.ops.segment_sum(jnp.ones((N_EDGES,), dtype=jnp.float32), dst, num_segments=N_NODES)
    deg = jnp.maximum(deg, 1.0)[:, None]
    for (Ws, Wn, b) in params:
        # DGL SAGEConv(aggregator_type='mean'): fc_self(h) + fc_neigh(mean_neigh(h)) + bias,
        # then activation=relu, then norm=F.normalize. Dropout omitted (eval mode).
        msg = jnp.take(h, src, axis=0)
        agg = jax.ops.segment_sum(msg, dst, num_segments=N_NODES) / deg
        h_new = h @ Ws + agg @ Wn + b
        h_new = jax.nn.relu(h_new)
        h_new = _l2norm(h_new)
        h = h_new + e                        # residual with embedding, as in the torch forward
    return h

if __name__ == "__main__":
    import jax
    _d = setup_inputs()
    print(jax.jit(kernel)(*tuple(_d.values())))

</pallas_src>

<mosaic_0001>
#map = affine_map<(d0, d1) -> (0, 0)>
#map1 = affine_map<(d0, d1) -> (0)>
#map2 = affine_map<(d0, d1) -> (0, 0, 0)>
module attributes {stable_mosaic.version = 14 : i64} {
  func.func @_sc_agg_body(%arg0: i32, %arg1: i32, %arg2: memref<10000x128xf32, #tpu.memory_space<hbm>>, %arg3: memref<322656xi32, #tpu.memory_space<hbm>>, %arg4: memref<322656xi32, #tpu.memory_space<hbm>>, %arg5: memref<632x128xf32, #tpu.memory_space<hbm>>, %arg6: memref<2x10112x128xf32, #tpu.memory_space<hbm>>, %arg7: memref<10112x128xf32, #tpu.memory_space<vmem_shared>>, %arg8: memref<48xi32, #tpu.memory_space<vmem>>, %arg9: memref<48xi32, #tpu.memory_space<vmem>>, %arg10: memref<24xi32, #tpu.memory_space<vmem>>, %arg11: memref<24xi32, #tpu.memory_space<vmem>>, %arg12: memref<24xi32, #tpu.memory_space<vmem>>, %arg13: memref<24xi32, #tpu.memory_space<vmem>>, %arg14: memref<24x128xf32, #tpu.memory_space<vmem>>, %arg15: memref<24x128xf32, #tpu.memory_space<vmem>>, %arg16: memref<!tpu.dma_semaphore, #tpu.memory_space<semaphore_mem>>, %arg17: memref<!tpu.dma_semaphore, #tpu.memory_space<semaphore_mem>>, %arg18: memref<!tpu.dma_semaphore, #tpu.memory_space<semaphore_mem>>, %arg19: memref<!tpu.dma_semaphore, #tpu.memory_space<semaphore_mem>>, %arg20: memref<!tpu.dma_semaphore, #tpu.memory_space<semaphore_mem>>, %arg21: memref<!tpu.dma_semaphore, #tpu.memory_space<semaphore_mem>>, %arg22: memref<!tpu.dma_semaphore, #tpu.memory_space<semaphore_mem>>, %arg23: memref<!tpu.dma_semaphore, #tpu.memory_space<semaphore_mem>>, %arg24: memref<!tpu.dma_semaphore, #tpu.memory_space<semaphore_mem>>, %arg25: memref<!tpu.dma_semaphore, #tpu.memory_space<semaphore_mem>>) attributes {dimension_semantics = [#tpu.dimension_semantics<core_parallel>, #tpu.dimension_semantics<subcore_parallel>], iteration_bounds = array<i64: 2, 16>, scalar_prefetch = 0 : i64, scratch_operands = 19 : i64, tpu.core_type = #tpu.core_type<sc_vector_subcore>, window_params = [{transform_indices = #map}, {transform_indices = #map1}, {transform_indices = #map1}, {transform_indices = #map}, {transform_indices = #map2}]} {
    %mul3A = arith.constant 16 : i32
    %mul3A_0 = arith.muli %arg0, %mul3A : i32
    %add3A = arith.addi %mul3A_0, %arg1 : i32
    %mul3A_1 = arith.constant 10080 : i32
    %mul3A_2 = arith.muli %add3A, %mul3A_1 : i32
    %mul3A_3 = arith.constant 632 : i32
    %mul3A_4 = arith.muli %arg1, %mul3A_3 : i32
    "tpu.region"() ({
      %run_scoped3A = tpu.sem_alloc : memref<!tpu.dma_semaphore, #tpu.memory_space<semaphore_mem>>
      %dma_start3A_162 = arith.constant 0 : i32
      %dma_start3A_163 = tpu.memref_slice %arg7[%mul3A_4, %dma_start3A_162] : memref<10112x128xf32, #tpu.memory_space<vmem_shared>> -> memref<632x128xf32, #tpu.memory_space<vmem_shared>>
      tpu.enqueue_dma source(%arg5 : memref<632x128xf32, #tpu.memory_space<hbm>>) target(%dma_start3A_163 : memref<632x128xf32, #tpu.memory_space<vmem_shared>>) target_semaphore(%run_scoped3A : memref<!tpu.dma_semaphore, #tpu.memory_space<semaphore_mem>>)
      %dma_wait3A_164 = arith.constant 0 : i32
      %dma_wait3A_165 = tpu.memref_slice %arg7[%mul3A_4, %dma_wait3A_164] : memref<10112x128xf32, #tpu.memory_space<vmem_shared>> -> memref<632x128xf32, #tpu.memory_space<vmem_shared>>
      tpu.wait_dma2 semaphore(%run_scoped3A : memref<!tpu.dma_semaphore, #tpu.memory_space<semaphore_mem>>) src(%arg5 : memref<632x128xf32, #tpu.memory_space<hbm>>) dst(%dma_wait3A_165 : memref<632x128xf32, #tpu.memory_space<vmem_shared>>)
      tpu.yield
    }) : () -> ()
    %barrier3A = arith.constant 0 : index
    tpu.barrier barrier_id(%barrier3A)
    %add3A_5 = arith.constant 0 : i32
    %add3A_6 = arith.addi %mul3A_2, %add3A_5 : i32
    %multiple_of3A = tpu.assume_multiple %add3A_6, 8 : i32
    %dma_start3A = tpu.memref_slice %arg3[%multiple_of3A] : memref<322656xi32, #tpu.memory_space<hbm>> -> memref<48xi32, #tpu.memory_space<hbm>>
    %dma_start3A_7 = tpu.memref_slice %arg3[%multiple_of3A] : memref<322656xi32, #tpu.memory_space<hbm>> -> memref<48xi32, #tpu.memory_space<hbm>>
    tpu.enqueue_dma source(%dma_start3A_7 : memref<48xi32, #tpu.memory_space<hbm>>) target(%arg8 : memref<48xi32, #tpu.memory_space<vmem>>) target_semaphore(%arg20 : memref<!tpu.dma_semaphore, #tpu.memory_space<semaphore_mem>>)
    %add3A_8 = arith.constant 48 : i32
    %add3A_9 = arith.addi %mul3A_2, %add3A_8 : i32
    %multiple_of3A_10 = tpu.assume_multiple %add3A_9, 8 : i32
    %dma_start3A_11 = tpu.memref_slice %arg3[%multiple_of3A_10] : memref<322656xi32, #tpu.memory_space<hbm>> -> memref<48xi32, #tpu.memory_space<hbm>>
    %dma_start3A_12 = tpu.memref_slice %arg3[%multiple_of3A_10] : memref<322656xi32, #tpu.memory_space<hbm>> -> memref<48xi32, #tpu.memory_space<hbm>>
    tpu.enqueue_dma source(%dma_start3A_12 : memref<48xi32, #tpu.memory_space<hbm>>) target(%arg9 : memref<48xi32, #tpu.memory_space<vmem>>) target_semaphore(%arg21 : memref<!tpu.dma_semaphore, #tpu.memory_space<semaphore_mem>>)
    %add3A_13 = arith.constant 0 : i32
    %add3A_14 = arith.addi %mul3A_2, %add3A_13 : i32
    %multiple_of3A_15 = tpu.assume_multiple %add3A_14, 8 : i32
    %dma_start3A_16 = tpu.memref_slice %arg4[%multiple_of3A_15] : memref<322656xi32, #tpu.memory_space<hbm>> -> memref<24xi32, #tpu.memory_space<hbm>>
    %dma_start3A_17 = tpu.memref_slice %arg4[%multiple_of3A_15] : memref<322656xi32, #tpu.memory_space<hbm>> -> memref<24xi32, #tpu.memory_space<hbm>>
    tpu.enqueue_dma source(%dma_start3A_17 : memref<24xi32, #tpu.memory_space<hbm>>) target(%arg10 : memref<24xi32, #tpu.memory_space<vmem>>) target_semaphore(%arg22 : memref<!tpu.dma_semaphore, #tpu.memory_space<semaphore_mem>>)
    %add3A_18 = arith.constant 24 : i32
    %add3A_19 = arith.addi %mul3A_2, %add3A_18 : i32
    %multiple_of3A_20 = tpu.assume_multiple %add3A_19, 8 : i32
    %dma_start3A_21 = tpu.memref_slice %arg4[%multiple_of3A_20] : memref<322656xi32, #tpu.memory_space<hbm>> -> memref<24xi32, #tpu.memory_space<hbm>>
    %dma_start3A_22 = tpu.memref_slice %arg4[%multiple_of3A_20] : memref<322656xi32, #tpu.memory_space<hbm>> -> memref<24xi32, #tpu.memory_space<hbm>>
    tpu.enqueue_dma source(%dma_start3A_22 : memref<24xi32, #tpu.memory_space<hbm>>) target(%arg11 : memref<24xi32, #tpu.memory_space<vmem>>) target_semaphore(%arg23 : memref<!tpu.dma_semaphore, #tpu.memory_space<semaphore_mem>>)
    %add3A_23 = arith.constant 48 : i32
    %add3A_24 = arith.addi %mul3A_2, %add3A_23 : i32
    %multiple_of3A_25 = tpu.assume_multiple %add3A_24, 8 : i32
    %dma_start3A_26 = tpu.memref_slice %arg4[%multiple_of3A_25] : memref<322656xi32, #tpu.memory_space<hbm>> -> memref<24xi32, #tpu.memory_space<hbm>>
    %dma_start3A_27 = tpu.memref_slice %arg4[%multiple_of3A_25] : memref<322656xi32, #tpu.memory_space<hbm>> -> memref<24xi32, #tpu.memory_space<hbm>>
    tpu.enqueue_dma source(%dma_start3A_27 : memref<24xi32, #tpu.memory_space<hbm>>) target(%arg12 : memref<24xi32, #tpu.memory_space<vmem>>) target_semaphore(%arg24 : memref<!tpu.dma_semaphore, #tpu.memory_space<semaphore_mem>>)
    %dma_wait3A = arith.constant 0 : i32
    %dma_wait3A_28 = tpu.memref_slice %arg3[%dma_wait3A] : memref<322656xi32, #tpu.memory_space<hbm>> -> memref<48xi32, #tpu.memory_space<hbm>>
    %dma_wait3A_29 = arith.constant 0 : i32
    %dma_wait3A_30 = tpu.memref_slice %arg3[%dma_wait3A_29] : memref<322656xi32, #tpu.memory_space<hbm>> -> memref<48xi32, #tpu.memory_space<hbm>>
    tpu.wait_dma2 semaphore(%arg20 : memref<!tpu.dma_semaphore, #tpu.memory_space<semaphore_mem>>) src(%dma_wait3A_30 : memref<48xi32, #tpu.memory_space<hbm>>) dst(%arg8 : memref<48xi32, #tpu.memory_space<vmem>>)
    %dma_wait3A_31 = arith.constant 0 : i32
    %dma_wait3A_32 = tpu.memref_slice %arg4[%dma_wait3A_31] : memref<322656xi32, #tpu.memory_space<hbm>> -> memref<24xi32, #tpu.memory_space<hbm>>
    %dma_wait3A_33 = arith.constant 0 : i32
    %dma_wait3A_34 = tpu.memref_slice %arg4[%dma_wait3A_33] : memref<322656xi32, #tpu.memory_space<hbm>> -> memref<24xi32, #tpu.memory_space<hbm>>
    tpu.wait_dma2 semaphore(%arg22 : memref<!tpu.dma_semaphore, #tpu.memory_space<semaphore_mem>>) src(%dma_wait3A_34 : memref<24xi32, #tpu.memory_space<hbm>>) dst(%arg10 : memref<24xi32, #tpu.memory_space<vmem>>)
    %dma_start3A_35 = arith.constant 0 : i32
    %dma_start3A_36 = tpu.memref_slice %arg8[%dma_start3A_35] : memref<48xi32, #tpu.memory_space<vmem>> -> memref<24xi32, #tpu.memory_space<vmem>>
    %dma_start3A_37 = arith.constant 0 : i32
    %dma_start3A_38 = arith.constant 0 : i32
    %dma_start3A_39 = tpu.memref_slice %arg2[%dma_start3A_37, %dma_start3A_38] : memref<10000x128xf32, #tpu.memory_space<hbm>> -> memref<10000x128xf32, #tpu.memory_space<hbm>>
    tpu.enqueue_indirect_dma source(%dma_start3A_39 : memref<10000x128xf32, #tpu.memory_space<hbm>>) target(%arg14 : memref<24x128xf32, #tpu.memory_space<vmem>>) offsets(%dma_start3A_36 : memref<24xi32, #tpu.memory_space<vmem>>) semaphore(%arg16 : memref<!tpu.dma_semaphore, #tpu.memory_space<semaphore_mem>>)
    %add3A_40 = arith.constant 72 : i32
    %add3A_41 = arith.addi %mul3A_2, %add3A_40 : i32
    %multiple_of3A_42 = tpu.assume_multiple %add3A_41, 8 : i32
    %dma_start3A_43 = tpu.memref_slice %arg4[%multiple_of3A_42] : memref<322656xi32, #tpu.memory_space<hbm>> -> memref<24xi32, #tpu.memory_space<hbm>>
    %dma_start3A_44 = tpu.memref_slice %arg4[%multiple_of3A_42] : memref<322656xi32, #tpu.memory_space<hbm>> -> memref<24xi32, #tpu.memory_space<hbm>>
    tpu.enqueue_dma source(%dma_start3A_44 : memref<24xi32, #tpu.memory_space<hbm>>) target(%arg13 : memref<24xi32, #tpu.memory_space<vmem>>) target_semaphore(%arg25 : memref<!tpu.dma_semaphore, #tpu.memory_space<semaphore_mem>>)
    %dma_wait3A_45 = arith.constant 0 : i32
    %dma_wait3A_46 = tpu.memref_slice %arg4[%dma_wait3A_45] : memref<322656xi32, #tpu.memory_space<hbm>> -> memref<24xi32, #tpu.memory_space<hbm>>
    %dma_wait3A_47 = arith.constant 0 : i32
    %dma_wait3A_48 = tpu.memref_slice %arg4[%dma_wait3A_47] : memref<322656xi32, #tpu.memory_space<hbm>> -> memref<24xi32, #tpu.memory_space<hbm>>
    tpu.wait_dma2 semaphore(%arg23 : memref<!tpu.dma_semaphore, #tpu.memory_space<semaphore_mem>>) src(%dma_wait3A_48 : memref<24xi32, #tpu.memory_space<hbm>>) dst(%arg11 : memref<24xi32, #tpu.memory_space<vmem>>)
    %dma_start3A_49 = arith.constant 24 : i32
    %dma_start3A_50 = tpu.memref_slice %arg8[%dma_start3A_49] : memref<48xi32, #tpu.memory_space<vmem>> -> memref<24xi32, #tpu.memory_space<vmem>>
    %dma_start3A_51 = arith.constant 0 : i32
    %dma_start3A_52 = arith.constant 0 : i32
    %dma_start3A_53 = tpu.memref_slice %arg2[%dma_start3A_51, %dma_start3A_52] : memref<10000x128xf32, #tpu.memory_space<hbm>> -> memref<10000x128xf32, #tpu.memory_space<hbm>>
    tpu.enqueue_indirect_dma source(%dma_start3A_53 : memref<10000x128xf32, #tpu.memory_space<hbm>>) target(%arg15 : memref<24x128xf32, #tpu.memory_space<vmem>>) offsets(%dma_start3A_50 : memref<24xi32, #tpu.memory_space<vmem>>) semaphore(%arg17 : memref<!tpu.dma_semaphore, #tpu.memory_space<semaphore_mem>>)
    %dma_wait3A_54 = arith.constant 0 : i32
    %dma_wait3A_55 = tpu.memref_slice %arg8[%dma_wait3A_54] : memref<48xi32, #tpu.memory_space<vmem>> -> memref<24xi32, #tpu.memory_space<vmem>>
    %dma_wait3A_56 = arith.constant 0 : i32
    %dma_wait3A_57 = arith.constant 0 : i32
    %dma_wait3A_58 = tpu.memref_slice %arg2[%dma_wait3A_56, %dma_wait3A_57] : memref<10000x128xf32, #tpu.memory_space<hbm>> -> memref<10000x128xf32, #tpu.memory_space<hbm>>
    tpu.wait_indirect_dma semaphore(%arg16 : memref<!tpu.dma_semaphore, #tpu.memory_space<semaphore_mem>>) src(%dma_wait3A_58 : memref<10000x128xf32, #tpu.memory_space<hbm>>) dst(%arg14 : memref<24x128xf32, #tpu.memory_space<vmem>>)
    %dma_start3A_59 = arith.constant 0 : i32
    %dma_start3A_60 = arith.constant 0 : i32
    %dma_start3A_61 = tpu.memref_slice %arg7[%dma_start3A_59, %dma_start3A_60] : memref<10112x128xf32, #tpu.memory_space<vmem_shared>> -> memref<10112x128xf32, #tpu.memory_space<vmem_shared>>
    tpu.enqueue_indirect_dma source(%arg14 : memref<24x128xf32, #tpu.memory_space<vmem>>) target(%dma_start3A_61 : memref<10112x128xf32, #tpu.memory_space<vmem_shared>>) offsets(%arg10 : memref<24xi32, #tpu.memory_space<vmem>>) semaphore(%arg18 : memref<!tpu.dma_semaphore, #tpu.memory_space<semaphore_mem>>) {add = true}
    %dma_wait3A_62 = arith.constant 24 : i32
    %dma_wait3A_63 = tpu.memref_slice %arg8[%dma_wait3A_62] : memref<48xi32, #tpu.memory_space<vmem>> -> memref<24xi32, #tpu.memory_space<vmem>>
    %dma_wait3A_64 = arith.constant 0 : i32
    %dma_wait3A_65 = arith.constant 0 : i32
    %dma_wait3A_66 = tpu.memref_slice %arg2[%dma_wait3A_64, %dma_wait3A_65] : memref<10000x128xf32, #tpu.memory_space<hbm>> -> memref<10000x128xf32, #tpu.memory_space<hbm>>
    tpu.wait_indirect_dma semaphore(%arg17 : memref<!tpu.dma_semaphore, #tpu.memory_space<semaphore_mem>>) src(%dma_wait3A_66 : memref<10000x128xf32, #tpu.memory_space<hbm>>) dst(%arg15 : memref<24x128xf32, #tpu.memory_space<vmem>>)
    %dma_start3A_67 = arith.constant 0 : i32
    %dma_start3A_68 = arith.constant 0 : i32
    %dma_start3A_69 = tpu.memref_slice %arg7[%dma_start3A_67, %dma_start3A_68] : memref<10112x128xf32, #tpu.memory_space<vmem_shared>> -> memref<10112x128xf32, #tpu.memory_space<vmem_shared>>
    tpu.enqueue_indirect_dma source(%arg15 : memref<24x128xf32, #tpu.memory_space<vmem>>) target(%dma_start3A_69 : memref<10112x128xf32, #tpu.memory_space<vmem_shared>>) offsets(%arg11 : memref<24xi32, #tpu.memory_space<vmem>>) semaphore(%arg19 : memref<!tpu.dma_semaphore, #tpu.memory_space<semaphore_mem>>) {add = true}
    %add3A_70 = arith.constant 96 : i32
    %add3A_71 = arith.addi %mul3A_2, %add3A_70 : i32
    %multiple_of3A_72 = tpu.assume_multiple %add3A_71, 8 : i32
    %dma_start3A_73 = tpu.memref_slice %arg3[%multiple_of3A_72] : memref<322656xi32, #tpu.memory_space<hbm>> -> memref<48xi32, #tpu.memory_space<hbm>>
    %dma_start3A_74 = tpu.memref_slice %arg3[%multiple_of3A_72] : memref<322656xi32, #tpu.memory_space<hbm>> -> memref<48xi32, #tpu.memory_space<hbm>>
    tpu.enqueue_dma source(%dma_start3A_74 : memref<48xi32, #tpu.memory_space<hbm>>) target(%arg8 : memref<48xi32, #tpu.memory_space<vmem>>) target_semaphore(%arg20 : memref<!tpu.dma_semaphore, #tpu.memory_space<semaphore_mem>>)
    %dma_wait3A_75 = arith.constant 0 : i32
    %dma_wait3A_76 = arith.constant 0 : i32
    %dma_wait3A_77 = tpu.memref_slice %arg7[%dma_wait3A_75, %dma_wait3A_76] : memref<10112x128xf32, #tpu.memory_space<vmem_shared>> -> memref<10112x128xf32, #tpu.memory_space<vmem_shared>>
    tpu.wait_indirect_dma semaphore(%arg18 : memref<!tpu.dma_semaphore, #tpu.memory_space<semaphore_mem>>) src(%arg14 : memref<24x128xf32, #tpu.memory_space<vmem>>) dst(%dma_wait3A_77 : memref<10112x128xf32, #tpu.memory_space<vmem_shared>>)
    %add3A_78 = arith.constant 96 : i32
    %add3A_79 = arith.addi %mul3A_2, %add3A_78 : i32
    %multiple_of3A_80 = tpu.assume_multiple %add3A_79, 8 : i32
    %dma_start3A_81 = tpu.memref_slice %arg4[%multiple_of3A_80] : memref<322656xi32, #tpu.memory_space<hbm>> -> memref<24xi32, #tpu.memory_space<hbm>>
    %dma_start3A_82 = tpu.memref_slice %arg4[%multiple_of3A_80] : memref<322656xi32, #tpu.memory_space<hbm>> -> memref<24xi32, #tpu.memory_space<hbm>>
    tpu.enqueue_dma source(%dma_start3A_82 : memref<24xi32, #tpu.memory_space<hbm>>) target(%arg10 : memref<24xi32, #tpu.memory_space<vmem>>) target_semaphore(%arg22 : memref<!tpu.dma_semaphore, #tpu.memory_space<semaphore_mem>>)
    %dma_wait3A_83 = arith.constant 0 : i32
    %dma_wait3A_84 = tpu.memref_slice %arg3[%dma_wait3A_83] : memref<322656xi32, #tpu.memory_space<hbm>> -> memref<48xi32, #tpu.memory_space<hbm>>
    %dma_wait3A_85 = arith.constant 0 : i32
    %dma_wait3A_86 = tpu.memref_slice %arg3[%dma_wait3A_85] : memref<322656xi32, #tpu.memory_space<hbm>> -> memref<48xi32, #tpu.memory_space<hbm>>
    tpu.wait_dma2 semaphore(%arg21 : memref<!tpu.dma_semaphore, #tpu.memory_space<semaphore_mem>>) src(%dma_wait3A_86 : memref<48xi32, #tpu.memory_space<hbm>>) dst(%arg9 : memref<48xi32, #tpu.memory_space<vmem>>)
    %dma_wait3A_87 = arith.constant 0 : i32
    %dma_wait3A_88 = tpu.memref_slice %arg4[%dma_wait3A_87] : memref<322656xi32, #tpu.memory_space<hbm>> -> memref<24xi32, #tpu.memory_space<hbm>>
    %dma_wait3A_89 = arith.constant 0 : i32
    %dma_wait3A_90 = tpu.memref_slice %arg4[%dma_wait3A_89] : memref<322656xi32, #tpu.memory_space<hbm>> -> memref<24xi32, #tpu.memory_space<hbm>>
    tpu.wait_dma2 semaphore(%arg24 : memref<!tpu.dma_semaphore, #tpu.memory_space<semaphore_mem>>) src(%dma_wait3A_90 : memref<24xi32, #tpu.memory_space<hbm>>) dst(%arg12 : memref<24xi32, #tpu.memory_space<vmem>>)
    %dma_start3A_91 = arith.constant 0 : i32
    %dma_start3A_92 = tpu.memref_slice %arg9[%dma_start3A_91] : memref<48xi32, #tpu.memory_space<vmem>> -> memref<24xi32, #tpu.memory_space<vmem>>
    %dma_start3A_93 = arith.constant 0 : i32
    %dma_start3A_94 = arith.constant 0 : i32
    %dma_start3A_95 = tpu.memref_slice %arg2[%dma_start3A_93, %dma_start3A_94] : memref<10000x128xf32, #tpu.memory_space<hbm>> -> memref<10000x128xf32, #tpu.memory_space<hbm>>
    tpu.enqueue_indirect_dma source(%dma_start3A_95 : memref<10000x128xf32, #tpu.memory_space<hbm>>) target(%arg14 : memref<24x128xf32, #tpu.memory_space<vmem>>) offsets(%dma_start3A_92 : memref<24xi32, #tpu.memory_space<vmem>>) semaphore(%arg16 : memref<!tpu.dma_semaphore, #tpu.memory_space<semaphore_mem>>)
    %dma_wait3A_96 = arith.constant 0 : i32
    %dma_wait3A_97 = arith.constant 0 : i32
    %dma_wait3A_98 = tpu.memref_slice %arg7[%dma_wait3A_96, %dma_wait3A_97] : memref<10112x128xf32, #tpu.memory_space<vmem_shared>> -> memref<10112x128xf32, #tpu.memory_space<vmem_shared>>
    tpu.wait_indirect_dma semaphore(%arg19 : memref<!tpu.dma_semaphore, #tpu.memory_space<semaphore_mem>>) src(%arg15 : memref<24x128xf32, #tpu.memory_space<vmem>>) dst(%dma_wait3A_98 : memref<10112x128xf32, #tpu.memory_space<vmem_shared>>)
    %add3A_99 = arith.constant 120 : i32
    %add3A_100 = arith.addi %mul3A_2, %add3A_99 : i32
    %multiple_of3A_101 = tpu.assume_multiple %add3A_100, 8 : i32
    %dma_start3A_102 = tpu.memref_slice %arg4[%multiple_of3A_101] : memref<322656xi32, #tpu.memory_space<hbm>> -> memref<24xi32, #tpu.memory_space<hbm>>
    %dma_start3A_103 = tpu.memref_slice %arg4[%multiple_of3A_101] : memref<322656xi32, #tpu.memory_space<hbm>> -> memref<24xi32, #tpu.memory_space<hbm>>
    tpu.enqueue_dma source(%dma_start3A_103 : memref<24xi32, #tpu.memory_space<hbm>>) target(%arg11 : memref<24xi32, #tpu.memory_space<vmem>>) target_semaphore(%arg23 : memref<!tpu.dma_semaphore, #tpu.memory_space<semaphore_mem>>)
    %dma_wait3A_104 = arith.constant 0 : i32
    %dma_wait3A_105 = tpu.memref_slice %arg4[%dma_wait3A_104] : memref<322656xi32, #tpu.memory_space<hbm>> -> memref<24xi32, #tpu.memory_space<hbm>>
    %dma_wait3A_106 = arith.constant 0 : i32
    %dma_wait3A_107 = tpu.memref_slice %arg4[%dma_wait3A_106] : memref<322656xi32, #tpu.memory_space<hbm>> -> memref<24xi32, #tpu.memory_space<hbm>>
    tpu.wait_dma2 semaphore(%arg25 : memref<!tpu.dma_semaphore, #tpu.memory_space<semaphore_mem>>) src(%dma_wait3A_107 : memref<24xi32, #tpu.memory_space<hbm>>) dst(%arg13 : memref<24xi32, #tpu.memory_space<vmem>>)
    %dma_start3A_108 = arith.constant 24 : i32
    %dma_start3A_109 = tpu.memref_slice %arg9[%dma_start3A_108] : memref<48xi32, #tpu.memory_space<vmem>> -> memref<24xi32, #tpu.memory_space<vmem>>
    %dma_start3A_110 = arith.constant 0 : i32
    %dma_start3A_111 = arith.constant 0 : i32
    %dma_start3A_112 = tpu.memref_slice %arg2[%dma_start3A_110, %dma_start3A_111] : memref<10000x128xf32, #tpu.memory_space<hbm>> -> memref<10000x128xf32, #tpu.memory_space<hbm>>
    tpu.enqueue_indirect_dma source(%dma_start3A_112 : memref<10000x128xf32, #tpu.memory_space<hbm>>) target(%arg15 : memref<24x128xf32, #tpu.memory_space<vmem>>) offsets(%dma_start3A_109 : memref<24xi32, #tpu.memory_space<vmem>>) semaphore(%arg17 : memref<!tpu.dma_semaphore, #tpu.memory_space<semaphore_mem>>)
    %dma_wait3A_113 = arith.constant 0 : i32
    %dma_wait3A_114 = tpu.memref_slice %arg9[%dma_wait3A_113] : memref<48xi32, #tpu.memory_space<vmem>> -> memref<24xi32, #tpu.memory_space<vmem>>
    %dma_wait3A_115 = arith.constant 0 : i32
    %dma_wait3A_116 = arith.constant 0 : i32
    %dma_wait3A_117 = tpu.memref_slice %arg2[%dma_wait3A_115, %dma_wait3A_116] : memref<10000x128xf32, #tpu.memory_space<hbm>> -> memref<10000x128xf32, #tpu.memory_space<hbm>>
    tpu.wait_indirect_dma semaphore(%arg16 : memref<!tpu.dma_semaphore, #tpu.memory_space<semaphore_mem>>) src(%dma_wait3A_117 : memref<10000x128xf32, #tpu.memory_space<hbm>>) dst(%arg14 : memref<24x128xf32, #tpu.memory_space<vmem>>)
    %dma_start3A_118 = arith.constant 0 : i32
    %dma_start3A_119 = arith.constant 0 : i32
    %dma_start3A_120 = tpu.memref_slice %arg7[%dma_start3A_118, %dma_start3A_119] : memref<10112x128xf32, #tpu.memory_space<vmem_shared>> -> memref<10112x128xf32, #tpu.memory_space<vmem_shared>>
    tpu.enqueue_indirect_dma source(%arg14 : memref<24x128xf32, #tpu.memory_space<vmem>>) target(%dma_start3A_120 : memref<10112x128xf32, #tpu.memory_space<vmem_shared>>) offsets(%arg12 : memref<24xi32, #tpu.memory_space<vmem>>) semaphore(%arg18 : memref<!tpu.dma_semaphore, #tpu.memory_space<semaphore_mem>>) {add = true}
    %dma_wait3A_121 = arith.constant 24 : i32
    %dma_wait3A_122 = tpu.memref_slice %arg9[%dma_wait3A_121] : memref<48xi32, #tpu.memory_space<vmem>> -> memref<24xi32, #tpu.memory_space<vmem>>
    %dma_wait3A_123 = arith.constant 0 : i32
    %dma_wait3A_124 = arith.constant 0 : i32
    %dma_wait3A_125 = tpu.memref_slice %arg2[%dma_wait3A_123, %dma_wait3A_124] : memref<10000x128xf32, #tpu.memory_space<hbm>> -> memref<10000x128xf32, #tpu.memory_space<hbm>>
    tpu.wait_indirect_dma semaphore(%arg17 : memref<!tpu.dma_semaphore, #tpu.memory_space<semaphore_mem>>) src(%dma_wait3A_125 : memref<10000x128xf32, #tpu.memory_space<hbm>>) dst(%arg15 : memref<24x128xf32, #tpu.memory_space<vmem>>)
    %dma_start3A_126 = arith.constant 0 : i32
    %dma_start3A_127 = arith.constant 0 : i32
    %dma_start3A_128 = tpu.memref_slice %arg7[%dma_start3A_126, %dma_start3A_127] : memref<10112x128xf32, #tpu.memory_space<vmem_shared>> -> memref<10112x128xf32, #tpu.memory_space<vmem_shared>>
    tpu.enqueue_indirect_dma source(%arg15 : memref<24x128xf32, #tpu.memory_space<vmem>>) target(%dma_start3A_128 : memref<10112x128xf32, #tpu.memory_space<vmem_shared>>) offsets(%arg13 : memref<24xi32, #tpu.memory_space<vmem>>) semaphore(%arg19 : memref<!tpu.dma_semaphore, #tpu.memory_space<semaphore_mem>>) {add = true}
    %add3A_129 = arith.constant 144 : i32
    %add3A_130 = arith.addi %mul3A_2, %add3A_129 : i32
    %multiple_of3A_131 = tpu.assume_multiple %add3A_130, 8 : i32
    %dma_start3A_132 = tpu.memref_slice %arg3[%multiple_of3A_131] : memref<322656xi32, #tpu.memory_space<hbm>> -> memref<48xi32, #tpu.memory_space<hbm>>
    %dma_start3A_133 = tpu.memref_slice %arg3[%multiple_of3A_131] : memref<322656xi32, #tpu.memory_space<hbm>> -> memref<48xi32, #tpu.memory_space<hbm>>
    tpu.enqueue_dma source(%dma_start3A_133 : memref<48xi32, #tpu.memory_space<hbm>>) target(%arg9 : memref<48xi32, #tpu.memory_space<vmem>>) target_semaphore(%arg21 : memref<!tpu.dma_semaphore, #tpu.memory_space<semaphore_mem>>)
    %scan3A = arith.constant 0 : i32
    %scan3A_134 = arith.constant 1 : i32
    %scan3A_135 = arith.constant 104 : i32
    %scan3A_136 = arith.addi %scan3A_134, %scan3A_135 : i32
    %scan3A_137 = arith.constant 1 : i32
    scf.for %scan3A_162 = %scan3A_134 to %scan3A_136 step %scan3A_137  : i32 {
      %mul3A_163 = arith.constant 4 : i32
      %mul3A_164 = arith.muli %mul3A_163, %scan3A_162 : i32
      %add3A_165 = arith.constant 0 : i32
      %add3A_166 = arith.addi %mul3A_164, %add3A_165 : i32
      %dma_wait3A_167 = arith.constant 0 : i32
      %dma_wait3A_168 = arith.constant 0 : i32
      %dma_wait3A_169 = tpu.memref_slice %arg7[%dma_wait3A_167, %dma_wait3A_168] : memref<10112x128xf32, #tpu.memory_space<vmem_shared>> -> memref<10112x128xf32, #tpu.memory_space<vmem_shared>>
      tpu.wait_indirect_dma semaphore(%arg18 : memref<!tpu.dma_semaphore, #tpu.memory_space<semaphore_mem>>) src(%arg14 : memref<24x128xf32, #tpu.memory_space<vmem>>) dst(%dma_wait3A_169 : memref<10112x128xf32, #tpu.memory_space<vmem_shared>>)
      %add3A_170 = arith.constant 2 : i32
      %add3A_171 = arith.addi %add3A_166, %add3A_170 : i32
      %mul3A_172 = arith.constant 24 : i32
      %mul3A_173 = arith.muli %add3A_171, %mul3A_172 : i32
      %add3A_174 = arith.addi %mul3A_2, %mul3A_173 : i32
      %multiple_of3A_175 = tpu.assume_multiple %add3A_174, 8 : i32
      %dma_start3A_176 = tpu.memref_slice %arg4[%multiple_of3A_175] : memref<322656xi32, #tpu.memory_space<hbm>> -> memref<24xi32, #tpu.memory_space<hbm>>
      %dma_start3A_177 = tpu.memref_slice %arg4[%multiple_of3A_175] : memref<322656xi32, #tpu.memory_space<hbm>> -> memref<24xi32, #tpu.memory_space<hbm>>
      tpu.enqueue_dma source(%dma_start3A_177 : memref<24xi32, #tpu.memory_space<hbm>>) target(%arg12 : memref<24xi32, #tpu.memory_space<vmem>>) target_semaphore(%arg24 : memref<!tpu.dma_semaphore, #tpu.memory_space<semaphore_mem>>)
      %dma_wait3A_178 = arith.constant 0 : i32
      %dma_wait3A_179 = tpu.memref_slice %arg3[%dma_wait3A_178] : memref<322656xi32, #tpu.memory_space<hbm>> -> memref<48xi32, #tpu.memory_space<hbm>>
      %dma_wait3A_180 = arith.constant 0 : i32
      %dma_wait3A_181 = tpu.memref_slice %arg3[%dma_wait3A_180] : memref<322656xi32, #tpu.memory_space<hbm>> -> memref<48xi32, #tpu.memory_space<hbm>>
      tpu.wait_dma2 semaphore(%arg20 : memref<!tpu.dma_semaphore, #tpu.memory_space<semaphore_mem>>) src(%dma_wait3A_181 : memref<48xi32, #tpu.memory_space<hbm>>) dst(%arg8 : memref<48xi32, #tpu.memory_space<vmem>>)
      %dma_wait3A_182 = arith.constant 0 : i32
      %dma_wait3A_183 = tpu.memref_slice %arg4[%dma_wait3A_182] : memref<322656xi32, #tpu.memory_space<hbm>> -> memref<24xi32, #tpu.memory_space<hbm>>
      %dma_wait3A_184 = arith.constant 0 : i32
      %dma_wait3A_185 = tpu.memref_slice %arg4[%dma_wait3A_184] : memref<322656xi32, #tpu.memory_space<hbm>> -> memref<24xi32, #tpu.memory_space<hbm>>
      tpu.wait_dma2 semaphore(%arg22 : memref<!tpu.dma_semaphore, #tpu.memory_space<semaphore_mem>>) src(%dma_wait3A_185 : memref<24xi32, #tpu.memory_space<hbm>>) dst(%arg10 : memref<24xi32, #tpu.memory_space<vmem>>)
      %dma_start3A_186 = arith.constant 0 : i32
      %dma_start3A_187 = tpu.memref_slice %arg8[%dma_start3A_186] : memref<48xi32, #tpu.memory_space<vmem>> -> memref<24xi32, #tpu.memory_space<vmem>>
      %dma_start3A_188 = arith.constant 0 : i32
      %dma_start3A_189 = arith.constant 0 : i32
      %dma_start3A_190 = tpu.memref_slice %arg2[%dma_start3A_188, %dma_start3A_189] : memref<10000x128xf32, #tpu.memory_space<hbm>> -> memref<10000x128xf32, #tpu.memory_space<hbm>>
      tpu.enqueue_indirect_dma source(%dma_start3A_190 : memref<10000x128xf32, #tpu.memory_space<hbm>>) target(%arg14 : memref<24x128xf32, #tpu.memory_space<vmem>>) offsets(%dma_start3A_187 : memref<24xi32, #tpu.memory_space<vmem>>) semaphore(%arg16 : memref<!tpu.dma_semaphore, #tpu.memory_space<semaphore_mem>>)
      %add3A_191 = arith.constant 1 : i32
      %add3A_192 = arith.addi %mul3A_164, %add3A_191 : i32
      %dma_wait3A_193 = arith.constant 0 : i32
      %dma_wait3A_194 = arith.constant 0 : i32
      %dma_wait3A_195 = tpu.memref_slice %arg7[%dma_wait3A_193, %dma_wait3A_194] : memref<10112x128xf32, #tpu.memory_space<vmem_shared>> -> memref<10112x128xf32, #tpu.memory_space<vmem_shared>>
      tpu.wait_indirect_dma semaphore(%arg19 : memref<!tpu.dma_semaphore, #tpu.memory_space<semaphore_mem>>) src(%arg15 : memref<24x128xf32, #tpu.memory_space<vmem>>) dst(%dma_wait3A_195 : memref<10112x128xf32, #tpu.memory_space<vmem_shared>>)
      %add3A_196 = arith.constant 2 : i32
      %add3A_197 = arith.addi %add3A_192, %add3A_196 : i32
      %mul3A_198 = arith.constant 24 : i32
      %mul3A_199 = arith.muli %add3A_197, %mul3A_198 : i32
      %add3A_200 = arith.addi %mul3A_2, %mul3A_199 : i32
      %multiple_of3A_201 = tpu.assume_multiple %add3A_200, 8 : i32
      %dma_start3A_202 = tpu.memref_slice %arg4[%multiple_of3A_201] : memref<322656xi32, #tpu.memory_space<hbm>> -> memref<24xi32, #tpu.memory_space<hbm>>
      %dma_start3A_203 = tpu.memref_slice %arg4[%multiple_of3A_201] : memref<322656xi32, #tpu.memory_space<hbm>> -> memref<24xi32, #tpu.memory_space<hbm>>
      tpu.enqueue_dma source(%dma_start3A_203 : memref<24xi32, #tpu.memory_space<hbm>>) target(%arg13 : memref<24xi32, #tpu.memory_space<vmem>>) target_semaphore(%arg25 : memref<!tpu.dma_semaphore, #tpu.memory_space<semaphore_mem>>)
      %dma_wait3A_204 = arith.constant 0 : i32
      %dma_wait3A_205 = tpu.memref_slice %arg4[%dma_wait3A_204] : memref<322656xi32, #tpu.memory_space<hbm>> -> memref<24xi32, #tpu.memory_space<hbm>>
      %dma_wait3A_206 = arith.constant 0 : i32
      %dma_wait3A_207 = tpu.memref_slice %arg4[%dma_wait3A_206] : memref<322656xi32, #tpu.memory_space<hbm>> -> memref<24xi32, #tpu.memory_space<hbm>>
      tpu.wait_dma2 semaphore(%arg23 : memref<!tpu.dma_semaphore, #tpu.memory_space<semaphore_mem>>) src(%dma_wait3A_207 : memref<24xi32, #tpu.memory_space<hbm>>) dst(%arg11 : memref<24xi32, #tpu.memory_space<vmem>>)
      %dma_start3A_208 = arith.constant 24 : i32
      %dma_start3A_209 = tpu.memref_slice %arg8[%dma_start3A_208] : memref<48xi32, #tpu.memory_space<vmem>> -> memref<24xi32, #tpu.memory_space<vmem>>
      %dma_start3A_210 = arith.constant 0 : i32
      %dma_start3A_211 = arith.constant 0 : i32
      %dma_start3A_212 = tpu.memref_slice %arg2[%dma_start3A_210, %dma_start3A_211] : memref<10000x128xf32, #tpu.memory_space<hbm>> -> memref<10000x128xf32, #tpu.memory_space<hbm>>
      tpu.enqueue_indirect_dma source(%dma_start3A_212 : memref<10000x128xf32, #tpu.memory_space<hbm>>) target(%arg15 : memref<24x128xf32, #tpu.memory_space<vmem>>) offsets(%dma_start3A_209 : memref<24xi32, #tpu.memory_space<vmem>>) semaphore(%arg17 : memref<!tpu.dma_semaphore, #tpu.memory_space<semaphore_mem>>)
      %add3A_213 = arith.constant 0 : i32
      %add3A_214 = arith.addi %mul3A_164, %add3A_213 : i32
      %dma_wait3A_215 = arith.constant 0 : i32
      %dma_wait3A_216 = tpu.memref_slice %arg8[%dma_wait3A_215] : memref<48xi32, #tpu.memory_space<vmem>> -> memref<24xi32, #tpu.memory_space<vmem>>
      %dma_wait3A_217 = arith.constant 0 : i32
      %dma_wait3A_218 = arith.constant 0 : i32
      %dma_wait3A_219 = tpu.memref_slice %arg2[%dma_wait3A_217, %dma_wait3A_218] : memref<10000x128xf32, #tpu.memory_space<hbm>> -> memref<10000x128xf32, #tpu.memory_space<hbm>>
      tpu.wait_indirect_dma semaphore(%arg16 : memref<!tpu.dma_semaphore, #tpu.memory_space<semaphore_mem>>) src(%dma_wait3A_219 : memref<10000x128xf32, #tpu.memory_space<hbm>>) dst(%arg14 : memref<24x128xf32, #tpu.memory_space<vmem>>)
      %dma_start3A_220 = arith.constant 0 : i32
      %dma_start3A_221 = arith.constant 0 : i32
      %dma_start3A_222 = tpu.memref_slice %arg7[%dma_start3A_220, %dma_start3A_221] : memref<10112x128xf32, #tpu.memory_space<vmem_shared>> -> memref<10112x128xf32, #tpu.memory_space<vmem_shared>>
      tpu.enqueue_indirect_dma source(%arg14 : memref<24x128xf32, #tpu.memory_space<vmem>>) target(%dma_start3A_222 : memref<10112x128xf32, #tpu.memory_space<vmem_shared>>) offsets(%arg10 : memref<24xi32, #tpu.memory_space<vmem>>) semaphore(%arg18 : memref<!tpu.dma_semaphore, #tpu.memory_space<semaphore_mem>>) {add = true}
      %add3A_223 = arith.constant 1 : i32
      %add3A_224 = arith.addi %mul3A_164, %add3A_223 : i32
      %dma_wait3A_225 = arith.constant 24 : i32
      %dma_wait3A_226 = tpu.memref_slice %arg8[%dma_wait3A_225] : memref<48xi32, #tpu.memory_space<vmem>> -> memref<24xi32, #tpu.memory_space<vmem>>
      %dma_wait3A_227 = arith.constant 0 : i32
      %dma_wait3A_228 = arith.constant 0 : i32
      %dma_wait3A_229 = tpu.memref_slice %arg2[%dma_wait3A_227, %dma_wait3A_228] : memref<10000x128xf32, #tpu.memory_space<hbm>> -> memref<10000x128xf32, #tpu.memory_space<hbm>>
      tpu.wait_indirect_dma semaphore(%arg17 : memref<!tpu.dma_semaphore, #tpu.memory_space<semaphore_mem>>) src(%dma_wait3A_229 : memref<10000x128xf32, #tpu.memory_space<hbm>>) dst(%arg15 : memref<24x128xf32, #tpu.memory_space<vmem>>)
      %dma_start3A_230 = arith.constant 0 : i32
      %dma_start3A_231 = arith.constant 0 : i32
      %dma_start3A_232 = tpu.memref_slice %arg7[%dma_start3A_230, %dma_start3A_231] : memref<10112x128xf32, #tpu.memory_space<vmem_shared>> -> memref<10112x128xf32, #tpu.memory_space<vmem_shared>>
      tpu.enqueue_indirect_dma source(%arg15 : memref<24x128xf32, #tpu.memory_space<vmem>>) target(%dma_start3A_232 : memref<10112x128xf32, #tpu.memory_space<vmem_shared>>) offsets(%arg11 : memref<24xi32, #tpu.memory_space<vmem>>) semaphore(%arg19 : memref<!tpu.dma_semaphore, #tpu.memory_space<semaphore_mem>>) {add = true}
      %add3A_233 = arith.constant 3 : i32
      %add3A_234 = arith.addi %add3A_224, %add3A_233 : i32
      %mul3A_235 = arith.constant 24 : i32
      %mul3A_236 = arith.muli %add3A_234, %mul3A_235 : i32
      %add3A_237 = arith.addi %mul3A_2, %mul3A_236 : i32
      %multiple_of3A_238 = tpu.assume_multiple %add3A_237, 8 : i32
      %dma_start3A_239 = tpu.memref_slice %arg3[%multiple_of3A_238] : memref<322656xi32, #tpu.memory_space<hbm>> -> memref<48xi32, #tpu.memory_space<hbm>>
      %dma_start3A_240 = tpu.memref_slice %arg3[%multiple_of3A_238] : memref<322656xi32, #tpu.memory_space<hbm>> -> memref<48xi32, #tpu.memory_space<hbm>>
      tpu.enqueue_dma source(%dma_start3A_240 : memref<48xi32, #tpu.memory_space<hbm>>) target(%arg8 : memref<48xi32, #tpu.memory_space<vmem>>) target_semaphore(%arg20 : memref<!tpu.dma_semaphore, #tpu.memory_space<semaphore_mem>>)
      %add3A_241 = arith.constant 2 : i32
      %add3A_242 = arith.addi %mul3A_164, %add3A_241 : i32
      %dma_wait3A_243 = arith.constant 0 : i32
      %dma_wait3A_244 = arith.constant 0 : i32
      %dma_wait3A_245 = tpu.memref_slice %arg7[%dma_wait3A_243, %dma_wait3A_244] : memref<10112x128xf32, #tpu.memory_space<vmem_shared>> -> memref<10112x128xf32, #tpu.memory_space<vmem_shared>>
      tpu.wait_indirect_dma semaphore(%arg18 : memref<!tpu.dma_semaphore, #tpu.memory_space<semaphore_mem>>) src(%arg14 : memref<24x128xf32, #tpu.memory_space<vmem>>) dst(%dma_wait3A_245 : memref<10112x128xf32, #tpu.memory_space<vmem_shared>>)
      %add3A_246 = arith.constant 2 : i32
      %add3A_247 = arith.addi %add3A_242, %add3A_246 : i32
      %mul3A_248 = arith.constant 24 : i32
      %mul3A_249 = arith.muli %add3A_247, %mul3A_248 : i32
      %add3A_250 = arith.addi %mul3A_2, %mul3A_249 : i32
      %multiple_of3A_251 = tpu.assume_multiple %add3A_250, 8 : i32
      %dma_start3A_252 = tpu.memref_slice %arg4[%multiple_of3A_251] : memref<322656xi32, #tpu.memory_space<hbm>> -> memref<24xi32, #tpu.memory_space<hbm>>
      %dma_start3A_253 = tpu.memref_slice %arg4[%multiple_of3A_251] : memref<322656xi32, #tpu.memory_space<hbm>> -> memref<24xi32, #tpu.memory_space<hbm>>
      tpu.enqueue_dma source(%dma_start3A_253 : memref<24xi32, #tpu.memory_space<hbm>>) target(%arg10 : memref<24xi32, #tpu.memory_space<vmem>>) target_semaphore(%arg22 : memref<!tpu.dma_semaphore, #tpu.memory_space<semaphore_mem>>)
      %dma_wait3A_254 = arith.constant 0 : i32
      %dma_wait3A_255 = tpu.memref_slice %arg3[%dma_wait3A_254] : memref<322656xi32, #tpu.memory_space<hbm>> -> memref<48xi32, #tpu.memory_space<hbm>>
      %dma_wait3A_256 = arith.constant 0 : i32
      %dma_wait3A_257 = tpu.memref_slice %arg3[%dma_wait3A_256] : memref<322656xi32, #tpu.memory_space<hbm>> -> memref<48xi32, #tpu.memory_space<hbm>>
      tpu.wait_dma2 semaphore(%arg21 : memref<!tpu.dma_semaphore, #tpu.memory_space<semaphore_mem>>) src(%dma_wait3A_257 : memref<48xi32, #tpu.memory_space<hbm>>) dst(%arg9 : memref<48xi32, #tpu.memory_space<vmem>>)
      %dma_wait3A_258 = arith.constant 0 : i32
      %dma_wait3A_259 = tpu.memref_slice %arg4[%dma_wait3A_258] : memref<322656xi32, #tpu.memory_space<hbm>> -> memref<24xi32, #tpu.memory_space<hbm>>
      %dma_wait3A_260 = arith.constant 0 : i32
      %dma_wait3A_261 = tpu.memref_slice %arg4[%dma_wait3A_260] : memref<322656xi32, #tpu.memory_space<hbm>> -> memref<24xi32, #tpu.memory_space<hbm>>
      tpu.wait_dma2 semaphore(%arg24 : memref<!tpu.dma_semaphore, #tpu.memory_space<semaphore_mem>>) src(%dma_wait3A_261 : memref<24xi32, #tpu.memory_space<hbm>>) dst(%arg12 : memref<24xi32, #tpu.memory_space<vmem>>)
      %dma_start3A_262 = arith.constant 0 : i32
      %dma_start3A_263 = tpu.memref_slice %arg9[%dma_start3A_262] : memref<48xi32, #tpu.memory_space<vmem>> -> memref<24xi32, #tpu.memory_space<vmem>>
      %dma_start3A_264 = arith.constant 0 : i32
      %dma_start3A_265 = arith.constant 0 : i32
      %dma_start3A_266 = tpu.memref_slice %arg2[%dma_start3A_264, %dma_start3A_265] : memref<10000x128xf32, #tpu.memory_space<hbm>> -> memref<10000x128xf32, #tpu.memory_space<hbm>>
      tpu.enqueue_indirect_dma source(%dma_start3A_266 : memref<10000x128xf32, #tpu.memory_space<hbm>>) target(%arg14 : memref<24x128xf32, #tpu.memory_space<vmem>>) offsets(%dma_start3A_263 : memref<24xi32, #tpu.memory_space<vmem>>) semaphore(%arg16 : memref<!tpu.dma_semaphore, #tpu.memory_space<semaphore_mem>>)
      %add3A_267 = arith.constant 3 : i32
      %add3A_268 = arith.addi %mul3A_164, %add3A_267 : i32
      %dma_wait3A_269 = arith.constant 0 : i32
      %dma_wait3A_270 = arith.constant 0 : i32
      %dma_wait3A_271 = tpu.memref_slice %arg7[%dma_wait3A_269, %dma_wait3A_270] : memref<10112x128xf32, #tpu.memory_space<vmem_shared>> -> memref<10112x128xf32, #tpu.memory_space<vmem_shared>>
      tpu.wait_indirect_dma semaphore(%arg19 : memref<!tpu.dma_semaphore, #tpu.memory_space<semaphore_mem>>) src(%arg15 : memref<24x128xf32, #tpu.memory_space<vmem>>) dst(%dma_wait3A_271 : memref<10112x128xf32, #tpu.memory_space<vmem_shared>>)
      %add3A_272 = arith.constant 2 : i32
      %add3A_273 = arith.addi %add3A_268, %add3A_272 : i32
      %mul3A_274 = arith.constant 24 : i32
      %mul3A_275 = arith.muli %add3A_273, %mul3A_274 : i32
      %add3A_276 = arith.addi %mul3A_2, %mul3A_275 : i32
      %multiple_of3A_277 = tpu.assume_multiple %add3A_276, 8 : i32
      %dma_start3A_278 = tpu.memref_slice %arg4[%multiple_of3A_277] : memref<322656xi32, #tpu.memory_space<hbm>> -> memref<24xi32, #tpu.memory_space<hbm>>
      %dma_start3A_279 = tpu.memref_slice %arg4[%multiple_of3A_277] : memref<322656xi32, #tpu.memory_space<hbm>> -> memref<24xi32, #tpu.memory_space<hbm>>
      tpu.enqueue_dma source(%dma_start3A_279 : memref<24xi32, #tpu.memory_space<hbm>>) target(%arg11 : memref<24xi32, #tpu.memory_space<vmem>>) target_semaphore(%arg23 : memref<!tpu.dma_semaphore, #tpu.memory_space<semaphore_mem>>)
      %dma_wait3A_280 = arith.constant 0 : i32
      %dma_wait3A_281 = tpu.memref_slice %arg4[%dma_wait3A_280] : memref<322656xi32, #tpu.memory_space<hbm>> -> memref<24xi32, #tpu.memory_space<hbm>>
      %dma_wait3A_282 = arith.constant 0 : i32
      %dma_wait3A_283 = tpu.memref_slice %arg4[%dma_wait3A_282] : memref<322656xi32, #tpu.memory_space<hbm>> -> memref<24xi32, #tpu.memory_space<hbm>>
      tpu.wait_dma2 semaphore(%arg25 : memref<!tpu.dma_semaphore, #tpu.memory_space<semaphore_mem>>) src(%dma_wait3A_283 : memref<24xi32, #tpu.memory_space<hbm>>) dst(%arg13 : memref<24xi32, #tpu.memory_space<vmem>>)
      %dma_start3A_284 = arith.constant 24 : i32
      %dma_start3A_285 = tpu.memref_slice %arg9[%dma_start3A_284] : memref<48xi32, #tpu.memory_space<vmem>> -> memref<24xi32, #tpu.memory_space<vmem>>
      %dma_start3A_286 = arith.constant 0 : i32
      %dma_start3A_287 = arith.constant 0 : i32
      %dma_start3A_288 = tpu.memref_slice %arg2[%dma_start3A_286, %dma_start3A_287] : memref<10000x128xf32, #tpu.memory_space<hbm>> -> memref<10000x128xf32, #tpu.memory_space<hbm>>
      tpu.enqueue_indirect_dma source(%dma_start3A_288 : memref<10000x128xf32, #tpu.memory_space<hbm>>) target(%arg15 : memref<24x128xf32, #tpu.memory_space<vmem>>) offsets(%dma_start3A_285 : memref<24xi32, #tpu.memory_space<vmem>>) semaphore(%arg17 : memref<!tpu.dma_semaphore, #tpu.memory_space<semaphore_mem>>)
      %add3A_289 = arith.constant 2 : i32
      %add3A_290 = arith.addi %mul3A_164, %add3A_289 : i32
      %dma_wait3A_291 = arith.constant 0 : i32
      %dma_wait3A_292 = tpu.memref_slice %arg9[%dma_wait3A_291] : memref<48xi32, #tpu.memory_space<vmem>> -> memref<24xi32, #tpu.memory_space<vmem>>
      %dma_wait3A_293 = arith.constant 0 : i32
      %dma_wait3A_294 = arith.constant 0 : i32
      %dma_wait3A_295 = tpu.memref_slice %arg2[%dma_wait3A_293, %dma_wait3A_294] : memref<10000x128xf32, #tpu.memory_space<hbm>> -> memref<10000x128xf32, #tpu.memory_space<hbm>>
      tpu.wait_indirect_dma semaphore(%arg16 : memref<!tpu.dma_semaphore, #tpu.memory_space<semaphore_mem>>) src(%dma_wait3A_295 : memref<10000x128xf32, #tpu.memory_space<hbm>>) dst(%arg14 : memref<24x128xf32, #tpu.memory_space<vmem>>)
      %dma_start3A_296 = arith.constant 0 : i32
      %dma_start3A_297 = arith.constant 0 : i32
      %dma_start3A_298 = tpu.memref_slice %arg7[%dma_start3A_296, %dma_start3A_297] : memref<10112x128xf32, #tpu.memory_space<vmem_shared>> -> memref<10112x128xf32, #tpu.memory_space<vmem_shared>>
      tpu.enqueue_indirect_dma source(%arg14 : memref<24x128xf32, #tpu.memory_space<vmem>>) target(%dma_start3A_298 : memref<10112x128xf32, #tpu.memory_space<vmem_shared>>) offsets(%arg12 : memref<24xi32, #tpu.memory_space<vmem>>) semaphore(%arg18 : memref<!tpu.dma_semaphore, #tpu.memory_space<semaphore_mem>>) {add = true}
      %add3A_299 = arith.constant 3 : i32
      %add3A_300 = arith.addi %mul3A_164, %add3A_299 : i32
      %dma_wait3A_301 = arith.constant 24 : i32
      %dma_wait3A_302 = tpu.memref_slice %arg9[%dma_wait3A_301] : memref<48xi32, #tpu.memory_space<vmem>> -> memref<24xi32, #tpu.memory_space<vmem>>
      %dma_wait3A_303 = arith.constant 0 : i32
      %dma_wait3A_304 = arith.constant 0 : i32
      %dma_wait3A_305 = tpu.memref_slice %arg2[%dma_wait3A_303, %dma_wait3A_304] : memref<10000x128xf32, #tpu.memory_space<hbm>> -> memref<10000x128xf32, #tpu.memory_space<hbm>>
      tpu.wait_indirect_dma semaphore(%arg17 : memref<!tpu.dma_semaphore, #tpu.memory_space<semaphore_mem>>) src(%dma_wait3A_305 : memref<10000x128xf32, #tpu.memory_space<hbm>>) dst(%arg15 : memref<24x128xf32, #tpu.memory_space<vmem>>)
      %dma_start3A_306 = arith.constant 0 : i32
      %dma_start3A_307 = arith.constant 0 : i32
      %dma_start3A_308 = tpu.memref_slice %arg7[%dma_start3A_306, %dma_start3A_307] : memref<10112x128xf32, #tpu.memory_space<vmem_shared>> -> memref<10112x128xf32, #tpu.memory_space<vmem_shared>>
      tpu.enqueue_indirect_dma source(%arg15 : memref<24x128xf32, #tpu.memory_space<vmem>>) target(%dma_start3A_308 : memref<10112x128xf32, #tpu.memory_space<vmem_shared>>) offsets(%arg13 : memref<24xi32, #tpu.memory_space<vmem>>) semaphore(%arg19 : memref<!tpu.dma_semaphore, #tpu.memory_space<semaphore_mem>>) {add = true}
      %add3A_309 = arith.constant 3 : i32
      %add3A_310 = arith.addi %add3A_300, %add3A_309 : i32
      %mul3A_311 = arith.constant 24 : i32
      %mul3A_312 = arith.muli %add3A_310, %mul3A_311 : i32
      %add3A_313 = arith.addi %mul3A_2, %mul3A_312 : i32
      %multiple_of3A_314 = tpu.assume_multiple %add3A_313, 8 : i32
      %dma_start3A_315 = tpu.memref_slice %arg3[%multiple_of3A_314] : memref<322656xi32, #tpu.memory_space<hbm>> -> memref<48xi32, #tpu.memory_space<hbm>>
      %dma_start3A_316 = tpu.memref_slice %arg3[%multiple_of3A_314] : memref<322656xi32, #tpu.memory_space<hbm>> -> memref<48xi32, #tpu.memory_space<hbm>>
      tpu.enqueue_dma source(%dma_start3A_316 : memref<48xi32, #tpu.memory_space<hbm>>) target(%arg9 : memref<48xi32, #tpu.memory_space<vmem>>) target_semaphore(%arg21 : memref<!tpu.dma_semaphore, #tpu.memory_space<semaphore_mem>>)
    }
    %scan3A_138 = arith.constant 104 : i32
    %dma_wait3A_139 = arith.constant 0 : i32
    %dma_wait3A_140 = arith.constant 0 : i32
    %dma_wait3A_141 = tpu.memref_slice %arg7[%dma_wait3A_139, %dma_wait3A_140] : memref<10112x128xf32, #tpu.memory_space<vmem_shared>> -> memref<10112x128xf32, #tpu.memory_space<vmem_shared>>
    tpu.wait_indirect_dma semaphore(%arg18 : memref<!tpu.dma_semaphore, #tpu.memory_space<semaphore_mem>>) src(%arg14 : memref<24x128xf32, #tpu.memory_space<vmem>>) dst(%dma_wait3A_141 : memref<10112x128xf32, #tpu.memory_space<vmem_shared>>)
    %dma_wait3A_142 = arith.constant 0 : i32
    %dma_wait3A_143 = arith.constant 0 : i32
    %dma_wait3A_144 = tpu.memref_slice %arg7[%dma_wait3A_142, %dma_wait3A_143] : memref<10112x128xf32, #tpu.memory_space<vmem_shared>> -> memref<10112x128xf32, #tpu.memory_space<vmem_shared>>
    tpu.wait_indirect_dma semaphore(%arg19 : memref<!tpu.dma_semaphore, #tpu.memory_space<semaphore_mem>>) src(%arg15 : memref<24x128xf32, #tpu.memory_space<vmem>>) dst(%dma_wait3A_144 : memref<10112x128xf32, #tpu.memory_space<vmem_shared>>)
    %dma_wait3A_145 = arith.constant 0 : i32
    %dma_wait3A_146 = tpu.memref_slice %arg3[%dma_wait3A_145] : memref<322656xi32, #tpu.memory_space<hbm>> -> memref<48xi32, #tpu.memory_space<hbm>>
    %dma_wait3A_147 = arith.constant 0 : i32
    %dma_wait3A_148 = tpu.memref_slice %arg3[%dma_wait3A_147] : memref<322656xi32, #tpu.memory_space<hbm>> -> memref<48xi32, #tpu.memory_space<hbm>>
    tpu.wait_dma2 semaphore(%arg20 : memref<!tpu.dma_semaphore, #tpu.memory_space<semaphore_mem>>) src(%dma_wait3A_148 : memref<48xi32, #tpu.memory_space<hbm>>) dst(%arg8 : memref<48xi32, #tpu.memory_space<vmem>>)
    %dma_wait3A_149 = arith.constant 0 : i32
    %dma_wait3A_150 = tpu.memref_slice %arg3[%dma_wait3A_149] : memref<322656xi32, #tpu.memory_space<hbm>> -> memref<48xi32, #tpu.memory_space<hbm>>
    %dma_wait3A_151 = arith.constant 0 : i32
    %dma_wait3A_152 = tpu.memref_slice %arg3[%dma_wait3A_151] : memref<322656xi32, #tpu.memory_space<hbm>> -> memref<48xi32, #tpu.memory_space<hbm>>
    tpu.wait_dma2 semaphore(%arg21 : memref<!tpu.dma_semaphore, #tpu.memory_space<semaphore_mem>>) src(%dma_wait3A_152 : memref<48xi32, #tpu.memory_space<hbm>>) dst(%arg9 : memref<48xi32, #tpu.memory_space<vmem>>)
    %dma_wait3A_153 = arith.constant 0 : i32
    %dma_wait3A_154 = tpu.memref_slice %arg4[%dma_wait3A_153] : memref<322656xi32, #tpu.memory_space<hbm>> -> memref<24xi32, #tpu.memory_space<hbm>>
    %dma_wait3A_155 = arith.constant 0 : i32
    %dma_wait3A_156 = tpu.memref_slice %arg4[%dma_wait3A_155] : memref<322656xi32, #tpu.memory_space<hbm>> -> memref<24xi32, #tpu.memory_space<hbm>>
    tpu.wait_dma2 semaphore(%arg22 : memref<!tpu.dma_semaphore, #tpu.memory_space<semaphore_mem>>) src(%dma_wait3A_156 : memref<24xi32, #tpu.memory_space<hbm>>) dst(%arg10 : memref<24xi32, #tpu.memory_space<vmem>>)
    %dma_wait3A_157 = arith.constant 0 : i32
    %dma_wait3A_158 = tpu.memref_slice %arg4[%dma_wait3A_157] : memref<322656xi32, #tpu.memory_space<hbm>> -> memref<24xi32, #tpu.memory_space<hbm>>
    %dma_wait3A_159 = arith.constant 0 : i32
    %dma_wait3A_160 = tpu.memref_slice %arg4[%dma_wait3A_159] : memref<322656xi32, #tpu.memory_space<hbm>> -> memref<24xi32, #tpu.memory_space<hbm>>
    tpu.wait_dma2 semaphore(%arg23 : memref<!tpu.dma_semaphore, #tpu.memory_space<semaphore_mem>>) src(%dma_wait3A_160 : memref<24xi32, #tpu.memory_space<hbm>>) dst(%arg11 : memref<24xi32, #tpu.memory_space<vmem>>)
    %barrier3A_161 = arith.constant 0 : index
    tpu.barrier barrier_id(%barrier3A_161)
    "tpu.region"() ({
      %run_scoped3A = tpu.sem_alloc : memref<!tpu.dma_semaphore, #tpu.memory_space<semaphore_mem>>
      %dma_start3A_162 = arith.constant 0 : i32
      %dma_start3A_163 = tpu.memref_slice %arg6[%arg0, %mul3A_4, %dma_start3A_162] : memref<2x10112x128xf32, #tpu.memory_space<hbm>> -> memref<1x632x128xf32, #tpu.memory_space<hbm>>
      %dma_start3A_164 = tpu.memref_squeeze %dma_start3A_163 : memref<1x632x128xf32, #tpu.memory_space<hbm>> -> memref<632x128xf32, #tpu.memory_space<hbm>>
      %dma_start3A_165 = arith.constant 0 : i32
      %dma_start3A_166 = tpu.memref_slice %arg7[%mul3A_4, %dma_start3A_165] : memref<10112x128xf32, #tpu.memory_space<vmem_shared>> -> memref<632x128xf32, #tpu.memory_space<vmem_shared>>
      tpu.enqueue_dma source(%dma_start3A_166 : memref<632x128xf32, #tpu.memory_space<vmem_shared>>) target(%dma_start3A_164 : memref<632x128xf32, #tpu.memory_space<hbm>>) target_semaphore(%run_scoped3A : memref<!tpu.dma_semaphore, #tpu.memory_space<semaphore_mem>>)
      %dma_wait3A_167 = arith.constant 0 : i32
      %dma_wait3A_168 = tpu.memref_slice %arg6[%arg0, %mul3A_4, %dma_wait3A_167] : memref<2x10112x128xf32, #tpu.memory_space<hbm>> -> memref<1x632x128xf32, #tpu.memory_space<hbm>>
      %dma_wait3A_169 = tpu.memref_squeeze %dma_wait3A_168 : memref<1x632x128xf32, #tpu.memory_space<hbm>> -> memref<632x128xf32, #tpu.memory_space<hbm>>
      %dma_wait3A_170 = arith.constant 0 : i32
      %dma_wait3A_171 = tpu.memref_slice %arg7[%mul3A_4, %dma_wait3A_170] : memref<10112x128xf32, #tpu.memory_space<vmem_shared>> -> memref<632x128xf32, #tpu.memory_space<vmem_shared>>
      tpu.wait_dma2 semaphore(%run_scoped3A : memref<!tpu.dma_semaphore, #tpu.memory_space<semaphore_mem>>) src(%dma_wait3A_171 : memref<632x128xf32, #tpu.memory_space<vmem_shared>>) dst(%dma_wait3A_169 : memref<632x128xf32, #tpu.memory_space<hbm>>)
      tpu.yield
    }) : () -> ()
    return
  }
}

#map = affine_map<(d0, d1) -> (0, 0)>
#map1 = affine_map<(d0, d1) -> (0)>
#map2 = affine_map<(d0, d1) -> (0, 0, 0)>
module attributes {stable_mosaic.version = 14 : i64} {
  func.func @_sc_agg_body(%arg0: i32, %arg1: i32, %arg2: memref<10000x128xf32, #tpu.memory_space<hbm>>, %arg3: memref<322656xi32, #tpu.memory_space<hbm>>, %arg4: memref<322656xi32, #tpu.memory_space<hbm>>, %arg5: memref<632x128xf32, #tpu.memory_space<hbm>>, %arg6: memref<2x10112x128xf32, #tpu.memory_space<hbm>>, %arg7: memref<10112x128xf32, #tpu.memory_space<vmem_shared>>, %arg8: memref<48xi32, #tpu.memory_space<vmem>>, %arg9: memref<48xi32, #tpu.memory_space<vmem>>, %arg10: memref<24xi32, #tpu.memory_space<vmem>>, %arg11: memref<24xi32, #tpu.memory_space<vmem>>, %arg12: memref<24xi32, #tpu.memory_space<vmem>>, %arg13: memref<24xi32, #tpu.memory_space<vmem>>, %arg14: memref<24x128xf32, #tpu.memory_space<vmem>>, %arg15: memref<24x128xf32, #tpu.memory_space<vmem>>, %arg16: memref<!tpu.dma_semaphore, #tpu.memory_space<semaphore_mem>>, %arg17: memref<!tpu.dma_semaphore, #tpu.memory_space<semaphore_mem>>, %arg18: memref<!tpu.dma_semaphore, #tpu.memory_space<semaphore_mem>>, %arg19: memref<!tpu.dma_semaphore, #tpu.memory_space<semaphore_mem>>, %arg20: memref<!tpu.dma_semaphore, #tpu.memory_space<semaphore_mem>>, %arg21: memref<!tpu.dma_semaphore, #tpu.memory_space<semaphore_mem>>, %arg22: memref<!tpu.dma_semaphore, #tpu.memory_space<semaphore_mem>>, %arg23: memref<!tpu.dma_semaphore, #tpu.memory_space<semaphore_mem>>, %arg24: memref<!tpu.dma_semaphore, #tpu.memory_space<semaphore_mem>>, %arg25: memref<!tpu.dma_semaphore, #tpu.memory_space<semaphore_mem>>) attributes {dimension_semantics = [#tpu.dimension_semantics<core_parallel>, #tpu.dimension_semantics<subcore_parallel>], iteration_bounds = array<i64: 2, 16>, scalar_prefetch = 0 : i64, scratch_operands = 19 : i64, tpu.core_type = #tpu.core_type<sc_vector_subcore>, window_params = [{transform_indices = #map}, {transform_indices = #map1}, {transform_indices = #map1}, {transform_indices = #map}, {transform_indices = #map2}]} {
    %mul3A = arith.constant 16 : i32
    %mul3A_0 = arith.muli %arg0, %mul3A : i32
    %add3A = arith.addi %mul3A_0, %arg1 : i32
    %mul3A_1 = arith.constant 10080 : i32
    %mul3A_2 = arith.muli %add3A, %mul3A_1 : i32
    %mul3A_3 = arith.constant 632 : i32
    %mul3A_4 = arith.muli %arg1, %mul3A_3 : i32
    "tpu.region"() ({
      %run_scoped3A = tpu.sem_alloc : memref<!tpu.dma_semaphore, #tpu.memory_space<semaphore_mem>>
      %dma_start3A_162 = arith.constant 0 : i32
      %dma_start3A_163 = tpu.memref_slice %arg7[%mul3A_4, %dma_start3A_162] : memref<10112x128xf32, #tpu.memory_space<vmem_shared>> -> memref<632x128xf32, #tpu.memory_space<vmem_shared>>
      tpu.enqueue_dma source(%arg5 : memref<632x128xf32, #tpu.memory_space<hbm>>) target(%dma_start3A_163 : memref<632x128xf32, #tpu.memory_space<vmem_shared>>) target_semaphore(%run_scoped3A : memref<!tpu.dma_semaphore, #tpu.memory_space<semaphore_mem>>)
      %dma_wait3A_164 = arith.constant 0 : i32
      %dma_wait3A_165 = tpu.memref_slice %arg7[%mul3A_4, %dma_wait3A_164] : memref<10112x128xf32, #tpu.memory_space<vmem_shared>> -> memref<632x128xf32, #tpu.memory_space<vmem_shared>>
      tpu.wait_dma2 semaphore(%run_scoped3A : memref<!tpu.dma_semaphore, #tpu.memory_space<semaphore_mem>>) src(%arg5 : memref<632x128xf32, #tpu.memory_space<hbm>>) dst(%dma_wait3A_165 : memref<632x128xf32, #tpu.memory_space<vmem_shared>>)
      tpu.yield
    }) : () -> ()
    %barrier3A = arith.constant 0 : index
    tpu.barrier barrier_id(%barrier3A)
    %add3A_5 = arith.constant 0 : i32
    %add3A_6 = arith.addi %mul3A_2, %add3A_5 : i32
    %multiple_of3A = tpu.assume_multiple %add3A_6, 8 : i32
    %dma_start3A = tpu.memref_slice %arg3[%multiple_of3A] : memref<322656xi32, #tpu.memory_space<hbm>> -> memref<48xi32, #tpu.memory_space<hbm>>
    %dma_start3A_7 = tpu.memref_slice %arg3[%multiple_of3A] : memref<322656xi32, #tpu.memory_space<hbm>> -> memref<48xi32, #tpu.memory_space<hbm>>
    tpu.enqueue_dma source(%dma_start3A_7 : memref<48xi32, #tpu.memory_space<hbm>>) target(%arg8 : memref<48xi32, #tpu.memory_space<vmem>>) target_semaphore(%arg20 : memref<!tpu.dma_semaphore, #tpu.memory_space<semaphore_mem>>)
    %add3A_8 = arith.constant 48 : i32
    %add3A_9 = arith.addi %mul3A_2, %add3A_8 : i32
    %multiple_of3A_10 = tpu.assume_multiple %add3A_9, 8 : i32
    %dma_start3A_11 = tpu.memref_slice %arg3[%multiple_of3A_10] : memref<322656xi32, #tpu.memory_space<hbm>> -> memref<48xi32, #tpu.memory_space<hbm>>
    %dma_start3A_12 = tpu.memref_slice %arg3[%multiple_of3A_10] : memref<322656xi32, #tpu.memory_space<hbm>> -> memref<48xi32, #tpu.memory_space<hbm>>
    tpu.enqueue_dma source(%dma_start3A_12 : memref<48xi32, #tpu.memory_space<hbm>>) target(%arg9 : memref<48xi32, #tpu.memory_space<vmem>>) target_semaphore(%arg21 : memref<!tpu.dma_semaphore, #tpu.memory_space<semaphore_mem>>)
    %add3A_13 = arith.constant 0 : i32
    %add3A_14 = arith.addi %mul3A_2, %add3A_13 : i32
    %multiple_of3A_15 = tpu.assume_multiple %add3A_14, 8 : i32
    %dma_start3A_16 = tpu.memref_slice %arg4[%multiple_of3A_15] : memref<322656xi32, #tpu.memory_space<hbm>> -> memref<24xi32, #tpu.memory_space<hbm>>
    %dma_start3A_17 = tpu.memref_slice %arg4[%multiple_of3A_15] : memref<322656xi32, #tpu.memory_space<hbm>> -> memref<24xi32, #tpu.memory_space<hbm>>
    tpu.enqueue_dma source(%dma_start3A_17 : memref<24xi32, #tpu.memory_space<hbm>>) target(%arg10 : memref<24xi32, #tpu.memory_space<vmem>>) target_semaphore(%arg22 : memref<!tpu.dma_semaphore, #tpu.memory_space<semaphore_mem>>)
    %add3A_18 = arith.constant 24 : i32
    %add3A_19 = arith.addi %mul3A_2, %add3A_18 : i32
    %multiple_of3A_20 = tpu.assume_multiple %add3A_19, 8 : i32
    %dma_start3A_21 = tpu.memref_slice %arg4[%multiple_of3A_20] : memref<322656xi32, #tpu.memory_space<hbm>> -> memref<24xi32, #tpu.memory_space<hbm>>
    %dma_start3A_22 = tpu.memref_slice %arg4[%multiple_of3A_20] : memref<322656xi32, #tpu.memory_space<hbm>> -> memref<24xi32, #tpu.memory_space<hbm>>
    tpu.enqueue_dma source(%dma_start3A_22 : memref<24xi32, #tpu.memory_space<hbm>>) target(%arg11 : memref<24xi32, #tpu.memory_space<vmem>>) target_semaphore(%arg23 : memref<!tpu.dma_semaphore, #tpu.memory_space<semaphore_mem>>)
    %add3A_23 = arith.constant 48 : i32
    %add3A_24 = arith.addi %mul3A_2, %add3A_23 : i32
    %multiple_of3A_25 = tpu.assume_multiple %add3A_24, 8 : i32
    %dma_start3A_26 = tpu.memref_slice %arg4[%multiple_of3A_25] : memref<322656xi32, #tpu.memory_space<hbm>> -> memref<24xi32, #tpu.memory_space<hbm>>
    %dma_start3A_27 = tpu.memref_slice %arg4[%multiple_of3A_25] : memref<322656xi32, #tpu.memory_space<hbm>> -> memref<24xi32, #tpu.memory_space<hbm>>
    tpu.enqueue_dma source(%dma_start3A_27 : memref<24xi32, #tpu.memory_space<hbm>>) target(%arg12 : memref<24xi32, #tpu.memory_space<vmem>>) target_semaphore(%arg24 : memref<!tpu.dma_semaphore, #tpu.memory_space<semaphore_mem>>)
    %dma_wait3A = arith.constant 0 : i32
    %dma_wait3A_28 = tpu.memref_slice %arg3[%dma_wait3A] : memref<322656xi32, #tpu.memory_space<hbm>> -> memref<48xi32, #tpu.memory_space<hbm>>
    %dma_wait3A_29 = arith.constant 0 : i32
    %dma_wait3A_30 = tpu.memref_slice %arg3[%dma_wait3A_29] : memref<322656xi32, #tpu.memory_space<hbm>> -> memref<48xi32, #tpu.memory_space<hbm>>
    tpu.wait_dma2 semaphore(%arg20 : memref<!tpu.dma_semaphore, #tpu.memory_space<semaphore_mem>>) src(%dma_wait3A_30 : memref<48xi32, #tpu.memory_space<hbm>>) dst(%arg8 : memref<48xi32, #tpu.memory_space<vmem>>)
    %dma_wait3A_31 = arith.constant 0 : i32
    %dma_wait3A_32 = tpu.memref_slice %arg4[%dma_wait3A_31] : memref<322656xi32, #tpu.memory_space<hbm>> -> memref<24xi32, #tpu.memory_space<hbm>>
    %dma_wait3A_33 = arith.constant 0 : i32
    %dma_wait3A_34 = tpu.memref_slice %arg4[%dma_wait3A_33] : memref<322656xi32, #tpu.memory_space<hbm>> -> memref<24xi32, #tpu.memory_space<hbm>>
    tpu.wait_dma2 semaphore(%arg22 : memref<!tpu.dma_semaphore, #tpu.memory_space<semaphore_mem>>) src(%dma_wait3A_34 : memref<24xi32, #tpu.memory_space<hbm>>) dst(%arg10 : memref<24xi32, #tpu.memory_space<vmem>>)
    %dma_start3A_35 = arith.constant 0 : i32
    %dma_start3A_36 = tpu.memref_slice %arg8[%dma_start3A_35] : memref<48xi32, #tpu.memory_space<vmem>> -> memref<24xi32, #tpu.memory_space<vmem>>
    %dma_start3A_37 = arith.constant 0 : i32
    %dma_start3A_38 = arith.constant 0 : i32
    %dma_start3A_39 = tpu.memref_slice %arg2[%dma_start3A_37, %dma_start3A_38] : memref<10000x128xf32, #tpu.memory_space<hbm>> -> memref<10000x128xf32, #tpu.memory_space<hbm>>
    tpu.enqueue_indirect_dma source(%dma_start3A_39 : memref<10000x128xf32, #tpu.memory_space<hbm>>) target(%arg14 : memref<24x128xf32, #tpu.memory_space<vmem>>) offsets(%dma_start3A_36 : memref<24xi32, #tpu.memory_space<vmem>>) semaphore(%arg16 : memref<!tpu.dma_semaphore, #tpu.memory_space<semaphore_mem>>)
    %add3A_40 = arith.constant 72 : i32
    %add3A_41 = arith.addi %mul3A_2, %add3A_40 : i32
    %multiple_of3A_42 = tpu.assume_multiple %add3A_41, 8 : i32
    %dma_start3A_43 = tpu.memref_slice %arg4[%multiple_of3A_42] : memref<322656xi32, #tpu.memory_space<hbm>> -> memref<24xi32, #tpu.memory_space<hbm>>
    %dma_start3A_44 = tpu.memref_slice %arg4[%multiple_of3A_42] : memref<322656xi32, #tpu.memory_space<hbm>> -> memref<24xi32, #tpu.memory_space<hbm>>
    tpu.enqueue_dma source(%dma_start3A_44 : memref<24xi32, #tpu.memory_space<hbm>>) target(%arg13 : memref<24xi32, #tpu.memory_space<vmem>>) target_semaphore(%arg25 : memref<!tpu.dma_semaphore, #tpu.memory_space<semaphore_mem>>)
    %dma_wait3A_45 = arith.constant 0 : i32
    %dma_wait3A_46 = tpu.memref_slice %arg4[%dma_wait3A_45] : memref<322656xi32, #tpu.memory_space<hbm>> -> memref<24xi32, #tpu.memory_space<hbm>>
    %dma_wait3A_47 = arith.constant 0 : i32
    %dma_wait3A_48 = tpu.memref_slice %arg4[%dma_wait3A_47] : memref<322656xi32, #tpu.memory_space<hbm>> -> memref<24xi32, #tpu.memory_space<hbm>>
    tpu.wait_dma2 semaphore(%arg23 : memref<!tpu.dma_semaphore, #tpu.memory_space<semaphore_mem>>) src(%dma_wait3A_48 : memref<24xi32, #tpu.memory_space<hbm>>) dst(%arg11 : memref<24xi32, #tpu.memory_space<vmem>>)
    %dma_start3A_49 = arith.constant 24 : i32
    %dma_start3A_50 = tpu.memref_slice %arg8[%dma_start3A_49] : memref<48xi32, #tpu.memory_space<vmem>> -> memref<24xi32, #tpu.memory_space<vmem>>
    %dma_start3A_51 = arith.constant 0 : i32
    %dma_start3A_52 = arith.constant 0 : i32
    %dma_start3A_53 = tpu.memref_slice %arg2[%dma_start3A_51, %dma_start3A_52] : memref<10000x128xf32, #tpu.memory_space<hbm>> -> memref<10000x128xf32, #tpu.memory_space<hbm>>
    tpu.enqueue_indirect_dma source(%dma_start3A_53 : memref<10000x128xf32, #tpu.memory_space<hbm>>) target(%arg15 : memref<24x128xf32, #tpu.memory_space<vmem>>) offsets(%dma_start3A_50 : memref<24xi32, #tpu.memory_space<vmem>>) semaphore(%arg17 : memref<!tpu.dma_semaphore, #tpu.memory_space<semaphore_mem>>)
    %dma_wait3A_54 = arith.constant 0 : i32
    %dma_wait3A_55 = tpu.memref_slice %arg8[%dma_wait3A_54] : memref<48xi32, #tpu.memory_space<vmem>> -> memref<24xi32, #tpu.memory_space<vmem>>
    %dma_wait3A_56 = arith.constant 0 : i32
    %dma_wait3A_57 = arith.constant 0 : i32
    %dma_wait3A_58 = tpu.memref_slice %arg2[%dma_wait3A_56, %dma_wait3A_57] : memref<10000x128xf32, #tpu.memory_space<hbm>> -> memref<10000x128xf32, #tpu.memory_space<hbm>>
    tpu.wait_indirect_dma semaphore(%arg16 : memref<!tpu.dma_semaphore, #tpu.memory_space<semaphore_mem>>) src(%dma_wait3A_58 : memref<10000x128xf32, #tpu.memory_space<hbm>>) dst(%arg14 : memref<24x128xf32, #tpu.memory_space<vmem>>)
    %dma_start3A_59 = arith.constant 0 : i32
    %dma_start3A_60 = arith.constant 0 : i32
    %dma_start3A_61 = tpu.memref_slice %arg7[%dma_start3A_59, %dma_start3A_60] : memref<10112x128xf32, #tpu.memory_space<vmem_shared>> -> memref<10112x128xf32, #tpu.memory_space<vmem_shared>>
    tpu.enqueue_indirect_dma source(%arg14 : memref<24x128xf32, #tpu.memory_space<vmem>>) target(%dma_start3A_61 : memref<10112x128xf32, #tpu.memory_space<vmem_shared>>) offsets(%arg10 : memref<24xi32, #tpu.memory_space<vmem>>) semaphore(%arg18 : memref<!tpu.dma_semaphore, #tpu.memory_space<semaphore_mem>>) {add = true}
    %dma_wait3A_62 = arith.constant 24 : i32
    %dma_wait3A_63 = tpu.memref_slice %arg8[%dma_wait3A_62] : memref<48xi32, #tpu.memory_space<vmem>> -> memref<24xi32, #tpu.memory_space<vmem>>
    %dma_wait3A_64 = arith.constant 0 : i32
    %dma_wait3A_65 = arith.constant 0 : i32
    %dma_wait3A_66 = tpu.memref_slice %arg2[%dma_wait3A_64, %dma_wait3A_65] : memref<10000x128xf32, #tpu.memory_space<hbm>> -> memref<10000x128xf32, #tpu.memory_space<hbm>>
    tpu.wait_indirect_dma semaphore(%arg17 : memref<!tpu.dma_semaphore, #tpu.memory_space<semaphore_mem>>) src(%dma_wait3A_66 : memref<10000x128xf32, #tpu.memory_space<hbm>>) dst(%arg15 : memref<24x128xf32, #tpu.memory_space<vmem>>)
    %dma_start3A_67 = arith.constant 0 : i32
    %dma_start3A_68 = arith.constant 0 : i32
    %dma_start3A_69 = tpu.memref_slice %arg7[%dma_start3A_67, %dma_start3A_68] : memref<10112x128xf32, #tpu.memory_space<vmem_shared>> -> memref<10112x128xf32, #tpu.memory_space<vmem_shared>>
    tpu.enqueue_indirect_dma source(%arg15 : memref<24x128xf32, #tpu.memory_space<vmem>>) target(%dma_start3A_69 : memref<10112x128xf32, #tpu.memory_space<vmem_shared>>) offsets(%arg11 : memref<24xi32, #tpu.memory_space<vmem>>) semaphore(%arg19 : memref<!tpu.dma_semaphore, #tpu.memory_space<semaphore_mem>>) {add = true}
    %add3A_70 = arith.constant 96 : i32
    %add3A_71 = arith.addi %mul3A_2, %add3A_70 : i32
    %multiple_of3A_72 = tpu.assume_multiple %add3A_71, 8 : i32
    %dma_start3A_73 = tpu.memref_slice %arg3[%multiple_of3A_72] : memref<322656xi32, #tpu.memory_space<hbm>> -> memref<48xi32, #tpu.memory_space<hbm>>
    %dma_start3A_74 = tpu.memref_slice %arg3[%multiple_of3A_72] : memref<322656xi32, #tpu.memory_space<hbm>> -> memref<48xi32, #tpu.memory_space<hbm>>
    tpu.enqueue_dma source(%dma_start3A_74 : memref<48xi32, #tpu.memory_space<hbm>>) target(%arg8 : memref<48xi32, #tpu.memory_space<vmem>>) target_semaphore(%arg20 : memref<!tpu.dma_semaphore, #tpu.memory_space<semaphore_mem>>)
    %dma_wait3A_75 = arith.constant 0 : i32
    %dma_wait3A_76 = arith.constant 0 : i32
    %dma_wait3A_77 = tpu.memref_slice %arg7[%dma_wait3A_75, %dma_wait3A_76] : memref<10112x128xf32, #tpu.memory_space<vmem_shared>> -> memref<10112x128xf32, #tpu.memory_space<vmem_shared>>
    tpu.wait_indirect_dma semaphore(%arg18 : memref<!tpu.dma_semaphore, #tpu.memory_space<semaphore_mem>>) src(%arg14 : memref<24x128xf32, #tpu.memory_space<vmem>>) dst(%dma_wait3A_77 : memref<10112x128xf32, #tpu.memory_space<vmem_shared>>)
    %add3A_78 = arith.constant 96 : i32
    %add3A_79 = arith.addi %mul3A_2, %add3A_78 : i32
    %multiple_of3A_80 = tpu.assume_multiple %add3A_79, 8 : i32
    %dma_start3A_81 = tpu.memref_slice %arg4[%multiple_of3A_80] : memref<322656xi32, #tpu.memory_space<hbm>> -> memref<24xi32, #tpu.memory_space<hbm>>
    %dma_start3A_82 = tpu.memref_slice %arg4[%multiple_of3A_80] : memref<322656xi32, #tpu.memory_space<hbm>> -> memref<24xi32, #tpu.memory_space<hbm>>
    tpu.enqueue_dma source(%dma_start3A_82 : memref<24xi32, #tpu.memory_space<hbm>>) target(%arg10 : memref<24xi32, #tpu.memory_space<vmem>>) target_semaphore(%arg22 : memref<!tpu.dma_semaphore, #tpu.memory_space<semaphore_mem>>)
    %dma_wait3A_83 = arith.constant 0 : i32
    %dma_wait3A_84 = tpu.memref_slice %arg3[%dma_wait3A_83] : memref<322656xi32, #tpu.memory_space<hbm>> -> memref<48xi32, #tpu.memory_space<hbm>>
    %dma_wait3A_85 = arith.constant 0 : i32
    %dma_wait3A_86 = tpu.memref_slice %arg3[%dma_wait3A_85] : memref<322656xi32, #tpu.memory_space<hbm>> -> memref<48xi32, #tpu.memory_space<hbm>>
    tpu.wait_dma2 semaphore(%arg21 : memref<!tpu.dma_semaphore, #tpu.memory_space<semaphore_mem>>) src(%dma_wait3A_86 : memref<48xi32, #tpu.memory_space<hbm>>) dst(%arg9 : memref<48xi32, #tpu.memory_space<vmem>>)
    %dma_wait3A_87 = arith.constant 0 : i32
    %dma_wait3A_88 = tpu.memref_slice %arg4[%dma_wait3A_87] : memref<322656xi32, #tpu.memory_space<hbm>> -> memref<24xi32, #tpu.memory_space<hbm>>
    %dma_wait3A_89 = arith.constant 0 : i32
    %dma_wait3A_90 = tpu.memref_slice %arg4[%dma_wait3A_89] : memref<322656xi32, #tpu.memory_space<hbm>> -> memref<24xi32, #tpu.memory_space<hbm>>
    tpu.wait_dma2 semaphore(%arg24 : memref<!tpu.dma_semaphore, #tpu.memory_space<semaphore_mem>>) src(%dma_wait3A_90 : memref<24xi32, #tpu.memory_space<hbm>>) dst(%arg12 : memref<24xi32, #tpu.memory_space<vmem>>)
    %dma_start3A_91 = arith.constant 0 : i32
    %dma_start3A_92 = tpu.memref_slice %arg9[%dma_start3A_91] : memref<48xi32, #tpu.memory_space<vmem>> -> memref<24xi32, #tpu.memory_space<vmem>>
    %dma_start3A_93 = arith.constant 0 : i32
    %dma_start3A_94 = arith.constant 0 : i32
    %dma_start3A_95 = tpu.memref_slice %arg2[%dma_start3A_93, %dma_start3A_94] : memref<10000x128xf32, #tpu.memory_space<hbm>> -> memref<10000x128xf32, #tpu.memory_space<hbm>>
    tpu.enqueue_indirect_dma source(%dma_start3A_95 : memref<10000x128xf32, #tpu.memory_space<hbm>>) target(%arg14 : memref<24x128xf32, #tpu.memory_space<vmem>>) offsets(%dma_start3A_92 : memref<24xi32, #tpu.memory_space<vmem>>) semaphore(%arg16 : memref<!tpu.dma_semaphore, #tpu.memory_space<semaphore_mem>>)
    %dma_wait3A_96 = arith.constant 0 : i32
    %dma_wait3A_97 = arith.constant 0 : i32
    %dma_wait3A_98 = tpu.memref_slice %arg7[%dma_wait3A_96, %dma_wait3A_97] : memref<10112x128xf32, #tpu.memory_space<vmem_shared>> -> memref<10112x128xf32, #tpu.memory_space<vmem_shared>>
    tpu.wait_indirect_dma semaphore(%arg19 : memref<!tpu.dma_semaphore, #tpu.memory_space<semaphore_mem>>) src(%arg15 : memref<24x128xf32, #tpu.memory_space<vmem>>) dst(%dma_wait3A_98 : memref<10112x128xf32, #tpu.memory_space<vmem_shared>>)
    %add3A_99 = arith.constant 120 : i32
    %add3A_100 = arith.addi %mul3A_2, %add3A_99 : i32
    %multiple_of3A_101 = tpu.assume_multiple %add3A_100, 8 : i32
    %dma_start3A_102 = tpu.memref_slice %arg4[%multiple_of3A_101] : memref<322656xi32, #tpu.memory_space<hbm>> -> memref<24xi32, #tpu.memory_space<hbm>>
    %dma_start3A_103 = tpu.memref_slice %arg4[%multiple_of3A_101] : memref<322656xi32, #tpu.memory_space<hbm>> -> memref<24xi32, #tpu.memory_space<hbm>>
    tpu.enqueue_dma source(%dma_start3A_103 : memref<24xi32, #tpu.memory_space<hbm>>) target(%arg11 : memref<24xi32, #tpu.memory_space<vmem>>) target_semaphore(%arg23 : memref<!tpu.dma_semaphore, #tpu.memory_space<semaphore_mem>>)
    %dma_wait3A_104 = arith.constant 0 : i32
    %dma_wait3A_105 = tpu.memref_slice %arg4[%dma_wait3A_104] : memref<322656xi32, #tpu.memory_space<hbm>> -> memref<24xi32, #tpu.memory_space<hbm>>
    %dma_wait3A_106 = arith.constant 0 : i32
    %dma_wait3A_107 = tpu.memref_slice %arg4[%dma_wait3A_106] : memref<322656xi32, #tpu.memory_space<hbm>> -> memref<24xi32, #tpu.memory_space<hbm>>
    tpu.wait_dma2 semaphore(%arg25 : memref<!tpu.dma_semaphore, #tpu.memory_space<semaphore_mem>>) src(%dma_wait3A_107 : memref<24xi32, #tpu.memory_space<hbm>>) dst(%arg13 : memref<24xi32, #tpu.memory_space<vmem>>)
    %dma_start3A_108 = arith.constant 24 : i32
    %dma_start3A_109 = tpu.memref_slice %arg9[%dma_start3A_108] : memref<48xi32, #tpu.memory_space<vmem>> -> memref<24xi32, #tpu.memory_space<vmem>>
    %dma_start3A_110 = arith.constant 0 : i32
    %dma_start3A_111 = arith.constant 0 : i32
    %dma_start3A_112 = tpu.memref_slice %arg2[%dma_start3A_110, %dma_start3A_111] : memref<10000x128xf32, #tpu.memory_space<hbm>> -> memref<10000x128xf32, #tpu.memory_space<hbm>>
    tpu.enqueue_indirect_dma source(%dma_start3A_112 : memref<10000x128xf32, #tpu.memory_space<hbm>>) target(%arg15 : memref<24x128xf32, #tpu.memory_space<vmem>>) offsets(%dma_start3A_109 : memref<24xi32, #tpu.memory_space<vmem>>) semaphore(%arg17 : memref<!tpu.dma_semaphore, #tpu.memory_space<semaphore_mem>>)
    %dma_wait3A_113 = arith.constant 0 : i32
    %dma_wait3A_114 = tpu.memref_slice %arg9[%dma_wait3A_113] : memref<48xi32, #tpu.memory_space<vmem>> -> memref<24xi32, #tpu.memory_space<vmem>>
    %dma_wait3A_115 = arith.constant 0 : i32
    %dma_wait3A_116 = arith.constant 0 : i32
    %dma_wait3A_117 = tpu.memref_slice %arg2[%dma_wait3A_115, %dma_wait3A_116] : memref<10000x128xf32, #tpu.memory_space<hbm>> -> memref<10000x128xf32, #tpu.memory_space<hbm>>
    tpu.wait_indirect_dma semaphore(%arg16 : memref<!tpu.dma_semaphore, #tpu.memory_space<semaphore_mem>>) src(%dma_wait3A_117 : memref<10000x128xf32, #tpu.memory_space<hbm>>) dst(%arg14 : memref<24x128xf32, #tpu.memory_space<vmem>>)
    %dma_start3A_118 = arith.constant 0 : i32
    %dma_start3A_119 = arith.constant 0 : i32
    %dma_start3A_120 = tpu.memref_slice %arg7[%dma_start3A_118, %dma_start3A_119] : memref<10112x128xf32, #tpu.memory_space<vmem_shared>> -> memref<10112x128xf32, #tpu.memory_space<vmem_shared>>
    tpu.enqueue_indirect_dma source(%arg14 : memref<24x128xf32, #tpu.memory_space<vmem>>) target(%dma_start3A_120 : memref<10112x128xf32, #tpu.memory_space<vmem_shared>>) offsets(%arg12 : memref<24xi32, #tpu.memory_space<vmem>>) semaphore(%arg18 : memref<!tpu.dma_semaphore, #tpu.memory_space<semaphore_mem>>) {add = true}
    %dma_wait3A_121 = arith.constant 24 : i32
    %dma_wait3A_122 = tpu.memref_slice %arg9[%dma_wait3A_121] : memref<48xi32, #tpu.memory_space<vmem>> -> memref<24xi32, #tpu.memory_space<vmem>>
    %dma_wait3A_123 = arith.constant 0 : i32
    %dma_wait3A_124 = arith.constant 0 : i32
    %dma_wait3A_125 = tpu.memref_slice %arg2[%dma_wait3A_123, %dma_wait3A_124] : memref<10000x128xf32, #tpu.memory_space<hbm>> -> memref<10000x128xf32, #tpu.memory_space<hbm>>
    tpu.wait_indirect_dma semaphore(%arg17 : memref<!tpu.dma_semaphore, #tpu.memory_space<semaphore_mem>>) src(%dma_wait3A_125 : memref<10000x128xf32, #tpu.memory_space<hbm>>) dst(%arg15 : memref<24x128xf32, #tpu.memory_space<vmem>>)
    %dma_start3A_126 = arith.constant 0 : i32
    %dma_start3A_127 = arith.constant 0 : i32
    %dma_start3A_128 = tpu.memref_slice %arg7[%dma_start3A_126, %dma_start3A_127] : memref<10112x128xf32, #tpu.memory_space<vmem_shared>> -> memref<10112x128xf32, #tpu.memory_space<vmem_shared>>
    tpu.enqueue_indirect_dma source(%arg15 : memref<24x128xf32, #tpu.memory_space<vmem>>) target(%dma_start3A_128 : memref<10112x128xf32, #tpu.memory_space<vmem_shared>>) offsets(%arg13 : memref<24xi32, #tpu.memory_space<vmem>>) semaphore(%arg19 : memref<!tpu.dma_semaphore, #tpu.memory_space<semaphore_mem>>) {add = true}
    %add3A_129 = arith.constant 144 : i32
    %add3A_130 = arith.addi %mul3A_2, %add3A_129 : i32
    %multiple_of3A_131 = tpu.assume_multiple %add3A_130, 8 : i32
    %dma_start3A_132 = tpu.memref_slice %arg3[%multiple_of3A_131] : memref<322656xi32, #tpu.memory_space<hbm>> -> memref<48xi32, #tpu.memory_space<hbm>>
    %dma_start3A_133 = tpu.memref_slice %arg3[%multiple_of3A_131] : memref<322656xi32, #tpu.memory_space<hbm>> -> memref<48xi32, #tpu.memory_space<hbm>>
    tpu.enqueue_dma source(%dma_start3A_133 : memref<48xi32, #tpu.memory_space<hbm>>) target(%arg9 : memref<48xi32, #tpu.memory_space<vmem>>) target_semaphore(%arg21 : memref<!tpu.dma_semaphore, #tpu.memory_space<semaphore_mem>>)
    %scan3A = arith.constant 0 : i32
    %scan3A_134 = arith.constant 1 : i32
    %scan3A_135 = arith.constant 104 : i32
    %scan3A_136 = arith.addi %scan3A_134, %scan3A_135 : i32
    %scan3A_137 = arith.constant 1 : i32
    scf.for %scan3A_162 = %scan3A_134 to %scan3A_136 step %scan3A_137  : i32 {
      %mul3A_163 = arith.constant 4 : i32
      %mul3A_164 = arith.muli %mul3A_163, %scan3A_162 : i32
      %add3A_165 = arith.constant 0 : i32
      %add3A_166 = arith.addi %mul3A_164, %add3A_165 : i32
      %dma_wait3A_167 = arith.constant 0 : i32
      %dma_wait3A_168 = arith.constant 0 : i32
      %dma_wait3A_169 = tpu.memref_slice %arg7[%dma_wait3A_167, %dma_wait3A_168] : memref<10112x128xf32, #tpu.memory_space<vmem_shared>> -> memref<10112x128xf32, #tpu.memory_space<vmem_shared>>
      tpu.wait_indirect_dma semaphore(%arg18 : memref<!tpu.dma_semaphore, #tpu.memory_space<semaphore_mem>>) src(%arg14 : memref<24x128xf32, #tpu.memory_space<vmem>>) dst(%dma_wait3A_169 : memref<10112x128xf32, #tpu.memory_space<vmem_shared>>)
      %add3A_170 = arith.constant 2 : i32
      %add3A_171 = arith.addi %add3A_166, %add3A_170 : i32
      %mul3A_172 = arith.constant 24 : i32
      %mul3A_173 = arith.muli %add3A_171, %mul3A_172 : i32
      %add3A_174 = arith.addi %mul3A_2, %mul3A_173 : i32
      %multiple_of3A_175 = tpu.assume_multiple %add3A_174, 8 : i32
      %dma_start3A_176 = tpu.memref_slice %arg4[%multiple_of3A_175] : memref<322656xi32, #tpu.memory_space<hbm>> -> memref<24xi32, #tpu.memory_space<hbm>>
      %dma_start3A_177 = tpu.memref_slice %arg4[%multiple_of3A_175] : memref<322656xi32, #tpu.memory_space<hbm>> -> memref<24xi32, #tpu.memory_space<hbm>>
      tpu.enqueue_dma source(%dma_start3A_177 : memref<24xi32, #tpu.memory_space<hbm>>) target(%arg12 : memref<24xi32, #tpu.memory_space<vmem>>) target_semaphore(%arg24 : memref<!tpu.dma_semaphore, #tpu.memory_space<semaphore_mem>>)
      %dma_wait3A_178 = arith.constant 0 : i32
      %dma_wait3A_179 = tpu.memref_slice %arg3[%dma_wait3A_178] : memref<322656xi32, #tpu.memory_space<hbm>> -> memref<48xi32, #tpu.memory_space<hbm>>
      %dma_wait3A_180 = arith.constant 0 : i32
      %dma_wait3A_181 = tpu.memref_slice %arg3[%dma_wait3A_180] : memref<322656xi32, #tpu.memory_space<hbm>> -> memref<48xi32, #tpu.memory_space<hbm>>
      tpu.wait_dma2 semaphore(%arg20 : memref<!tpu.dma_semaphore, #tpu.memory_space<semaphore_mem>>) src(%dma_wait3A_181 : memref<48xi32, #tpu.memory_space<hbm>>) dst(%arg8 : memref<48xi32, #tpu.memory_space<vmem>>)
      %dma_wait3A_182 = arith.constant 0 : i32
      %dma_wait3A_183 = tpu.memref_slice %arg4[%dma_wait3A_182] : memref<322656xi32, #tpu.memory_space<hbm>> -> memref<24xi32, #tpu.memory_space<hbm>>
      %dma_wait3A_184 = arith.constant 0 : i32
      %dma_wait3A_185 = tpu.memref_slice %arg4[%dma_wait3A_184] : memref<322656xi32, #tpu.memory_space<hbm>> -> memref<24xi32, #tpu.memory_space<hbm>>
      tpu.wait_dma2 semaphore(%arg22 : memref<!tpu.dma_semaphore, #tpu.memory_space<semaphore_mem>>) src(%dma_wait3A_185 : memref<24xi32, #tpu.memory_space<hbm>>) dst(%arg10 : memref<24xi32, #tpu.memory_space<vmem>>)
      %dma_start3A_186 = arith.constant 0 : i32
      %dma_start3A_187 = tpu.memref_slice %arg8[%dma_start3A_186] : memref<48xi32, #tpu.memory_space<vmem>> -> memref<24xi32, #tpu.memory_space<vmem>>
      %dma_start3A_188 = arith.constant 0 : i32
      %dma_start3A_189 = arith.constant 0 : i32
      %dma_start3A_190 = tpu.memref_slice %arg2[%dma_start3A_188, %dma_start3A_189] : memref<10000x128xf32, #tpu.memory_space<hbm>> -> memref<10000x128xf32, #tpu.memory_space<hbm>>
      tpu.enqueue_indirect_dma source(%dma_start3A_190 : memref<10000x128xf32, #tpu.memory_space<hbm>>) target(%arg14 : memref<24x128xf32, #tpu.memory_space<vmem>>) offsets(%dma_start3A_187 : memref<24xi32, #tpu.memory_space<vmem>>) semaphore(%arg16 : memref<!tpu.dma_semaphore, #tpu.memory_space<semaphore_mem>>)
      %add3A_191 = arith.constant 1 : i32
      %add3A_192 = arith.addi %mul3A_164, %add3A_191 : i32
      %dma_wait3A_193 = arith.constant 0 : i32
      %dma_wait3A_194 = arith.constant 0 : i32
      %dma_wait3A_195 = tpu.memref_slice %arg7[%dma_wait3A_193, %dma_wait3A_194] : memref<10112x128xf32, #tpu.memory_space<vmem_shared>> -> memref<10112x128xf32, #tpu.memory_space<vmem_shared>>
      tpu.wait_indirect_dma semaphore(%arg19 : memref<!tpu.dma_semaphore, #tpu.memory_space<semaphore_mem>>) src(%arg15 : memref<24x128xf32, #tpu.memory_space<vmem>>) dst(%dma_wait3A_195 : memref<10112x128xf32, #tpu.memory_space<vmem_shared>>)
      %add3A_196 = arith.constant 2 : i32
      %add3A_197 = arith.addi %add3A_192, %add3A_196 : i32
      %mul3A_198 = arith.constant 24 : i32
      %mul3A_199 = arith.muli %add3A_197, %mul3A_198 : i32
      %add3A_200 = arith.addi %mul3A_2, %mul3A_199 : i32
      %multiple_of3A_201 = tpu.assume_multiple %add3A_200, 8 : i32
      %dma_start3A_202 = tpu.memref_slice %arg4[%multiple_of3A_201] : memref<322656xi32, #tpu.memory_space<hbm>> -> memref<24xi32, #tpu.memory_space<hbm>>
      %dma_start3A_203 = tpu.memref_slice %arg4[%multiple_of3A_201] : memref<322656xi32, #tpu.memory_space<hbm>> -> memref<24xi32, #tpu.memory_space<hbm>>
      tpu.enqueue_dma source(%dma_start3A_203 : memref<24xi32, #tpu.memory_space<hbm>>) target(%arg13 : memref<24xi32, #tpu.memory_space<vmem>>) target_semaphore(%arg25 : memref<!tpu.dma_semaphore, #tpu.memory_space<semaphore_mem>>)
      %dma_wait3A_204 = arith.constant 0 : i32
      %dma_wait3A_205 = tpu.memref_slice %arg4[%dma_wait3A_204] : memref<322656xi32, #tpu.memory_space<hbm>> -> memref<24xi32, #tpu.memory_space<hbm>>
      %dma_wait3A_206 = arith.constant 0 : i32
      %dma_wait3A_207 = tpu.memref_slice %arg4[%dma_wait3A_206] : memref<322656xi32, #tpu.memory_space<hbm>> -> memref<24xi32, #tpu.memory_space<hbm>>
      tpu.wait_dma2 semaphore(%arg23 : memref<!tpu.dma_semaphore, #tpu.memory_space<semaphore_mem>>) src(%dma_wait3A_207 : memref<24xi32, #tpu.memory_space<hbm>>) dst(%arg11 : memref<24xi32, #tpu.memory_space<vmem>>)
      %dma_start3A_208 = arith.constant 24 : i32
      %dma_start3A_209 = tpu.memref_slice %arg8[%dma_start3A_208] : memref<48xi32, #tpu.memory_space<vmem>> -> memref<24xi32, #tpu.memory_space<vmem>>
      %dma_start3A_210 = arith.constant 0 : i32
      %dma_start3A_211 = arith.constant 0 : i32
      %dma_start3A_212 = tpu.memref_slice %arg2[%dma_start3A_210, %dma_start3A_211] : memref<10000x128xf32, #tpu.memory_space<hbm>> -> memref<10000x128xf32, #tpu.memory_space<hbm>>
      tpu.enqueue_indirect_dma source(%dma_start3A_212 : memref<10000x128xf32, #tpu.memory_space<hbm>>) target(%arg15 : memref<24x128xf32, #tpu.memory_space<vmem>>) offsets(%dma_start3A_209 : memref<24xi32, #tpu.memory_space<vmem>>) semaphore(%arg17 : memref<!tpu.dma_semaphore, #tpu.memory_space<semaphore_mem>>)
      %add3A_213 = arith.constant 0 : i32
      %add3A_214 = arith.addi %mul3A_164, %add3A_213 : i32
      %dma_wait3A_215 = arith.constant 0 : i32
      %dma_wait3A_216 = tpu.memref_slice %arg8[%dma_wait3A_215] : memref<48xi32, #tpu.memory_space<vmem>> -> memref<24xi32, #tpu.memory_space<vmem>>
      %dma_wait3A_217 = arith.constant 0 : i32
      %dma_wait3A_218 = arith.constant 0 : i32
      %dma_wait3A_219 = tpu.memref_slice %arg2[%dma_wait3A_217, %dma_wait3A_218] : memref<10000x128xf32, #tpu.memory_space<hbm>> -> memref<10000x128xf32, #tpu.memory_space<hbm>>
      tpu.wait_indirect_dma semaphore(%arg16 : memref<!tpu.dma_semaphore, #tpu.memory_space<semaphore_mem>>) src(%dma_wait3A_219 : memref<10000x128xf32, #tpu.memory_space<hbm>>) dst(%arg14 : memref<24x128xf32, #tpu.memory_space<vmem>>)
      %dma_start3A_220 = arith.constant 0 : i32
      %dma_start3A_221 = arith.constant 0 : i32
      %dma_start3A_222 = tpu.memref_slice %arg7[%dma_start3A_220, %dma_start3A_221] : memref<10112x128xf32, #tpu.memory_space<vmem_shared>> -> memref<10112x128xf32, #tpu.memory_space<vmem_shared>>
      tpu.enqueue_indirect_dma source(%arg14 : memref<24x128xf32, #tpu.memory_space<vmem>>) target(%dma_start3A_222 : memref<10112x128xf32, #tpu.memory_space<vmem_shared>>) offsets(%arg10 : memref<24xi32, #tpu.memory_space<vmem>>) semaphore(%arg18 : memref<!tpu.dma_semaphore, #tpu.memory_space<semaphore_mem>>) {add = true}
      %add3A_223 = arith.constant 1 : i32
      %add3A_224 = arith.addi %mul3A_164, %add3A_223 : i32
      %dma_wait3A_225 = arith.constant 24 : i32
      %dma_wait3A_226 = tpu.memref_slice %arg8[%dma_wait3A_225] : memref<48xi32, #tpu.memory_space<vmem>> -> memref<24xi32, #tpu.memory_space<vmem>>
      %dma_wait3A_227 = arith.constant 0 : i32
      %dma_wait3A_228 = arith.constant 0 : i32
      %dma_wait3A_229 = tpu.memref_slice %arg2[%dma_wait3A_227, %dma_wait3A_228] : memref<10000x128xf32, #tpu.memory_space<hbm>> -> memref<10000x128xf32, #tpu.memory_space<hbm>>
      tpu.wait_indirect_dma semaphore(%arg17 : memref<!tpu.dma_semaphore, #tpu.memory_space<semaphore_mem>>) src(%dma_wait3A_229 : memref<10000x128xf32, #tpu.memory_space<hbm>>) dst(%arg15 : memref<24x128xf32, #tpu.memory_space<vmem>>)
      %dma_start3A_230 = arith.constant 0 : i32
      %dma_start3A_231 = arith.constant 0 : i32
      %dma_start3A_232 = tpu.memref_slice %arg7[%dma_start3A_230, %dma_start3A_231] : memref<10112x128xf32, #tpu.memory_space<vmem_shared>> -> memref<10112x128xf32, #tpu.memory_space<vmem_shared>>
      tpu.enqueue_indirect_dma source(%arg15 : memref<24x128xf32, #tpu.memory_space<vmem>>) target(%dma_start3A_232 : memref<10112x128xf32, #tpu.memory_space<vmem_shared>>) offsets(%arg11 : memref<24xi32, #tpu.memory_space<vmem>>) semaphore(%arg19 : memref<!tpu.dma_semaphore, #tpu.memory_space<semaphore_mem>>) {add = true}
      %add3A_233 = arith.constant 3 : i32
      %add3A_234 = arith.addi %add3A_224, %add3A_233 : i32
      %mul3A_235 = arith.constant 24 : i32
      %mul3A_236 = arith.muli %add3A_234, %mul3A_235 : i32
      %add3A_237 = arith.addi %mul3A_2, %mul3A_236 : i32
      %multiple_of3A_238 = tpu.assume_multiple %add3A_237, 8 : i32
      %dma_start3A_239 = tpu.memref_slice %arg3[%multiple_of3A_238] : memref<322656xi32, #tpu.memory_space<hbm>> -> memref<48xi32, #tpu.memory_space<hbm>>
      %dma_start3A_240 = tpu.memref_slice %arg3[%multiple_of3A_238] : memref<322656xi32, #tpu.memory_space<hbm>> -> memref<48xi32, #tpu.memory_space<hbm>>
      tpu.enqueue_dma source(%dma_start3A_240 : memref<48xi32, #tpu.memory_space<hbm>>) target(%arg8 : memref<48xi32, #tpu.memory_space<vmem>>) target_semaphore(%arg20 : memref<!tpu.dma_semaphore, #tpu.memory_space<semaphore_mem>>)
      %add3A_241 = arith.constant 2 : i32
      %add3A_242 = arith.addi %mul3A_164, %add3A_241 : i32
      %dma_wait3A_243 = arith.constant 0 : i32
      %dma_wait3A_244 = arith.constant 0 : i32
      %dma_wait3A_245 = tpu.memref_slice %arg7[%dma_wait3A_243, %dma_wait3A_244] : memref<10112x128xf32, #tpu.memory_space<vmem_shared>> -> memref<10112x128xf32, #tpu.memory_space<vmem_shared>>
      tpu.wait_indirect_dma semaphore(%arg18 : memref<!tpu.dma_semaphore, #tpu.memory_space<semaphore_mem>>) src(%arg14 : memref<24x128xf32, #tpu.memory_space<vmem>>) dst(%dma_wait3A_245 : memref<10112x128xf32, #tpu.memory_space<vmem_shared>>)
      %add3A_246 = arith.constant 2 : i32
      %add3A_247 = arith.addi %add3A_242, %add3A_246 : i32
      %mul3A_248 = arith.constant 24 : i32
      %mul3A_249 = arith.muli %add3A_247, %mul3A_248 : i32
      %add3A_250 = arith.addi %mul3A_2, %mul3A_249 : i32
      %multiple_of3A_251 = tpu.assume_multiple %add3A_250, 8 : i32
      %dma_start3A_252 = tpu.memref_slice %arg4[%multiple_of3A_251] : memref<322656xi32, #tpu.memory_space<hbm>> -> memref<24xi32, #tpu.memory_space<hbm>>
      %dma_start3A_253 = tpu.memref_slice %arg4[%multiple_of3A_251] : memref<322656xi32, #tpu.memory_space<hbm>> -> memref<24xi32, #tpu.memory_space<hbm>>
      tpu.enqueue_dma source(%dma_start3A_253 : memref<24xi32, #tpu.memory_space<hbm>>) target(%arg10 : memref<24xi32, #tpu.memory_space<vmem>>) target_semaphore(%arg22 : memref<!tpu.dma_semaphore, #tpu.memory_space<semaphore_mem>>)
      %dma_wait3A_254 = arith.constant 0 : i32
      %dma_wait3A_255 = tpu.memref_slice %arg3[%dma_wait3A_254] : memref<322656xi32, #tpu.memory_space<hbm>> -> memref<48xi32, #tpu.memory_space<hbm>>
      %dma_wait3A_256 = arith.constant 0 : i32
      %dma_wait3A_257 = tpu.memref_slice %arg3[%dma_wait3A_256] : memref<322656xi32, #tpu.memory_space<hbm>> -> memref<48xi32, #tpu.memory_space<hbm>>
      tpu.wait_dma2 semaphore(%arg21 : memref<!tpu.dma_semaphore, #tpu.memory_space<semaphore_mem>>) src(%dma_wait3A_257 : memref<48xi32, #tpu.memory_space<hbm>>) dst(%arg9 : memref<48xi32, #tpu.memory_space<vmem>>)
      %dma_wait3A_258 = arith.constant 0 : i32
      %dma_wait3A_259 = tpu.memref_slice %arg4[%dma_wait3A_258] : memref<322656xi32, #tpu.memory_space<hbm>> -> memref<24xi32, #tpu.memory_space<hbm>>
      %dma_wait3A_260 = arith.constant 0 : i32
      %dma_wait3A_261 = tpu.memref_slice %arg4[%dma_wait3A_260] : memref<322656xi32, #tpu.memory_space<hbm>> -> memref<24xi32, #tpu.memory_space<hbm>>
      tpu.wait_dma2 semaphore(%arg24 : memref<!tpu.dma_semaphore, #tpu.memory_space<semaphore_mem>>) src(%dma_wait3A_261 : memref<24xi32, #tpu.memory_space<hbm>>) dst(%arg12 : memref<24xi32, #tpu.memory_space<vmem>>)
      %dma_start3A_262 = arith.constant 0 : i32
      %dma_start3A_263 = tpu.memref_slice %arg9[%dma_start3A_262] : memref<48xi32, #tpu.memory_space<vmem>> -> memref<24xi32, #tpu.memory_space<vmem>>
      %dma_start3A_264 = arith.constant 0 : i32
      %dma_start3A_265 = arith.constant 0 : i32
      %dma_start3A_266 = tpu.memref_slice %arg2[%dma_start3A_264, %dma_start3A_265] : memref<10000x128xf32, #tpu.memory_space<hbm>> -> memref<10000x128xf32, #tpu.memory_space<hbm>>
      tpu.enqueue_indirect_dma source(%dma_start3A_266 : memref<10000x128xf32, #tpu.memory_space<hbm>>) target(%arg14 : memref<24x128xf32, #tpu.memory_space<vmem>>) offsets(%dma_start3A_263 : memref<24xi32, #tpu.memory_space<vmem>>) semaphore(%arg16 : memref<!tpu.dma_semaphore, #tpu.memory_space<semaphore_mem>>)
      %add3A_267 = arith.constant 3 : i32
      %add3A_268 = arith.addi %mul3A_164, %add3A_267 : i32
      %dma_wait3A_269 = arith.constant 0 : i32
      %dma_wait3A_270 = arith.constant 0 : i32
      %dma_wait3A_271 = tpu.memref_slice %arg7[%dma_wait3A_269, %dma_wait3A_270] : memref<10112x128xf32, #tpu.memory_space<vmem_shared>> -> memref<10112x128xf32, #tpu.memory_space<vmem_shared>>
      tpu.wait_indirect_dma semaphore(%arg19 : memref<!tpu.dma_semaphore, #tpu.memory_space<semaphore_mem>>) src(%arg15 : memref<24x128xf32, #tpu.memory_space<vmem>>) dst(%dma_wait3A_271 : memref<10112x128xf32, #tpu.memory_space<vmem_shared>>)
      %add3A_272 = arith.constant 2 : i32
      %add3A_273 = arith.addi %add3A_268, %add3A_272 : i32
      %mul3A_274 = arith.constant 24 : i32
      %mul3A_275 = arith.muli %add3A_273, %mul3A_274 : i32
      %add3A_276 = arith.addi %mul3A_2, %mul3A_275 : i32
      %multiple_of3A_277 = tpu.assume_multiple %add3A_276, 8 : i32
      %dma_start3A_278 = tpu.memref_slice %arg4[%multiple_of3A_277] : memref<322656xi32, #tpu.memory_space<hbm>> -> memref<24xi32, #tpu.memory_space<hbm>>
      %dma_start3A_279 = tpu.memref_slice %arg4[%multiple_of3A_277] : memref<322656xi32, #tpu.memory_space<hbm>> -> memref<24xi32, #tpu.memory_space<hbm>>
      tpu.enqueue_dma source(%dma_start3A_279 : memref<24xi32, #tpu.memory_space<hbm>>) target(%arg11 : memref<24xi32, #tpu.memory_space<vmem>>) target_semaphore(%arg23 : memref<!tpu.dma_semaphore, #tpu.memory_space<semaphore_mem>>)
      %dma_wait3A_280 = arith.constant 0 : i32
      %dma_wait3A_281 = tpu.memref_slice %arg4[%dma_wait3A_280] : memref<322656xi32, #tpu.memory_space<hbm>> -> memref<24xi32, #tpu.memory_space<hbm>>
      %dma_wait3A_282 = arith.constant 0 : i32
      %dma_wait3A_283 = tpu.memref_slice %arg4[%dma_wait3A_282] : memref<322656xi32, #tpu.memory_space<hbm>> -> memref<24xi32, #tpu.memory_space<hbm>>
      tpu.wait_dma2 semaphore(%arg25 : memref<!tpu.dma_semaphore, #tpu.memory_space<semaphore_mem>>) src(%dma_wait3A_283 : memref<24xi32, #tpu.memory_space<hbm>>) dst(%arg13 : memref<24xi32, #tpu.memory_space<vmem>>)
      %dma_start3A_284 = arith.constant 24 : i32
      %dma_start3A_285 = tpu.memref_slice %arg9[%dma_start3A_284] : memref<48xi32, #tpu.memory_space<vmem>> -> memref<24xi32, #tpu.memory_space<vmem>>
      %dma_start3A_286 = arith.constant 0 : i32
      %dma_start3A_287 = arith.constant 0 : i32
      %dma_start3A_288 = tpu.memref_slice %arg2[%dma_start3A_286, %dma_start3A_287] : memref<10000x128xf32, #tpu.memory_space<hbm>> -> memref<10000x128xf32, #tpu.memory_space<hbm>>
      tpu.enqueue_indirect_dma source(%dma_start3A_288 : memref<10000x128xf32, #tpu.memory_space<hbm>>) target(%arg15 : memref<24x128xf32, #tpu.memory_space<vmem>>) offsets(%dma_start3A_285 : memref<24xi32, #tpu.memory_space<vmem>>) semaphore(%arg17 : memref<!tpu.dma_semaphore, #tpu.memory_space<semaphore_mem>>)
      %add3A_289 = arith.constant 2 : i32
      %add3A_290 = arith.addi %mul3A_164, %add3A_289 : i32
      %dma_wait3A_291 = arith.constant 0 : i32
      %dma_wait3A_292 = tpu.memref_slice %arg9[%dma_wait3A_291] : memref<48xi32, #tpu.memory_space<vmem>> -> memref<24xi32, #tpu.memory_space<vmem>>
      %dma_wait3A_293 = arith.constant 0 : i32
      %dma_wait3A_294 = arith.constant 0 : i32
      %dma_wait3A_295 = tpu.memref_slice %arg2[%dma_wait3A_293, %dma_wait3A_294] : memref<10000x128xf32, #tpu.memory_space<hbm>> -> memref<10000x128xf32, #tpu.memory_space<hbm>>
      tpu.wait_indirect_dma semaphore(%arg16 : memref<!tpu.dma_semaphore, #tpu.memory_space<semaphore_mem>>) src(%dma_wait3A_295 : memref<10000x128xf32, #tpu.memory_space<hbm>>) dst(%arg14 : memref<24x128xf32, #tpu.memory_space<vmem>>)
      %dma_start3A_296 = arith.constant 0 : i32
      %dma_start3A_297 = arith.constant 0 : i32
      %dma_start3A_298 = tpu.memref_slice %arg7[%dma_start3A_296, %dma_start3A_297] : memref<10112x128xf32, #tpu.memory_space<vmem_shared>> -> memref<10112x128xf32, #tpu.memory_space<vmem_shared>>
      tpu.enqueue_indirect_dma source(%arg14 : memref<24x128xf32, #tpu.memory_space<vmem>>) target(%dma_start3A_298 : memref<10112x128xf32, #tpu.memory_space<vmem_shared>>) offsets(%arg12 : memref<24xi32, #tpu.memory_space<vmem>>) semaphore(%arg18 : memref<!tpu.dma_semaphore, #tpu.memory_space<semaphore_mem>>) {add = true}
      %add3A_299 = arith.constant 3 : i32
      %add3A_300 = arith.addi %mul3A_164, %add3A_299 : i32
      %dma_wait3A_301 = arith.constant 24 : i32
      %dma_wait3A_302 = tpu.memref_slice %arg9[%dma_wait3A_301] : memref<48xi32, #tpu.memory_space<vmem>> -> memref<24xi32, #tpu.memory_space<vmem>>
      %dma_wait3A_303 = arith.constant 0 : i32
      %dma_wait3A_304 = arith.constant 0 : i32
      %dma_wait3A_305 = tpu.memref_slice %arg2[%dma_wait3A_303, %dma_wait3A_304] : memref<10000x128xf32, #tpu.memory_space<hbm>> -> memref<10000x128xf32, #tpu.memory_space<hbm>>
      tpu.wait_indirect_dma semaphore(%arg17 : memref<!tpu.dma_semaphore, #tpu.memory_space<semaphore_mem>>) src(%dma_wait3A_305 : memref<10000x128xf32, #tpu.memory_space<hbm>>) dst(%arg15 : memref<24x128xf32, #tpu.memory_space<vmem>>)
      %dma_start3A_306 = arith.constant 0 : i32
      %dma_start3A_307 = arith.constant 0 : i32
      %dma_start3A_308 = tpu.memref_slice %arg7[%dma_start3A_306, %dma_start3A_307] : memref<10112x128xf32, #tpu.memory_space<vmem_shared>> -> memref<10112x128xf32, #tpu.memory_space<vmem_shared>>
      tpu.enqueue_indirect_dma source(%arg15 : memref<24x128xf32, #tpu.memory_space<vmem>>) target(%dma_start3A_308 : memref<10112x128xf32, #tpu.memory_space<vmem_shared>>) offsets(%arg13 : memref<24xi32, #tpu.memory_space<vmem>>) semaphore(%arg19 : memref<!tpu.dma_semaphore, #tpu.memory_space<semaphore_mem>>) {add = true}
      %add3A_309 = arith.constant 3 : i32
      %add3A_310 = arith.addi %add3A_300, %add3A_309 : i32
      %mul3A_311 = arith.constant 24 : i32
      %mul3A_312 = arith.muli %add3A_310, %mul3A_311 : i32
      %add3A_313 = arith.addi %mul3A_2, %mul3A_312 : i32
      %multiple_of3A_314 = tpu.assume_multiple %add3A_313, 8 : i32
      %dma_start3A_315 = tpu.memref_slice %arg3[%multiple_of3A_314] : memref<322656xi32, #tpu.memory_space<hbm>> -> memref<48xi32, #tpu.memory_space<hbm>>
      %dma_start3A_316 = tpu.memref_slice %arg3[%multiple_of3A_314] : memref<322656xi32, #tpu.memory_space<hbm>> -> memref<48xi32, #tpu.memory_space<hbm>>
      tpu.enqueue_dma source(%dma_start3A_316 : memref<48xi32, #tpu.memory_space<hbm>>) target(%arg9 : memref<48xi32, #tpu.memory_space<vmem>>) target_semaphore(%arg21 : memref<!tpu.dma_semaphore, #tpu.memory_space<semaphore_mem>>)
    }
    %scan3A_138 = arith.constant 104 : i32
    %dma_wait3A_139 = arith.constant 0 : i32
    %dma_wait3A_140 = arith.constant 0 : i32
    %dma_wait3A_141 = tpu.memref_slice %arg7[%dma_wait3A_139, %dma_wait3A_140] : memref<10112x128xf32, #tpu.memory_space<vmem_shared>> -> memref<10112x128xf32, #tpu.memory_space<vmem_shared>>
    tpu.wait_indirect_dma semaphore(%arg18 : memref<!tpu.dma_semaphore, #tpu.memory_space<semaphore_mem>>) src(%arg14 : memref<24x128xf32, #tpu.memory_space<vmem>>) dst(%dma_wait3A_141 : memref<10112x128xf32, #tpu.memory_space<vmem_shared>>)
    %dma_wait3A_142 = arith.constant 0 : i32
    %dma_wait3A_143 = arith.constant 0 : i32
    %dma_wait3A_144 = tpu.memref_slice %arg7[%dma_wait3A_142, %dma_wait3A_143] : memref<10112x128xf32, #tpu.memory_space<vmem_shared>> -> memref<10112x128xf32, #tpu.memory_space<vmem_shared>>
    tpu.wait_indirect_dma semaphore(%arg19 : memref<!tpu.dma_semaphore, #tpu.memory_space<semaphore_mem>>) src(%arg15 : memref<24x128xf32, #tpu.memory_space<vmem>>) dst(%dma_wait3A_144 : memref<10112x128xf32, #tpu.memory_space<vmem_shared>>)
    %dma_wait3A_145 = arith.constant 0 : i32
    %dma_wait3A_146 = tpu.memref_slice %arg3[%dma_wait3A_145] : memref<322656xi32, #tpu.memory_space<hbm>> -> memref<48xi32, #tpu.memory_space<hbm>>
    %dma_wait3A_147 = arith.constant 0 : i32
    %dma_wait3A_148 = tpu.memref_slice %arg3[%dma_wait3A_147] : memref<322656xi32, #tpu.memory_space<hbm>> -> memref<48xi32, #tpu.memory_space<hbm>>
    tpu.wait_dma2 semaphore(%arg20 : memref<!tpu.dma_semaphore, #tpu.memory_space<semaphore_mem>>) src(%dma_wait3A_148 : memref<48xi32, #tpu.memory_space<hbm>>) dst(%arg8 : memref<48xi32, #tpu.memory_space<vmem>>)
    %dma_wait3A_149 = arith.constant 0 : i32
    %dma_wait3A_150 = tpu.memref_slice %arg3[%dma_wait3A_149] : memref<322656xi32, #tpu.memory_space<hbm>> -> memref<48xi32, #tpu.memory_space<hbm>>
    %dma_wait3A_151 = arith.constant 0 : i32
    %dma_wait3A_152 = tpu.memref_slice %arg3[%dma_wait3A_151] : memref<322656xi32, #tpu.memory_space<hbm>> -> memref<48xi32, #tpu.memory_space<hbm>>
    tpu.wait_dma2 semaphore(%arg21 : memref<!tpu.dma_semaphore, #tpu.memory_space<semaphore_mem>>) src(%dma_wait3A_152 : memref<48xi32, #tpu.memory_space<hbm>>) dst(%arg9 : memref<48xi32, #tpu.memory_space<vmem>>)
    %dma_wait3A_153 = arith.constant 0 : i32
    %dma_wait3A_154 = tpu.memref_slice %arg4[%dma_wait3A_153] : memref<322656xi32, #tpu.memory_space<hbm>> -> memref<24xi32, #tpu.memory_space<hbm>>
    %dma_wait3A_155 = arith.constant 0 : i32
    %dma_wait3A_156 = tpu.memref_slice %arg4[%dma_wait3A_155] : memref<322656xi32, #tpu.memory_space<hbm>> -> memref<24xi32, #tpu.memory_space<hbm>>
    tpu.wait_dma2 semaphore(%arg22 : memref<!tpu.dma_semaphore, #tpu.memory_space<semaphore_mem>>) src(%dma_wait3A_156 : memref<24xi32, #tpu.memory_space<hbm>>) dst(%arg10 : memref<24xi32, #tpu.memory_space<vmem>>)
    %dma_wait3A_157 = arith.constant 0 : i32
    %dma_wait3A_158 = tpu.memref_slice %arg4[%dma_wait3A_157] : memref<322656xi32, #tpu.memory_space<hbm>> -> memref<24xi32, #tpu.memory_space<hbm>>
    %dma_wait3A_159 = arith.constant 0 : i32
    %dma_wait3A_160 = tpu.memref_slice %arg4[%dma_wait3A_159] : memref<322656xi32, #tpu.memory_space<hbm>> -> memref<24xi32, #tpu.memory_space<hbm>>
    tpu.wait_dma2 semaphore(%arg23 : memref<!tpu.dma_semaphore, #tpu.memory_space<semaphore_mem>>) src(%dma_wait3A_160 : memref<24xi32, #tpu.memory_space<hbm>>) dst(%arg11 : memref<24xi32, #tpu.memory_space<vmem>>)
    %barrier3A_161 = arith.constant 0 : index
    tpu.barrier barrier_id(%barrier3A_161)
    "tpu.region"() ({
      %run_scoped3A = tpu.sem_alloc : memref<!tpu.dma_semaphore, #tpu.memory_space<semaphore_mem>>
      %dma_start3A_162 = arith.constant 0 : i32
      %dma_start3A_163 = tpu.memref_slice %arg6[%arg0, %mul3A_4, %dma_start3A_162] : memref<2x10112x128xf32, #tpu.memory_space<hbm>> -> memref<1x632x128xf32, #tpu.memory_space<hbm>>
      %dma_start3A_164 = tpu.memref_squeeze %dma_start3A_163 : memref<1x632x128xf32, #tpu.memory_space<hbm>> -> memref<632x128xf32, #tpu.memory_space<hbm>>
      %dma_start3A_165 = arith.constant 0 : i32
      %dma_start3A_166 = tpu.memref_slice %arg7[%mul3A_4, %dma_start3A_165] : memref<10112x128xf32, #tpu.memory_space<vmem_shared>> -> memref<632x128xf32, #tpu.memory_space<vmem_shared>>
      tpu.enqueue_dma source(%dma_start3A_166 : memref<632x128xf32, #tpu.memory_space<vmem_shared>>) target(%dma_start3A_164 : memref<632x128xf32, #tpu.memory_space<hbm>>) target_semaphore(%run_scoped3A : memref<!tpu.dma_semaphore, #tpu.memory_space<semaphore_mem>>)
      %dma_wait3A_167 = arith.constant 0 : i32
      %dma_wait3A_168 = tpu.memref_slice %arg6[%arg0, %mul3A_4, %dma_wait3A_167] : memref<2x10112x128xf32, #tpu.memory_space<hbm>> -> memref<1x632x128xf32, #tpu.memory_space<hbm>>
      %dma_wait3A_169 = tpu.memref_squeeze %dma_wait3A_168 : memref<1x632x128xf32, #tpu.memory_space<hbm>> -> memref<632x128xf32, #tpu.memory_space<hbm>>
      %dma_wait3A_170 = arith.constant 0 : i32
      %dma_wait3A_171 = tpu.memref_slice %arg7[%mul3A_4, %dma_wait3A_170] : memref<10112x128xf32, #tpu.memory_space<vmem_shared>> -> memref<632x128xf32, #tpu.memory_space<vmem_shared>>
      tpu.wait_dma2 semaphore(%run_scoped3A : memref<!tpu.dma_semaphore, #tpu.memory_space<semaphore_mem>>) src(%dma_wait3A_171 : memref<632x128xf32, #tpu.memory_space<vmem_shared>>) dst(%dma_wait3A_169 : memref<632x128xf32, #tpu.memory_space<hbm>>)
      tpu.yield
    }) : () -> ()
    return
  }
}

#map = affine_map<(d0, d1) -> (0, 0)>
#map1 = affine_map<(d0, d1) -> (0)>
#map2 = affine_map<(d0, d1) -> (0, 0, 0)>
module attributes {stable_mosaic.version = 14 : i64} {
  func.func @_sc_agg_body(%arg0: i32, %arg1: i32, %arg2: memref<10000x128xf32, #tpu.memory_space<hbm>>, %arg3: memref<322656xi32, #tpu.memory_space<hbm>>, %arg4: memref<322656xi32, #tpu.memory_space<hbm>>, %arg5: memref<632x128xf32, #tpu.memory_space<hbm>>, %arg6: memref<2x10112x128xf32, #tpu.memory_space<hbm>>, %arg7: memref<10112x128xf32, #tpu.memory_space<vmem_shared>>, %arg8: memref<48xi32, #tpu.memory_space<vmem>>, %arg9: memref<48xi32, #tpu.memory_space<vmem>>, %arg10: memref<24xi32, #tpu.memory_space<vmem>>, %arg11: memref<24xi32, #tpu.memory_space<vmem>>, %arg12: memref<24xi32, #tpu.memory_space<vmem>>, %arg13: memref<24xi32, #tpu.memory_space<vmem>>, %arg14: memref<24x128xf32, #tpu.memory_space<vmem>>, %arg15: memref<24x128xf32, #tpu.memory_space<vmem>>, %arg16: memref<!tpu.dma_semaphore, #tpu.memory_space<semaphore_mem>>, %arg17: memref<!tpu.dma_semaphore, #tpu.memory_space<semaphore_mem>>, %arg18: memref<!tpu.dma_semaphore, #tpu.memory_space<semaphore_mem>>, %arg19: memref<!tpu.dma_semaphore, #tpu.memory_space<semaphore_mem>>, %arg20: memref<!tpu.dma_semaphore, #tpu.memory_space<semaphore_mem>>, %arg21: memref<!tpu.dma_semaphore, #tpu.memory_space<semaphore_mem>>, %arg22: memref<!tpu.dma_semaphore, #tpu.memory_space<semaphore_mem>>, %arg23: memref<!tpu.dma_semaphore, #tpu.memory_space<semaphore_mem>>, %arg24: memref<!tpu.dma_semaphore, #tpu.memory_space<semaphore_mem>>, %arg25: memref<!tpu.dma_semaphore, #tpu.memory_space<semaphore_mem>>) attributes {dimension_semantics = [#tpu.dimension_semantics<core_parallel>, #tpu.dimension_semantics<subcore_parallel>], iteration_bounds = array<i64: 2, 16>, scalar_prefetch = 0 : i64, scratch_operands = 19 : i64, tpu.core_type = #tpu.core_type<sc_vector_subcore>, window_params = [{transform_indices = #map}, {transform_indices = #map1}, {transform_indices = #map1}, {transform_indices = #map}, {transform_indices = #map2}]} {
    %mul3A = arith.constant 16 : i32
    %mul3A_0 = arith.muli %arg0, %mul3A : i32
    %add3A = arith.addi %mul3A_0, %arg1 : i32
    %mul3A_1 = arith.constant 10080 : i32
    %mul3A_2 = arith.muli %add3A, %mul3A_1 : i32
    %mul3A_3 = arith.constant 632 : i32
    %mul3A_4 = arith.muli %arg1, %mul3A_3 : i32
    "tpu.region"() ({
      %run_scoped3A = tpu.sem_alloc : memref<!tpu.dma_semaphore, #tpu.memory_space<semaphore_mem>>
      %dma_start3A_162 = arith.constant 0 : i32
      %dma_start3A_163 = tpu.memref_slice %arg7[%mul3A_4, %dma_start3A_162] : memref<10112x128xf32, #tpu.memory_space<vmem_shared>> -> memref<632x128xf32, #tpu.memory_space<vmem_shared>>
      tpu.enqueue_dma source(%arg5 : memref<632x128xf32, #tpu.memory_space<hbm>>) target(%dma_start3A_163 : memref<632x128xf32, #tpu.memory_space<vmem_shared>>) target_semaphore(%run_scoped3A : memref<!tpu.dma_semaphore, #tpu.memory_space<semaphore_mem>>)
      %dma_wait3A_164 = arith.constant 0 : i32
      %dma_wait3A_165 = tpu.memref_slice %arg7[%mul3A_4, %dma_wait3A_164] : memref<10112x128xf32, #tpu.memory_space<vmem_shared>> -> memref<632x128xf32, #tpu.memory_space<vmem_shared>>
      tpu.wait_dma2 semaphore(%run_scoped3A : memref<!tpu.dma_semaphore, #tpu.memory_space<semaphore_mem>>) src(%arg5 : memref<632x128xf32, #tpu.memory_space<hbm>>) dst(%dma_wait3A_165 : memref<632x128xf32, #tpu.memory_space<vmem_shared>>)
      tpu.yield
    }) : () -> ()
    %barrier3A = arith.constant 0 : index
    tpu.barrier barrier_id(%barrier3A)
    %add3A_5 = arith.constant 0 : i32
    %add3A_6 = arith.addi %mul3A_2, %add3A_5 : i32
    %multiple_of3A = tpu.assume_multiple %add3A_6, 8 : i32
    %dma_start3A = tpu.memref_slice %arg3[%multiple_of3A] : memref<322656xi32, #tpu.memory_space<hbm>> -> memref<48xi32, #tpu.memory_space<hbm>>
    %dma_start3A_7 = tpu.memref_slice %arg3[%multiple_of3A] : memref<322656xi32, #tpu.memory_space<hbm>> -> memref<48xi32, #tpu.memory_space<hbm>>
    tpu.enqueue_dma source(%dma_start3A_7 : memref<48xi32, #tpu.memory_space<hbm>>) target(%arg8 : memref<48xi32, #tpu.memory_space<vmem>>) target_semaphore(%arg20 : memref<!tpu.dma_semaphore, #tpu.memory_space<semaphore_mem>>)
    %add3A_8 = arith.constant 48 : i32
    %add3A_9 = arith.addi %mul3A_2, %add3A_8 : i32
    %multiple_of3A_10 = tpu.assume_multiple %add3A_9, 8 : i32
    %dma_start3A_11 = tpu.memref_slice %arg3[%multiple_of3A_10] : memref<322656xi32, #tpu.memory_space<hbm>> -> memref<48xi32, #tpu.memory_space<hbm>>
    %dma_start3A_12 = tpu.memref_slice %arg3[%multiple_of3A_10] : memref<322656xi32, #tpu.memory_space<hbm>> -> memref<48xi32, #tpu.memory_space<hbm>>
    tpu.enqueue_dma source(%dma_start3A_12 : memref<48xi32, #tpu.memory_space<hbm>>) target(%arg9 : memref<48xi32, #tpu.memory_space<vmem>>) target_semaphore(%arg21 : memref<!tpu.dma_semaphore, #tpu.memory_space<semaphore_mem>>)
    %add3A_13 = arith.constant 0 : i32
    %add3A_14 = arith.addi %mul3A_2, %add3A_13 : i32
    %multiple_of3A_15 = tpu.assume_multiple %add3A_14, 8 : i32
    %dma_start3A_16 = tpu.memref_slice %arg4[%multiple_of3A_15] : memref<322656xi32, #tpu.memory_space<hbm>> -> memref<24xi32, #tpu.memory_space<hbm>>
    %dma_start3A_17 = tpu.memref_slice %arg4[%multiple_of3A_15] : memref<322656xi32, #tpu.memory_space<hbm>> -> memref<24xi32, #tpu.memory_space<hbm>>
    tpu.enqueue_dma source(%dma_start3A_17 : memref<24xi32, #tpu.memory_space<hbm>>) target(%arg10 : memref<24xi32, #tpu.memory_space<vmem>>) target_semaphore(%arg22 : memref<!tpu.dma_semaphore, #tpu.memory_space<semaphore_mem>>)
    %add3A_18 = arith.constant 24 : i32
    %add3A_19 = arith.addi %mul3A_2, %add3A_18 : i32
    %multiple_of3A_20 = tpu.assume_multiple %add3A_19, 8 : i32
    %dma_start3A_21 = tpu.memref_slice %arg4[%multiple_of3A_20] : memref<322656xi32, #tpu.memory_space<hbm>> -> memref<24xi32, #tpu.memory_space<hbm>>
    %dma_start3A_22 = tpu.memref_slice %arg4[%multiple_of3A_20] : memref<322656xi32, #tpu.memory_space<hbm>> -> memref<24xi32, #tpu.memory_space<hbm>>
    tpu.enqueue_dma source(%dma_start3A_22 : memref<24xi32, #tpu.memory_space<hbm>>) target(%arg11 : memref<24xi32, #tpu.memory_space<vmem>>) target_semaphore(%arg23 : memref<!tpu.dma_semaphore, #tpu.memory_space<semaphore_mem>>)
    %add3A_23 = arith.constant 48 : i32
    %add3A_24 = arith.addi %mul3A_2, %add3A_23 : i32
    %multiple_of3A_25 = tpu.assume_multiple %add3A_24, 8 : i32
    %dma_start3A_26 = tpu.memref_slice %arg4[%multiple_of3A_25] : memref<322656xi32, #tpu.memory_space<hbm>> -> memref<24xi32, #tpu.memory_space<hbm>>
    %dma_start3A_27 = tpu.memref_slice %arg4[%multiple_of3A_25] : memref<322656xi32, #tpu.memory_space<hbm>> -> memref<24xi32, #tpu.memory_space<hbm>>
    tpu.enqueue_dma source(%dma_start3A_27 : memref<24xi32, #tpu.memory_space<hbm>>) target(%arg12 : memref<24xi32, #tpu.memory_space<vmem>>) target_semaphore(%arg24 : memref<!tpu.dma_semaphore, #tpu.memory_space<semaphore_mem>>)
    %dma_wait3A = arith.constant 0 : i32
    %dma_wait3A_28 = tpu.memref_slice %arg3[%dma_wait3A] : memref<322656xi32, #tpu.memory_space<hbm>> -> memref<48xi32, #tpu.memory_space<hbm>>
    %dma_wait3A_29 = arith.constant 0 : i32
    %dma_wait3A_30 = tpu.memref_slice %arg3[%dma_wait3A_29] : memref<322656xi32, #tpu.memory_space<hbm>> -> memref<48xi32, #tpu.memory_space<hbm>>
    tpu.wait_dma2 semaphore(%arg20 : memref<!tpu.dma_semaphore, #tpu.memory_space<semaphore_mem>>) src(%dma_wait3A_30 : memref<48xi32, #tpu.memory_space<hbm>>) dst(%arg8 : memref<48xi32, #tpu.memory_space<vmem>>)
    %dma_wait3A_31 = arith.constant 0 : i32
    %dma_wait3A_32 = tpu.memref_slice %arg4[%dma_wait3A_31] : memref<322656xi32, #tpu.memory_space<hbm>> -> memref<24xi32, #tpu.memory_space<hbm>>
    %dma_wait3A_33 = arith.constant 0 : i32
    %dma_wait3A_34 = tpu.memref_slice %arg4[%dma_wait3A_33] : memref<322656xi32, #tpu.memory_space<hbm>> -> memref<24xi32, #tpu.memory_space<hbm>>
    tpu.wait_dma2 semaphore(%arg22 : memref<!tpu.dma_semaphore, #tpu.memory_space<semaphore_mem>>) src(%dma_wait3A_34 : memref<24xi32, #tpu.memory_space<hbm>>) dst(%arg10 : memref<24xi32, #tpu.memory_space<vmem>>)
    %dma_start3A_35 = arith.constant 0 : i32
    %dma_start3A_36 = tpu.memref_slice %arg8[%dma_start3A_35] : memref<48xi32, #tpu.memory_space<vmem>> -> memref<24xi32, #tpu.memory_space<vmem>>
    %dma_start3A_37 = arith.constant 0 : i32
    %dma_start3A_38 = arith.constant 0 : i32
    %dma_start3A_39 = tpu.memref_slice %arg2[%dma_start3A_37, %dma_start3A_38] : memref<10000x128xf32, #tpu.memory_space<hbm>> -> memref<10000x128xf32, #tpu.memory_space<hbm>>
    tpu.enqueue_indirect_dma source(%dma_start3A_39 : memref<10000x128xf32, #tpu.memory_space<hbm>>) target(%arg14 : memref<24x128xf32, #tpu.memory_space<vmem>>) offsets(%dma_start3A_36 : memref<24xi32, #tpu.memory_space<vmem>>) semaphore(%arg16 : memref<!tpu.dma_semaphore, #tpu.memory_space<semaphore_mem>>)
    %add3A_40 = arith.constant 72 : i32
    %add3A_41 = arith.addi %mul3A_2, %add3A_40 : i32
    %multiple_of3A_42 = tpu.assume_multiple %add3A_41, 8 : i32
    %dma_start3A_43 = tpu.memref_slice %arg4[%multiple_of3A_42] : memref<322656xi32, #tpu.memory_space<hbm>> -> memref<24xi32, #tpu.memory_space<hbm>>
    %dma_start3A_44 = tpu.memref_slice %arg4[%multiple_of3A_42] : memref<322656xi32, #tpu.memory_space<hbm>> -> memref<24xi32, #tpu.memory_space<hbm>>
    tpu.enqueue_dma source(%dma_start3A_44 : memref<24xi32, #tpu.memory_space<hbm>>) target(%arg13 : memref<24xi32, #tpu.memory_space<vmem>>) target_semaphore(%arg25 : memref<!tpu.dma_semaphore, #tpu.memory_space<semaphore_mem>>)
    %dma_wait3A_45 = arith.constant 0 : i32
    %dma_wait3A_46 = tpu.memref_slice %arg4[%dma_wait3A_45] : memref<322656xi32, #tpu.memory_space<hbm>> -> memref<24xi32, #tpu.memory_space<hbm>>
    %dma_wait3A_47 = arith.constant 0 : i32
    %dma_wait3A_48 = tpu.memref_slice %arg4[%dma_wait3A_47] : memref<322656xi32, #tpu.memory_space<hbm>> -> memref<24xi32, #tpu.memory_space<hbm>>
    tpu.wait_dma2 semaphore(%arg23 : memref<!tpu.dma_semaphore, #tpu.memory_space<semaphore_mem>>) src(%dma_wait3A_48 : memref<24xi32, #tpu.memory_space<hbm>>) dst(%arg11 : memref<24xi32, #tpu.memory_space<vmem>>)
    %dma_start3A_49 = arith.constant 24 : i32
    %dma_start3A_50 = tpu.memref_slice %arg8[%dma_start3A_49] : memref<48xi32, #tpu.memory_space<vmem>> -> memref<24xi32, #tpu.memory_space<vmem>>
    %dma_start3A_51 = arith.constant 0 : i32
    %dma_start3A_52 = arith.constant 0 : i32
    %dma_start3A_53 = tpu.memref_slice %arg2[%dma_start3A_51, %dma_start3A_52] : memref<10000x128xf32, #tpu.memory_space<hbm>> -> memref<10000x128xf32, #tpu.memory_space<hbm>>
    tpu.enqueue_indirect_dma source(%dma_start3A_53 : memref<10000x128xf32, #tpu.memory_space<hbm>>) target(%arg15 : memref<24x128xf32, #tpu.memory_space<vmem>>) offsets(%dma_start3A_50 : memref<24xi32, #tpu.memory_space<vmem>>) semaphore(%arg17 : memref<!tpu.dma_semaphore, #tpu.memory_space<semaphore_mem>>)
    %dma_wait3A_54 = arith.constant 0 : i32
    %dma_wait3A_55 = tpu.memref_slice %arg8[%dma_wait3A_54] : memref<48xi32, #tpu.memory_space<vmem>> -> memref<24xi32, #tpu.memory_space<vmem>>
    %dma_wait3A_56 = arith.constant 0 : i32
    %dma_wait3A_57 = arith.constant 0 : i32
    %dma_wait3A_58 = tpu.memref_slice %arg2[%dma_wait3A_56, %dma_wait3A_57] : memref<10000x128xf32, #tpu.memory_space<hbm>> -> memref<10000x128xf32, #tpu.memory_space<hbm>>
    tpu.wait_indirect_dma semaphore(%arg16 : memref<!tpu.dma_semaphore, #tpu.memory_space<semaphore_mem>>) src(%dma_wait3A_58 : memref<10000x128xf32, #tpu.memory_space<hbm>>) dst(%arg14 : memref<24x128xf32, #tpu.memory_space<vmem>>)
    %dma_start3A_59 = arith.constant 0 : i32
    %dma_start3A_60 = arith.constant 0 : i32
    %dma_start3A_61 = tpu.memref_slice %arg7[%dma_start3A_59, %dma_start3A_60] : memref<10112x128xf32, #tpu.memory_space<vmem_shared>> -> memref<10112x128xf32, #tpu.memory_space<vmem_shared>>
    tpu.enqueue_indirect_dma source(%arg14 : memref<24x128xf32, #tpu.memory_space<vmem>>) target(%dma_start3A_61 : memref<10112x128xf32, #tpu.memory_space<vmem_shared>>) offsets(%arg10 : memref<24xi32, #tpu.memory_space<vmem>>) semaphore(%arg18 : memref<!tpu.dma_semaphore, #tpu.memory_space<semaphore_mem>>) {add = true}
    %dma_wait3A_62 = arith.constant 24 : i32
    %dma_wait3A_63 = tpu.memref_slice %arg8[%dma_wait3A_62] : memref<48xi32, #tpu.memory_space<vmem>> -> memref<24xi32, #tpu.memory_space<vmem>>
    %dma_wait3A_64 = arith.constant 0 : i32
    %dma_wait3A_65 = arith.constant 0 : i32
    %dma_wait3A_66 = tpu.memref_slice %arg2[%dma_wait3A_64, %dma_wait3A_65] : memref<10000x128xf32, #tpu.memory_space<hbm>> -> memref<10000x128xf32, #tpu.memory_space<hbm>>
    tpu.wait_indirect_dma semaphore(%arg17 : memref<!tpu.dma_semaphore, #tpu.memory_space<semaphore_mem>>) src(%dma_wait3A_66 : memref<10000x128xf32, #tpu.memory_space<hbm>>) dst(%arg15 : memref<24x128xf32, #tpu.memory_space<vmem>>)
    %dma_start3A_67 = arith.constant 0 : i32
    %dma_start3A_68 = arith.constant 0 : i32
    %dma_start3A_69 = tpu.memref_slice %arg7[%dma_start3A_67, %dma_start3A_68] : memref<10112x128xf32, #tpu.memory_space<vmem_shared>> -> memref<10112x128xf32, #tpu.memory_space<vmem_shared>>
    tpu.enqueue_indirect_dma source(%arg15 : memref<24x128xf32, #tpu.memory_space<vmem>>) target(%dma_start3A_69 : memref<10112x128xf32, #tpu.memory_space<vmem_shared>>) offsets(%arg11 : memref<24xi32, #tpu.memory_space<vmem>>) semaphore(%arg19 : memref<!tpu.dma_semaphore, #tpu.memory_space<semaphore_mem>>) {add = true}
    %add3A_70 = arith.constant 96 : i32
    %add3A_71 = arith.addi %mul3A_2, %add3A_70 : i32
    %multiple_of3A_72 = tpu.assume_multiple %add3A_71, 8 : i32
    %dma_start3A_73 = tpu.memref_slice %arg3[%multiple_of3A_72] : memref<322656xi32, #tpu.memory_space<hbm>> -> memref<48xi32, #tpu.memory_space<hbm>>
    %dma_start3A_74 = tpu.memref_slice %arg3[%multiple_of3A_72] : memref<322656xi32, #tpu.memory_space<hbm>> -> memref<48xi32, #tpu.memory_space<hbm>>
    tpu.enqueue_dma source(%dma_start3A_74 : memref<48xi32, #tpu.memory_space<hbm>>) target(%arg8 : memref<48xi32, #tpu.memory_space<vmem>>) target_semaphore(%arg20 : memref<!tpu.dma_semaphore, #tpu.memory_space<semaphore_mem>>)
    %dma_wait3A_75 = arith.constant 0 : i32
    %dma_wait3A_76 = arith.constant 0 : i32
    %dma_wait3A_77 = tpu.memref_slice %arg7[%dma_wait3A_75, %dma_wait3A_76] : memref<10112x128xf32, #tpu.memory_space<vmem_shared>> -> memref<10112x128xf32, #tpu.memory_space<vmem_shared>>
    tpu.wait_indirect_dma semaphore(%arg18 : memref<!tpu.dma_semaphore, #tpu.memory_space<semaphore_mem>>) src(%arg14 : memref<24x128xf32, #tpu.memory_space<vmem>>) dst(%dma_wait3A_77 : memref<10112x128xf32, #tpu.memory_space<vmem_shared>>)
    %add3A_78 = arith.constant 96 : i32
    %add3A_79 = arith.addi %mul3A_2, %add3A_78 : i32
    %multiple_of3A_80 = tpu.assume_multiple %add3A_79, 8 : i32
    %dma_start3A_81 = tpu.memref_slice %arg4[%multiple_of3A_80] : memref<322656xi32, #tpu.memory_space<hbm>> -> memref<24xi32, #tpu.memory_space<hbm>>
    %dma_start3A_82 = tpu.memref_slice %arg4[%multiple_of3A_80] : memref<322656xi32, #tpu.memory_space<hbm>> -> memref<24xi32, #tpu.memory_space<hbm>>
    tpu.enqueue_dma source(%dma_start3A_82 : memref<24xi32, #tpu.memory_space<hbm>>) target(%arg10 : memref<24xi32, #tpu.memory_space<vmem>>) target_semaphore(%arg22 : memref<!tpu.dma_semaphore, #tpu.memory_space<semaphore_mem>>)
    %dma_wait3A_83 = arith.constant 0 : i32
    %dma_wait3A_84 = tpu.memref_slice %arg3[%dma_wait3A_83] : memref<322656xi32, #tpu.memory_space<hbm>> -> memref<48xi32, #tpu.memory_space<hbm>>
    %dma_wait3A_85 = arith.constant 0 : i32
    %dma_wait3A_86 = tpu.memref_slice %arg3[%dma_wait3A_85] : memref<322656xi32, #tpu.memory_space<hbm>> -> memref<48xi32, #tpu.memory_space<hbm>>
    tpu.wait_dma2 semaphore(%arg21 : memref<!tpu.dma_semaphore, #tpu.memory_space<semaphore_mem>>) src(%dma_wait3A_86 : memref<48xi32, #tpu.memory_space<hbm>>) dst(%arg9 : memref<48xi32, #tpu.memory_space<vmem>>)
    %dma_wait3A_87 = arith.constant 0 : i32
    %dma_wait3A_88 = tpu.memref_slice %arg4[%dma_wait3A_87] : memref<322656xi32, #tpu.memory_space<hbm>> -> memref<24xi32, #tpu.memory_space<hbm>>
    %dma_wait3A_89 = arith.constant 0 : i32
    %dma_wait3A_90 = tpu.memref_slice %arg4[%dma_wait3A_89] : memref<322656xi32, #tpu.memory_space<hbm>> -> memref<24xi32, #tpu.memory_space<hbm>>
    tpu.wait_dma2 semaphore(%arg24 : memref<!tpu.dma_semaphore, #tpu.memory_space<semaphore_mem>>) src(%dma_wait3A_90 : memref<24xi32, #tpu.memory_space<hbm>>) dst(%arg12 : memref<24xi32, #tpu.memory_space<vmem>>)
    %dma_start3A_91 = arith.constant 0 : i32
    %dma_start3A_92 = tpu.memref_slice %arg9[%dma_start3A_91] : memref<48xi32, #tpu.memory_space<vmem>> -> memref<24xi32, #tpu.memory_space<vmem>>
    %dma_start3A_93 = arith.constant 0 : i32
    %dma_start3A_94 = arith.constant 0 : i32
    %dma_start3A_95 = tpu.memref_slice %arg2[%dma_start3A_93, %dma_start3A_94] : memref<10000x128xf32, #tpu.memory_space<hbm>> -> memref<10000x128xf32, #tpu.memory_space<hbm>>
    tpu.enqueue_indirect_dma source(%dma_start3A_95 : memref<10000x128xf32, #tpu.memory_space<hbm>>) target(%arg14 : memref<24x128xf32, #tpu.memory_space<vmem>>) offsets(%dma_start3A_92 : memref<24xi32, #tpu.memory_space<vmem>>) semaphore(%arg16 : memref<!tpu.dma_semaphore, #tpu.memory_space<semaphore_mem>>)
    %dma_wait3A_96 = arith.constant 0 : i32
    %dma_wait3A_97 = arith.constant 0 : i32
    %dma_wait3A_98 = tpu.memref_slice %arg7[%dma_wait3A_96, %dma_wait3A_97] : memref<10112x128xf32, #tpu.memory_space<vmem_shared>> -> memref<10112x128xf32, #tpu.memory_space<vmem_shared>>
    tpu.wait_indirect_dma semaphore(%arg19 : memref<!tpu.dma_semaphore, #tpu.memory_space<semaphore_mem>>) src(%arg15 : memref<24x128xf32, #tpu.memory_space<vmem>>) dst(%dma_wait3A_98 : memref<10112x128xf32, #tpu.memory_space<vmem_shared>>)
    %add3A_99 = arith.constant 120 : i32
    %add3A_100 = arith.addi %mul3A_2, %add3A_99 : i32
    %multiple_of3A_101 = tpu.assume_multiple %add3A_100, 8 : i32
    %dma_start3A_102 = tpu.memref_slice %arg4[%multiple_of3A_101] : memref<322656xi32, #tpu.memory_space<hbm>> -> memref<24xi32, #tpu.memory_space<hbm>>
    %dma_start3A_103 = tpu.memref_slice %arg4[%multiple_of3A_101] : memref<322656xi32, #tpu.memory_space<hbm>> -> memref<24xi32, #tpu.memory_space<hbm>>
    tpu.enqueue_dma source(%dma_start3A_103 : memref<24xi32, #tpu.memory_space<hbm>>) target(%arg11 : memref<24xi32, #tpu.memory_space<vmem>>) target_semaphore(%arg23 : memref<!tpu.dma_semaphore, #tpu.memory_space<semaphore_mem>>)
    %dma_wait3A_104 = arith.constant 0 : i32
    %dma_wait3A_105 = tpu.memref_slice %arg4[%dma_wait3A_104] : memref<322656xi32, #tpu.memory_space<hbm>> -> memref<24xi32, #tpu.memory_space<hbm>>
    %dma_wait3A_106 = arith.constant 0 : i32
    %dma_wait3A_107 = tpu.memref_slice %arg4[%dma_wait3A_106] : memref<322656xi32, #tpu.memory_space<hbm>> -> memref<24xi32, #tpu.memory_space<hbm>>
    tpu.wait_dma2 semaphore(%arg25 : memref<!tpu.dma_semaphore, #tpu.memory_space<semaphore_mem>>) src(%dma_wait3A_107 : memref<24xi32, #tpu.memory_space<hbm>>) dst(%arg13 : memref<24xi32, #tpu.memory_space<vmem>>)
    %dma_start3A_108 = arith.constant 24 : i32
    %dma_start3A_109 = tpu.memref_slice %arg9[%dma_start3A_108] : memref<48xi32, #tpu.memory_space<vmem>> -> memref<24xi32, #tpu.memory_space<vmem>>
    %dma_start3A_110 = arith.constant 0 : i32
    %dma_start3A_111 = arith.constant 0 : i32
    %dma_start3A_112 = tpu.memref_slice %arg2[%dma_start3A_110, %dma_start3A_111] : memref<10000x128xf32, #tpu.memory_space<hbm>> -> memref<10000x128xf32, #tpu.memory_space<hbm>>
    tpu.enqueue_indirect_dma source(%dma_start3A_112 : memref<10000x128xf32, #tpu.memory_space<hbm>>) target(%arg15 : memref<24x128xf32, #tpu.memory_space<vmem>>) offsets(%dma_start3A_109 : memref<24xi32, #tpu.memory_space<vmem>>) semaphore(%arg17 : memref<!tpu.dma_semaphore, #tpu.memory_space<semaphore_mem>>)
    %dma_wait3A_113 = arith.constant 0 : i32
    %dma_wait3A_114 = tpu.memref_slice %arg9[%dma_wait3A_113] : memref<48xi32, #tpu.memory_space<vmem>> -> memref<24xi32, #tpu.memory_space<vmem>>
    %dma_wait3A_115 = arith.constant 0 : i32
    %dma_wait3A_116 = arith.constant 0 : i32
    %dma_wait3A_117 = tpu.memref_slice %arg2[%dma_wait3A_115, %dma_wait3A_116] : memref<10000x128xf32, #tpu.memory_space<hbm>> -> memref<10000x128xf32, #tpu.memory_space<hbm>>
    tpu.wait_indirect_dma semaphore(%arg16 : memref<!tpu.dma_semaphore, #tpu.memory_space<semaphore_mem>>) src(%dma_wait3A_117 : memref<10000x128xf32, #tpu.memory_space<hbm>>) dst(%arg14 : memref<24x128xf32, #tpu.memory_space<vmem>>)
    %dma_start3A_118 = arith.constant 0 : i32
    %dma_start3A_119 = arith.constant 0 : i32
    %dma_start3A_120 = tpu.memref_slice %arg7[%dma_start3A_118, %dma_start3A_119] : memref<10112x128xf32, #tpu.memory_space<vmem_shared>> -> memref<10112x128xf32, #tpu.memory_space<vmem_shared>>
    tpu.enqueue_indirect_dma source(%arg14 : memref<24x128xf32, #tpu.memory_space<vmem>>) target(%dma_start3A_120 : memref<10112x128xf32, #tpu.memory_space<vmem_shared>>) offsets(%arg12 : memref<24xi32, #tpu.memory_space<vmem>>) semaphore(%arg18 : memref<!tpu.dma_semaphore, #tpu.memory_space<semaphore_mem>>) {add = true}
    %dma_wait3A_121 = arith.constant 24 : i32
    %dma_wait3A_122 = tpu.memref_slice %arg9[%dma_wait3A_121] : memref<48xi32, #tpu.memory_space<vmem>> -> memref<24xi32, #tpu.memory_space<vmem>>
    %dma_wait3A_123 = arith.constant 0 : i32
    %dma_wait3A_124 = arith.constant 0 : i32
    %dma_wait3A_125 = tpu.memref_slice %arg2[%dma_wait3A_123, %dma_wait3A_124] : memref<10000x128xf32, #tpu.memory_space<hbm>> -> memref<10000x128xf32, #tpu.memory_space<hbm>>
    tpu.wait_indirect_dma semaphore(%arg17 : memref<!tpu.dma_semaphore, #tpu.memory_space<semaphore_mem>>) src(%dma_wait3A_125 : memref<10000x128xf32, #tpu.memory_space<hbm>>) dst(%arg15 : memref<24x128xf32, #tpu.memory_space<vmem>>)
    %dma_start3A_126 = arith.constant 0 : i32
    %dma_start3A_127 = arith.constant 0 : i32
    %dma_start3A_128 = tpu.memref_slice %arg7[%dma_start3A_126, %dma_start3A_127] : memref<10112x128xf32, #tpu.memory_space<vmem_shared>> -> memref<10112x128xf32, #tpu.memory_space<vmem_shared>>
    tpu.enqueue_indirect_dma source(%arg15 : memref<24x128xf32, #tpu.memory_space<vmem>>) target(%dma_start3A_128 : memref<10112x128xf32, #tpu.memory_space<vmem_shared>>) offsets(%arg13 : memref<24xi32, #tpu.memory_space<vmem>>) semaphore(%arg19 : memref<!tpu.dma_semaphore, #tpu.memory_space<semaphore_mem>>) {add = true}
    %add3A_129 = arith.constant 144 : i32
    %add3A_130 = arith.addi %mul3A_2, %add3A_129 : i32
    %multiple_of3A_131 = tpu.assume_multiple %add3A_130, 8 : i32
    %dma_start3A_132 = tpu.memref_slice %arg3[%multiple_of3A_131] : memref<322656xi32, #tpu.memory_space<hbm>> -> memref<48xi32, #tpu.memory_space<hbm>>
    %dma_start3A_133 = tpu.memref_slice %arg3[%multiple_of3A_131] : memref<322656xi32, #tpu.memory_space<hbm>> -> memref<48xi32, #tpu.memory_space<hbm>>
    tpu.enqueue_dma source(%dma_start3A_133 : memref<48xi32, #tpu.memory_space<hbm>>) target(%arg9 : memref<48xi32, #tpu.memory_space<vmem>>) target_semaphore(%arg21 : memref<!tpu.dma_semaphore, #tpu.memory_space<semaphore_mem>>)
    %scan3A = arith.constant 0 : i32
    %scan3A_134 = arith.constant 1 : i32
    %scan3A_135 = arith.constant 104 : i32
    %scan3A_136 = arith.addi %scan3A_134, %scan3A_135 : i32
    %scan3A_137 = arith.constant 1 : i32
    scf.for %scan3A_162 = %scan3A_134 to %scan3A_136 step %scan3A_137  : i32 {
      %mul3A_163 = arith.constant 4 : i32
      %mul3A_164 = arith.muli %mul3A_163, %scan3A_162 : i32
      %add3A_165 = arith.constant 0 : i32
      %add3A_166 = arith.addi %mul3A_164, %add3A_165 : i32
      %dma_wait3A_167 = arith.constant 0 : i32
      %dma_wait3A_168 = arith.constant 0 : i32
      %dma_wait3A_169 = tpu.memref_slice %arg7[%dma_wait3A_167, %dma_wait3A_168] : memref<10112x128xf32, #tpu.memory_space<vmem_shared>> -> memref<10112x128xf32, #tpu.memory_space<vmem_shared>>
      tpu.wait_indirect_dma semaphore(%arg18 : memref<!tpu.dma_semaphore, #tpu.memory_space<semaphore_mem>>) src(%arg14 : memref<24x128xf32, #tpu.memory_space<vmem>>) dst(%dma_wait3A_169 : memref<10112x128xf32, #tpu.memory_space<vmem_shared>>)
      %add3A_170 = arith.constant 2 : i32
      %add3A_171 = arith.addi %add3A_166, %add3A_170 : i32
      %mul3A_172 = arith.constant 24 : i32
      %mul3A_173 = arith.muli %add3A_171, %mul3A_172 : i32
      %add3A_174 = arith.addi %mul3A_2, %mul3A_173 : i32
      %multiple_of3A_175 = tpu.assume_multiple %add3A_174, 8 : i32
      %dma_start3A_176 = tpu.memref_slice %arg4[%multiple_of3A_175] : memref<322656xi32, #tpu.memory_space<hbm>> -> memref<24xi32, #tpu.memory_space<hbm>>
      %dma_start3A_177 = tpu.memref_slice %arg4[%multiple_of3A_175] : memref<322656xi32, #tpu.memory_space<hbm>> -> memref<24xi32, #tpu.memory_space<hbm>>
      tpu.enqueue_dma source(%dma_start3A_177 : memref<24xi32, #tpu.memory_space<hbm>>) target(%arg12 : memref<24xi32, #tpu.memory_space<vmem>>) target_semaphore(%arg24 : memref<!tpu.dma_semaphore, #tpu.memory_space<semaphore_mem>>)
      %dma_wait3A_178 = arith.constant 0 : i32
      %dma_wait3A_179 = tpu.memref_slice %arg3[%dma_wait3A_178] : memref<322656xi32, #tpu.memory_space<hbm>> -> memref<48xi32, #tpu.memory_space<hbm>>
      %dma_wait3A_180 = arith.constant 0 : i32
      %dma_wait3A_181 = tpu.memref_slice %arg3[%dma_wait3A_180] : memref<322656xi32, #tpu.memory_space<hbm>> -> memref<48xi32, #tpu.memory_space<hbm>>
      tpu.wait_dma2 semaphore(%arg20 : memref<!tpu.dma_semaphore, #tpu.memory_space<semaphore_mem>>) src(%dma_wait3A_181 : memref<48xi32, #tpu.memory_space<hbm>>) dst(%arg8 : memref<48xi32, #tpu.memory_space<vmem>>)
      %dma_wait3A_182 = arith.constant 0 : i32
      %dma_wait3A_183 = tpu.memref_slice %arg4[%dma_wait3A_182] : memref<322656xi32, #tpu.memory_space<hbm>> -> memref<24xi32, #tpu.memory_space<hbm>>
      %dma_wait3A_184 = arith.constant 0 : i32
      %dma_wait3A_185 = tpu.memref_slice %arg4[%dma_wait3A_184] : memref<322656xi32, #tpu.memory_space<hbm>> -> memref<24xi32, #tpu.memory_space<hbm>>
      tpu.wait_dma2 semaphore(%arg22 : memref<!tpu.dma_semaphore, #tpu.memory_space<semaphore_mem>>) src(%dma_wait3A_185 : memref<24xi32, #tpu.memory_space<hbm>>) dst(%arg10 : memref<24xi32, #tpu.memory_space<vmem>>)
      %dma_start3A_186 = arith.constant 0 : i32
      %dma_start3A_187 = tpu.memref_slice %arg8[%dma_start3A_186] : memref<48xi32, #tpu.memory_space<vmem>> -> memref<24xi32, #tpu.memory_space<vmem>>
      %dma_start3A_188 = arith.constant 0 : i32
      %dma_start3A_189 = arith.constant 0 : i32
      %dma_start3A_190 = tpu.memref_slice %arg2[%dma_start3A_188, %dma_start3A_189] : memref<10000x128xf32, #tpu.memory_space<hbm>> -> memref<10000x128xf32, #tpu.memory_space<hbm>>
      tpu.enqueue_indirect_dma source(%dma_start3A_190 : memref<10000x128xf32, #tpu.memory_space<hbm>>) target(%arg14 : memref<24x128xf32, #tpu.memory_space<vmem>>) offsets(%dma_start3A_187 : memref<24xi32, #tpu.memory_space<vmem>>) semaphore(%arg16 : memref<!tpu.dma_semaphore, #tpu.memory_space<semaphore_mem>>)
      %add3A_191 = arith.constant 1 : i32
      %add3A_192 = arith.addi %mul3A_164, %add3A_191 : i32
      %dma_wait3A_193 = arith.constant 0 : i32
      %dma_wait3A_194 = arith.constant 0 : i32
      %dma_wait3A_195 = tpu.memref_slice %arg7[%dma_wait3A_193, %dma_wait3A_194] : memref<10112x128xf32, #tpu.memory_space<vmem_shared>> -> memref<10112x128xf32, #tpu.memory_space<vmem_shared>>
      tpu.wait_indirect_dma semaphore(%arg19 : memref<!tpu.dma_semaphore, #tpu.memory_space<semaphore_mem>>) src(%arg15 : memref<24x128xf32, #tpu.memory_space<vmem>>) dst(%dma_wait3A_195 : memref<10112x128xf32, #tpu.memory_space<vmem_shared>>)
      %add3A_196 = arith.constant 2 : i32
      %add3A_197 = arith.addi %add3A_192, %add3A_196 : i32
      %mul3A_198 = arith.constant 24 : i32
      %mul3A_199 = arith.muli %add3A_197, %mul3A_198 : i32
      %add3A_200 = arith.addi %mul3A_2, %mul3A_199 : i32
      %multiple_of3A_201 = tpu.assume_multiple %add3A_200, 8 : i32
      %dma_start3A_202 = tpu.memref_slice %arg4[%multiple_of3A_201] : memref<322656xi32, #tpu.memory_space<hbm>> -> memref<24xi32, #tpu.memory_space<hbm>>
      %dma_start3A_203 = tpu.memref_slice %arg4[%multiple_of3A_201] : memref<322656xi32, #tpu.memory_space<hbm>> -> memref<24xi32, #tpu.memory_space<hbm>>
      tpu.enqueue_dma source(%dma_start3A_203 : memref<24xi32, #tpu.memory_space<hbm>>) target(%arg13 : memref<24xi32, #tpu.memory_space<vmem>>) target_semaphore(%arg25 : memref<!tpu.dma_semaphore, #tpu.memory_space<semaphore_mem>>)
      %dma_wait3A_204 = arith.constant 0 : i32
      %dma_wait3A_205 = tpu.memref_slice %arg4[%dma_wait3A_204] : memref<322656xi32, #tpu.memory_space<hbm>> -> memref<24xi32, #tpu.memory_space<hbm>>
      %dma_wait3A_206 = arith.constant 0 : i32
      %dma_wait3A_207 = tpu.memref_slice %arg4[%dma_wait3A_206] : memref<322656xi32, #tpu.memory_space<hbm>> -> memref<24xi32, #tpu.memory_space<hbm>>
      tpu.wait_dma2 semaphore(%arg23 : memref<!tpu.dma_semaphore, #tpu.memory_space<semaphore_mem>>) src(%dma_wait3A_207 : memref<24xi32, #tpu.memory_space<hbm>>) dst(%arg11 : memref<24xi32, #tpu.memory_space<vmem>>)
      %dma_start3A_208 = arith.constant 24 : i32
      %dma_start3A_209 = tpu.memref_slice %arg8[%dma_start3A_208] : memref<48xi32, #tpu.memory_space<vmem>> -> memref<24xi32, #tpu.memory_space<vmem>>
      %dma_start3A_210 = arith.constant 0 : i32
      %dma_start3A_211 = arith.constant 0 : i32
      %dma_start3A_212 = tpu.memref_slice %arg2[%dma_start3A_210, %dma_start3A_211] : memref<10000x128xf32, #tpu.memory_space<hbm>> -> memref<10000x128xf32, #tpu.memory_space<hbm>>
      tpu.enqueue_indirect_dma source(%dma_start3A_212 : memref<10000x128xf32, #tpu.memory_space<hbm>>) target(%arg15 : memref<24x128xf32, #tpu.memory_space<vmem>>) offsets(%dma_start3A_209 : memref<24xi32, #tpu.memory_space<vmem>>) semaphore(%arg17 : memref<!tpu.dma_semaphore, #tpu.memory_space<semaphore_mem>>)
      %add3A_213 = arith.constant 0 : i32
      %add3A_214 = arith.addi %mul3A_164, %add3A_213 : i32
      %dma_wait3A_215 = arith.constant 0 : i32
      %dma_wait3A_216 = tpu.memref_slice %arg8[%dma_wait3A_215] : memref<48xi32, #tpu.memory_space<vmem>> -> memref<24xi32, #tpu.memory_space<vmem>>
      %dma_wait3A_217 = arith.constant 0 : i32
      %dma_wait3A_218 = arith.constant 0 : i32
      %dma_wait3A_219 = tpu.memref_slice %arg2[%dma_wait3A_217, %dma_wait3A_218] : memref<10000x128xf32, #tpu.memory_space<hbm>> -> memref<10000x128xf32, #tpu.memory_space<hbm>>
      tpu.wait_indirect_dma semaphore(%arg16 : memref<!tpu.dma_semaphore, #tpu.memory_space<semaphore_mem>>) src(%dma_wait3A_219 : memref<10000x128xf32, #tpu.memory_space<hbm>>) dst(%arg14 : memref<24x128xf32, #tpu.memory_space<vmem>>)
      %dma_start3A_220 = arith.constant 0 : i32
      %dma_start3A_221 = arith.constant 0 : i32
      %dma_start3A_222 = tpu.memref_slice %arg7[%dma_start3A_220, %dma_start3A_221] : memref<10112x128xf32, #tpu.memory_space<vmem_shared>> -> memref<10112x128xf32, #tpu.memory_space<vmem_shared>>
      tpu.enqueue_indirect_dma source(%arg14 : memref<24x128xf32, #tpu.memory_space<vmem>>) target(%dma_start3A_222 : memref<10112x128xf32, #tpu.memory_space<vmem_shared>>) offsets(%arg10 : memref<24xi32, #tpu.memory_space<vmem>>) semaphore(%arg18 : memref<!tpu.dma_semaphore, #tpu.memory_space<semaphore_mem>>) {add = true}
      %add3A_223 = arith.constant 1 : i32
      %add3A_224 = arith.addi %mul3A_164, %add3A_223 : i32
      %dma_wait3A_225 = arith.constant 24 : i32
      %dma_wait3A_226 = tpu.memref_slice %arg8[%dma_wait3A_225] : memref<48xi32, #tpu.memory_space<vmem>> -> memref<24xi32, #tpu.memory_space<vmem>>
      %dma_wait3A_227 = arith.constant 0 : i32
      %dma_wait3A_228 = arith.constant 0 : i32
      %dma_wait3A_229 = tpu.memref_slice %arg2[%dma_wait3A_227, %dma_wait3A_228] : memref<10000x128xf32, #tpu.memory_space<hbm>> -> memref<10000x128xf32, #tpu.memory_space<hbm>>
      tpu.wait_indirect_dma semaphore(%arg17 : memref<!tpu.dma_semaphore, #tpu.memory_space<semaphore_mem>>) src(%dma_wait3A_229 : memref<10000x128xf32, #tpu.memory_space<hbm>>) dst(%arg15 : memref<24x128xf32, #tpu.memory_space<vmem>>)
      %dma_start3A_230 = arith.constant 0 : i32
      %dma_start3A_231 = arith.constant 0 : i32
      %dma_start3A_232 = tpu.memref_slice %arg7[%dma_start3A_230, %dma_start3A_231] : memref<10112x128xf32, #tpu.memory_space<vmem_shared>> -> memref<10112x128xf32, #tpu.memory_space<vmem_shared>>
      tpu.enqueue_indirect_dma source(%arg15 : memref<24x128xf32, #tpu.memory_space<vmem>>) target(%dma_start3A_232 : memref<10112x128xf32, #tpu.memory_space<vmem_shared>>) offsets(%arg11 : memref<24xi32, #tpu.memory_space<vmem>>) semaphore(%arg19 : memref<!tpu.dma_semaphore, #tpu.memory_space<semaphore_mem>>) {add = true}
      %add3A_233 = arith.constant 3 : i32
      %add3A_234 = arith.addi %add3A_224, %add3A_233 : i32
      %mul3A_235 = arith.constant 24 : i32
      %mul3A_236 = arith.muli %add3A_234, %mul3A_235 : i32
      %add3A_237 = arith.addi %mul3A_2, %mul3A_236 : i32
      %multiple_of3A_238 = tpu.assume_multiple %add3A_237, 8 : i32
      %dma_start3A_239 = tpu.memref_slice %arg3[%multiple_of3A_238] : memref<322656xi32, #tpu.memory_space<hbm>> -> memref<48xi32, #tpu.memory_space<hbm>>
      %dma_start3A_240 = tpu.memref_slice %arg3[%multiple_of3A_238] : memref<322656xi32, #tpu.memory_space<hbm>> -> memref<48xi32, #tpu.memory_space<hbm>>
      tpu.enqueue_dma source(%dma_start3A_240 : memref<48xi32, #tpu.memory_space<hbm>>) target(%arg8 : memref<48xi32, #tpu.memory_space<vmem>>) target_semaphore(%arg20 : memref<!tpu.dma_semaphore, #tpu.memory_space<semaphore_mem>>)
      %add3A_241 = arith.constant 2 : i32
      %add3A_242 = arith.addi %mul3A_164, %add3A_241 : i32
      %dma_wait3A_243 = arith.constant 0 : i32
      %dma_wait3A_244 = arith.constant 0 : i32
      %dma_wait3A_245 = tpu.memref_slice %arg7[%dma_wait3A_243, %dma_wait3A_244] : memref<10112x128xf32, #tpu.memory_space<vmem_shared>> -> memref<10112x128xf32, #tpu.memory_space<vmem_shared>>
      tpu.wait_indirect_dma semaphore(%arg18 : memref<!tpu.dma_semaphore, #tpu.memory_space<semaphore_mem>>) src(%arg14 : memref<24x128xf32, #tpu.memory_space<vmem>>) dst(%dma_wait3A_245 : memref<10112x128xf32, #tpu.memory_space<vmem_shared>>)
      %add3A_246 = arith.constant 2 : i32
      %add3A_247 = arith.addi %add3A_242, %add3A_246 : i32
      %mul3A_248 = arith.constant 24 : i32
      %mul3A_249 = arith.muli %add3A_247, %mul3A_248 : i32
      %add3A_250 = arith.addi %mul3A_2, %mul3A_249 : i32
      %multiple_of3A_251 = tpu.assume_multiple %add3A_250, 8 : i32
      %dma_start3A_252 = tpu.memref_slice %arg4[%multiple_of3A_251] : memref<322656xi32, #tpu.memory_space<hbm>> -> memref<24xi32, #tpu.memory_space<hbm>>
      %dma_start3A_253 = tpu.memref_slice %arg4[%multiple_of3A_251] : memref<322656xi32, #tpu.memory_space<hbm>> -> memref<24xi32, #tpu.memory_space<hbm>>
      tpu.enqueue_dma source(%dma_start3A_253 : memref<24xi32, #tpu.memory_space<hbm>>) target(%arg10 : memref<24xi32, #tpu.memory_space<vmem>>) target_semaphore(%arg22 : memref<!tpu.dma_semaphore, #tpu.memory_space<semaphore_mem>>)
      %dma_wait3A_254 = arith.constant 0 : i32
      %dma_wait3A_255 = tpu.memref_slice %arg3[%dma_wait3A_254] : memref<322656xi32, #tpu.memory_space<hbm>> -> memref<48xi32, #tpu.memory_space<hbm>>
      %dma_wait3A_256 = arith.constant 0 : i32
      %dma_wait3A_257 = tpu.memref_slice %arg3[%dma_wait3A_256] : memref<322656xi32, #tpu.memory_space<hbm>> -> memref<48xi32, #tpu.memory_space<hbm>>
      tpu.wait_dma2 semaphore(%arg21 : memref<!tpu.dma_semaphore, #tpu.memory_space<semaphore_mem>>) src(%dma_wait3A_257 : memref<48xi32, #tpu.memory_space<hbm>>) dst(%arg9 : memref<48xi32, #tpu.memory_space<vmem>>)
      %dma_wait3A_258 = arith.constant 0 : i32
      %dma_wait3A_259 = tpu.memref_slice %arg4[%dma_wait3A_258] : memref<322656xi32, #tpu.memory_space<hbm>> -> memref<24xi32, #tpu.memory_space<hbm>>
      %dma_wait3A_260 = arith.constant 0 : i32
      %dma_wait3A_261 = tpu.memref_slice %arg4[%dma_wait3A_260] : memref<322656xi32, #tpu.memory_space<hbm>> -> memref<24xi32, #tpu.memory_space<hbm>>
      tpu.wait_dma2 semaphore(%arg24 : memref<!tpu.dma_semaphore, #tpu.memory_space<semaphore_mem>>) src(%dma_wait3A_261 : memref<24xi32, #tpu.memory_space<hbm>>) dst(%arg12 : memref<24xi32, #tpu.memory_space<vmem>>)
      %dma_start3A_262 = arith.constant 0 : i32
      %dma_start3A_263 = tpu.memref_slice %arg9[%dma_start3A_262] : memref<48xi32, #tpu.memory_space<vmem>> -> memref<24xi32, #tpu.memory_space<vmem>>
      %dma_start3A_264 = arith.constant 0 : i32
      %dma_start3A_265 = arith.constant 0 : i32
      %dma_start3A_266 = tpu.memref_slice %arg2[%dma_start3A_264, %dma_start3A_265] : memref<10000x128xf32, #tpu.memory_space<hbm>> -> memref<10000x128xf32, #tpu.memory_space<hbm>>
      tpu.enqueue_indirect_dma source(%dma_start3A_266 : memref<10000x128xf32, #tpu.memory_space<hbm>>) target(%arg14 : memref<24x128xf32, #tpu.memory_space<vmem>>) offsets(%dma_start3A_263 : memref<24xi32, #tpu.memory_space<vmem>>) semaphore(%arg16 : memref<!tpu.dma_semaphore, #tpu.memory_space<semaphore_mem>>)
      %add3A_267 = arith.constant 3 : i32
      %add3A_268 = arith.addi %mul3A_164, %add3A_267 : i32
      %dma_wait3A_269 = arith.constant 0 : i32
      %dma_wait3A_270 = arith.constant 0 : i32
      %dma_wait3A_271 = tpu.memref_slice %arg7[%dma_wait3A_269, %dma_wait3A_270] : memref<10112x128xf32, #tpu.memory_space<vmem_shared>> -> memref<10112x128xf32, #tpu.memory_space<vmem_shared>>
      tpu.wait_indirect_dma semaphore(%arg19 : memref<!tpu.dma_semaphore, #tpu.memory_space<semaphore_mem>>) src(%arg15 : memref<24x128xf32, #tpu.memory_space<vmem>>) dst(%dma_wait3A_271 : memref<10112x128xf32, #tpu.memory_space<vmem_shared>>)
      %add3A_272 = arith.constant 2 : i32
      %add3A_273 = arith.addi %add3A_268, %add3A_272 : i32
      %mul3A_274 = arith.constant 24 : i32
      %mul3A_275 = arith.muli %add3A_273, %mul3A_274 : i32
      %add3A_276 = arith.addi %mul3A_2, %mul3A_275 : i32
      %multiple_of3A_277 = tpu.assume_multiple %add3A_276, 8 : i32
      %dma_start3A_278 = tpu.memref_slice %arg4[%multiple_of3A_277] : memref<322656xi32, #tpu.memory_space<hbm>> -> memref<24xi32, #tpu.memory_space<hbm>>
      %dma_start3A_279 = tpu.memref_slice %arg4[%multiple_of3A_277] : memref<322656xi32, #tpu.memory_space<hbm>> -> memref<24xi32, #tpu.memory_space<hbm>>
      tpu.enqueue_dma source(%dma_start3A_279 : memref<24xi32, #tpu.memory_space<hbm>>) target(%arg11 : memref<24xi32, #tpu.memory_space<vmem>>) target_semaphore(%arg23 : memref<!tpu.dma_semaphore, #tpu.memory_space<semaphore_mem>>)
      %dma_wait3A_280 = arith.constant 0 : i32
      %dma_wait3A_281 = tpu.memref_slice %arg4[%dma_wait3A_280] : memref<322656xi32, #tpu.memory_space<hbm>> -> memref<24xi32, #tpu.memory_space<hbm>>
      %dma_wait3A_282 = arith.constant 0 : i32
      %dma_wait3A_283 = tpu.memref_slice %arg4[%dma_wait3A_282] : memref<322656xi32, #tpu.memory_space<hbm>> -> memref<24xi32, #tpu.memory_space<hbm>>
      tpu.wait_dma2 semaphore(%arg25 : memref<!tpu.dma_semaphore, #tpu.memory_space<semaphore_mem>>) src(%dma_wait3A_283 : memref<24xi32, #tpu.memory_space<hbm>>) dst(%arg13 : memref<24xi32, #tpu.memory_space<vmem>>)
      %dma_start3A_284 = arith.constant 24 : i32
      %dma_start3A_285 = tpu.memref_slice %arg9[%dma_start3A_284] : memref<48xi32, #tpu.memory_space<vmem>> -> memref<24xi32, #tpu.memory_space<vmem>>
      %dma_start3A_286 = arith.constant 0 : i32
      %dma_start3A_287 = arith.constant 0 : i32
      %dma_start3A_288 = tpu.memref_slice %arg2[%dma_start3A_286, %dma_start3A_287] : memref<10000x128xf32, #tpu.memory_space<hbm>> -> memref<10000x128xf32, #tpu.memory_space<hbm>>
      tpu.enqueue_indirect_dma source(%dma_start3A_288 : memref<10000x128xf32, #tpu.memory_space<hbm>>) target(%arg15 : memref<24x128xf32, #tpu.memory_space<vmem>>) offsets(%dma_start3A_285 : memref<24xi32, #tpu.memory_space<vmem>>) semaphore(%arg17 : memref<!tpu.dma_semaphore, #tpu.memory_space<semaphore_mem>>)
      %add3A_289 = arith.constant 2 : i32
      %add3A_290 = arith.addi %mul3A_164, %add3A_289 : i32
      %dma_wait3A_291 = arith.constant 0 : i32
      %dma_wait3A_292 = tpu.memref_slice %arg9[%dma_wait3A_291] : memref<48xi32, #tpu.memory_space<vmem>> -> memref<24xi32, #tpu.memory_space<vmem>>
      %dma_wait3A_293 = arith.constant 0 : i32
      %dma_wait3A_294 = arith.constant 0 : i32
      %dma_wait3A_295 = tpu.memref_slice %arg2[%dma_wait3A_293, %dma_wait3A_294] : memref<10000x128xf32, #tpu.memory_space<hbm>> -> memref<10000x128xf32, #tpu.memory_space<hbm>>
      tpu.wait_indirect_dma semaphore(%arg16 : memref<!tpu.dma_semaphore, #tpu.memory_space<semaphore_mem>>) src(%dma_wait3A_295 : memref<10000x128xf32, #tpu.memory_space<hbm>>) dst(%arg14 : memref<24x128xf32, #tpu.memory_space<vmem>>)
      %dma_start3A_296 = arith.constant 0 : i32
      %dma_start3A_297 = arith.constant 0 : i32
      %dma_start3A_298 = tpu.memref_slice %arg7[%dma_start3A_296, %dma_start3A_297] : memref<10112x128xf32, #tpu.memory_space<vmem_shared>> -> memref<10112x128xf32, #tpu.memory_space<vmem_shared>>
      tpu.enqueue_indirect_dma source(%arg14 : memref<24x128xf32, #tpu.memory_space<vmem>>) target(%dma_start3A_298 : memref<10112x128xf32, #tpu.memory_space<vmem_shared>>) offsets(%arg12 : memref<24xi32, #tpu.memory_space<vmem>>) semaphore(%arg18 : memref<!tpu.dma_semaphore, #tpu.memory_space<semaphore_mem>>) {add = true}
      %add3A_299 = arith.constant 3 : i32
      %add3A_300 = arith.addi %mul3A_164, %add3A_299 : i32
      %dma_wait3A_301 = arith.constant 24 : i32
      %dma_wait3A_302 = tpu.memref_slice %arg9[%dma_wait3A_301] : memref<48xi32, #tpu.memory_space<vmem>> -> memref<24xi32, #tpu.memory_space<vmem>>
      %dma_wait3A_303 = arith.constant 0 : i32
      %dma_wait3A_304 = arith.constant 0 : i32
      %dma_wait3A_305 = tpu.memref_slice %arg2[%dma_wait3A_303, %dma_wait3A_304] : memref<10000x128xf32, #tpu.memory_space<hbm>> -> memref<10000x128xf32, #tpu.memory_space<hbm>>
      tpu.wait_indirect_dma semaphore(%arg17 : memref<!tpu.dma_semaphore, #tpu.memory_space<semaphore_mem>>) src(%dma_wait3A_305 : memref<10000x128xf32, #tpu.memory_space<hbm>>) dst(%arg15 : memref<24x128xf32, #tpu.memory_space<vmem>>)
      %dma_start3A_306 = arith.constant 0 : i32
      %dma_start3A_307 = arith.constant 0 : i32
      %dma_start3A_308 = tpu.memref_slice %arg7[%dma_start3A_306, %dma_start3A_307] : memref<10112x128xf32, #tpu.memory_space<vmem_shared>> -> memref<10112x128xf32, #tpu.memory_space<vmem_shared>>
      tpu.enqueue_indirect_dma source(%arg15 : memref<24x128xf32, #tpu.memory_space<vmem>>) target(%dma_start3A_308 : memref<10112x128xf32, #tpu.memory_space<vmem_shared>>) offsets(%arg13 : memref<24xi32, #tpu.memory_space<vmem>>) semaphore(%arg19 : memref<!tpu.dma_semaphore, #tpu.memory_space<semaphore_mem>>) {add = true}
      %add3A_309 = arith.constant 3 : i32
      %add3A_310 = arith.addi %add3A_300, %add3A_309 : i32
      %mul3A_311 = arith.constant 24 : i32
      %mul3A_312 = arith.muli %add3A_310, %mul3A_311 : i32
      %add3A_313 = arith.addi %mul3A_2, %mul3A_312 : i32
      %multiple_of3A_314 = tpu.assume_multiple %add3A_313, 8 : i32
      %dma_start3A_315 = tpu.memref_slice %arg3[%multiple_of3A_314] : memref<322656xi32, #tpu.memory_space<hbm>> -> memref<48xi32, #tpu.memory_space<hbm>>
      %dma_start3A_316 = tpu.memref_slice %arg3[%multiple_of3A_314] : memref<322656xi32, #tpu.memory_space<hbm>> -> memref<48xi32, #tpu.memory_space<hbm>>
      tpu.enqueue_dma source(%dma_start3A_316 : memref<48xi32, #tpu.memory_space<hbm>>) target(%arg9 : memref<48xi32, #tpu.memory_space<vmem>>) target_semaphore(%arg21 : memref<!tpu.dma_semaphore, #tpu.memory_space<semaphore_mem>>)
    }
    %scan3A_138 = arith.constant 104 : i32
    %dma_wait3A_139 = arith.constant 0 : i32
    %dma_wait3A_140 = arith.constant 0 : i32
    %dma_wait3A_141 = tpu.memref_slice %arg7[%dma_wait3A_139, %dma_wait3A_140] : memref<10112x128xf32, #tpu.memory_space<vmem_shared>> -> memref<10112x128xf32, #tpu.memory_space<vmem_shared>>
    tpu.wait_indirect_dma semaphore(%arg18 : memref<!tpu.dma_semaphore, #tpu.memory_space<semaphore_mem>>) src(%arg14 : memref<24x128xf32, #tpu.memory_space<vmem>>) dst(%dma_wait3A_141 : memref<10112x128xf32, #tpu.memory_space<vmem_shared>>)
    %dma_wait3A_142 = arith.constant 0 : i32
    %dma_wait3A_143 = arith.constant 0 : i32
    %dma_wait3A_144 = tpu.memref_slice %arg7[%dma_wait3A_142, %dma_wait3A_143] : memref<10112x128xf32, #tpu.memory_space<vmem_shared>> -> memref<10112x128xf32, #tpu.memory_space<vmem_shared>>
    tpu.wait_indirect_dma semaphore(%arg19 : memref<!tpu.dma_semaphore, #tpu.memory_space<semaphore_mem>>) src(%arg15 : memref<24x128xf32, #tpu.memory_space<vmem>>) dst(%dma_wait3A_144 : memref<10112x128xf32, #tpu.memory_space<vmem_shared>>)
    %dma_wait3A_145 = arith.constant 0 : i32
    %dma_wait3A_146 = tpu.memref_slice %arg3[%dma_wait3A_145] : memref<322656xi32, #tpu.memory_space<hbm>> -> memref<48xi32, #tpu.memory_space<hbm>>
    %dma_wait3A_147 = arith.constant 0 : i32
    %dma_wait3A_148 = tpu.memref_slice %arg3[%dma_wait3A_147] : memref<322656xi32, #tpu.memory_space<hbm>> -> memref<48xi32, #tpu.memory_space<hbm>>
    tpu.wait_dma2 semaphore(%arg20 : memref<!tpu.dma_semaphore, #tpu.memory_space<semaphore_mem>>) src(%dma_wait3A_148 : memref<48xi32, #tpu.memory_space<hbm>>) dst(%arg8 : memref<48xi32, #tpu.memory_space<vmem>>)
    %dma_wait3A_149 = arith.constant 0 : i32
    %dma_wait3A_150 = tpu.memref_slice %arg3[%dma_wait3A_149] : memref<322656xi32, #tpu.memory_space<hbm>> -> memref<48xi32, #tpu.memory_space<hbm>>
    %dma_wait3A_151 = arith.constant 0 : i32
    %dma_wait3A_152 = tpu.memref_slice %arg3[%dma_wait3A_151] : memref<322656xi32, #tpu.memory_space<hbm>> -> memref<48xi32, #tpu.memory_space<hbm>>
    tpu.wait_dma2 semaphore(%arg21 : memref<!tpu.dma_semaphore, #tpu.memory_space<semaphore_mem>>) src(%dma_wait3A_152 : memref<48xi32, #tpu.memory_space<hbm>>) dst(%arg9 : memref<48xi32, #tpu.memory_space<vmem>>)
    %dma_wait3A_153 = arith.constant 0 : i32
    %dma_wait3A_154 = tpu.memref_slice %arg4[%dma_wait3A_153] : memref<322656xi32, #tpu.memory_space<hbm>> -> memref<24xi32, #tpu.memory_space<hbm>>
    %dma_wait3A_155 = arith.constant 0 : i32
    %dma_wait3A_156 = tpu.memref_slice %arg4[%dma_wait3A_155] : memref<322656xi32, #tpu.memory_space<hbm>> -> memref<24xi32, #tpu.memory_space<hbm>>
    tpu.wait_dma2 semaphore(%arg22 : memref<!tpu.dma_semaphore, #tpu.memory_space<semaphore_mem>>) src(%dma_wait3A_156 : memref<24xi32, #tpu.memory_space<hbm>>) dst(%arg10 : memref<24xi32, #tpu.memory_space<vmem>>)
    %dma_wait3A_157 = arith.constant 0 : i32
    %dma_wait3A_158 = tpu.memref_slice %arg4[%dma_wait3A_157] : memref<322656xi32, #tpu.memory_space<hbm>> -> memref<24xi32, #tpu.memory_space<hbm>>
    %dma_wait3A_159 = arith.constant 0 : i32
    %dma_wait3A_160 = tpu.memref_slice %arg4[%dma_wait3A_159] : memref<322656xi32, #tpu.memory_space<hbm>> -> memref<24xi32, #tpu.memory_space<hbm>>
    tpu.wait_dma2 semaphore(%arg23 : memref<!tpu.dma_semaphore, #tpu.memory_space<semaphore_mem>>) src(%dma_wait3A_160 : memref<24xi32, #tpu.memory_space<hbm>>) dst(%arg11 : memref<24xi32, #tpu.memory_space<vmem>>)
    %barrier3A_161 = arith.constant 0 : index
    tpu.barrier barrier_id(%barrier3A_161)
    "tpu.region"() ({
      %run_scoped3A = tpu.sem_alloc : memref<!tpu.dma_semaphore, #tpu.memory_space<semaphore_mem>>
      %dma_start3A_162 = arith.constant 0 : i32
      %dma_start3A_163 = tpu.memref_slice %arg6[%arg0, %mul3A_4, %dma_start3A_162] : memref<2x10112x128xf32, #tpu.memory_space<hbm>> -> memref<1x632x128xf32, #tpu.memory_space<hbm>>
      %dma_start3A_164 = tpu.memref_squeeze %dma_start3A_163 : memref<1x632x128xf32, #tpu.memory_space<hbm>> -> memref<632x128xf32, #tpu.memory_space<hbm>>
      %dma_start3A_165 = arith.constant 0 : i32
      %dma_start3A_166 = tpu.memref_slice %arg7[%mul3A_4, %dma_start3A_165] : memref<10112x128xf32, #tpu.memory_space<vmem_shared>> -> memref<632x128xf32, #tpu.memory_space<vmem_shared>>
      tpu.enqueue_dma source(%dma_start3A_166 : memref<632x128xf32, #tpu.memory_space<vmem_shared>>) target(%dma_start3A_164 : memref<632x128xf32, #tpu.memory_space<hbm>>) target_semaphore(%run_scoped3A : memref<!tpu.dma_semaphore, #tpu.memory_space<semaphore_mem>>)
      %dma_wait3A_167 = arith.constant 0 : i32
      %dma_wait3A_168 = tpu.memref_slice %arg6[%arg0, %mul3A_4, %dma_wait3A_167] : memref<2x10112x128xf32, #tpu.memory_space<hbm>> -> memref<1x632x128xf32, #tpu.memory_space<hbm>>
      %dma_wait3A_169 = tpu.memref_squeeze %dma_wait3A_168 : memref<1x632x128xf32, #tpu.memory_space<hbm>> -> memref<632x128xf32, #tpu.memory_space<hbm>>
      %dma_wait3A_170 = arith.constant 0 : i32
      %dma_wait3A_171 = tpu.memref_slice %arg7[%mul3A_4, %dma_wait3A_170] : memref<10112x128xf32, #tpu.memory_space<vmem_shared>> -> memref<632x128xf32, #tpu.memory_space<vmem_shared>>
      tpu.wait_dma2 semaphore(%run_scoped3A : memref<!tpu.dma_semaphore, #tpu.memory_space<semaphore_mem>>) src(%dma_wait3A_171 : memref<632x128xf32, #tpu.memory_space<vmem_shared>>) dst(%dma_wait3A_169 : memref<632x128xf32, #tpu.memory_space<hbm>>)
      tpu.yield
    }) : () -> ()
    return
  }
}

#map = affine_map<(d0, d1) -> (0, 0)>
#map1 = affine_map<(d0, d1) -> (0)>
#map2 = affine_map<(d0, d1) -> (0, 0, 0)>
module attributes {stable_mosaic.version = 14 : i64} {
  func.func @_sc_agg_body(%arg0: i32, %arg1: i32, %arg2: memref<10000x128xf32, #tpu.memory_space<hbm>>, %arg3: memref<322656xi32, #tpu.memory_space<hbm>>, %arg4: memref<322656xi32, #tpu.memory_space<hbm>>, %arg5: memref<632x128xf32, #tpu.memory_space<hbm>>, %arg6: memref<2x10112x128xf32, #tpu.memory_space<hbm>>, %arg7: memref<10112x128xf32, #tpu.memory_space<vmem_shared>>, %arg8: memref<48xi32, #tpu.memory_space<vmem>>, %arg9: memref<48xi32, #tpu.memory_space<vmem>>, %arg10: memref<24xi32, #tpu.memory_space<vmem>>, %arg11: memref<24xi32, #tpu.memory_space<vmem>>, %arg12: memref<24xi32, #tpu.memory_space<vmem>>, %arg13: memref<24xi32, #tpu.memory_space<vmem>>, %arg14: memref<24x128xf32, #tpu.memory_space<vmem>>, %arg15: memref<24x128xf32, #tpu.memory_space<vmem>>, %arg16: memref<!tpu.dma_semaphore, #tpu.memory_space<semaphore_mem>>, %arg17: memref<!tpu.dma_semaphore, #tpu.memory_space<semaphore_mem>>, %arg18: memref<!tpu.dma_semaphore, #tpu.memory_space<semaphore_mem>>, %arg19: memref<!tpu.dma_semaphore, #tpu.memory_space<semaphore_mem>>, %arg20: memref<!tpu.dma_semaphore, #tpu.memory_space<semaphore_mem>>, %arg21: memref<!tpu.dma_semaphore, #tpu.memory_space<semaphore_mem>>, %arg22: memref<!tpu.dma_semaphore, #tpu.memory_space<semaphore_mem>>, %arg23: memref<!tpu.dma_semaphore, #tpu.memory_space<semaphore_mem>>, %arg24: memref<!tpu.dma_semaphore, #tpu.memory_space<semaphore_mem>>, %arg25: memref<!tpu.dma_semaphore, #tpu.memory_space<semaphore_mem>>) attributes {dimension_semantics = [#tpu.dimension_semantics<core_parallel>, #tpu.dimension_semantics<subcore_parallel>], iteration_bounds = array<i64: 2, 16>, scalar_prefetch = 0 : i64, scratch_operands = 19 : i64, tpu.core_type = #tpu.core_type<sc_vector_subcore>, window_params = [{transform_indices = #map}, {transform_indices = #map1}, {transform_indices = #map1}, {transform_indices = #map}, {transform_indices = #map2}]} {
    %mul3A = arith.constant 16 : i32
    %mul3A_0 = arith.muli %arg0, %mul3A : i32
    %add3A = arith.addi %mul3A_0, %arg1 : i32
    %mul3A_1 = arith.constant 10080 : i32
    %mul3A_2 = arith.muli %add3A, %mul3A_1 : i32
    %mul3A_3 = arith.constant 632 : i32
    %mul3A_4 = arith.muli %arg1, %mul3A_3 : i32
    "tpu.region"() ({
      %run_scoped3A = tpu.sem_alloc : memref<!tpu.dma_semaphore, #tpu.memory_space<semaphore_mem>>
      %dma_start3A_162 = arith.constant 0 : i32
      %dma_start3A_163 = tpu.memref_slice %arg7[%mul3A_4, %dma_start3A_162] : memref<10112x128xf32, #tpu.memory_space<vmem_shared>> -> memref<632x128xf32, #tpu.memory_space<vmem_shared>>
      tpu.enqueue_dma source(%arg5 : memref<632x128xf32, #tpu.memory_space<hbm>>) target(%dma_start3A_163 : memref<632x128xf32, #tpu.memory_space<vmem_shared>>) target_semaphore(%run_scoped3A : memref<!tpu.dma_semaphore, #tpu.memory_space<semaphore_mem>>)
      %dma_wait3A_164 = arith.constant 0 : i32
      %dma_wait3A_165 = tpu.memref_slice %arg7[%mul3A_4, %dma_wait3A_164] : memref<10112x128xf32, #tpu.memory_space<vmem_shared>> -> memref<632x128xf32, #tpu.memory_space<vmem_shared>>
      tpu.wait_dma2 semaphore(%run_scoped3A : memref<!tpu.dma_semaphore, #tpu.memory_space<semaphore_mem>>) src(%arg5 : memref<632x128xf32, #tpu.memory_space<hbm>>) dst(%dma_wait3A_165 : memref<632x128xf32, #tpu.memory_space<vmem_shared>>)
      tpu.yield
    }) : () -> ()
    %barrier3A = arith.constant 0 : index
    tpu.barrier barrier_id(%barrier3A)
    %add3A_5 = arith.constant 0 : i32
    %add3A_6 = arith.addi %mul3A_2, %add3A_5 : i32
    %multiple_of3A = tpu.assume_multiple %add3A_6, 8 : i32
    %dma_start3A = tpu.memref_slice %arg3[%multiple_of3A] : memref<322656xi32, #tpu.memory_space<hbm>> -> memref<48xi32, #tpu.memory_space<hbm>>
    %dma_start3A_7 = tpu.memref_slice %arg3[%multiple_of3A] : memref<322656xi32, #tpu.memory_space<hbm>> -> memref<48xi32, #tpu.memory_space<hbm>>
    tpu.enqueue_dma source(%dma_start3A_7 : memref<48xi32, #tpu.memory_space<hbm>>) target(%arg8 : memref<48xi32, #tpu.memory_space<vmem>>) target_semaphore(%arg20 : memref<!tpu.dma_semaphore, #tpu.memory_space<semaphore_mem>>)
    %add3A_8 = arith.constant 48 : i32
    %add3A_9 = arith.addi %mul3A_2, %add3A_8 : i32
    %multiple_of3A_10 = tpu.assume_multiple %add3A_9, 8 : i32
    %dma_start3A_11 = tpu.memref_slice %arg3[%multiple_of3A_10] : memref<322656xi32, #tpu.memory_space<hbm>> -> memref<48xi32, #tpu.memory_space<hbm>>
    %dma_start3A_12 = tpu.memref_slice %arg3[%multiple_of3A_10] : memref<322656xi32, #tpu.memory_space<hbm>> -> memref<48xi32, #tpu.memory_space<hbm>>
    tpu.enqueue_dma source(%dma_start3A_12 : memref<48xi32, #tpu.memory_space<hbm>>) target(%arg9 : memref<48xi32, #tpu.memory_space<vmem>>) target_semaphore(%arg21 : memref<!tpu.dma_semaphore, #tpu.memory_space<semaphore_mem>>)
    %add3A_13 = arith.constant 0 : i32
    %add3A_14 = arith.addi %mul3A_2, %add3A_13 : i32
    %multiple_of3A_15 = tpu.assume_multiple %add3A_14, 8 : i32
    %dma_start3A_16 = tpu.memref_slice %arg4[%multiple_of3A_15] : memref<322656xi32, #tpu.memory_space<hbm>> -> memref<24xi32, #tpu.memory_space<hbm>>
    %dma_start3A_17 = tpu.memref_slice %arg4[%multiple_of3A_15] : memref<322656xi32, #tpu.memory_space<hbm>> -> memref<24xi32, #tpu.memory_space<hbm>>
    tpu.enqueue_dma source(%dma_start3A_17 : memref<24xi32, #tpu.memory_space<hbm>>) target(%arg10 : memref<24xi32, #tpu.memory_space<vmem>>) target_semaphore(%arg22 : memref<!tpu.dma_semaphore, #tpu.memory_space<semaphore_mem>>)
    %add3A_18 = arith.constant 24 : i32
    %add3A_19 = arith.addi %mul3A_2, %add3A_18 : i32
    %multiple_of3A_20 = tpu.assume_multiple %add3A_19, 8 : i32
    %dma_start3A_21 = tpu.memref_slice %arg4[%multiple_of3A_20] : memref<322656xi32, #tpu.memory_space<hbm>> -> memref<24xi32, #tpu.memory_space<hbm>>
    %dma_start3A_22 = tpu.memref_slice %arg4[%multiple_of3A_20] : memref<322656xi32, #tpu.memory_space<hbm>> -> memref<24xi32, #tpu.memory_space<hbm>>
    tpu.enqueue_dma source(%dma_start3A_22 : memref<24xi32, #tpu.memory_space<hbm>>) target(%arg11 : memref<24xi32, #tpu.memory_space<vmem>>) target_semaphore(%arg23 : memref<!tpu.dma_semaphore, #tpu.memory_space<semaphore_mem>>)
    %add3A_23 = arith.constant 48 : i32
    %add3A_24 = arith.addi %mul3A_2, %add3A_23 : i32
    %multiple_of3A_25 = tpu.assume_multiple %add3A_24, 8 : i32
    %dma_start3A_26 = tpu.memref_slice %arg4[%multiple_of3A_25] : memref<322656xi32, #tpu.memory_space<hbm>> -> memref<24xi32, #tpu.memory_space<hbm>>
    %dma_start3A_27 = tpu.memref_slice %arg4[%multiple_of3A_25] : memref<322656xi32, #tpu.memory_space<hbm>> -> memref<24xi32, #tpu.memory_space<hbm>>
    tpu.enqueue_dma source(%dma_start3A_27 : memref<24xi32, #tpu.memory_space<hbm>>) target(%arg12 : memref<24xi32, #tpu.memory_space<vmem>>) target_semaphore(%arg24 : memref<!tpu.dma_semaphore, #tpu.memory_space<semaphore_mem>>)
    %dma_wait3A = arith.constant 0 : i32
    %dma_wait3A_28 = tpu.memref_slice %arg3[%dma_wait3A] : memref<322656xi32, #tpu.memory_space<hbm>> -> memref<48xi32, #tpu.memory_space<hbm>>
    %dma_wait3A_29 = arith.constant 0 : i32
    %dma_wait3A_30 = tpu.memref_slice %arg3[%dma_wait3A_29] : memref<322656xi32, #tpu.memory_space<hbm>> -> memref<48xi32, #tpu.memory_space<hbm>>
    tpu.wait_dma2 semaphore(%arg20 : memref<!tpu.dma_semaphore, #tpu.memory_space<semaphore_mem>>) src(%dma_wait3A_30 : memref<48xi32, #tpu.memory_space<hbm>>) dst(%arg8 : memref<48xi32, #tpu.memory_space<vmem>>)
    %dma_wait3A_31 = arith.constant 0 : i32
    %dma_wait3A_32 = tpu.memref_slice %arg4[%dma_wait3A_31] : memref<322656xi32, #tpu.memory_space<hbm>> -> memref<24xi32, #tpu.memory_space<hbm>>
    %dma_wait3A_33 = arith.constant 0 : i32
    %dma_wait3A_34 = tpu.memref_slice %arg4[%dma_wait3A_33] : memref<322656xi32, #tpu.memory_space<hbm>> -> memref<24xi32, #tpu.memory_space<hbm>>
    tpu.wait_dma2 semaphore(%arg22 : memref<!tpu.dma_semaphore, #tpu.memory_space<semaphore_mem>>) src(%dma_wait3A_34 : memref<24xi32, #tpu.memory_space<hbm>>) dst(%arg10 : memref<24xi32, #tpu.memory_space<vmem>>)
    %dma_start3A_35 = arith.constant 0 : i32
    %dma_start3A_36 = tpu.memref_slice %arg8[%dma_start3A_35] : memref<48xi32, #tpu.memory_space<vmem>> -> memref<24xi32, #tpu.memory_space<vmem>>
    %dma_start3A_37 = arith.constant 0 : i32
    %dma_start3A_38 = arith.constant 0 : i32
    %dma_start3A_39 = tpu.memref_slice %arg2[%dma_start3A_37, %dma_start3A_38] : memref<10000x128xf32, #tpu.memory_space<hbm>> -> memref<10000x128xf32, #tpu.memory_space<hbm>>
    tpu.enqueue_indirect_dma source(%dma_start3A_39 : memref<10000x128xf32, #tpu.memory_space<hbm>>) target(%arg14 : memref<24x128xf32, #tpu.memory_space<vmem>>) offsets(%dma_start3A_36 : memref<24xi32, #tpu.memory_space<vmem>>) semaphore(%arg16 : memref<!tpu.dma_semaphore, #tpu.memory_space<semaphore_mem>>)
    %add3A_40 = arith.constant 72 : i32
    %add3A_41 = arith.addi %mul3A_2, %add3A_40 : i32
    %multiple_of3A_42 = tpu.assume_multiple %add3A_41, 8 : i32
    %dma_start3A_43 = tpu.memref_slice %arg4[%multiple_of3A_42] : memref<322656xi32, #tpu.memory_space<hbm>> -> memref<24xi32, #tpu.memory_space<hbm>>
    %dma_start3A_44 = tpu.memref_slice %arg4[%multiple_of3A_42] : memref<322656xi32, #tpu.memory_space<hbm>> -> memref<24xi32, #tpu.memory_space<hbm>>
    tpu.enqueue_dma source(%dma_start3A_44 : memref<24xi32, #tpu.memory_space<hbm>>) target(%arg13 : memref<24xi32, #tpu.memory_space<vmem>>) target_semaphore(%arg25 : memref<!tpu.dma_semaphore, #tpu.memory_space<semaphore_mem>>)
    %dma_wait3A_45 = arith.constant 0 : i32
    %dma_wait3A_46 = tpu.memref_slice %arg4[%dma_wait3A_45] : memref<322656xi32, #tpu.memory_space<hbm>> -> memref<24xi32, #tpu.memory_space<hbm>>
    %dma_wait3A_47 = arith.constant 0 : i32
    %dma_wait3A_48 = tpu.memref_slice %arg4[%dma_wait3A_47] : memref<322656xi32, #tpu.memory_space<hbm>> -> memref<24xi32, #tpu.memory_space<hbm>>
    tpu.wait_dma2 semaphore(%arg23 : memref<!tpu.dma_semaphore, #tpu.memory_space<semaphore_mem>>) src(%dma_wait3A_48 : memref<24xi32, #tpu.memory_space<hbm>>) dst(%arg11 : memref<24xi32, #tpu.memory_space<vmem>>)
    %dma_start3A_49 = arith.constant 24 : i32
    %dma_start3A_50 = tpu.memref_slice %arg8[%dma_start3A_49] : memref<48xi32, #tpu.memory_space<vmem>> -> memref<24xi32, #tpu.memory_space<vmem>>
    %dma_start3A_51 = arith.constant 0 : i32
    %dma_start3A_52 = arith.constant 0 : i32
    %dma_start3A_53 = tpu.memref_slice %arg2[%dma_start3A_51, %dma_start3A_52] : memref<10000x128xf32, #tpu.memory_space<hbm>> -> memref<10000x128xf32, #tpu.memory_space<hbm>>
    tpu.enqueue_indirect_dma source(%dma_start3A_53 : memref<10000x128xf32, #tpu.memory_space<hbm>>) target(%arg15 : memref<24x128xf32, #tpu.memory_space<vmem>>) offsets(%dma_start3A_50 : memref<24xi32, #tpu.memory_space<vmem>>) semaphore(%arg17 : memref<!tpu.dma_semaphore, #tpu.memory_space<semaphore_mem>>)
    %dma_wait3A_54 = arith.constant 0 : i32
    %dma_wait3A_55 = tpu.memref_slice %arg8[%dma_wait3A_54] : memref<48xi32, #tpu.memory_space<vmem>> -> memref<24xi32, #tpu.memory_space<vmem>>
    %dma_wait3A_56 = arith.constant 0 : i32
    %dma_wait3A_57 = arith.constant 0 : i32
    %dma_wait3A_58 = tpu.memref_slice %arg2[%dma_wait3A_56, %dma_wait3A_57] : memref<10000x128xf32, #tpu.memory_space<hbm>> -> memref<10000x128xf32, #tpu.memory_space<hbm>>
    tpu.wait_indirect_dma semaphore(%arg16 : memref<!tpu.dma_semaphore, #tpu.memory_space<semaphore_mem>>) src(%dma_wait3A_58 : memref<10000x128xf32, #tpu.memory_space<hbm>>) dst(%arg14 : memref<24x128xf32, #tpu.memory_space<vmem>>)
    %dma_start3A_59 = arith.constant 0 : i32
    %dma_start3A_60 = arith.constant 0 : i32
    %dma_start3A_61 = tpu.memref_slice %arg7[%dma_start3A_59, %dma_start3A_60] : memref<10112x128xf32, #tpu.memory_space<vmem_shared>> -> memref<10112x128xf32, #tpu.memory_space<vmem_shared>>
    tpu.enqueue_indirect_dma source(%arg14 : memref<24x128xf32, #tpu.memory_space<vmem>>) target(%dma_start3A_61 : memref<10112x128xf32, #tpu.memory_space<vmem_shared>>) offsets(%arg10 : memref<24xi32, #tpu.memory_space<vmem>>) semaphore(%arg18 : memref<!tpu.dma_semaphore, #tpu.memory_space<semaphore_mem>>) {add = true}
    %dma_wait3A_62 = arith.constant 24 : i32
    %dma_wait3A_63 = tpu.memref_slice %arg8[%dma_wait3A_62] : memref<48xi32, #tpu.memory_space<vmem>> -> memref<24xi32, #tpu.memory_space<vmem>>
    %dma_wait3A_64 = arith.constant 0 : i32
    %dma_wait3A_65 = arith.constant 0 : i32
    %dma_wait3A_66 = tpu.memref_slice %arg2[%dma_wait3A_64, %dma_wait3A_65] : memref<10000x128xf32, #tpu.memory_space<hbm>> -> memref<10000x128xf32, #tpu.memory_space<hbm>>
    tpu.wait_indirect_dma semaphore(%arg17 : memref<!tpu.dma_semaphore, #tpu.memory_space<semaphore_mem>>) src(%dma_wait3A_66 : memref<10000x128xf32, #tpu.memory_space<hbm>>) dst(%arg15 : memref<24x128xf32, #tpu.memory_space<vmem>>)
    %dma_start3A_67 = arith.constant 0 : i32
    %dma_start3A_68 = arith.constant 0 : i32
    %dma_start3A_69 = tpu.memref_slice %arg7[%dma_start3A_67, %dma_start3A_68] : memref<10112x128xf32, #tpu.memory_space<vmem_shared>> -> memref<10112x128xf32, #tpu.memory_space<vmem_shared>>
    tpu.enqueue_indirect_dma source(%arg15 : memref<24x128xf32, #tpu.memory_space<vmem>>) target(%dma_start3A_69 : memref<10112x128xf32, #tpu.memory_space<vmem_shared>>) offsets(%arg11 : memref<24xi32, #tpu.memory_space<vmem>>) semaphore(%arg19 : memref<!tpu.dma_semaphore, #tpu.memory_space<semaphore_mem>>) {add = true}
    %add3A_70 = arith.constant 96 : i32
    %add3A_71 = arith.addi %mul3A_2, %add3A_70 : i32
    %multiple_of3A_72 = tpu.assume_multiple %add3A_71, 8 : i32
    %dma_start3A_73 = tpu.memref_slice %arg3[%multiple_of3A_72] : memref<322656xi32, #tpu.memory_space<hbm>> -> memref<48xi32, #tpu.memory_space<hbm>>
    %dma_start3A_74 = tpu.memref_slice %arg3[%multiple_of3A_72] : memref<322656xi32, #tpu.memory_space<hbm>> -> memref<48xi32, #tpu.memory_space<hbm>>
    tpu.enqueue_dma source(%dma_start3A_74 : memref<48xi32, #tpu.memory_space<hbm>>) target(%arg8 : memref<48xi32, #tpu.memory_space<vmem>>) target_semaphore(%arg20 : memref<!tpu.dma_semaphore, #tpu.memory_space<semaphore_mem>>)
    %dma_wait3A_75 = arith.constant 0 : i32
    %dma_wait3A_76 = arith.constant 0 : i32
    %dma_wait3A_77 = tpu.memref_slice %arg7[%dma_wait3A_75, %dma_wait3A_76] : memref<10112x128xf32, #tpu.memory_space<vmem_shared>> -> memref<10112x128xf32, #tpu.memory_space<vmem_shared>>
    tpu.wait_indirect_dma semaphore(%arg18 : memref<!tpu.dma_semaphore, #tpu.memory_space<semaphore_mem>>) src(%arg14 : memref<24x128xf32, #tpu.memory_space<vmem>>) dst(%dma_wait3A_77 : memref<10112x128xf32, #tpu.memory_space<vmem_shared>>)
    %add3A_78 = arith.constant 96 : i32
    %add3A_79 = arith.addi %mul3A_2, %add3A_78 : i32
    %multiple_of3A_80 = tpu.assume_multiple %add3A_79, 8 : i32
    %dma_start3A_81 = tpu.memref_slice %arg4[%multiple_of3A_80] : memref<322656xi32, #tpu.memory_space<hbm>> -> memref<24xi32, #tpu.memory_space<hbm>>
    %dma_start3A_82 = tpu.memref_slice %arg4[%multiple_of3A_80] : memref<322656xi32, #tpu.memory_space<hbm>> -> memref<24xi32, #tpu.memory_space<hbm>>
    tpu.enqueue_dma source(%dma_start3A_82 : memref<24xi32, #tpu.memory_space<hbm>>) target(%arg10 : memref<24xi32, #tpu.memory_space<vmem>>) target_semaphore(%arg22 : memref<!tpu.dma_semaphore, #tpu.memory_space<semaphore_mem>>)
    %dma_wait3A_83 = arith.constant 0 : i32
    %dma_wait3A_84 = tpu.memref_slice %arg3[%dma_wait3A_83] : memref<322656xi32, #tpu.memory_space<hbm>> -> memref<48xi32, #tpu.memory_space<hbm>>
    %dma_wait3A_85 = arith.constant 0 : i32
    %dma_wait3A_86 = tpu.memref_slice %arg3[%dma_wait3A_85] : memref<322656xi32, #tpu.memory_space<hbm>> -> memref<48xi32, #tpu.memory_space<hbm>>
    tpu.wait_dma2 semaphore(%arg21 : memref<!tpu.dma_semaphore, #tpu.memory_space<semaphore_mem>>) src(%dma_wait3A_86 : memref<48xi32, #tpu.memory_space<hbm>>) dst(%arg9 : memref<48xi32, #tpu.memory_space<vmem>>)
    %dma_wait3A_87 = arith.constant 0 : i32
    %dma_wait3A_88 = tpu.memref_slice %arg4[%dma_wait3A_87] : memref<322656xi32, #tpu.memory_space<hbm>> -> memref<24xi32, #tpu.memory_space<hbm>>
    %dma_wait3A_89 = arith.constant 0 : i32
    %dma_wait3A_90 = tpu.memref_slice %arg4[%dma_wait3A_89] : memref<322656xi32, #tpu.memory_space<hbm>> -> memref<24xi32, #tpu.memory_space<hbm>>
    tpu.wait_dma2 semaphore(%arg24 : memref<!tpu.dma_semaphore, #tpu.memory_space<semaphore_mem>>) src(%dma_wait3A_90 : memref<24xi32, #tpu.memory_space<hbm>>) dst(%arg12 : memref<24xi32, #tpu.memory_space<vmem>>)
    %dma_start3A_91 = arith.constant 0 : i32
    %dma_start3A_92 = tpu.memref_slice %arg9[%dma_start3A_91] : memref<48xi32, #tpu.memory_space<vmem>> -> memref<24xi32, #tpu.memory_space<vmem>>
    %dma_start3A_93 = arith.constant 0 : i32
    %dma_start3A_94 = arith.constant 0 : i32
    %dma_start3A_95 = tpu.memref_slice %arg2[%dma_start3A_93, %dma_start3A_94] : memref<10000x128xf32, #tpu.memory_space<hbm>> -> memref<10000x128xf32, #tpu.memory_space<hbm>>
    tpu.enqueue_indirect_dma source(%dma_start3A_95 : memref<10000x128xf32, #tpu.memory_space<hbm>>) target(%arg14 : memref<24x128xf32, #tpu.memory_space<vmem>>) offsets(%dma_start3A_92 : memref<24xi32, #tpu.memory_space<vmem>>) semaphore(%arg16 : memref<!tpu.dma_semaphore, #tpu.memory_space<semaphore_mem>>)
    %dma_wait3A_96 = arith.constant 0 : i32
    %dma_wait3A_97 = arith.constant 0 : i32
    %dma_wait3A_98 = tpu.memref_slice %arg7[%dma_wait3A_96, %dma_wait3A_97] : memref<10112x128xf32, #tpu.memory_space<vmem_shared>> -> memref<10112x128xf32, #tpu.memory_space<vmem_shared>>
    tpu.wait_indirect_dma semaphore(%arg19 : memref<!tpu.dma_semaphore, #tpu.memory_space<semaphore_mem>>) src(%arg15 : memref<24x128xf32, #tpu.memory_space<vmem>>) dst(%dma_wait3A_98 : memref<10112x128xf32, #tpu.memory_space<vmem_shared>>)
    %add3A_99 = arith.constant 120 : i32
    %add3A_100 = arith.addi %mul3A_2, %add3A_99 : i32
    %multiple_of3A_101 = tpu.assume_multiple %add3A_100, 8 : i32
    %dma_start3A_102 = tpu.memref_slice %arg4[%multiple_of3A_101] : memref<322656xi32, #tpu.memory_space<hbm>> -> memref<24xi32, #tpu.memory_space<hbm>>
    %dma_start3A_103 = tpu.memref_slice %arg4[%multiple_of3A_101] : memref<322656xi32, #tpu.memory_space<hbm>> -> memref<24xi32, #tpu.memory_space<hbm>>
    tpu.enqueue_dma source(%dma_start3A_103 : memref<24xi32, #tpu.memory_space<hbm>>) target(%arg11 : memref<24xi32, #tpu.memory_space<vmem>>) target_semaphore(%arg23 : memref<!tpu.dma_semaphore, #tpu.memory_space<semaphore_mem>>)
    %dma_wait3A_104 = arith.constant 0 : i32
    %dma_wait3A_105 = tpu.memref_slice %arg4[%dma_wait3A_104] : memref<322656xi32, #tpu.memory_space<hbm>> -> memref<24xi32, #tpu.memory_space<hbm>>
    %dma_wait3A_106 = arith.constant 0 : i32
    %dma_wait3A_107 = tpu.memref_slice %arg4[%dma_wait3A_106] : memref<322656xi32, #tpu.memory_space<hbm>> -> memref<24xi32, #tpu.memory_space<hbm>>
    tpu.wait_dma2 semaphore(%arg25 : memref<!tpu.dma_semaphore, #tpu.memory_space<semaphore_mem>>) src(%dma_wait3A_107 : memref<24xi32, #tpu.memory_space<hbm>>) dst(%arg13 : memref<24xi32, #tpu.memory_space<vmem>>)
    %dma_start3A_108 = arith.constant 24 : i32
    %dma_start3A_109 = tpu.memref_slice %arg9[%dma_start3A_108] : memref<48xi32, #tpu.memory_space<vmem>> -> memref<24xi32, #tpu.memory_space<vmem>>
    %dma_start3A_110 = arith.constant 0 : i32
    %dma_start3A_111 = arith.constant 0 : i32
    %dma_start3A_112 = tpu.memref_slice %arg2[%dma_start3A_110, %dma_start3A_111] : memref<10000x128xf32, #tpu.memory_space<hbm>> -> memref<10000x128xf32, #tpu.memory_space<hbm>>
    tpu.enqueue_indirect_dma source(%dma_start3A_112 : memref<10000x128xf32, #tpu.memory_space<hbm>>) target(%arg15 : memref<24x128xf32, #tpu.memory_space<vmem>>) offsets(%dma_start3A_109 : memref<24xi32, #tpu.memory_space<vmem>>) semaphore(%arg17 : memref<!tpu.dma_semaphore, #tpu.memory_space<semaphore_mem>>)
    %dma_wait3A_113 = arith.constant 0 : i32
    %dma_wait3A_114 = tpu.memref_slice %arg9[%dma_wait3A_113] : memref<48xi32, #tpu.memory_space<vmem>> -> memref<24xi32, #tpu.memory_space<vmem>>
    %dma_wait3A_115 = arith.constant 0 : i32
    %dma_wait3A_116 = arith.constant 0 : i32
    %dma_wait3A_117 = tpu.memref_slice %arg2[%dma_wait3A_115, %dma_wait3A_116] : memref<10000x128xf32, #tpu.memory_space<hbm>> -> memref<10000x128xf32, #tpu.memory_space<hbm>>
    tpu.wait_indirect_dma semaphore(%arg16 : memref<!tpu.dma_semaphore, #tpu.memory_space<semaphore_mem>>) src(%dma_wait3A_117 : memref<10000x128xf32, #tpu.memory_space<hbm>>) dst(%arg14 : memref<24x128xf32, #tpu.memory_space<vmem>>)
    %dma_start3A_118 = arith.constant 0 : i32
    %dma_start3A_119 = arith.constant 0 : i32
    %dma_start3A_120 = tpu.memref_slice %arg7[%dma_start3A_118, %dma_start3A_119] : memref<10112x128xf32, #tpu.memory_space<vmem_shared>> -> memref<10112x128xf32, #tpu.memory_space<vmem_shared>>
    tpu.enqueue_indirect_dma source(%arg14 : memref<24x128xf32, #tpu.memory_space<vmem>>) target(%dma_start3A_120 : memref<10112x128xf32, #tpu.memory_space<vmem_shared>>) offsets(%arg12 : memref<24xi32, #tpu.memory_space<vmem>>) semaphore(%arg18 : memref<!tpu.dma_semaphore, #tpu.memory_space<semaphore_mem>>) {add = true}
    %dma_wait3A_121 = arith.constant 24 : i32
    %dma_wait3A_122 = tpu.memref_slice %arg9[%dma_wait3A_121] : memref<48xi32, #tpu.memory_space<vmem>> -> memref<24xi32, #tpu.memory_space<vmem>>
    %dma_wait3A_123 = arith.constant 0 : i32
    %dma_wait3A_124 = arith.constant 0 : i32
    %dma_wait3A_125 = tpu.memref_slice %arg2[%dma_wait3A_123, %dma_wait3A_124] : memref<10000x128xf32, #tpu.memory_space<hbm>> -> memref<10000x128xf32, #tpu.memory_space<hbm>>
    tpu.wait_indirect_dma semaphore(%arg17 : memref<!tpu.dma_semaphore, #tpu.memory_space<semaphore_mem>>) src(%dma_wait3A_125 : memref<10000x128xf32, #tpu.memory_space<hbm>>) dst(%arg15 : memref<24x128xf32, #tpu.memory_space<vmem>>)
    %dma_start3A_126 = arith.constant 0 : i32
    %dma_start3A_127 = arith.constant 0 : i32
    %dma_start3A_128 = tpu.memref_slice %arg7[%dma_start3A_126, %dma_start3A_127] : memref<10112x128xf32, #tpu.memory_space<vmem_shared>> -> memref<10112x128xf32, #tpu.memory_space<vmem_shared>>
    tpu.enqueue_indirect_dma source(%arg15 : memref<24x128xf32, #tpu.memory_space<vmem>>) target(%dma_start3A_128 : memref<10112x128xf32, #tpu.memory_space<vmem_shared>>) offsets(%arg13 : memref<24xi32, #tpu.memory_space<vmem>>) semaphore(%arg19 : memref<!tpu.dma_semaphore, #tpu.memory_space<semaphore_mem>>) {add = true}
    %add3A_129 = arith.constant 144 : i32
    %add3A_130 = arith.addi %mul3A_2, %add3A_129 : i32
    %multiple_of3A_131 = tpu.assume_multiple %add3A_130, 8 : i32
    %dma_start3A_132 = tpu.memref_slice %arg3[%multiple_of3A_131] : memref<322656xi32, #tpu.memory_space<hbm>> -> memref<48xi32, #tpu.memory_space<hbm>>
    %dma_start3A_133 = tpu.memref_slice %arg3[%multiple_of3A_131] : memref<322656xi32, #tpu.memory_space<hbm>> -> memref<48xi32, #tpu.memory_space<hbm>>
    tpu.enqueue_dma source(%dma_start3A_133 : memref<48xi32, #tpu.memory_space<hbm>>) target(%arg9 : memref<48xi32, #tpu.memory_space<vmem>>) target_semaphore(%arg21 : memref<!tpu.dma_semaphore, #tpu.memory_space<semaphore_mem>>)
    %scan3A = arith.constant 0 : i32
    %scan3A_134 = arith.constant 1 : i32
    %scan3A_135 = arith.constant 104 : i32
    %scan3A_136 = arith.addi %scan3A_134, %scan3A_135 : i32
    %scan3A_137 = arith.constant 1 : i32
    scf.for %scan3A_162 = %scan3A_134 to %scan3A_136 step %scan3A_137  : i32 {
      %mul3A_163 = arith.constant 4 : i32
      %mul3A_164 = arith.muli %mul3A_163, %scan3A_162 : i32
      %add3A_165 = arith.constant 0 : i32
      %add3A_166 = arith.addi %mul3A_164, %add3A_165 : i32
      %dma_wait3A_167 = arith.constant 0 : i32
      %dma_wait3A_168 = arith.constant 0 : i32
      %dma_wait3A_169 = tpu.memref_slice %arg7[%dma_wait3A_167, %dma_wait3A_168] : memref<10112x128xf32, #tpu.memory_space<vmem_shared>> -> memref<10112x128xf32, #tpu.memory_space<vmem_shared>>
      tpu.wait_indirect_dma semaphore(%arg18 : memref<!tpu.dma_semaphore, #tpu.memory_space<semaphore_mem>>) src(%arg14 : memref<24x128xf32, #tpu.memory_space<vmem>>) dst(%dma_wait3A_169 : memref<10112x128xf32, #tpu.memory_space<vmem_shared>>)
      %add3A_170 = arith.constant 2 : i32
      %add3A_171 = arith.addi %add3A_166, %add3A_170 : i32
      %mul3A_172 = arith.constant 24 : i32
      %mul3A_173 = arith.muli %add3A_171, %mul3A_172 : i32
      %add3A_174 = arith.addi %mul3A_2, %mul3A_173 : i32
      %multiple_of3A_175 = tpu.assume_multiple %add3A_174, 8 : i32
      %dma_start3A_176 = tpu.memref_slice %arg4[%multiple_of3A_175] : memref<322656xi32, #tpu.memory_space<hbm>> -> memref<24xi32, #tpu.memory_space<hbm>>
      %dma_start3A_177 = tpu.memref_slice %arg4[%multiple_of3A_175] : memref<322656xi32, #tpu.memory_space<hbm>> -> memref<24xi32, #tpu.memory_space<hbm>>
      tpu.enqueue_dma source(%dma_start3A_177 : memref<24xi32, #tpu.memory_space<hbm>>) target(%arg12 : memref<24xi32, #tpu.memory_space<vmem>>) target_semaphore(%arg24 : memref<!tpu.dma_semaphore, #tpu.memory_space<semaphore_mem>>)
      %dma_wait3A_178 = arith.constant 0 : i32
      %dma_wait3A_179 = tpu.memref_slice %arg3[%dma_wait3A_178] : memref<322656xi32, #tpu.memory_space<hbm>> -> memref<48xi32, #tpu.memory_space<hbm>>
      %dma_wait3A_180 = arith.constant 0 : i32
      %dma_wait3A_181 = tpu.memref_slice %arg3[%dma_wait3A_180] : memref<322656xi32, #tpu.memory_space<hbm>> -> memref<48xi32, #tpu.memory_space<hbm>>
      tpu.wait_dma2 semaphore(%arg20 : memref<!tpu.dma_semaphore, #tpu.memory_space<semaphore_mem>>) src(%dma_wait3A_181 : memref<48xi32, #tpu.memory_space<hbm>>) dst(%arg8 : memref<48xi32, #tpu.memory_space<vmem>>)
      %dma_wait3A_182 = arith.constant 0 : i32
      %dma_wait3A_183 = tpu.memref_slice %arg4[%dma_wait3A_182] : memref<322656xi32, #tpu.memory_space<hbm>> -> memref<24xi32, #tpu.memory_space<hbm>>
      %dma_wait3A_184 = arith.constant 0 : i32
      %dma_wait3A_185 = tpu.memref_slice %arg4[%dma_wait3A_184] : memref<322656xi32, #tpu.memory_space<hbm>> -> memref<24xi32, #tpu.memory_space<hbm>>
      tpu.wait_dma2 semaphore(%arg22 : memref<!tpu.dma_semaphore, #tpu.memory_space<semaphore_mem>>) src(%dma_wait3A_185 : memref<24xi32, #tpu.memory_space<hbm>>) dst(%arg10 : memref<24xi32, #tpu.memory_space<vmem>>)
      %dma_start3A_186 = arith.constant 0 : i32
      %dma_start3A_187 = tpu.memref_slice %arg8[%dma_start3A_186] : memref<48xi32, #tpu.memory_space<vmem>> -> memref<24xi32, #tpu.memory_space<vmem>>
      %dma_start3A_188 = arith.constant 0 : i32
      %dma_start3A_189 = arith.constant 0 : i32
      %dma_start3A_190 = tpu.memref_slice %arg2[%dma_start3A_188, %dma_start3A_189] : memref<10000x128xf32, #tpu.memory_space<hbm>> -> memref<10000x128xf32, #tpu.memory_space<hbm>>
      tpu.enqueue_indirect_dma source(%dma_start3A_190 : memref<10000x128xf32, #tpu.memory_space<hbm>>) target(%arg14 : memref<24x128xf32, #tpu.memory_space<vmem>>) offsets(%dma_start3A_187 : memref<24xi32, #tpu.memory_space<vmem>>) semaphore(%arg16 : memref<!tpu.dma_semaphore, #tpu.memory_space<semaphore_mem>>)
      %add3A_191 = arith.constant 1 : i32
      %add3A_192 = arith.addi %mul3A_164, %add3A_191 : i32
      %dma_wait3A_193 = arith.constant 0 : i32
      %dma_wait3A_194 = arith.constant 0 : i32
      %dma_wait3A_195 = tpu.memref_slice %arg7[%dma_wait3A_193, %dma_wait3A_194] : memref<10112x128xf32, #tpu.memory_space<vmem_shared>> -> memref<10112x128xf32, #tpu.memory_space<vmem_shared>>
      tpu.wait_indirect_dma semaphore(%arg19 : memref<!tpu.dma_semaphore, #tpu.memory_space<semaphore_mem>>) src(%arg15 : memref<24x128xf32, #tpu.memory_space<vmem>>) dst(%dma_wait3A_195 : memref<10112x128xf32, #tpu.memory_space<vmem_shared>>)
      %add3A_196 = arith.constant 2 : i32
      %add3A_197 = arith.addi %add3A_192, %add3A_196 : i32
      %mul3A_198 = arith.constant 24 : i32
      %mul3A_199 = arith.muli %add3A_197, %mul3A_198 : i32
      %add3A_200 = arith.addi %mul3A_2, %mul3A_199 : i32
      %multiple_of3A_201 = tpu.assume_multiple %add3A_200, 8 : i32
      %dma_start3A_202 = tpu.memref_slice %arg4[%multiple_of3A_201] : memref<322656xi32, #tpu.memory_space<hbm>> -> memref<24xi32, #tpu.memory_space<hbm>>
      %dma_start3A_203 = tpu.memref_slice %arg4[%multiple_of3A_201] : memref<322656xi32, #tpu.memory_space<hbm>> -> memref<24xi32, #tpu.memory_space<hbm>>
      tpu.enqueue_dma source(%dma_start3A_203 : memref<24xi32, #tpu.memory_space<hbm>>) target(%arg13 : memref<24xi32, #tpu.memory_space<vmem>>) target_semaphore(%arg25 : memref<!tpu.dma_semaphore, #tpu.memory_space<semaphore_mem>>)
      %dma_wait3A_204 = arith.constant 0 : i32
      %dma_wait3A_205 = tpu.memref_slice %arg4[%dma_wait3A_204] : memref<322656xi32, #tpu.memory_space<hbm>> -> memref<24xi32, #tpu.memory_space<hbm>>
      %dma_wait3A_206 = arith.constant 0 : i32
      %dma_wait3A_207 = tpu.memref_slice %arg4[%dma_wait3A_206] : memref<322656xi32, #tpu.memory_space<hbm>> -> memref<24xi32, #tpu.memory_space<hbm>>
      tpu.wait_dma2 semaphore(%arg23 : memref<!tpu.dma_semaphore, #tpu.memory_space<semaphore_mem>>) src(%dma_wait3A_207 : memref<24xi32, #tpu.memory_space<hbm>>) dst(%arg11 : memref<24xi32, #tpu.memory_space<vmem>>)
      %dma_start3A_208 = arith.constant 24 : i32
      %dma_start3A_209 = tpu.memref_slice %arg8[%dma_start3A_208] : memref<48xi32, #tpu.memory_space<vmem>> -> memref<24xi32, #tpu.memory_space<vmem>>
      %dma_start3A_210 = arith.constant 0 : i32
      %dma_start3A_211 = arith.constant 0 : i32
      %dma_start3A_212 = tpu.memref_slice %arg2[%dma_start3A_210, %dma_start3A_211] : memref<10000x128xf32, #tpu.memory_space<hbm>> -> memref<10000x128xf32, #tpu.memory_space<hbm>>
      tpu.enqueue_indirect_dma source(%dma_start3A_212 : memref<10000x128xf32, #tpu.memory_space<hbm>>) target(%arg15 : memref<24x128xf32, #tpu.memory_space<vmem>>) offsets(%dma_start3A_209 : memref<24xi32, #tpu.memory_space<vmem>>) semaphore(%arg17 : memref<!tpu.dma_semaphore, #tpu.memory_space<semaphore_mem>>)
      %add3A_213 = arith.constant 0 : i32
      %add3A_214 = arith.addi %mul3A_164, %add3A_213 : i32
      %dma_wait3A_215 = arith.constant 0 : i32
      %dma_wait3A_216 = tpu.memref_slice %arg8[%dma_wait3A_215] : memref<48xi32, #tpu.memory_space<vmem>> -> memref<24xi32, #tpu.memory_space<vmem>>
      %dma_wait3A_217 = arith.constant 0 : i32
      %dma_wait3A_218 = arith.constant 0 : i32
      %dma_wait3A_219 = tpu.memref_slice %arg2[%dma_wait3A_217, %dma_wait3A_218] : memref<10000x128xf32, #tpu.memory_space<hbm>> -> memref<10000x128xf32, #tpu.memory_space<hbm>>
      tpu.wait_indirect_dma semaphore(%arg16 : memref<!tpu.dma_semaphore, #tpu.memory_space<semaphore_mem>>) src(%dma_wait3A_219 : memref<10000x128xf32, #tpu.memory_space<hbm>>) dst(%arg14 : memref<24x128xf32, #tpu.memory_space<vmem>>)
      %dma_start3A_220 = arith.constant 0 : i32
      %dma_start3A_221 = arith.constant 0 : i32
      %dma_start3A_222 = tpu.memref_slice %arg7[%dma_start3A_220, %dma_start3A_221] : memref<10112x128xf32, #tpu.memory_space<vmem_shared>> -> memref<10112x128xf32, #tpu.memory_space<vmem_shared>>
      tpu.enqueue_indirect_dma source(%arg14 : memref<24x128xf32, #tpu.memory_space<vmem>>) target(%dma_start3A_222 : memref<10112x128xf32, #tpu.memory_space<vmem_shared>>) offsets(%arg10 : memref<24xi32, #tpu.memory_space<vmem>>) semaphore(%arg18 : memref<!tpu.dma_semaphore, #tpu.memory_space<semaphore_mem>>) {add = true}
      %add3A_223 = arith.constant 1 : i32
      %add3A_224 = arith.addi %mul3A_164, %add3A_223 : i32
      %dma_wait3A_225 = arith.constant 24 : i32
      %dma_wait3A_226 = tpu.memref_slice %arg8[%dma_wait3A_225] : memref<48xi32, #tpu.memory_space<vmem>> -> memref<24xi32, #tpu.memory_space<vmem>>
      %dma_wait3A_227 = arith.constant 0 : i32
      %dma_wait3A_228 = arith.constant 0 : i32
      %dma_wait3A_229 = tpu.memref_slice %arg2[%dma_wait3A_227, %dma_wait3A_228] : memref<10000x128xf32, #tpu.memory_space<hbm>> -> memref<10000x128xf32, #tpu.memory_space<hbm>>
      tpu.wait_indirect_dma semaphore(%arg17 : memref<!tpu.dma_semaphore, #tpu.memory_space<semaphore_mem>>) src(%dma_wait3A_229 : memref<10000x128xf32, #tpu.memory_space<hbm>>) dst(%arg15 : memref<24x128xf32, #tpu.memory_space<vmem>>)
      %dma_start3A_230 = arith.constant 0 : i32
      %dma_start3A_231 = arith.constant 0 : i32
      %dma_start3A_232 = tpu.memref_slice %arg7[%dma_start3A_230, %dma_start3A_231] : memref<10112x128xf32, #tpu.memory_space<vmem_shared>> -> memref<10112x128xf32, #tpu.memory_space<vmem_shared>>
      tpu.enqueue_indirect_dma source(%arg15 : memref<24x128xf32, #tpu.memory_space<vmem>>) target(%dma_start3A_232 : memref<10112x128xf32, #tpu.memory_space<vmem_shared>>) offsets(%arg11 : memref<24xi32, #tpu.memory_space<vmem>>) semaphore(%arg19 : memref<!tpu.dma_semaphore, #tpu.memory_space<semaphore_mem>>) {add = true}
      %add3A_233 = arith.constant 3 : i32
      %add3A_234 = arith.addi %add3A_224, %add3A_233 : i32
      %mul3A_235 = arith.constant 24 : i32
      %mul3A_236 = arith.muli %add3A_234, %mul3A_235 : i32
      %add3A_237 = arith.addi %mul3A_2, %mul3A_236 : i32
      %multiple_of3A_238 = tpu.assume_multiple %add3A_237, 8 : i32
      %dma_start3A_239 = tpu.memref_slice %arg3[%multiple_of3A_238] : memref<322656xi32, #tpu.memory_space<hbm>> -> memref<48xi32, #tpu.memory_space<hbm>>
      %dma_start3A_240 = tpu.memref_slice %arg3[%multiple_of3A_238] : memref<322656xi32, #tpu.memory_space<hbm>> -> memref<48xi32, #tpu.memory_space<hbm>>
      tpu.enqueue_dma source(%dma_start3A_240 : memref<48xi32, #tpu.memory_space<hbm>>) target(%arg8 : memref<48xi32, #tpu.memory_space<vmem>>) target_semaphore(%arg20 : memref<!tpu.dma_semaphore, #tpu.memory_space<semaphore_mem>>)
      %add3A_241 = arith.constant 2 : i32
      %add3A_242 = arith.addi %mul3A_164, %add3A_241 : i32
      %dma_wait3A_243 = arith.constant 0 : i32
      %dma_wait3A_244 = arith.constant 0 : i32
      %dma_wait3A_245 = tpu.memref_slice %arg7[%dma_wait3A_243, %dma_wait3A_244] : memref<10112x128xf32, #tpu.memory_space<vmem_shared>> -> memref<10112x128xf32, #tpu.memory_space<vmem_shared>>
      tpu.wait_indirect_dma semaphore(%arg18 : memref<!tpu.dma_semaphore, #tpu.memory_space<semaphore_mem>>) src(%arg14 : memref<24x128xf32, #tpu.memory_space<vmem>>) dst(%dma_wait3A_245 : memref<10112x128xf32, #tpu.memory_space<vmem_shared>>)
      %add3A_246 = arith.constant 2 : i32
      %add3A_247 = arith.addi %add3A_242, %add3A_246 : i32
      %mul3A_248 = arith.constant 24 : i32
      %mul3A_249 = arith.muli %add3A_247, %mul3A_248 : i32
      %add3A_250 = arith.addi %mul3A_2, %mul3A_249 : i32
      %multiple_of3A_251 = tpu.assume_multiple %add3A_250, 8 : i32
      %dma_start3A_252 = tpu.memref_slice %arg4[%multiple_of3A_251] : memref<322656xi32, #tpu.memory_space<hbm>> -> memref<24xi32, #tpu.memory_space<hbm>>
      %dma_start3A_253 = tpu.memref_slice %arg4[%multiple_of3A_251] : memref<322656xi32, #tpu.memory_space<hbm>> -> memref<24xi32, #tpu.memory_space<hbm>>
      tpu.enqueue_dma source(%dma_start3A_253 : memref<24xi32, #tpu.memory_space<hbm>>) target(%arg10 : memref<24xi32, #tpu.memory_space<vmem>>) target_semaphore(%arg22 : memref<!tpu.dma_semaphore, #tpu.memory_space<semaphore_mem>>)
      %dma_wait3A_254 = arith.constant 0 : i32
      %dma_wait3A_255 = tpu.memref_slice %arg3[%dma_wait3A_254] : memref<322656xi32, #tpu.memory_space<hbm>> -> memref<48xi32, #tpu.memory_space<hbm>>
      %dma_wait3A_256 = arith.constant 0 : i32
      %dma_wait3A_257 = tpu.memref_slice %arg3[%dma_wait3A_256] : memref<322656xi32, #tpu.memory_space<hbm>> -> memref<48xi32, #tpu.memory_space<hbm>>
      tpu.wait_dma2 semaphore(%arg21 : memref<!tpu.dma_semaphore, #tpu.memory_space<semaphore_mem>>) src(%dma_wait3A_257 : memref<48xi32, #tpu.memory_space<hbm>>) dst(%arg9 : memref<48xi32, #tpu.memory_space<vmem>>)
      %dma_wait3A_258 = arith.constant 0 : i32
      %dma_wait3A_259 = tpu.memref_slice %arg4[%dma_wait3A_258] : memref<322656xi32, #tpu.memory_space<hbm>> -> memref<24xi32, #tpu.memory_space<hbm>>
      %dma_wait3A_260 = arith.constant 0 : i32
      %dma_wait3A_261 = tpu.memref_slice %arg4[%dma_wait3A_260] : memref<322656xi32, #tpu.memory_space<hbm>> -> memref<24xi32, #tpu.memory_space<hbm>>
      tpu.wait_dma2 semaphore(%arg24 : memref<!tpu.dma_semaphore, #tpu.memory_space<semaphore_mem>>) src(%dma_wait3A_261 : memref<24xi32, #tpu.memory_space<hbm>>) dst(%arg12 : memref<24xi32, #tpu.memory_space<vmem>>)
      %dma_start3A_262 = arith.constant 0 : i32
      %dma_start3A_263 = tpu.memref_slice %arg9[%dma_start3A_262] : memref<48xi32, #tpu.memory_space<vmem>> -> memref<24xi32, #tpu.memory_space<vmem>>
      %dma_start3A_264 = arith.constant 0 : i32
      %dma_start3A_265 = arith.constant 0 : i32
      %dma_start3A_266 = tpu.memref_slice %arg2[%dma_start3A_264, %dma_start3A_265] : memref<10000x128xf32, #tpu.memory_space<hbm>> -> memref<10000x128xf32, #tpu.memory_space<hbm>>
      tpu.enqueue_indirect_dma source(%dma_start3A_266 : memref<10000x128xf32, #tpu.memory_space<hbm>>) target(%arg14 : memref<24x128xf32, #tpu.memory_space<vmem>>) offsets(%dma_start3A_263 : memref<24xi32, #tpu.memory_space<vmem>>) semaphore(%arg16 : memref<!tpu.dma_semaphore, #tpu.memory_space<semaphore_mem>>)
      %add3A_267 = arith.constant 3 : i32
      %add3A_268 = arith.addi %mul3A_164, %add3A_267 : i32
      %dma_wait3A_269 = arith.constant 0 : i32
      %dma_wait3A_270 = arith.constant 0 : i32
      %dma_wait3A_271 = tpu.memref_slice %arg7[%dma_wait3A_269, %dma_wait3A_270] : memref<10112x128xf32, #tpu.memory_space<vmem_shared>> -> memref<10112x128xf32, #tpu.memory_space<vmem_shared>>
      tpu.wait_indirect_dma semaphore(%arg19 : memref<!tpu.dma_semaphore, #tpu.memory_space<semaphore_mem>>) src(%arg15 : memref<24x128xf32, #tpu.memory_space<vmem>>) dst(%dma_wait3A_271 : memref<10112x128xf32, #tpu.memory_space<vmem_shared>>)
      %add3A_272 = arith.constant 2 : i32
      %add3A_273 = arith.addi %add3A_268, %add3A_272 : i32
      %mul3A_274 = arith.constant 24 : i32
      %mul3A_275 = arith.muli %add3A_273, %mul3A_274 : i32
      %add3A_276 = arith.addi %mul3A_2, %mul3A_275 : i32
      %multiple_of3A_277 = tpu.assume_multiple %add3A_276, 8 : i32
      %dma_start3A_278 = tpu.memref_slice %arg4[%multiple_of3A_277] : memref<322656xi32, #tpu.memory_space<hbm>> -> memref<24xi32, #tpu.memory_space<hbm>>
      %dma_start3A_279 = tpu.memref_slice %arg4[%multiple_of3A_277] : memref<322656xi32, #tpu.memory_space<hbm>> -> memref<24xi32, #tpu.memory_space<hbm>>
      tpu.enqueue_dma source(%dma_start3A_279 : memref<24xi32, #tpu.memory_space<hbm>>) target(%arg11 : memref<24xi32, #tpu.memory_space<vmem>>) target_semaphore(%arg23 : memref<!tpu.dma_semaphore, #tpu.memory_space<semaphore_mem>>)
      %dma_wait3A_280 = arith.constant 0 : i32
      %dma_wait3A_281 = tpu.memref_slice %arg4[%dma_wait3A_280] : memref<322656xi32, #tpu.memory_space<hbm>> -> memref<24xi32, #tpu.memory_space<hbm>>
      %dma_wait3A_282 = arith.constant 0 : i32
      %dma_wait3A_283 = tpu.memref_slice %arg4[%dma_wait3A_282] : memref<322656xi32, #tpu.memory_space<hbm>> -> memref<24xi32, #tpu.memory_space<hbm>>
      tpu.wait_dma2 semaphore(%arg25 : memref<!tpu.dma_semaphore, #tpu.memory_space<semaphore_mem>>) src(%dma_wait3A_283 : memref<24xi32, #tpu.memory_space<hbm>>) dst(%arg13 : memref<24xi32, #tpu.memory_space<vmem>>)
      %dma_start3A_284 = arith.constant 24 : i32
      %dma_start3A_285 = tpu.memref_slice %arg9[%dma_start3A_284] : memref<48xi32, #tpu.memory_space<vmem>> -> memref<24xi32, #tpu.memory_space<vmem>>
      %dma_start3A_286 = arith.constant 0 : i32
      %dma_start3A_287 = arith.constant 0 : i32
      %dma_start3A_288 = tpu.memref_slice %arg2[%dma_start3A_286, %dma_start3A_287] : memref<10000x128xf32, #tpu.memory_space<hbm>> -> memref<10000x128xf32, #tpu.memory_space<hbm>>
      tpu.enqueue_indirect_dma source(%dma_start3A_288 : memref<10000x128xf32, #tpu.memory_space<hbm>>) target(%arg15 : memref<24x128xf32, #tpu.memory_space<vmem>>) offsets(%dma_start3A_285 : memref<24xi32, #tpu.memory_space<vmem>>) semaphore(%arg17 : memref<!tpu.dma_semaphore, #tpu.memory_space<semaphore_mem>>)
      %add3A_289 = arith.constant 2 : i32
      %add3A_290 = arith.addi %mul3A_164, %add3A_289 : i32
      %dma_wait3A_291 = arith.constant 0 : i32
      %dma_wait3A_292 = tpu.memref_slice %arg9[%dma_wait3A_291] : memref<48xi32, #tpu.memory_space<vmem>> -> memref<24xi32, #tpu.memory_space<vmem>>
      %dma_wait3A_293 = arith.constant 0 : i32
      %dma_wait3A_294 = arith.constant 0 : i32
      %dma_wait3A_295 = tpu.memref_slice %arg2[%dma_wait3A_293, %dma_wait3A_294] : memref<10000x128xf32, #tpu.memory_space<hbm>> -> memref<10000x128xf32, #tpu.memory_space<hbm>>
      tpu.wait_indirect_dma semaphore(%arg16 : memref<!tpu.dma_semaphore, #tpu.memory_space<semaphore_mem>>) src(%dma_wait3A_295 : memref<10000x128xf32, #tpu.memory_space<hbm>>) dst(%arg14 : memref<24x128xf32, #tpu.memory_space<vmem>>)
      %dma_start3A_296 = arith.constant 0 : i32
      %dma_start3A_297 = arith.constant 0 : i32
      %dma_start3A_298 = tpu.memref_slice %arg7[%dma_start3A_296, %dma_start3A_297] : memref<10112x128xf32, #tpu.memory_space<vmem_shared>> -> memref<10112x128xf32, #tpu.memory_space<vmem_shared>>
      tpu.enqueue_indirect_dma source(%arg14 : memref<24x128xf32, #tpu.memory_space<vmem>>) target(%dma_start3A_298 : memref<10112x128xf32, #tpu.memory_space<vmem_shared>>) offsets(%arg12 : memref<24xi32, #tpu.memory_space<vmem>>) semaphore(%arg18 : memref<!tpu.dma_semaphore, #tpu.memory_space<semaphore_mem>>) {add = true}
      %add3A_299 = arith.constant 3 : i32
      %add3A_300 = arith.addi %mul3A_164, %add3A_299 : i32
      %dma_wait3A_301 = arith.constant 24 : i32
      %dma_wait3A_302 = tpu.memref_slice %arg9[%dma_wait3A_301] : memref<48xi32, #tpu.memory_space<vmem>> -> memref<24xi32, #tpu.memory_space<vmem>>
      %dma_wait3A_303 = arith.constant 0 : i32
      %dma_wait3A_304 = arith.constant 0 : i32
      %dma_wait3A_305 = tpu.memref_slice %arg2[%dma_wait3A_303, %dma_wait3A_304] : memref<10000x128xf32, #tpu.memory_space<hbm>> -> memref<10000x128xf32, #tpu.memory_space<hbm>>
      tpu.wait_indirect_dma semaphore(%arg17 : memref<!tpu.dma_semaphore, #tpu.memory_space<semaphore_mem>>) src(%dma_wait3A_305 : memref<10000x128xf32, #tpu.memory_space<hbm>>) dst(%arg15 : memref<24x128xf32, #tpu.memory_space<vmem>>)
      %dma_start3A_306 = arith.constant 0 : i32
      %dma_start3A_307 = arith.constant 0 : i32
      %dma_start3A_308 = tpu.memref_slice %arg7[%dma_start3A_306, %dma_start3A_307] : memref<10112x128xf32, #tpu.memory_space<vmem_shared>> -> memref<10112x128xf32, #tpu.memory_space<vmem_shared>>
      tpu.enqueue_indirect_dma source(%arg15 : memref<24x128xf32, #tpu.memory_space<vmem>>) target(%dma_start3A_308 : memref<10112x128xf32, #tpu.memory_space<vmem_shared>>) offsets(%arg13 : memref<24xi32, #tpu.memory_space<vmem>>) semaphore(%arg19 : memref<!tpu.dma_semaphore, #tpu.memory_space<semaphore_mem>>) {add = true}
      %add3A_309 = arith.constant 3 : i32
      %add3A_310 = arith.addi %add3A_300, %add3A_309 : i32
      %mul3A_311 = arith.constant 24 : i32
      %mul3A_312 = arith.muli %add3A_310, %mul3A_311 : i32
      %add3A_313 = arith.addi %mul3A_2, %mul3A_312 : i32
      %multiple_of3A_314 = tpu.assume_multiple %add3A_313, 8 : i32
      %dma_start3A_315 = tpu.memref_slice %arg3[%multiple_of3A_314] : memref<322656xi32, #tpu.memory_space<hbm>> -> memref<48xi32, #tpu.memory_space<hbm>>
      %dma_start3A_316 = tpu.memref_slice %arg3[%multiple_of3A_314] : memref<322656xi32, #tpu.memory_space<hbm>> -> memref<48xi32, #tpu.memory_space<hbm>>
      tpu.enqueue_dma source(%dma_start3A_316 : memref<48xi32, #tpu.memory_space<hbm>>) target(%arg9 : memref<48xi32, #tpu.memory_space<vmem>>) target_semaphore(%arg21 : memref<!tpu.dma_semaphore, #tpu.memory_space<semaphore_mem>>)
    }
    %scan3A_138 = arith.constant 104 : i32
    %dma_wait3A_139 = arith.constant 0 : i32
    %dma_wait3A_140 = arith.constant 0 : i32
    %dma_wait3A_141 = tpu.memref_slice %arg7[%dma_wait3A_139, %dma_wait3A_140] : memref<10112x128xf32, #tpu.memory_space<vmem_shared>> -> memref<10112x128xf32, #tpu.memory_space<vmem_shared>>
    tpu.wait_indirect_dma semaphore(%arg18 : memref<!tpu.dma_semaphore, #tpu.memory_space<semaphore_mem>>) src(%arg14 : memref<24x128xf32, #tpu.memory_space<vmem>>) dst(%dma_wait3A_141 : memref<10112x128xf32, #tpu.memory_space<vmem_shared>>)
    %dma_wait3A_142 = arith.constant 0 : i32
    %dma_wait3A_143 = arith.constant 0 : i32
    %dma_wait3A_144 = tpu.memref_slice %arg7[%dma_wait3A_142, %dma_wait3A_143] : memref<10112x128xf32, #tpu.memory_space<vmem_shared>> -> memref<10112x128xf32, #tpu.memory_space<vmem_shared>>
    tpu.wait_indirect_dma semaphore(%arg19 : memref<!tpu.dma_semaphore, #tpu.memory_space<semaphore_mem>>) src(%arg15 : memref<24x128xf32, #tpu.memory_space<vmem>>) dst(%dma_wait3A_144 : memref<10112x128xf32, #tpu.memory_space<vmem_shared>>)
    %dma_wait3A_145 = arith.constant 0 : i32
    %dma_wait3A_146 = tpu.memref_slice %arg3[%dma_wait3A_145] : memref<322656xi32, #tpu.memory_space<hbm>> -> memref<48xi32, #tpu.memory_space<hbm>>
    %dma_wait3A_147 = arith.constant 0 : i32
    %dma_wait3A_148 = tpu.memref_slice %arg3[%dma_wait3A_147] : memref<322656xi32, #tpu.memory_space<hbm>> -> memref<48xi32, #tpu.memory_space<hbm>>
    tpu.wait_dma2 semaphore(%arg20 : memref<!tpu.dma_semaphore, #tpu.memory_space<semaphore_mem>>) src(%dma_wait3A_148 : memref<48xi32, #tpu.memory_space<hbm>>) dst(%arg8 : memref<48xi32, #tpu.memory_space<vmem>>)
    %dma_wait3A_149 = arith.constant 0 : i32
    %dma_wait3A_150 = tpu.memref_slice %arg3[%dma_wait3A_149] : memref<322656xi32, #tpu.memory_space<hbm>> -> memref<48xi32, #tpu.memory_space<hbm>>
    %dma_wait3A_151 = arith.constant 0 : i32
    %dma_wait3A_152 = tpu.memref_slice %arg3[%dma_wait3A_151] : memref<322656xi32, #tpu.memory_space<hbm>> -> memref<48xi32, #tpu.memory_space<hbm>>
    tpu.wait_dma2 semaphore(%arg21 : memref<!tpu.dma_semaphore, #tpu.memory_space<semaphore_mem>>) src(%dma_wait3A_152 : memref<48xi32, #tpu.memory_space<hbm>>) dst(%arg9 : memref<48xi32, #tpu.memory_space<vmem>>)
    %dma_wait3A_153 = arith.constant 0 : i32
    %dma_wait3A_154 = tpu.memref_slice %arg4[%dma_wait3A_153] : memref<322656xi32, #tpu.memory_space<hbm>> -> memref<24xi32, #tpu.memory_space<hbm>>
    %dma_wait3A_155 = arith.constant 0 : i32
    %dma_wait3A_156 = tpu.memref_slice %arg4[%dma_wait3A_155] : memref<322656xi32, #tpu.memory_space<hbm>> -> memref<24xi32, #tpu.memory_space<hbm>>
    tpu.wait_dma2 semaphore(%arg22 : memref<!tpu.dma_semaphore, #tpu.memory_space<semaphore_mem>>) src(%dma_wait3A_156 : memref<24xi32, #tpu.memory_space<hbm>>) dst(%arg10 : memref<24xi32, #tpu.memory_space<vmem>>)
    %dma_wait3A_157 = arith.constant 0 : i32
    %dma_wait3A_158 = tpu.memref_slice %arg4[%dma_wait3A_157] : memref<322656xi32, #tpu.memory_space<hbm>> -> memref<24xi32, #tpu.memory_space<hbm>>
    %dma_wait3A_159 = arith.constant 0 : i32
    %dma_wait3A_160 = tpu.memref_slice %arg4[%dma_wait3A_159] : memref<322656xi32, #tpu.memory_space<hbm>> -> memref<24xi32, #tpu.memory_space<hbm>>
    tpu.wait_dma2 semaphore(%arg23 : memref<!tpu.dma_semaphore, #tpu.memory_space<semaphore_mem>>) src(%dma_wait3A_160 : memref<24xi32, #tpu.memory_space<hbm>>) dst(%arg11 : memref<24xi32, #tpu.memory_space<vmem>>)
    %barrier3A_161 = arith.constant 0 : index
    tpu.barrier barrier_id(%barrier3A_161)
    "tpu.region"() ({
      %run_scoped3A = tpu.sem_alloc : memref<!tpu.dma_semaphore, #tpu.memory_space<semaphore_mem>>
      %dma_start3A_162 = arith.constant 0 : i32
      %dma_start3A_163 = tpu.memref_slice %arg6[%arg0, %mul3A_4, %dma_start3A_162] : memref<2x10112x128xf32, #tpu.memory_space<hbm>> -> memref<1x632x128xf32, #tpu.memory_space<hbm>>
      %dma_start3A_164 = tpu.memref_squeeze %dma_start3A_163 : memref<1x632x128xf32, #tpu.memory_space<hbm>> -> memref<632x128xf32, #tpu.memory_space<hbm>>
      %dma_start3A_165 = arith.constant 0 : i32
      %dma_start3A_166 = tpu.memref_slice %arg7[%mul3A_4, %dma_start3A_165] : memref<10112x128xf32, #tpu.memory_space<vmem_shared>> -> memref<632x128xf32, #tpu.memory_space<vmem_shared>>
      tpu.enqueue_dma source(%dma_start3A_166 : memref<632x128xf32, #tpu.memory_space<vmem_shared>>) target(%dma_start3A_164 : memref<632x128xf32, #tpu.memory_space<hbm>>) target_semaphore(%run_scoped3A : memref<!tpu.dma_semaphore, #tpu.memory_space<semaphore_mem>>)
      %dma_wait3A_167 = arith.constant 0 : i32
      %dma_wait3A_168 = tpu.memref_slice %arg6[%arg0, %mul3A_4, %dma_wait3A_167] : memref<2x10112x128xf32, #tpu.memory_space<hbm>> -> memref<1x632x128xf32, #tpu.memory_space<hbm>>
      %dma_wait3A_169 = tpu.memref_squeeze %dma_wait3A_168 : memref<1x632x128xf32, #tpu.memory_space<hbm>> -> memref<632x128xf32, #tpu.memory_space<hbm>>
      %dma_wait3A_170 = arith.constant 0 : i32
      %dma_wait3A_171 = tpu.memref_slice %arg7[%mul3A_4, %dma_wait3A_170] : memref<10112x128xf32, #tpu.memory_space<vmem_shared>> -> memref<632x128xf32, #tpu.memory_space<vmem_shared>>
      tpu.wait_dma2 semaphore(%run_scoped3A : memref<!tpu.dma_semaphore, #tpu.memory_space<semaphore_mem>>) src(%dma_wait3A_171 : memref<632x128xf32, #tpu.memory_space<vmem_shared>>) dst(%dma_wait3A_169 : memref<632x128xf32, #tpu.memory_space<hbm>>)
      tpu.yield
    }) : () -> ()
    return
  }
}

module attributes {stable_mosaic.version = 14 : i64} {
  func.func @_dense_body(%arg0: i32, %arg1: memref<1000x128xf32, #tpu.memory_space<vmem>>, %arg2: memref<2x1000x128xf32, #tpu.memory_space<vmem>>, %arg3: memref<2x1000x128xf32, #tpu.memory_space<vmem>>, %arg4: memref<1000x128xf32, #tpu.memory_space<vmem>>, %arg5: memref<128x128xf32, #tpu.memory_space<vmem>>, %arg6: memref<128x128xf32, #tpu.memory_space<vmem>>, %arg7: memref<1x128xf32, #tpu.memory_space<vmem>>, %arg8: memref<1000x128xf32, #tpu.memory_space<vmem>>) attributes {dimension_semantics = [#tpu.dimension_semantics<arbitrary>], iteration_bounds = array<i64: 10>, scalar_prefetch = 0 : i64, scratch_operands = 0 : i64, tpu.core_type = #tpu.core_type<tc>, window_params = [{transform_indices = @transform_0, window_bounds = array<i64: 1000, 128>}, {transform_indices = @transform_1, window_bounds = array<i64: 2, 1000, 128>}, {transform_indices = @transform_2, window_bounds = array<i64: 2, 1000, 128>}, {transform_indices = @transform_3, window_bounds = array<i64: 1000, 128>}, {pipeline_mode = #tpu.pipeline_mode<synchronous>, transform_indices = @transform_4, window_bounds = array<i64: 128, 128>}, {pipeline_mode = #tpu.pipeline_mode<synchronous>, transform_indices = @transform_5, window_bounds = array<i64: 128, 128>}, {pipeline_mode = #tpu.pipeline_mode<synchronous>, transform_indices = @transform_6, window_bounds = array<i64: 1, 128>}, {transform_indices = @transform_7, window_bounds = array<i64: 1000, 128>}]} {
    %get3A = arith.constant 0 : index
    %get3A_0 = arith.constant 0 : index
    %get3A_1 = vector.load %arg1[%get3A, %get3A_0] : memref<1000x128xf32, #tpu.memory_space<vmem>>, vector<1000x128xf32>
    %get3A_2 = arith.constant 0 : index
    %get3A_3 = arith.constant 0 : index
    %get3A_4 = arith.constant 0 : index
    %get3A_5 = vector.load %arg2[%get3A_2, %get3A_3, %get3A_4] : memref<2x1000x128xf32, #tpu.memory_space<vmem>>, vector<1x1000x128xf32>
    %get3A_6 = vector.shape_cast %get3A_5 : vector<1x1000x128xf32> to vector<1000x128xf32>
    %get3A_7 = arith.constant 1 : index
    %get3A_8 = arith.constant 0 : index
    %get3A_9 = arith.constant 0 : index
    %get3A_10 = vector.load %arg2[%get3A_7, %get3A_8, %get3A_9] : memref<2x1000x128xf32, #tpu.memory_space<vmem>>, vector<1x1000x128xf32>
    %get3A_11 = vector.shape_cast %get3A_10 : vector<1x1000x128xf32> to vector<1000x128xf32>
    %add3A = arith.addf %get3A_6, %get3A_11 : vector<1000x128xf32>
    %get3A_12 = arith.constant 0 : index
    %get3A_13 = arith.constant 0 : index
    %get3A_14 = arith.constant 0 : index
    %get3A_15 = vector.load %arg3[%get3A_12, %get3A_13, %get3A_14] : memref<2x1000x128xf32, #tpu.memory_space<vmem>>, vector<1x1000x1xf32>
    %get3A_16 = vector.shape_cast %get3A_15 : vector<1x1000x1xf32> to vector<1000x1xf32>
    %get3A_17 = arith.constant 1 : index
    %get3A_18 = arith.constant 0 : index
    %get3A_19 = arith.constant 0 : index
    %get3A_20 = vector.load %arg3[%get3A_17, %get3A_18, %get3A_19] : memref<2x1000x128xf32, #tpu.memory_space<vmem>>, vector<1x1000x1xf32>
    %get3A_21 = vector.shape_cast %get3A_20 : vector<1x1000x1xf32> to vector<1000x1xf32>
    %add3A_22 = arith.addf %get3A_16, %get3A_21 : vector<1000x1xf32>
    %max3A = arith.constant 1.000000e+00 : f32
    %max3A_23 = vector.broadcast %max3A : f32 to vector<1000x1xf32>
    %max3A_24 = arith.maximumf %add3A_22, %max3A_23 : vector<1000x1xf32>
    %div3A = vector.broadcast %max3A_24 : vector<1000x1xf32> to vector<1000x128xf32>
    %div3A_25 = arith.divf %add3A, %div3A : vector<1000x128xf32>
    %get3A_26 = arith.constant 0 : index
    %get3A_27 = arith.constant 0 : index
    %get3A_28 = vector.load %arg5[%get3A_26, %get3A_27] : memref<128x128xf32, #tpu.memory_space<vmem>>, vector<128x128xf32>
    %dot_general3A = arith.constant dense<0.000000e+00> : vector<1000x128xf32>
    %dot_general3A_29 = tpu.matmul %get3A_1, %get3A_28, %dot_general3A {dimension_numbers = #tpu.dot_dimension_numbers<[1], [0], [0], [1], [0, 0, 1, 1], [], []>, transpose_lhs_hint = false} : vector<1000x128xf32>, vector<128x128xf32>, vector<1000x128xf32> -> vector<1000x128xf32>
    %get3A_30 = arith.constant 0 : index
    %get3A_31 = arith.constant 0 : index
    %get3A_32 = vector.load %arg6[%get3A_30, %get3A_31] : memref<128x128xf32, #tpu.memory_space<vmem>>, vector<128x128xf32>
    %dot_general3A_33 = arith.constant dense<0.000000e+00> : vector<1000x128xf32>
    %dot_general3A_34 = tpu.matmul %div3A_25, %get3A_32, %dot_general3A_33 {dimension_numbers = #tpu.dot_dimension_numbers<[1], [0], [0], [1], [0, 0, 1, 1], [], []>, transpose_lhs_hint = false} : vector<1000x128xf32>, vector<128x128xf32>, vector<1000x128xf32> -> vector<1000x128xf32>
    %add3A_35 = arith.addf %dot_general3A_29, %dot_general3A_34 : vector<1000x128xf32>
    %get3A_36 = arith.constant 0 : index
    %get3A_37 = arith.constant 0 : index
    %get3A_38 = vector.load %arg7[%get3A_36, %get3A_37] : memref<1x128xf32, #tpu.memory_space<vmem>>, vector<1x128xf32>
    %add3A_39 = vector.broadcast %get3A_38 : vector<1x128xf32> to vector<1000x128xf32>
    %add3A_40 = arith.addf %add3A_35, %add3A_39 : vector<1000x128xf32>
    %max3A_41 = arith.constant 0.000000e+00 : f32
    %max3A_42 = vector.broadcast %max3A_41 : f32 to vector<1000x128xf32>
    %max3A_43 = arith.maximumf %add3A_40, %max3A_42 : vector<1000x128xf32>
    %mul3A = arith.mulf %max3A_43, %max3A_43 : vector<1000x128xf32>
    %reduce_sum3A = arith.constant dense<0.000000e+00> : vector<1000xf32>
    %reduce_sum3A_44 = vector.multi_reduction <add>, %mul3A, %reduce_sum3A [1] : vector<1000x128xf32> to vector<1000xf32>
    %broadcast_in_dim3A = vector.shape_cast %reduce_sum3A_44 : vector<1000xf32> to vector<1000x1xf32>
    %sqrt3A = math.sqrt %broadcast_in_dim3A : vector<1000x1xf32>
    %max3A_45 = arith.constant 9.99999996E-13 : f32
    %max3A_46 = vector.broadcast %max3A_45 : f32 to vector<1000x1xf32>
    %max3A_47 = arith.maximumf %sqrt3A, %max3A_46 : vector<1000x1xf32>
    %div3A_48 = vector.broadcast %max3A_47 : vector<1000x1xf32> to vector<1000x128xf32>
    %div3A_49 = arith.divf %max3A_43, %div3A_48 : vector<1000x128xf32>
    %get3A_50 = arith.constant 0 : index
    %get3A_51 = arith.constant 0 : index
    %get3A_52 = vector.load %arg4[%get3A_50, %get3A_51] : memref<1000x128xf32, #tpu.memory_space<vmem>>, vector<1000x128xf32>
    %add3A_53 = arith.addf %div3A_49, %get3A_52 : vector<1000x128xf32>
    %swap3A = arith.constant 0 : index
    %swap3A_54 = arith.constant 0 : index
    %swap3A_55 = vector.load %arg8[%swap3A, %swap3A_54] : memref<1000x128xf32, #tpu.memory_space<vmem>>, vector<1000x128xf32>
    tpu.vector_store %arg8[%swap3A, %swap3A_54], %add3A_53 {strides = array<i32>} : memref<1000x128xf32, #tpu.memory_space<vmem>>, vector<1000x128xf32>,
    return
  }
  func.func @transform_0(%arg0: i32) -> (i32, i32) {
    %c0_i32 = arith.constant 0 : i32
    %c0_i32_0 = arith.constant 0 : i32
    return %arg0, %c0_i32 : i32, i32
  }
  func.func @transform_1(%arg0: i32) -> (i32, i32, i32) {
    %c0_i32 = arith.constant 0 : i32
    %c0_i32_0 = arith.constant 0 : i32
    %c0_i32_1 = arith.constant 0 : i32
    return %c0_i32, %arg0, %c0_i32_0 : i32, i32, i32
  }
  func.func @transform_2(%arg0: i32) -> (i32, i32, i32) {
    %c0_i32 = arith.constant 0 : i32
    %c0_i32_0 = arith.constant 0 : i32
    %c0_i32_1 = arith.constant 0 : i32
    return %c0_i32, %arg0, %c0_i32_0 : i32, i32, i32
  }
  func.func @transform_3(%arg0: i32) -> (i32, i32) {
    %c0_i32 = arith.constant 0 : i32
    %c0_i32_0 = arith.constant 0 : i32
    return %arg0, %c0_i32 : i32, i32
  }
  func.func @transform_4(%arg0: i32) -> (i32, i32) {
    %c0_i32 = arith.constant 0 : i32
    %c0_i32_0 = arith.constant 0 : i32
    %c0_i32_1 = arith.constant 0 : i32
    return %c0_i32, %c0_i32_0 : i32, i32
  }
  func.func @transform_5(%arg0: i32) -> (i32, i32) {
    %c0_i32 = arith.constant 0 : i32
    %c0_i32_0 = arith.constant 0 : i32
    %c0_i32_1 = arith.constant 0 : i32
    return %c0_i32, %c0_i32_0 : i32, i32
  }
  func.func @transform_6(%arg0: i32) -> (i32, i32) {
    %c0_i32 = arith.constant 0 : i32
    %c0_i32_0 = arith.constant 0 : i32
    %c0_i32_1 = arith.constant 0 : i32
    return %c0_i32, %c0_i32_0 : i32, i32
  }
  func.func @transform_7(%arg0: i32) -> (i32, i32) {
    %c0_i32 = arith.constant 0 : i32
    %c0_i32_0 = arith.constant 0 : i32
    return %arg0, %c0_i32 : i32, i32
  }
}

module attributes {stable_mosaic.version = 14 : i64} {
  func.func @_dense_body(%arg0: i32, %arg1: memref<1000x128xf32, #tpu.memory_space<vmem>>, %arg2: memref<2x1000x128xf32, #tpu.memory_space<vmem>>, %arg3: memref<2x1000x128xf32, #tpu.memory_space<vmem>>, %arg4: memref<1000x128xf32, #tpu.memory_space<vmem>>, %arg5: memref<128x128xf32, #tpu.memory_space<vmem>>, %arg6: memref<128x128xf32, #tpu.memory_space<vmem>>, %arg7: memref<1x128xf32, #tpu.memory_space<vmem>>, %arg8: memref<1000x128xf32, #tpu.memory_space<vmem>>) attributes {dimension_semantics = [#tpu.dimension_semantics<arbitrary>], iteration_bounds = array<i64: 10>, scalar_prefetch = 0 : i64, scratch_operands = 0 : i64, tpu.core_type = #tpu.core_type<tc>, window_params = [{transform_indices = @transform_0, window_bounds = array<i64: 1000, 128>}, {transform_indices = @transform_1, window_bounds = array<i64: 2, 1000, 128>}, {transform_indices = @transform_2, window_bounds = array<i64: 2, 1000, 128>}, {transform_indices = @transform_3, window_bounds = array<i64: 1000, 128>}, {pipeline_mode = #tpu.pipeline_mode<synchronous>, transform_indices = @transform_4, window_bounds = array<i64: 128, 128>}, {pipeline_mode = #tpu.pipeline_mode<synchronous>, transform_indices = @transform_5, window_bounds = array<i64: 128, 128>}, {pipeline_mode = #tpu.pipeline_mode<synchronous>, transform_indices = @transform_6, window_bounds = array<i64: 1, 128>}, {transform_indices = @transform_7, window_bounds = array<i64: 1000, 128>}]} {
    %get3A = arith.constant 0 : index
    %get3A_0 = arith.constant 0 : index
    %get3A_1 = vector.load %arg1[%get3A, %get3A_0] : memref<1000x128xf32, #tpu.memory_space<vmem>>, vector<1000x128xf32>
    %get3A_2 = arith.constant 0 : index
    %get3A_3 = arith.constant 0 : index
    %get3A_4 = arith.constant 0 : index
    %get3A_5 = vector.load %arg2[%get3A_2, %get3A_3, %get3A_4] : memref<2x1000x128xf32, #tpu.memory_space<vmem>>, vector<1x1000x128xf32>
    %get3A_6 = vector.shape_cast %get3A_5 : vector<1x1000x128xf32> to vector<1000x128xf32>
    %get3A_7 = arith.constant 1 : index
    %get3A_8 = arith.constant 0 : index
    %get3A_9 = arith.constant 0 : index
    %get3A_10 = vector.load %arg2[%get3A_7, %get3A_8, %get3A_9] : memref<2x1000x128xf32, #tpu.memory_space<vmem>>, vector<1x1000x128xf32>
    %get3A_11 = vector.shape_cast %get3A_10 : vector<1x1000x128xf32> to vector<1000x128xf32>
    %add3A = arith.addf %get3A_6, %get3A_11 : vector<1000x128xf32>
    %get3A_12 = arith.constant 0 : index
    %get3A_13 = arith.constant 0 : index
    %get3A_14 = arith.constant 0 : index
    %get3A_15 = vector.load %arg3[%get3A_12, %get3A_13, %get3A_14] : memref<2x1000x128xf32, #tpu.memory_space<vmem>>, vector<1x1000x1xf32>
    %get3A_16 = vector.shape_cast %get3A_15 : vector<1x1000x1xf32> to vector<1000x1xf32>
    %get3A_17 = arith.constant 1 : index
    %get3A_18 = arith.constant 0 : index
    %get3A_19 = arith.constant 0 : index
    %get3A_20 = vector.load %arg3[%get3A_17, %get3A_18, %get3A_19] : memref<2x1000x128xf32, #tpu.memory_space<vmem>>, vector<1x1000x1xf32>
    %get3A_21 = vector.shape_cast %get3A_20 : vector<1x1000x1xf32> to vector<1000x1xf32>
    %add3A_22 = arith.addf %get3A_16, %get3A_21 : vector<1000x1xf32>
    %max3A = arith.constant 1.000000e+00 : f32
    %max3A_23 = vector.broadcast %max3A : f32 to vector<1000x1xf32>
    %max3A_24 = arith.maximumf %add3A_22, %max3A_23 : vector<1000x1xf32>
    %div3A = vector.broadcast %max3A_24 : vector<1000x1xf32> to vector<1000x128xf32>
    %div3A_25 = arith.divf %add3A, %div3A : vector<1000x128xf32>
    %get3A_26 = arith.constant 0 : index
    %get3A_27 = arith.constant 0 : index
    %get3A_28 = vector.load %arg5[%get3A_26, %get3A_27] : memref<128x128xf32, #tpu.memory_space<vmem>>, vector<128x128xf32>
    %dot_general3A = arith.constant dense<0.000000e+00> : vector<1000x128xf32>
    %dot_general3A_29 = tpu.matmul %get3A_1, %get3A_28, %dot_general3A {dimension_numbers = #tpu.dot_dimension_numbers<[1], [0], [0], [1], [0, 0, 1, 1], [], []>, transpose_lhs_hint = false} : vector<1000x128xf32>, vector<128x128xf32>, vector<1000x128xf32> -> vector<1000x128xf32>
    %get3A_30 = arith.constant 0 : index
    %get3A_31 = arith.constant 0 : index
    %get3A_32 = vector.load %arg6[%get3A_30, %get3A_31] : memref<128x128xf32, #tpu.memory_space<vmem>>, vector<128x128xf32>
    %dot_general3A_33 = arith.constant dense<0.000000e+00> : vector<1000x128xf32>
    %dot_general3A_34 = tpu.matmul %div3A_25, %get3A_32, %dot_general3A_33 {dimension_numbers = #tpu.dot_dimension_numbers<[1], [0], [0], [1], [0, 0, 1, 1], [], []>, transpose_lhs_hint = false} : vector<1000x128xf32>, vector<128x128xf32>, vector<1000x128xf32> -> vector<1000x128xf32>
    %add3A_35 = arith.addf %dot_general3A_29, %dot_general3A_34 : vector<1000x128xf32>
    %get3A_36 = arith.constant 0 : index
    %get3A_37 = arith.constant 0 : index
    %get3A_38 = vector.load %arg7[%get3A_36, %get3A_37] : memref<1x128xf32, #tpu.memory_space<vmem>>, vector<1x128xf32>
    %add3A_39 = vector.broadcast %get3A_38 : vector<1x128xf32> to vector<1000x128xf32>
    %add3A_40 = arith.addf %add3A_35, %add3A_39 : vector<1000x128xf32>
    %max3A_41 = arith.constant 0.000000e+00 : f32
    %max3A_42 = vector.broadcast %max3A_41 : f32 to vector<1000x128xf32>
    %max3A_43 = arith.maximumf %add3A_40, %max3A_42 : vector<1000x128xf32>
    %mul3A = arith.mulf %max3A_43, %max3A_43 : vector<1000x128xf32>
    %reduce_sum3A = arith.constant dense<0.000000e+00> : vector<1000xf32>
    %reduce_sum3A_44 = vector.multi_reduction <add>, %mul3A, %reduce_sum3A [1] : vector<1000x128xf32> to vector<1000xf32>
    %broadcast_in_dim3A = vector.shape_cast %reduce_sum3A_44 : vector<1000xf32> to vector<1000x1xf32>
    %sqrt3A = math.sqrt %broadcast_in_dim3A : vector<1000x1xf32>
    %max3A_45 = arith.constant 9.99999996E-13 : f32
    %max3A_46 = vector.broadcast %max3A_45 : f32 to vector<1000x1xf32>
    %max3A_47 = arith.maximumf %sqrt3A, %max3A_46 : vector<1000x1xf32>
    %div3A_48 = vector.broadcast %max3A_47 : vector<1000x1xf32> to vector<1000x128xf32>
    %div3A_49 = arith.divf %max3A_43, %div3A_48 : vector<1000x128xf32>
    %get3A_50 = arith.constant 0 : index
    %get3A_51 = arith.constant 0 : index
    %get3A_52 = vector.load %arg4[%get3A_50, %get3A_51] : memref<1000x128xf32, #tpu.memory_space<vmem>>, vector<1000x128xf32>
    %add3A_53 = arith.addf %div3A_49, %get3A_52 : vector<1000x128xf32>
    %swap3A = arith.constant 0 : index
    %swap3A_54 = arith.constant 0 : index
    %swap3A_55 = vector.load %arg8[%swap3A, %swap3A_54] : memref<1000x128xf32, #tpu.memory_space<vmem>>, vector<1000x128xf32>
    tpu.vector_store %arg8[%swap3A, %swap3A_54], %add3A_53 {strides = array<i32>} : memref<1000x128xf32, #tpu.memory_space<vmem>>, vector<1000x128xf32>,
    return
  }
  func.func @transform_0(%arg0: i32) -> (i32, i32) {
    %c0_i32 = arith.constant 0 : i32
    %c0_i32_0 = arith.constant 0 : i32
    return %arg0, %c0_i32 : i32, i32
  }
  func.func @transform_1(%arg0: i32) -> (i32, i32, i32) {
    %c0_i32 = arith.constant 0 : i32
    %c0_i32_0 = arith.constant 0 : i32
    %c0_i32_1 = arith.constant 0 : i32
    return %c0_i32, %arg0, %c0_i32_0 : i32, i32, i32
  }
  func.func @transform_2(%arg0: i32) -> (i32, i32, i32) {
    %c0_i32 = arith.constant 0 : i32
    %c0_i32_0 = arith.constant 0 : i32
    %c0_i32_1 = arith.constant 0 : i32
    return %c0_i32, %arg0, %c0_i32_0 : i32, i32, i32
  }
  func.func @transform_3(%arg0: i32) -> (i32, i32) {
    %c0_i32 = arith.constant 0 : i32
    %c0_i32_0 = arith.constant 0 : i32
    return %arg0, %c0_i32 : i32, i32
  }
  func.func @transform_4(%arg0: i32) -> (i32, i32) {
    %c0_i32 = arith.constant 0 : i32
    %c0_i32_0 = arith.constant 0 : i32
    %c0_i32_1 = arith.constant 0 : i32
    return %c0_i32, %c0_i32_0 : i32, i32
  }
  func.func @transform_5(%arg0: i32) -> (i32, i32) {
    %c0_i32 = arith.constant 0 : i32
    %c0_i32_0 = arith.constant 0 : i32
    %c0_i32_1 = arith.constant 0 : i32
    return %c0_i32, %c0_i32_0 : i32, i32
  }
  func.func @transform_6(%arg0: i32) -> (i32, i32) {
    %c0_i32 = arith.constant 0 : i32
    %c0_i32_0 = arith.constant 0 : i32
    %c0_i32_1 = arith.constant 0 : i32
    return %c0_i32, %c0_i32_0 : i32, i32
  }
  func.func @transform_7(%arg0: i32) -> (i32, i32) {
    %c0_i32 = arith.constant 0 : i32
    %c0_i32_0 = arith.constant 0 : i32
    return %arg0, %c0_i32 : i32, i32
  }
}

module attributes {stable_mosaic.version = 14 : i64} {
  func.func @_dense_body(%arg0: i32, %arg1: memref<1000x128xf32, #tpu.memory_space<vmem>>, %arg2: memref<2x1000x128xf32, #tpu.memory_space<vmem>>, %arg3: memref<2x1000x128xf32, #tpu.memory_space<vmem>>, %arg4: memref<1000x128xf32, #tpu.memory_space<vmem>>, %arg5: memref<128x128xf32, #tpu.memory_space<vmem>>, %arg6: memref<128x128xf32, #tpu.memory_space<vmem>>, %arg7: memref<1x128xf32, #tpu.memory_space<vmem>>, %arg8: memref<1000x128xf32, #tpu.memory_space<vmem>>) attributes {dimension_semantics = [#tpu.dimension_semantics<arbitrary>], iteration_bounds = array<i64: 10>, scalar_prefetch = 0 : i64, scratch_operands = 0 : i64, tpu.core_type = #tpu.core_type<tc>, window_params = [{transform_indices = @transform_0, window_bounds = array<i64: 1000, 128>}, {transform_indices = @transform_1, window_bounds = array<i64: 2, 1000, 128>}, {transform_indices = @transform_2, window_bounds = array<i64: 2, 1000, 128>}, {transform_indices = @transform_3, window_bounds = array<i64: 1000, 128>}, {pipeline_mode = #tpu.pipeline_mode<synchronous>, transform_indices = @transform_4, window_bounds = array<i64: 128, 128>}, {pipeline_mode = #tpu.pipeline_mode<synchronous>, transform_indices = @transform_5, window_bounds = array<i64: 128, 128>}, {pipeline_mode = #tpu.pipeline_mode<synchronous>, transform_indices = @transform_6, window_bounds = array<i64: 1, 128>}, {transform_indices = @transform_7, window_bounds = array<i64: 1000, 128>}]} {
    %get3A = arith.constant 0 : index
    %get3A_0 = arith.constant 0 : index
    %get3A_1 = vector.load %arg1[%get3A, %get3A_0] : memref<1000x128xf32, #tpu.memory_space<vmem>>, vector<1000x128xf32>
    %get3A_2 = arith.constant 0 : index
    %get3A_3 = arith.constant 0 : index
    %get3A_4 = arith.constant 0 : index
    %get3A_5 = vector.load %arg2[%get3A_2, %get3A_3, %get3A_4] : memref<2x1000x128xf32, #tpu.memory_space<vmem>>, vector<1x1000x128xf32>
    %get3A_6 = vector.shape_cast %get3A_5 : vector<1x1000x128xf32> to vector<1000x128xf32>
    %get3A_7 = arith.constant 1 : index
    %get3A_8 = arith.constant 0 : index
    %get3A_9 = arith.constant 0 : index
    %get3A_10 = vector.load %arg2[%get3A_7, %get3A_8, %get3A_9] : memref<2x1000x128xf32, #tpu.memory_space<vmem>>, vector<1x1000x128xf32>
    %get3A_11 = vector.shape_cast %get3A_10 : vector<1x1000x128xf32> to vector<1000x128xf32>
    %add3A = arith.addf %get3A_6, %get3A_11 : vector<1000x128xf32>
    %get3A_12 = arith.constant 0 : index
    %get3A_13 = arith.constant 0 : index
    %get3A_14 = arith.constant 0 : index
    %get3A_15 = vector.load %arg3[%get3A_12, %get3A_13, %get3A_14] : memref<2x1000x128xf32, #tpu.memory_space<vmem>>, vector<1x1000x1xf32>
    %get3A_16 = vector.shape_cast %get3A_15 : vector<1x1000x1xf32> to vector<1000x1xf32>
    %get3A_17 = arith.constant 1 : index
    %get3A_18 = arith.constant 0 : index
    %get3A_19 = arith.constant 0 : index
    %get3A_20 = vector.load %arg3[%get3A_17, %get3A_18, %get3A_19] : memref<2x1000x128xf32, #tpu.memory_space<vmem>>, vector<1x1000x1xf32>
    %get3A_21 = vector.shape_cast %get3A_20 : vector<1x1000x1xf32> to vector<1000x1xf32>
    %add3A_22 = arith.addf %get3A_16, %get3A_21 : vector<1000x1xf32>
    %max3A = arith.constant 1.000000e+00 : f32
    %max3A_23 = vector.broadcast %max3A : f32 to vector<1000x1xf32>
    %max3A_24 = arith.maximumf %add3A_22, %max3A_23 : vector<1000x1xf32>
    %div3A = vector.broadcast %max3A_24 : vector<1000x1xf32> to vector<1000x128xf32>
    %div3A_25 = arith.divf %add3A, %div3A : vector<1000x128xf32>
    %get3A_26 = arith.constant 0 : index
    %get3A_27 = arith.constant 0 : index
    %get3A_28 = vector.load %arg5[%get3A_26, %get3A_27] : memref<128x128xf32, #tpu.memory_space<vmem>>, vector<128x128xf32>
    %dot_general3A = arith.constant dense<0.000000e+00> : vector<1000x128xf32>
    %dot_general3A_29 = tpu.matmul %get3A_1, %get3A_28, %dot_general3A {dimension_numbers = #tpu.dot_dimension_numbers<[1], [0], [0], [1], [0, 0, 1, 1], [], []>, transpose_lhs_hint = false} : vector<1000x128xf32>, vector<128x128xf32>, vector<1000x128xf32> -> vector<1000x128xf32>
    %get3A_30 = arith.constant 0 : index
    %get3A_31 = arith.constant 0 : index
    %get3A_32 = vector.load %arg6[%get3A_30, %get3A_31] : memref<128x128xf32, #tpu.memory_space<vmem>>, vector<128x128xf32>
    %dot_general3A_33 = arith.constant dense<0.000000e+00> : vector<1000x128xf32>
    %dot_general3A_34 = tpu.matmul %div3A_25, %get3A_32, %dot_general3A_33 {dimension_numbers = #tpu.dot_dimension_numbers<[1], [0], [0], [1], [0, 0, 1, 1], [], []>, transpose_lhs_hint = false} : vector<1000x128xf32>, vector<128x128xf32>, vector<1000x128xf32> -> vector<1000x128xf32>
    %add3A_35 = arith.addf %dot_general3A_29, %dot_general3A_34 : vector<1000x128xf32>
    %get3A_36 = arith.constant 0 : index
    %get3A_37 = arith.constant 0 : index
    %get3A_38 = vector.load %arg7[%get3A_36, %get3A_37] : memref<1x128xf32, #tpu.memory_space<vmem>>, vector<1x128xf32>
    %add3A_39 = vector.broadcast %get3A_38 : vector<1x128xf32> to vector<1000x128xf32>
    %add3A_40 = arith.addf %add3A_35, %add3A_39 : vector<1000x128xf32>
    %max3A_41 = arith.constant 0.000000e+00 : f32
    %max3A_42 = vector.broadcast %max3A_41 : f32 to vector<1000x128xf32>
    %max3A_43 = arith.maximumf %add3A_40, %max3A_42 : vector<1000x128xf32>
    %mul3A = arith.mulf %max3A_43, %max3A_43 : vector<1000x128xf32>
    %reduce_sum3A = arith.constant dense<0.000000e+00> : vector<1000xf32>
    %reduce_sum3A_44 = vector.multi_reduction <add>, %mul3A, %reduce_sum3A [1] : vector<1000x128xf32> to vector<1000xf32>
    %broadcast_in_dim3A = vector.shape_cast %reduce_sum3A_44 : vector<1000xf32> to vector<1000x1xf32>
    %sqrt3A = math.sqrt %broadcast_in_dim3A : vector<1000x1xf32>
    %max3A_45 = arith.constant 9.99999996E-13 : f32
    %max3A_46 = vector.broadcast %max3A_45 : f32 to vector<1000x1xf32>
    %max3A_47 = arith.maximumf %sqrt3A, %max3A_46 : vector<1000x1xf32>
    %div3A_48 = vector.broadcast %max3A_47 : vector<1000x1xf32> to vector<1000x128xf32>
    %div3A_49 = arith.divf %max3A_43, %div3A_48 : vector<1000x128xf32>
    %get3A_50 = arith.constant 0 : index
    %get3A_51 = arith.constant 0 : index
    %get3A_52 = vector.load %arg4[%get3A_50, %get3A_51] : memref<1000x128xf32, #tpu.memory_space<vmem>>, vector<1000x128xf32>
    %add3A_53 = arith.addf %div3A_49, %get3A_52 : vector<1000x128xf32>
    %swap3A = arith.constant 0 : index
    %swap3A_54 = arith.constant 0 : index
    %swap3A_55 = vector.load %arg8[%swap3A, %swap3A_54] : memref<1000x128xf32, #tpu.memory_space<vmem>>, vector<1000x128xf32>
    tpu.vector_store %arg8[%swap3A, %swap3A_54], %add3A_53 {strides = array<i32>} : memref<1000x128xf32, #tpu.memory_space<vmem>>, vector<1000x128xf32>,
    return
  }
  func.func @transform_0(%arg0: i32) -> (i32, i32) {
    %c0_i32 = arith.constant 0 : i32
    %c0_i32_0 = arith.constant 0 : i32
    return %arg0, %c0_i32 : i32, i32
  }
  func.func @transform_1(%arg0: i32) -> (i32, i32, i32) {
    %c0_i32 = arith.constant 0 : i32
    %c0_i32_0 = arith.constant 0 : i32
    %c0_i32_1 = arith.constant 0 : i32
    return %c0_i32, %arg0, %c0_i32_0 : i32, i32, i32
  }
  func.func @transform_2(%arg0: i32) -> (i32, i32, i32) {
    %c0_i32 = arith.constant 0 : i32
    %c0_i32_0 = arith.constant 0 : i32
    %c0_i32_1 = arith.constant 0 : i32
    return %c0_i32, %arg0, %c0_i32_0 : i32, i32, i32
  }
  func.func @transform_3(%arg0: i32) -> (i32, i32) {
    %c0_i32 = arith.constant 0 : i32
    %c0_i32_0 = arith.constant 0 : i32
    return %arg0, %c0_i32 : i32, i32
  }
  func.func @transform_4(%arg0: i32) -> (i32, i32) {
    %c0_i32 = arith.constant 0 : i32
    %c0_i32_0 = arith.constant 0 : i32
    %c0_i32_1 = arith.constant 0 : i32
    return %c0_i32, %c0_i32_0 : i32, i32
  }
  func.func @transform_5(%arg0: i32) -> (i32, i32) {
    %c0_i32 = arith.constant 0 : i32
    %c0_i32_0 = arith.constant 0 : i32
    %c0_i32_1 = arith.constant 0 : i32
    return %c0_i32, %c0_i32_0 : i32, i32
  }
  func.func @transform_6(%arg0: i32) -> (i32, i32) {
    %c0_i32 = arith.constant 0 : i32
    %c0_i32_0 = arith.constant 0 : i32
    %c0_i32_1 = arith.constant 0 : i32
    return %c0_i32, %c0_i32_0 : i32, i32
  }
  func.func @transform_7(%arg0: i32) -> (i32, i32) {
    %c0_i32 = arith.constant 0 : i32
    %c0_i32_0 = arith.constant 0 : i32
    return %arg0, %c0_i32 : i32, i32
  }
}

</mosaic_0001>

<sc_bundles>
// kernel: kernel.12.cloned.1.call-start
scs
__scs_entry_jumppad:
0x0: {  	(pc) =	sbr.rel $0x88, $3  }
0x1: {  	(tag) =	ssettag $0x0;
	lr =	simm.s32 $0x1  }
0x2: {  	[smem:$0x3F96] =	sst lr;
	_ =	strace $0xD0000000  }
0x3: {  	_ = 	snop  }
0x4: {  	_ = 	snop  }
0x5: {  	_ = 	snop  }
0x6: {  	_ = 	snop  }
0x7: {  	_ = 	snop  }
__scs_overlays_trampoline_lowered:
0x8: {  	[smem:$0x3FA5] =	sst s0  }
0x9: {  	[smem:$0x3FA6] =	sst s1  }
0xa: {  	[smem:$0x3FA7] =	sst s2  }
0xb: {  	[smem:$0x3FA8] =	sst s3  }
0xc: {  	[smem:$0x3FA9] =	sst s4  }
0xd: {  	[smem:$0x3FAA] =	sst s5  }
0xe: {  	[smem:$0x3FAB] =	sst s6  }
0xf: {  	[smem:$0x3FAC] =	sst s7  }
0x10: {  	[smem:$0x3FAD] =	sst s8  }
0x11: {  	[smem:$0x3FAE] =	sst s9;
	s0 =	simm.s32 @!p0 $0x0  }
0x12: {  	s1 =	sld [smem:$0x3F94];
	s0 =	simm.s32 @p0 $0x1  }
0x13: {  	[smem:$0x3FAF] =	sst s0;
	s0 =	simm.s32 @!p1 $0x0  }
0x14: {  	s2 =	sld [smem:$0x3F93];
	s0 =	simm.s32 @p1 $0x1  }
0x15: {  	[smem:$0x3FB0] =	sst s0;
	s0 =	simm.s32 @!p2 $0x0  }
0x16: {  	s3 =	sld [smem:$0x3FDB];
	s0 =	simm.s32 @p2 $0x1  }
0x17: {  	s4 =	simm.s32 $0x1BF5;
	[smem:$0x3FB2] =	sst s0  }
0x18: {  	s0 =	sld [smem:$0x3F95];
	_ =	swait.ge [sflag:s4], $0x0  }
0x19: {  	s7 =	sld [smem:$0x3F96]  }
0x1a: {  	s8 =	sadd.s32 $0xFFFFE003, lr  }
0x1b: {  	s9 =	sadd.s32 $0xFFFFFEF7, lr;
	s5 =	simm.s32 $0xFFFFFFFF;
	p2 =	slt.u32 s8, $0xFFFFF086  }
0x1c: {  	p1 =	slt.u32 s9, $0xF7A;
	s5 =	simm.s32 @!p2 $0x0  }
0x1d: {  	s5 =	simm.s32 @p1 $0x1;
	p0 =	seq.s32 s7, s2  }
0x1e: {  	s7 =	smul.u32 @!p0 $0xF7A, s2;
	p2 =	seq.s32 @!p0 s5, $0x0  }
0x1f: {  	s9 =	smul.u32 $0xF7A, s1;
	s8 =	simm.s32 @!p0 $0x1BF5;
	p2 =	por !p2, p0  }
0x20: {  	[sflag:s8] =	ssyncset.s32 @!p0 $0xFFFFF086;
	s6 =	sadd.s32 @!p0 s3, s7;
	s7 =	simm.s32 @!p0 $0x108  }
0x21: {  	s3 =	sadd.s32 s3, s9;
	s6 =	sadd.s32 @!p0 $0x88, s6;
	s7 =	simm.s32 @p2 $0x1082  }
0x22: {  	[simem:s7], [sflag:s8] =	dma.local @!p0 [hbm:s6], $0xF7A  }
0x23: {  	s9 =	sor.u32 $0xD0000000, s2;
	s6 =	simm.s32 $0x108;
	_ =	swait.ge @!p0 [sflag:s8], $0x0  }
0x24: {  	s3 =	sadd.s32 $0x88, s3;
	s6 =	simm.s32 @!p1 $0x1082;
	[sflag:s4] =	ssyncset.s32 $0xFFFFF086  }
0x25: {  	[simem:s6], [sflag:s4] =	dma.local [hbm:s3], $0xF7A  }
0x26: {  	[smem:$0x3F96] =	sst s1;
	(tag) =	ssettag s2;
	_ =	strace s9  }
0x27: {  	s1 =	sld [smem:$0x3FA6]  }
0x28: {  	s2 =	sld [smem:$0x3FA7]  }
0x29: {  	s4 =	sld [smem:$0x3FA9]  }
0x2a: {  	p0 =	seq.s32 s5, $0x0;
	s5 =	sld [smem:$0x3FAA]  }
0x2b: {  	s6 =	sld [smem:$0x3FAB]  }
0x2c: {  	s7 =	sld [smem:$0x3FAC]  }
0x2d: {  	s3 =	simm.s32 $0x108;
	s8 =	sld [smem:$0x3FAD]  }
0x2e: {  	s3 =	simm.s32 @!p0 $0x1082;
	s9 =	sld [smem:$0x3FAE]  }
0x2f: {  	lr =	sadd.s32 s0, s3;
	s0 =	sld [smem:$0x3FA5]  }
0x30: {  	s3 =	sld [smem:$0x3FA8]  }
0x31: {  	[smem:$0x3FB1] =	sst s10  }
0x32: {  	s10 =	sld [smem:$0x3FAF];
	_ =	sdelay $0x3  }
0x33: {  	p0 =	seq.s32 s10, $0x1;
	s10 =	sld [smem:$0x3FB1];
	_ =	sdelay $0x3  }
0x34: {  	[smem:$0x3FB1] =	sst s10  }
0x35: {  	s10 =	sld [smem:$0x3FB0];
	_ =	sdelay $0x3  }
0x36: {  	p1 =	seq.s32 s10, $0x1;
	s10 =	sld [smem:$0x3FB1];
	_ =	sdelay $0x3  }
0x37: {  	[smem:$0x3FB1] =	sst s10  }
0x38: {  	s10 =	sld [smem:$0x3FB2]  }
0x39: {  	_ = 	snop;
	(pc) =	sbr.ind lr, $3  }
0x3a: {  	_ = 	snop  }
0x3b: {  	_ = 	snop  }
0x3c: {  	p2 =	seq.s32 s10, $0x1;
	s10 =	sld [smem:$0x3FB1]  }
0x3d: {  	_ =	shalt  }
0x3e: {  	_ =	shalt  }
0x3f: {  	_ =	shalt  }
0x40: {  	_ =	shalt  }
0x41: {  	_ =	shalt  }
0x42: {  	_ =	shalt  }
0x43: {  	_ =	shalt  }
0x44: {  	_ =	shalt  }
0x45: {  	_ =	shalt  }
0x46: {  	_ =	shalt  }
0x47: {  	_ =	shalt  }
0x48: {  	_ =	shalt  }
0x49: {  	_ =	shalt  }
0x4a: {  	_ =	shalt  }
0x4b: {  	_ =	shalt  }
0x4c: {  	_ =	shalt  }
0x4d: {  	_ =	shalt  }
0x4e: {  	_ =	shalt  }
0x4f: {  	_ =	shalt  }
0x50: {  	_ =	shalt  }
0x51: {  	_ =	shalt  }
0x52: {  	_ =	shalt  }
0x53: {  	_ =	shalt  }
0x54: {  	_ =	shalt  }
0x55: {  	_ =	shalt  }
0x56: {  	_ =	shalt  }
0x57: {  	_ =	shalt  }
0x58: {  	_ =	shalt  }
0x59: {  	_ =	shalt  }
0x5a: {  	_ =	shalt  }
0x5b: {  	_ =	shalt  }
0x5c: {  	_ =	shalt  }
0x5d: {  	_ =	shalt  }
0x5e: {  	_ =	shalt  }
0x5f: {  	_ =	shalt  }
0x60: {  	_ =	shalt  }
0x61: {  	_ =	shalt  }
0x62: {  	_ =	shalt  }
0x63: {  	_ =	shalt  }
0x64: {  	_ =	shalt  }
0x65: {  	_ =	shalt  }
0x66: {  	_ =	shalt  }
0x67: {  	_ =	shalt  }
0x68: {  	_ =	shalt  }
0x69: {  	_ =	shalt  }
0x6a: {  	_ =	shalt  }
0x6b: {  	_ =	shalt  }
0x6c: {  	_ =	shalt  }
0x6d: {  	_ =	shalt  }
0x6e: {  	_ =	shalt  }
0x6f: {  	_ =	shalt  }
0x70: {  	_ =	shalt  }
0x71: {  	_ =	shalt  }
0x72: {  	_ =	shalt  }
0x73: {  	_ =	shalt  }
0x74: {  	_ =	shalt  }
0x75: {  	_ =	shalt  }
0x76: {  	_ =	shalt  }
0x77: {  	_ =	shalt  }
0x78: {  	_ =	shalt  }
0x79: {  	_ =	shalt  }
0x7a: {  	_ =	shalt  }
0x7b: {  	_ =	shalt  }
0x7c: {  	_ =	shalt  }
0x7d: {  	_ =	shalt  }
0x7e: {  	_ =	shalt  }
0x7f: {  	_ =	shalt  }
0x80: {  	_ =	shalt  }
0x81: {  	_ =	shalt  }
0x82: {  	_ =	shalt  }
0x83: {  	_ =	shalt  }
0x84: {  	_ =	shalt  }
0x85: {  	_ =	shalt  }
0x86: {  	_ =	shalt  }
0x87: {  	_ =	shalt  }
.Lfunc_end0:
.L_simem_size_0:
called_computation.1_lowered:
.L_overlay_start_0:
0x88: {  	s2 =	sld [smem:$0x3FD9]  }
0x89: {  	s3 =	sld [smem:$0x3FFE];
	_ =	sdelay $0x1  }
0x8a: {  	s1 =	srdreg.scid  }
0x8b: {  	s0 =	sand.u32 $0x1, s1  }
0x8c: {  	s17 =	sshll.u32 s0, $0xA;
	s2 =	sadd.s32 s3, s2  }
0x8d: {  	s2 =	sadd.s32 s2, s17  }
0x8e: {  	[smem:$0x3FBD] =	sst s2  }
0x8f: {  	_ = 	snop  }
0x90: {  	s18 =	sld [smem:$0x3FC8];
	(tm) =	ssettm $0x1  }
0x91: {  	s19 =	sld [smem:$0x3FFB];
	_ =	sdelay $0x3  }
0x92: {  	_ =	strace s19  }
0x93: {  	s2 =	sld [smem:$0x3FFC];
	_ =	sdelay $0x3  }
0x94: {  	_ =	strace s2  }
0x95: {  	s2 =	sld [smem:$0x3FFD];
	_ =	sdelay $0x3  }
0x96: {  	_ =	strace s2  }
0x97: {  	_ =	strace $0x8FFFFFFF  }
0x98: {  	s20 =	sld [smem:$0x3FDB];
	_ =	sdelay $0x1  }
0x99: {  	s4 =	simm.s32 $_scs_section_size  }
0x9a: {  	s5 =	simm.s32 $_size__tile_overlayer_lowered;
	s6 =	simm.s32 $_tile_overlayer_lowered  }
0x9b: {  	s7 =	simm.s32 $0x1BFF;
	s21 =	sshll.u32 s6, $0x1;
	s4 =	sadd.s32 s4, s20  }
0x9c: {  	s22 =	simm.s32 $0x0;
	s5 =	sshll.u32 s5, $0x1;
	s6 =	sadd.s32 s21, s4  }
0x9d: {  	[timem:s22], [sflag:s7] =	dma.local [hbm:s6], s5  }
0x9e: {  	_ =	swait.ge [sflag:s7], s5  }
0x9f: {  	s5 =	ssub.s32 $0x0, s5;
	[sflag:s7] =	ssyncset.done $0x0  }
0xa0: {  	[sflag:s7] =	ssyncadd.s32 s5;
	_ =	sdelay $0x1  }
0xa1: {  	s23 =	simm.s32 $0x1B8B  }
0xa2: {  	_ =	swait.ge [sflag:s23], $0x1  }
0xa3: {  	[sflag:s23] =	ssyncset.done $0x0  }
0xa4: {  	[sflag:s23] =	ssyncadd.s32 $0xFFFFFFFF  }
0xa5: {  	s5 =	sld [smem:$0x0]  }
0xa6: {  	s6 =	sand.u32 $0xFFFFFFFE, s1  }
0xa7: {  	p0 =	sne.s32 s1, s6  }
0xa8: {  	s6 =	sshll.u32 @p0 s6, $0xE  }
0xa9: {  	s6 =	sadd.s32 @p0 $0x11B8D, s6;
	s7 =	sshll.u32 @p0 s5, $0x11  }
0xaa: {  	s6 =	sor.u32 @p0 s7, s6  }
0xab: {  	[sflag:s6] =	ssyncadd.remote.s32 @p0 $0x1;
	_ =	sdelay $0x1  }
0xac: {  	s6 =	simm.s32 @p0 $0x1B8D  }
0xad: {  	_ =	swait.eq @p0 [sflag:s6], $0x1  }
0xae: {  	[sflag:s6] =	ssyncadd.s32 @p0 $0xFFFFFFFF  }
0xaf: {  	s7 =	sshll.u32 @!p0 s1, $0xE  }
0xb0: {  	s7 =	sor.u32 @!p0 $0x4000, s7;
	s6 =	simm.s32 @!p0 $0x1B8D  }
0xb1: {  	s5 =	sshll.u32 @!p0 s5, $0x11;
	s7 =	sadd.s32 @!p0 $0x11B8D, s7;
	_ =	swait.eq @!p0 [sflag:s6], $0x1  }
0xb2: {  	s5 =	sor.u32 @!p0 s5, s7;
	[sflag:s6] =	ssyncadd.s32 @!p0 $0xFFFFFFFF  }
0xb3: {  	s25 =	simm.s32 $0x1B8E;
	s24 =	sld [smem:$0x3FFE];
	[sflag:s5] =	ssyncadd.remote.s32 @!p0 $0x1  }
0xb4: {  	s26 =	simm.s32 $execute0_lowered;
	[smem:$0x3FD2] =	sst s25  }
0xb5: {  	s6 =	sshll.u32 s26, $0x1;
	_ =	strace $0x80000049;
	[dreg:$0x1] =	wrdreg $0xFFFFFFFF  }
0xb6: {  	s28 =	simm.s32 $_size_execute0_lowered;
	s4 =	sadd.s32 s4, s6;
	[dreg:$0x0] =	wrdreg $0x0  }
0xb7: {  	s6 =	sshll.u32 s28, $0x1;
	[dreg:$0x2] =	wrdreg s4  }
0xb8: {  	[dreg:$0x3] =	wrdreg s6  }
0xb9: {  	[dreg:$0x4] =	wrdreg $0xC0  }
0xba: {  	_ =	task [dreg:s22], $0x5FFFF  }
0xbb: {  	[dreg:$0x1] =	wrdreg $0xFFFFFFFF  }
0xbc: {  	[dreg:$0x0] =	wrdreg $0x60  }
0xbd: {  	[dreg:$0x2] =	wrdreg s18  }
0xbe: {  	[dreg:$0x3] =	wrdreg s24  }
0xbf: {  	[dreg:$0x4] =	wrdreg $0x0  }
0xc0: {  	[dreg:$0x5] =	wrdreg $0xA  }
0xc1: {  	_ =	task.clear_ibuf [dreg:s22], $0x6FFFF;
	_ =	strace $0x90000049  }
0xc2: {  	s29 =	simm.s32 $0xA;
	_ =	strace $0x8000004B  }
0xc3: {  	_ =	swait.ge [sflag:s29], $0x1  }
0xc4: {  	[sflag:s29] =	ssyncadd.s32 $0xFFFFFFFF  }
0xc5: {  	_ =	strace $0x9000004B  }
0xc6: {  	_ =	sfence  }
0xc7: {  	s30 =	sld [smem:$0x0];
	_ =	sdelay $0x2  }
0xc8: {  	s31 =	sshll.u32 s1, $0xD;
	s1 =	sshrl.u32 s1, $0x2  }
0xc9: {  	s4 =	sand.u32 $0x4000, s31;
	s1 =	sadd.s32 s1, s30  }
0xca: {  	s0 =	sor.u32 s4, s0;
	s1 =	sshll.u32 s1, $0x11  }
0xcb: {  	s0 =	sor.u32 s1, s0  }
0xcc: {  	s0 =	sadd.s32 $0x8F2B, s0  }
0xcd: {  	[sflag:s0] =	ssyncadd.remote.s32 $0x1  }
0xce: {  	_ =	sfence.sel $0xFFFF  }
0xcf: {  	[dreg:$0x0] =	wrdreg $0xFFFFFFFF;
	(pc) =	sbr.abs _section_cstart, $3  }
0xd0: {  	[dreg:$0x1] =	wrdreg $0xFFFFFFFF  }
0xd1: {  	_ =	task.clear_ibuf [dreg:s22], $0x2FFFF;
	_ =	strace $0x9FFFFFFF  }
0xd2: {  	(tm) =	ssettm $0x7FFFFFFF  }
0xd3: {  	_ =	shalt  }
tec
execute0_lowered:
.L_overlay_start_1:
0x0: {  	(tag) =	ssettag $0x1  }
0x1: {  	s1 =	rddreg [dreg:$0x0]  }
0x2: {  	s0 =	rddreg [dreg:$0x1]  }
0x3: {  	s2 =	rddreg [dreg:$0x2];
	s3 =	srdreg.scid  }
0x4: {  	s4 =	simm.s32 $0x0;
	s13 =	stileid.u32;
	s28 =	simm.s32 $0x7  }
0x5: {  	s29 =	simm.s32 $0x18;
	s30 =	simm.s32 $0x13F00;
	s31 =	simm.s32 $0x13E80  }
0x6: {  	s3 =	sand.u32 $0x1, s3;
	[smem:$0x7FF] =	sst s4;
	s6 =	smul.u32 $0x13C00, s13  }
0x7: {  	s8 =	sadd.s32 $0xCC00, s0;
	s9 =	sadd.s32 $0x2E00, s0;
	s10 =	smul.u32 $0x4F000, s13  }
0x8: {  	s11 =	sadd.s32 $0x16A00, s0;
	s24 =	sshll.u32 s13, $0x6;
	s5 =	smul.u32 $0x13C000, s3  }
0x9: {  	s7 =	sshll.u32 s3, $0x4;
	_ =	strace $0x8000004A;
	s20 =	ssub.s32 $0x2, s3  }
0xa: {  	[dreg:$0xa] =	wrdreg s11;
	s3 =	smul.u32 $0x27600, s3;
	s7 =	sor.u32 s13, s7  }
0xb: {  	s21 =	sshrl.u32 s20, $0x1;
	s22 =	sshrl.u32 s10, $0x2;
	s13 =	smul.u32 $0x2760, s13  }
0xc: {  	s5 =	sadd.s32 s6, s5;
	s19 =	smul.u32 $0x2760, s7;
	s7 =	sadd.s32 s22, s2  }
0xd: {  	s5 =	sshrl.u32 s5, $0x3;
	[dreg:$0xb] =	wrdreg s7;
	s7 =	sor.u32 $0x1C0B, s24  }
0xe: {  	s3 =	sadd.s32 s13, s3;
	s13 =	simm.s32 $0x9;
	s0 =	sadd.s32 s5, s0  }
0xf: {  	s5 =	ssub.s32 s20, s21;
	s23 =	sshrl.u32 s19, $0x3;
	s26 =	sadd.s32 $0x48, s19  }
0x10: {  	s6 =	sadd.s32 $0x78, s19;
	s16 =	sadd.s32 $0xF0, s3;
	s18 =	sadd.s32 $0xD8, s3  }
0x11: {  	s19 =	sadd.s32 $0xC0, s3;
	s24 =	sadd.s32 $0xA8, s3;
	s3 =	sadd.s32 $0x90, s3  }
0x12: {  	s25 =	sadd.s32 $0x6, s23;
	s14 =	sadd.s32 s8, s23;
	s15 =	sadd.s32 s9, s23  }
0x13: {  	s10 =	sadd.s32 $0xC, s23;
	s6 =	sshrl.u32 s6, $0x3;
	s17 =	sshrl.u32 s16, $0x3  }
0x14: {  	s21 =	sshrl.u32 s19, $0x3;
	s0 =	sadd.s32 $0x68200, s0;
	[dreg:$0xe] =	wrdreg s15  }
0x15: {  	s3 =	sshrl.u32 s3, $0x3;
	s5 =	smax.u32 s5, $0x1;
	[dreg:$0xc] =	wrdreg s14  }
0x16: {  	s12 =	sadd.s32 s8, s25;
	s15 =	sadd.s32 $0x3, s15;
	[dreg:$0x16] =	wrdreg s0  }
0x17: {  	s11 =	sadd.s32 s9, s25;
	s6 =	sadd.s32 s9, s6;
	[dreg:$0x17] =	wrdreg s5  }
0x18: {  	s22 =	sadd.s32 $0x12, s14;
	s23 =	sadd.s32 s21, s9;
	[dreg:$0xd] =	wrdreg s12  }
0x19: {  	s25 =	sadd.s32 s21, s8;
	s0 =	sshrl.u32 s24, $0x3;
	[dreg:$0xf] =	wrdreg s15  }
0x1a: {  	s21 =	simm.s32 $0x13C00;
	s24 =	simm.s32 $0x13D80;
	[dreg:$0x10] =	wrdreg s11  }
0x1b: {  	s5 =	simm.s32 $0x14B00;
	s14 =	simm.s32 $0x4;
	[dreg:$0x14] =	wrdreg s6  }
0x1c: {  	s12 =	sshrl.u32 s26, $0x3;
	s15 =	sadd.s32 s8, s10;
	[dreg:$0x15] =	wrdreg s22  }
0x1d: {  	s10 =	sadd.s32 s9, s10;
	s6 =	sadd.s32 s17, s8;
	[dreg:$0x6] =	wrdreg s23  }
0x1e: {  	[dreg:$0x7] =	wrdreg s25;
	s0 =	sadd.s32 s0, s9;
	s26 =	sadd.s32 s3, s9  }
0x1f: {  	s22 =	simm.s32 $0x13C80;
	s23 =	simm.s32 $0x13D00;
	[dreg:$0x12] =	wrdreg s15  }
0x20: {  	s25 =	simm.s32 $0x13E00;
	s3 =	simm.s32 $0x13C18;
	[dreg:$0x13] =	wrdreg s10  }
0x21: {  	s11 =	simm.s32 $0x3;
	s8 =	simm.s32 $0xA;
	[dreg:$0x4] =	wrdreg s6  }
0x22: {  	s12 =	sadd.s32 s9, s12;
	s10 =	sshrl.u32 s18, $0x3;
	[dreg:$0x8] =	wrdreg s0  }
0x23: {  	[dreg:$0x9] =	wrdreg s26;
	s26 =	simm.s32 $0x5;
	s0 =	simm.s32 $0x8  }
0x24: {  	s6 =	simm.s32 $0x1;
	s15 =	simm.s32 $0x0;
	[dreg:$0x11] =	wrdreg s12  }
0x25: {  	s20 =	sadd.s32 s10, s9;
	s9 =	simm.s32 $0x2;
	s12 =	simm.s32 $0x6  }
0x26: {  	s10 =	simm.s32 $0x13C98;
	[dreg:$0x5] =	wrdreg s20;
	s20 =	simm.s32 $0xB  }
.LBB2_1:
0x27: {  	s16 =	rddreg [dreg:$0xb]  }
0x28: {  	s17 =	rddreg [dreg:$0xa];
	s16 =	sshrl.u32 s16, $0x3  }
0x29: {  	[spmem:s16], [sflag:s7] =	dma.local [hbm:s17], $0x2780  }
0x2a: {  	_ =	swait.ge [sflag:s20], $0x2780  }
0x2b: {  	[sflag:s20] =	ssyncset.done $0x0  }
0x2c: {  	[sflag:s20] =	ssyncadd.s32 $0xFFFFD880  }
0x2d: {  	[bflag:$0x0] =	sbarrier.arrive $0xFFFF  }
0x2e: {  	s19 =	rddreg [dreg:$0xc]  }
0x2f: {  	[tilespmem:s21], [sflag:$0x5] =	stream.linear.gather [hbm4b:s19+s4], $0x30, $0x38;
	[tilespmem:$0x15700] =	vst v63  }
0x30: {  	s18 =	rddreg [dreg:$0xd]  }
0x31: {  	[tilespmem:s22], [sflag:$0x6] =	stream.linear.gather [hbm4b:s18+s4], $0x30, $0x38;
	[tilespmem:$0x15700] =	vst v63  }
0x32: {  	s19 =	rddreg [dreg:$0xe]  }
0x33: {  	[tilespmem:s23], [sflag:$0x7] =	stream.linear.gather [hbm4b:s19+s4], $0x18, $0x38;
	[tilespmem:$0x15700] =	vst v63  }
0x34: {  	s18 =	rddreg [dreg:$0xf]  }
0x35: {  	[tilespmem:s24], [sflag:$0x8] =	stream.linear.gather [hbm4b:s18+s4], $0x18, $0x38;
	[tilespmem:$0x15700] =	vst v63  }
0x36: {  	s19 =	rddreg [dreg:$0x10]  }
0x37: {  	[tilespmem:s25], [sflag:$0x9] =	stream.linear.gather [hbm4b:s19+s4], $0x18, $0x38;
	[tilespmem:$0x15700] =	vst v63  }
0x38: {  	_ =	swait.ge [sflag:s26], $0x30  }
0x39: {  	[sflag:s26] =	ssyncset.done $0x0  }
0x3a: {  	[sflag:s26] =	ssyncadd.s32 $0xFFFFFFD0  }
0x3b: {  	_ =	swait.ge [sflag:s28], $0x18  }
0x3c: {  	[sflag:s28] =	ssyncset.done $0x0  }
0x3d: {  	[sflag:s28] =	ssyncadd.s32 $0xFFFFFFE8  }
0x3e: {  	[tilespmem:s30], [sflag:$0x1] =	stream.indirect.gather [hbm4b:s1+s29], $0x80, s21, s29, $0xb8;
	[tilespmem:$0x15700] =	vst v63  }
0x3f: {  	s18 =	rddreg [dreg:$0x11]  }
0x40: {  	[tilespmem:s31], [sflag:$0xA] =	stream.linear.gather [hbm4b:s18+s4], $0x18, $0x38;
	[tilespmem:$0x15700] =	vst v63  }
0x41: {  	_ =	swait.ge [sflag:s0], $0x18  }
0x42: {  	[sflag:s0] =	ssyncset.done $0x0  }
0x43: {  	[sflag:s0] =	ssyncadd.s32 $0xFFFFFFE8  }
0x44: {  	[tilespmem:s5], [sflag:$0x2] =	stream.indirect.gather [hbm4b:s1+s29], $0x80, s3, s29, $0xb8;
	[tilespmem:$0x15700] =	vst v63  }
0x45: {  	_ =	swait.ge [sflag:s6], $0xC00  }
0x46: {  	[sflag:s6] =	ssyncset.done $0x0  }
0x47: {  	[sflag:s6] =	ssyncadd.s32 $0xFFFFF400  }
0x48: {  	[spmem:s2] =	stream.indirect.scatter.add.f32 [tilespmem:s30], [sflag:$0x3], $0x80, s23, s29, $0xb8;
	[tilespmem:$0x15700] =	vst v63  }
0x49: {  	_ =	swait.ge [sflag:s9], $0xC00  }
0x4a: {  	[sflag:s9] =	ssyncset.done $0x0  }
0x4b: {  	[sflag:s9] =	ssyncadd.s32 $0xFFFFF400  }
0x4c: {  	[spmem:s2] =	stream.indirect.scatter.add.f32 [tilespmem:s5], [sflag:$0x4], $0x80, s24, s29, $0xb8;
	[tilespmem:$0x15700] =	vst v63  }
0x4d: {  	s19 =	rddreg [dreg:$0x12]  }
0x4e: {  	[tilespmem:s21], [sflag:$0x5] =	stream.linear.gather [hbm4b:s19+s4], $0x30, $0x38;
	[tilespmem:$0x15700] =	vst v63  }
0x4f: {  	_ =	swait.ge [sflag:s11], $0xC00  }
0x50: {  	[sflag:s11] =	ssyncset.done $0x0  }
0x51: {  	s18 =	rddreg [dreg:$0x13];
	[sflag:s11] =	ssyncadd.s32 $0xFFFFF400  }
0x52: {  	[tilespmem:s23], [sflag:$0x7] =	stream.linear.gather [hbm4b:s18+s4], $0x18, $0x38;
	[tilespmem:$0x15700] =	vst v63  }
0x53: {  	_ =	swait.ge [sflag:s12], $0x30  }
0x54: {  	[sflag:s12] =	ssyncset.done $0x0  }
0x55: {  	[sflag:s12] =	ssyncadd.s32 $0xFFFFFFD0  }
0x56: {  	_ =	swait.ge [sflag:s13], $0x18  }
0x57: {  	[sflag:s13] =	ssyncset.done $0x0  }
0x58: {  	[sflag:s13] =	ssyncadd.s32 $0xFFFFFFE8  }
0x59: {  	[tilespmem:s30], [sflag:$0x1] =	stream.indirect.gather [hbm4b:s1+s29], $0x80, s22, s29, $0xb8;
	[tilespmem:$0x15700] =	vst v63  }
0x5a: {  	_ =	swait.ge [sflag:s14], $0xC00  }
0x5b: {  	[sflag:s14] =	ssyncset.done $0x0  }
0x5c: {  	s19 =	rddreg [dreg:$0x14];
	[sflag:s14] =	ssyncadd.s32 $0xFFFFF400  }
0x5d: {  	[tilespmem:s24], [sflag:$0x8] =	stream.linear.gather [hbm4b:s19+s4], $0x18, $0x38;
	[tilespmem:$0x15700] =	vst v63  }
0x5e: {  	_ =	swait.ge [sflag:s8], $0x18  }
0x5f: {  	[sflag:s8] =	ssyncset.done $0x0  }
0x60: {  	[sflag:s8] =	ssyncadd.s32 $0xFFFFFFE8  }
0x61: {  	[tilespmem:s5], [sflag:$0x2] =	stream.indirect.gather [hbm4b:s1+s29], $0x80, s10, s29, $0xb8;
	[tilespmem:$0x15700] =	vst v63  }
0x62: {  	_ =	swait.ge [sflag:s6], $0xC00  }
0x63: {  	[sflag:s6] =	ssyncset.done $0x0  }
0x64: {  	[sflag:s6] =	ssyncadd.s32 $0xFFFFF400  }
0x65: {  	[spmem:s2] =	stream.indirect.scatter.add.f32 [tilespmem:s30], [sflag:$0x3], $0x80, s25, s29, $0xb8;
	[tilespmem:$0x15700] =	vst v63  }
0x66: {  	_ =	swait.ge [sflag:s9], $0xC00  }
0x67: {  	[sflag:s9] =	ssyncset.done $0x0  }
0x68: {  	[sflag:s9] =	ssyncadd.s32 $0xFFFFF400  }
0x69: {  	[spmem:s2] =	stream.indirect.scatter.add.f32 [tilespmem:s5], [sflag:$0x4], $0x80, s31, s29, $0xb8;
	[tilespmem:$0x15700] =	vst v63  }
0x6a: {  	s18 =	rddreg [dreg:$0x15]  }
0x6b: {  	[tilespmem:s22], [sflag:$0x6] =	stream.linear.gather [hbm4b:s18+s4], $0x30, $0x38;
	[tilespmem:$0x15700] =	vst v63  }
0x6c: {  	_ =	swait.ge [sflag:s11], $0xC00  }
0x6d: {  	s19 =	rddreg [dreg:$0x9];
	[sflag:s11] =	ssyncset.done $0x0  }
0x6e: {  	[sflag:s11] =	ssyncadd.s32 $0xFFFFF400;
	s17 =	sadd.s32 $0x0, s19  }
0x6f: {  	[tilespmem:s25], [sflag:$0x9] =	stream.linear.gather [hbm4b:s17+s4], $0x18, $0x38;
	[tilespmem:$0x15700] =	vst v63  }
0x70: {  	_ =	swait.ge [sflag:s26], $0x30  }
0x71: {  	[sflag:s26] =	ssyncset.done $0x0  }
0x72: {  	[sflag:s26] =	ssyncadd.s32 $0xFFFFFFD0  }
0x73: {  	_ =	swait.ge [sflag:s28], $0x18  }
0x74: {  	[sflag:s28] =	ssyncset.done $0x0  }
0x75: {  	[sflag:s28] =	ssyncadd.s32 $0xFFFFFFE8  }
0x76: {  	[tilespmem:s30], [sflag:$0x1] =	stream.indirect.gather [hbm4b:s1+s29], $0x80, s21, s29, $0xb8;
	[tilespmem:$0x15700] =	vst v63  }
0x77: {  	_ =	swait.ge [sflag:s14], $0xC00  }
0x78: {  	s18 =	rddreg [dreg:$0x8];
	[sflag:s14] =	ssyncset.done $0x0  }
0x79: {  	[sflag:s14] =	ssyncadd.s32 $0xFFFFF400;
	s17 =	sadd.s32 $0x0, s18  }
0x7a: {  	[tilespmem:s31], [sflag:$0xA] =	stream.linear.gather [hbm4b:s17+s4], $0x18, $0x38;
	[tilespmem:$0x15700] =	vst v63  }
0x7b: {  	_ =	swait.ge [sflag:s0], $0x18  }
0x7c: {  	[sflag:s0] =	ssyncset.done $0x0  }
0x7d: {  	[sflag:s0] =	ssyncadd.s32 $0xFFFFFFE8  }
0x7e: {  	[tilespmem:s5], [sflag:$0x2] =	stream.indirect.gather [hbm4b:s1+s29], $0x80, s3, s29, $0xb8;
	[tilespmem:$0x15700] =	vst v63  }
0x7f: {  	_ =	swait.ge [sflag:s6], $0xC00  }
0x80: {  	[sflag:s6] =	ssyncset.done $0x0  }
0x81: {  	[sflag:s6] =	ssyncadd.s32 $0xFFFFF400  }
0x82: {  	[spmem:s2] =	stream.indirect.scatter.add.f32 [tilespmem:s30], [sflag:$0x3], $0x80, s23, s29, $0xb8;
	[tilespmem:$0x15700] =	vst v63  }
0x83: {  	_ =	swait.ge [sflag:s9], $0xC00  }
0x84: {  	[sflag:s9] =	ssyncset.done $0x0  }
0x85: {  	s19 =	rddreg [dreg:$0x7];
	[sflag:s9] =	ssyncadd.s32 $0xFFFFF400  }
0x86: {  	[spmem:s2] =	stream.indirect.scatter.add.f32 [tilespmem:s5], [sflag:$0x4], $0x80, s24, s29, $0xb8;
	[tilespmem:$0x15700] =	vst v63  }
0x87: {  	s17 =	sadd.s32 $0x0, s19  }
0x88: {  	[tilespmem:s21], [sflag:$0x5] =	stream.linear.gather [hbm4b:s17+s4], $0x30, $0x38;
	[tilespmem:$0x15700] =	vst v63  }
0x89: {  	_ =	swait.ge [sflag:s11], $0xC00  }
0x8a: {  	s18 =	rddreg [dreg:$0x6];
	[sflag:s11] =	ssyncset.done $0x0  }
0x8b: {  	[sflag:s11] =	ssyncadd.s32 $0xFFFFF400;
	s17 =	sadd.s32 $0x0, s18  }
0x8c: {  	[tilespmem:s23], [sflag:$0x7] =	stream.linear.gather [hbm4b:s17+s4], $0x18, $0x38;
	[tilespmem:$0x15700] =	vst v63  }
0x8d: {  	_ =	swait.ge [sflag:s12], $0x30  }
0x8e: {  	[sflag:s12] =	ssyncset.done $0x0  }
0x8f: {  	[sflag:s12] =	ssyncadd.s32 $0xFFFFFFD0  }
0x90: {  	_ =	swait.ge [sflag:s13], $0x18  }
0x91: {  	[sflag:s13] =	ssyncset.done $0x0  }
0x92: {  	[sflag:s13] =	ssyncadd.s32 $0xFFFFFFE8  }
0x93: {  	[tilespmem:s30], [sflag:$0x1] =	stream.indirect.gather [hbm4b:s1+s29], $0x80, s22, s29, $0xb8;
	[tilespmem:$0x15700] =	vst v63  }
0x94: {  	_ =	swait.ge [sflag:s14], $0xC00  }
0x95: {  	s19 =	rddreg [dreg:$0x5];
	[sflag:s14] =	ssyncset.done $0x0  }
0x96: {  	[sflag:s14] =	ssyncadd.s32 $0xFFFFF400;
	s17 =	sadd.s32 $0x0, s19  }
0x97: {  	[tilespmem:s24], [sflag:$0x8] =	stream.linear.gather [hbm4b:s17+s4], $0x18, $0x38;
	[tilespmem:$0x15700] =	vst v63  }
0x98: {  	_ =	swait.ge [sflag:s8], $0x18  }
0x99: {  	[sflag:s8] =	ssyncset.done $0x0  }
0x9a: {  	[sflag:s8] =	ssyncadd.s32 $0xFFFFFFE8  }
0x9b: {  	[tilespmem:s5], [sflag:$0x2] =	stream.indirect.gather [hbm4b:s1+s29], $0x80, s10, s29, $0xb8;
	[tilespmem:$0x15700] =	vst v63  }
0x9c: {  	_ =	swait.ge [sflag:s6], $0xC00  }
0x9d: {  	[sflag:s6] =	ssyncset.done $0x0  }
0x9e: {  	[sflag:s6] =	ssyncadd.s32 $0xFFFFF400  }
0x9f: {  	[spmem:s2] =	stream.indirect.scatter.add.f32 [tilespmem:s30], [sflag:$0x3], $0x80, s25, s29, $0xb8;
	[tilespmem:$0x15700] =	vst v63  }
0xa0: {  	_ =	swait.ge [sflag:s9], $0xC00  }
0xa1: {  	[sflag:s9] =	ssyncset.done $0x0;
	s18 =	rddreg [dreg:$0x4]  }
0xa2: {  	s17 =	simm.s32 $0xC;
	[sflag:s9] =	ssyncadd.s32 $0xFFFFF400;
	s18 =	sadd.s32 $0x0, s18  }
0xa3: {  	[spmem:s2] =	stream.indirect.scatter.add.f32 [tilespmem:s5], [sflag:$0x4], $0x80, s31, s29, $0xb8;
	[tilespmem:$0x15700] =	vst v63  }
.LBB2_2:
0xa4: {  	[tilespmem:s22], [sflag:$0x6] =	stream.linear.gather [hbm4b:s18+s4], $0x30, $0x38;
	[tilespmem:$0x15700] =	vst v63  }
0xa5: {  	_ =	swait.ge [sflag:s11], $0xC00  }
0xa6: {  	s18 =	smov.u32 s17;
	s19 =	rddreg [dreg:$0x9];
	[sflag:s11] =	ssyncset.done $0x0  }
0xa7: {  	[sflag:s11] =	ssyncadd.s32 $0xFFFFF400;
	s19 =	sadd.s32 s18, s19  }
0xa8: {  	[tilespmem:s25], [sflag:$0x9] =	stream.linear.gather [hbm4b:s19+s4], $0x18, $0x38;
	[tilespmem:$0x15700] =	vst v63  }
0xa9: {  	_ =	swait.ge [sflag:s26], $0x30  }
0xaa: {  	[sflag:s26] =	ssyncset.done $0x0  }
0xab: {  	[sflag:s26] =	ssyncadd.s32 $0xFFFFFFD0  }
0xac: {  	_ =	swait.ge [sflag:s28], $0x18  }
0xad: {  	[sflag:s28] =	ssyncset.done $0x0  }
0xae: {  	[sflag:s28] =	ssyncadd.s32 $0xFFFFFFE8  }
0xaf: {  	[tilespmem:s30], [sflag:$0x1] =	stream.indirect.gather [hbm4b:s1+s29], $0x80, s21, s29, $0xb8;
	[tilespmem:$0x15700] =	vst v63  }
0xb0: {  	_ =	swait.ge [sflag:s14], $0xC00  }
0xb1: {  	s19 =	rddreg [dreg:$0x8];
	[sflag:s14] =	ssyncset.done $0x0  }
0xb2: {  	[sflag:s14] =	ssyncadd.s32 $0xFFFFF400;
	s19 =	sadd.s32 s18, s19  }
0xb3: {  	[tilespmem:s31], [sflag:$0xA] =	stream.linear.gather [hbm4b:s19+s4], $0x18, $0x38;
	[tilespmem:$0x15700] =	vst v63  }
0xb4: {  	_ =	swait.ge [sflag:s0], $0x18  }
0xb5: {  	[sflag:s0] =	ssyncset.done $0x0  }
0xb6: {  	[sflag:s0] =	ssyncadd.s32 $0xFFFFFFE8  }
0xb7: {  	[tilespmem:s5], [sflag:$0x2] =	stream.indirect.gather [hbm4b:s1+s29], $0x80, s3, s29, $0xb8;
	[tilespmem:$0x15700] =	vst v63  }
0xb8: {  	_ =	swait.ge [sflag:s6], $0xC00  }
0xb9: {  	[sflag:s6] =	ssyncset.done $0x0  }
0xba: {  	[sflag:s6] =	ssyncadd.s32 $0xFFFFF400  }
0xbb: {  	[spmem:s2] =	stream.indirect.scatter.add.f32 [tilespmem:s30], [sflag:$0x3], $0x80, s23, s29, $0xb8;
	[tilespmem:$0x15700] =	vst v63  }
0xbc: {  	_ =	swait.ge [sflag:s9], $0xC00  }
0xbd: {  	[sflag:s9] =	ssyncset.done $0x0  }
0xbe: {  	s19 =	rddreg [dreg:$0x7];
	[sflag:s9] =	ssyncadd.s32 $0xFFFFF400  }
0xbf: {  	[spmem:s2] =	stream.indirect.scatter.add.f32 [tilespmem:s5], [sflag:$0x4], $0x80, s24, s29, $0xb8;
	[tilespmem:$0x15700] =	vst v63  }
0xc0: {  	s19 =	sadd.s32 s18, s19  }
0xc1: {  	[tilespmem:s21], [sflag:$0x5] =	stream.linear.gather [hbm4b:s19+s4], $0x30, $0x38;
	[tilespmem:$0x15700] =	vst v63  }
0xc2: {  	_ =	swait.ge [sflag:s11], $0xC00  }
0xc3: {  	s19 =	rddreg [dreg:$0x6];
	[sflag:s11] =	ssyncset.done $0x0  }
0xc4: {  	[sflag:s11] =	ssyncadd.s32 $0xFFFFF400;
	s19 =	sadd.s32 s18, s19  }
0xc5: {  	[tilespmem:s23], [sflag:$0x7] =	stream.linear.gather [hbm4b:s19+s4], $0x18, $0x38;
	[tilespmem:$0x15700] =	vst v63  }
0xc6: {  	_ =	swait.ge [sflag:s12], $0x30  }
0xc7: {  	[sflag:s12] =	ssyncset.done $0x0  }
0xc8: {  	[sflag:s12] =	ssyncadd.s32 $0xFFFFFFD0  }
0xc9: {  	_ =	swait.ge [sflag:s13], $0x18  }
0xca: {  	[sflag:s13] =	ssyncset.done $0x0  }
0xcb: {  	[sflag:s13] =	ssyncadd.s32 $0xFFFFFFE8  }
0xcc: {  	[tilespmem:s30], [sflag:$0x1] =	stream.indirect.gather [hbm4b:s1+s29], $0x80, s22, s29, $0xb8;
	[tilespmem:$0x15700] =	vst v63  }
0xcd: {  	_ =	swait.ge [sflag:s14], $0xC00  }
0xce: {  	s19 =	rddreg [dreg:$0x5];
	[sflag:s14] =	ssyncset.done $0x0  }
0xcf: {  	[sflag:s14] =	ssyncadd.s32 $0xFFFFF400;
	s19 =	sadd.s32 s18, s19  }
0xd0: {  	[tilespmem:s24], [sflag:$0x8] =	stream.linear.gather [hbm4b:s19+s4], $0x18, $0x38;
	[tilespmem:$0x15700] =	vst v63  }
0xd1: {  	_ =	swait.ge [sflag:s8], $0x18  }
0xd2: {  	[sflag:s8] =	ssyncset.done $0x0  }
0xd3: {  	[sflag:s8] =	ssyncadd.s32 $0xFFFFFFE8  }
0xd4: {  	[tilespmem:s5], [sflag:$0x2] =	stream.indirect.gather [hbm4b:s1+s29], $0x80, s10, s29, $0xb8;
	[tilespmem:$0x15700] =	vst v63  }
0xd5: {  	_ =	swait.ge [sflag:s6], $0xC00  }
0xd6: {  	[sflag:s6] =	ssyncset.done $0x0  }
0xd7: {  	p0 =	sne.s32 s17, $0x4D4;
	[sflag:s6] =	ssyncadd.s32 $0xFFFFF400  }
0xd8: {  	[spmem:s2] =	stream.indirect.scatter.add.f32 [tilespmem:s30], [sflag:$0x3], $0x80, s25, s29, $0xb8;
	[tilespmem:$0x15700] =	vst v63  }
.Ltmp0:
0xd9: {  	_ = 	snop;
	(pc) =	sbr.rel @p0 .LBB2_2-.Ltmp0, $4  }
0xda: {  	_ =	swait.ge [sflag:s9], $0xC00  }
0xdb: {  	[sflag:s9] =	ssyncset.done $0x0;
	s19 =	rddreg [dreg:$0x4]  }
0xdc: {  	s17 =	sadd.s32 $0xC, s17;
	[sflag:s9] =	ssyncadd.s32 $0xFFFFF400;
	s18 =	sadd.s32 s18, s19  }
0xdd: {  	[spmem:s2] =	stream.indirect.scatter.add.f32 [tilespmem:s5], [sflag:$0x4], $0x80, s31, s29, $0xb8;
	[tilespmem:$0x15700] =	vst v63  }
0xde: {  	[tilespmem:s22], [sflag:$0x6] =	stream.linear.gather [hbm4b:s18+s4], $0x30, $0x38;
	[tilespmem:$0x15700] =	vst v63  }
0xdf: {  	_ =	swait.ge [sflag:s11], $0xC00  }
0xe0: {  	[sflag:s11] =	ssyncset.done $0x0  }
0xe1: {  	[sflag:s11] =	ssyncadd.s32 $0xFFFFF400  }
0xe2: {  	_ =	swait.ge [sflag:s14], $0xC00  }
0xe3: {  	[sflag:s14] =	ssyncset.done $0x0  }
0xe4: {  	[sflag:s14] =	ssyncadd.s32 $0xFFFFF400  }
0xe5: {  	_ =	swait.ge [sflag:s26], $0x30  }
0xe6: {  	[sflag:s26] =	ssyncset.done $0x0  }
0xe7: {  	[sflag:s26] =	ssyncadd.s32 $0xFFFFFFD0  }
0xe8: {  	_ =	swait.ge [sflag:s12], $0x30  }
0xe9: {  	[sflag:s12] =	ssyncset.done $0x0  }
0xea: {  	[sflag:s12] =	ssyncadd.s32 $0xFFFFFFD0  }
0xeb: {  	_ =	swait.ge [sflag:s28], $0x18  }
0xec: {  	[sflag:s28] =	ssyncset.done $0x0  }
0xed: {  	[sflag:s28] =	ssyncadd.s32 $0xFFFFFFE8  }
0xee: {  	_ =	swait.ge [sflag:s0], $0x18  }
0xef: {  	[sflag:s0] =	ssyncset.done $0x0  }
0xf0: {  	[sflag:s0] =	ssyncadd.s32 $0xFFFFFFE8  }
0xf1: {  	[bflag:$0x0] =	sbarrier.arrive $0xFFFF  }
0xf2: {  	s17 =	rddreg [dreg:$0x16]  }
0xf3: {  	[hbm:s17], [sflag:s7] =	dma.local [spmem:s16], $0x2780  }
0xf4: {  	_ =	swait.ge [sflag:s20], $0x2780  }
0xf5: {  	s15 =	sadd.s32 $0x1, s15;
	s19 =	rddreg [dreg:$0x17]  }
0xf6: {  	p0 =	sne.s32 s15, s19  }
.Ltmp1:
0xf7: {  	_ = 	snop;
	(pc) =	sbr.rel @p0 .LBB2_1-.Ltmp1, $3  }
0xf8: {  	_ =	sdelay $0x1  }
0xf9: {  	[sflag:s20] =	ssyncset.done $0x0  }
0xfa: {  	[sflag:s20] =	ssyncadd.s32 $0xFFFFD880  }
0xfb: {  	_ =	sfence.sel $0x180000  }
0xfc: {  	[bflag:$0x0] =	sbarrier.arrive $0xFFFF  }
0xfd: {  	_ =	strace $0x9000004A  }
0xfe: {  	s0 =	stileid.u32;
	[bflag:$0x2] =	sbarrier.arrive $0xFFFF  }
0xff: {  	p0 =	sne.s32 s0, $0x0;
	s0 =	rddreg [dreg:$0x3]  }
0x100: {  	s0 =	sadd.s32 @!p0 $0x100000, s0  }
0x101: {  	[sflag:s0] =	ssyncadd.tile.s32 @!p0 $0x1;
	_ =	shalt  }
.Lfunc_end2:
_tile_overlayer_lowered:
.L_overlay_start_2:
0x102: {  	(tag) =	ssettag $0x2  }
0x103: {  	s0 =	rddreg [dreg:$0x0];
	s2 =	stileid.u32  }
0x104: {  	s1 =	rddreg [dreg:$0x1];
	p0 =	sne.s32 s2, $0x0  }
0x105: {  	s3 =	rddreg [dreg:$0x2];
	[bflag:$0x3] =	sbarrier.arrive $0xFFFF;
	s2 =	simm.s32 @!p0 $0x1C0B  }
0x106: {  	[timem:s3], [sflag:s2] =	dma.local @!p0 [hbm:s0], s1  }
0x107: {  	s0 =	simm.s32 @!p0 $0xB  }
0x108: {  	_ =	swait.ge @!p0 [sflag:s0], s1  }
0x109: {  	s1 =	ssub.s32 @!p0 $0x0, s1;
	[sflag:s0] =	ssyncset.done @!p0 $0x0  }
0x10a: {  	[sflag:s0] =	ssyncadd.s32 @!p0 s1  }
0x10b: {  	[bflag:$0x3] =	sbarrier.arrive $0xFFFF  }
0x10c: {  	_ =	shalt  }

// kernel: kernel.15.cloned.1.call-start
scs
__scs_entry_jumppad:
0x0: {  	(pc) =	sbr.rel $0x88, $3  }
0x1: {  	(tag) =	ssettag $0x0;
	lr =	simm.s32 $0x1  }
0x2: {  	[smem:$0x3F96] =	sst lr;
	_ =	strace $0xD0000000  }
0x3: {  	_ = 	snop  }
0x4: {  	_ = 	snop  }
0x5: {  	_ = 	snop  }
0x6: {  	_ = 	snop  }
0x7: {  	_ = 	snop  }
__scs_overlays_trampoline_lowered:
0x8: {  	[smem:$0x3FA5] =	sst s0  }
0x9: {  	[smem:$0x3FA6] =	sst s1  }
0xa: {  	[smem:$0x3FA7] =	sst s2  }
0xb: {  	[smem:$0x3FA8] =	sst s3  }
0xc: {  	[smem:$0x3FA9] =	sst s4  }
0xd: {  	[smem:$0x3FAA] =	sst s5  }
0xe: {  	[smem:$0x3FAB] =	sst s6  }
0xf: {  	[smem:$0x3FAC] =	sst s7  }
0x10: {  	[smem:$0x3FAD] =	sst s8  }
0x11: {  	[smem:$0x3FAE] =	sst s9;
	s0 =	simm.s32 @!p0 $0x0  }
0x12: {  	s1 =	sld [smem:$0x3F94];
	s0 =	simm.s32 @p0 $0x1  }
0x13: {  	[smem:$0x3FAF] =	sst s0;
	s0 =	simm.s32 @!p1 $0x0  }
0x14: {  	s2 =	sld [smem:$0x3F93];
	s0 =	simm.s32 @p1 $0x1  }
0x15: {  	[smem:$0x3FB0] =	sst s0;
	s0 =	simm.s32 @!p2 $0x0  }
0x16: {  	s3 =	sld [smem:$0x3FDB];
	s0 =	simm.s32 @p2 $0x1  }
0x17: {  	s4 =	simm.s32 $0x1BF5;
	[smem:$0x3FB2] =	sst s0  }
0x18: {  	s0 =	sld [smem:$0x3F95];
	_ =	swait.ge [sflag:s4], $0x0  }
0x19: {  	s7 =	sld [smem:$0x3F96]  }
0x1a: {  	s8 =	sadd.s32 $0xFFFFE003, lr  }
0x1b: {  	s9 =	sadd.s32 $0xFFFFFEF7, lr;
	s5 =	simm.s32 $0xFFFFFFFF;
	p2 =	slt.u32 s8, $0xFFFFF086  }
0x1c: {  	p1 =	slt.u32 s9, $0xF7A;
	s5 =	simm.s32 @!p2 $0x0  }
0x1d: {  	s5 =	simm.s32 @p1 $0x1;
	p0 =	seq.s32 s7, s2  }
0x1e: {  	s7 =	smul.u32 @!p0 $0xF7A, s2;
	p2 =	seq.s32 @!p0 s5, $0x0  }
0x1f: {  	s9 =	smul.u32 $0xF7A, s1;
	s8 =	simm.s32 @!p0 $0x1BF5;
	p2 =	por !p2, p0  }
0x20: {  	[sflag:s8] =	ssyncset.s32 @!p0 $0xFFFFF086;
	s6 =	sadd.s32 @!p0 s3, s7;
	s7 =	simm.s32 @!p0 $0x108  }
0x21: {  	s3 =	sadd.s32 s3, s9;
	s6 =	sadd.s32 @!p0 $0x88, s6;
	s7 =	simm.s32 @p2 $0x1082  }
0x22: {  	[simem:s7], [sflag:s8] =	dma.local @!p0 [hbm:s6], $0xF7A  }
0x23: {  	s9 =	sor.u32 $0xD0000000, s2;
	s6 =	simm.s32 $0x108;
	_ =	swait.ge @!p0 [sflag:s8], $0x0  }
0x24: {  	s3 =	sadd.s32 $0x88, s3;
	s6 =	simm.s32 @!p1 $0x1082;
	[sflag:s4] =	ssyncset.s32 $0xFFFFF086  }
0x25: {  	[simem:s6], [sflag:s4] =	dma.local [hbm:s3], $0xF7A  }
0x26: {  	[smem:$0x3F96] =	sst s1;
	(tag) =	ssettag s2;
	_ =	strace s9  }
0x27: {  	s1 =	sld [smem:$0x3FA6]  }
0x28: {  	s2 =	sld [smem:$0x3FA7]  }
0x29: {  	s4 =	sld [smem:$0x3FA9]  }
0x2a: {  	p0 =	seq.s32 s5, $0x0;
	s5 =	sld [smem:$0x3FAA]  }
0x2b: {  	s6 =	sld [smem:$0x3FAB]  }
0x2c: {  	s7 =	sld [smem:$0x3FAC]  }
0x2d: {  	s3 =	simm.s32 $0x108;
	s8 =	sld [smem:$0x3FAD]  }
0x2e: {  	s3 =	simm.s32 @!p0 $0x1082;
	s9 =	sld [smem:$0x3FAE]  }
0x2f: {  	lr =	sadd.s32 s0, s3;
	s0 =	sld [smem:$0x3FA5]  }
0x30: {  	s3 =	sld [smem:$0x3FA8]  }
0x31: {  	[smem:$0x3FB1] =	sst s10  }
0x32: {  	s10 =	sld [smem:$0x3FAF];
	_ =	sdelay $0x3  }
0x33: {  	p0 =	seq.s32 s10, $0x1;
	s10 =	sld [smem:$0x3FB1];
	_ =	sdelay $0x3  }
0x34: {  	[smem:$0x3FB1] =	sst s10  }
0x35: {  	s10 =	sld [smem:$0x3FB0];
	_ =	sdelay $0x3  }
0x36: {  	p1 =	seq.s32 s10, $0x1;
	s10 =	sld [smem:$0x3FB1];
	_ =	sdelay $0x3  }
0x37: {  	[smem:$0x3FB1] =	sst s10  }
0x38: {  	s10 =	sld [smem:$0x3FB2]  }
0x39: {  	_ = 	snop;
	(pc) =	sbr.ind lr, $3  }
0x3a: {  	_ = 	snop  }
0x3b: {  	_ = 	snop  }
0x3c: {  	p2 =	seq.s32 s10, $0x1;
	s10 =	sld [smem:$0x3FB1]  }
0x3d: {  	_ =	shalt  }
0x3e: {  	_ =	shalt  }
0x3f: {  	_ =	shalt  }
0x40: {  	_ =	shalt  }
0x41: {  	_ =	shalt  }
0x42: {  	_ =	shalt  }
0x43: {  	_ =	shalt  }
0x44: {  	_ =	shalt  }
0x45: {  	_ =	shalt  }
0x46: {  	_ =	shalt  }
0x47: {  	_ =	shalt  }
0x48: {  	_ =	shalt  }
0x49: {  	_ =	shalt  }
0x4a: {  	_ =	shalt  }
0x4b: {  	_ =	shalt  }
0x4c: {  	_ =	shalt  }
0x4d: {  	_ =	shalt  }
0x4e: {  	_ =	shalt  }
0x4f: {  	_ =	shalt  }
0x50: {  	_ =	shalt  }
0x51: {  	_ =	shalt  }
0x52: {  	_ =	shalt  }
0x53: {  	_ =	shalt  }
0x54: {  	_ =	shalt  }
0x55: {  	_ =	shalt  }
0x56: {  	_ =	shalt  }
0x57: {  	_ =	shalt  }
0x58: {  	_ =	shalt  }
0x59: {  	_ =	shalt  }
0x5a: {  	_ =	shalt  }
0x5b: {  	_ =	shalt  }
0x5c: {  	_ =	shalt  }
0x5d: {  	_ =	shalt  }
0x5e: {  	_ =	shalt  }
0x5f: {  	_ =	shalt  }
0x60: {  	_ =	shalt  }
0x61: {  	_ =	shalt  }
0x62: {  	_ =	shalt  }
0x63: {  	_ =	shalt  }
0x64: {  	_ =	shalt  }
0x65: {  	_ =	shalt  }
0x66: {  	_ =	shalt  }
0x67: {  	_ =	shalt  }
0x68: {  	_ =	shalt  }
0x69: {  	_ =	shalt  }
0x6a: {  	_ =	shalt  }
0x6b: {  	_ =	shalt  }
0x6c: {  	_ =	shalt  }
0x6d: {  	_ =	shalt  }
0x6e: {  	_ =	shalt  }
0x6f: {  	_ =	shalt  }
0x70: {  	_ =	shalt  }
0x71: {  	_ =	shalt  }
0x72: {  	_ =	shalt  }
0x73: {  	_ =	shalt  }
0x74: {  	_ =	shalt  }
0x75: {  	_ =	shalt  }
0x76: {  	_ =	shalt  }
0x77: {  	_ =	shalt  }
0x78: {  	_ =	shalt  }
0x79: {  	_ =	shalt  }
0x7a: {  	_ =	shalt  }
0x7b: {  	_ =	shalt  }
0x7c: {  	_ =	shalt  }
0x7d: {  	_ =	shalt  }
0x7e: {  	_ =	shalt  }
0x7f: {  	_ =	shalt  }
0x80: {  	_ =	shalt  }
0x81: {  	_ =	shalt  }
0x82: {  	_ =	shalt  }
0x83: {  	_ =	shalt  }
0x84: {  	_ =	shalt  }
0x85: {  	_ =	shalt  }
0x86: {  	_ =	shalt  }
0x87: {  	_ =	shalt  }
.Lfunc_end0:
.L_simem_size_0:
called_computation.2_lowered:
.L_overlay_start_0:
0x88: {  	s2 =	sld [smem:$0x3FD9]  }
0x89: {  	s3 =	sld [smem:$0x3FFE];
	_ =	sdelay $0x1  }
0x8a: {  	s1 =	srdreg.scid  }
0x8b: {  	s0 =	sand.u32 $0x1, s1  }
0x8c: {  	s17 =	sshll.u32 s0, $0xA;
	s2 =	sadd.s32 s3, s2  }
0x8d: {  	s2 =	sadd.s32 s2, s17  }
0x8e: {  	[smem:$0x3FBD] =	sst s2  }
0x8f: {  	_ = 	snop  }
0x90: {  	s2 =	sld [smem:$0x3FD0];
	(tm) =	ssettm $0x1  }
0x91: {  	s18 =	sld [smem:$0x3FFB];
	_ =	sdelay $0x3  }
0x92: {  	_ =	strace s18  }
0x93: {  	s3 =	sld [smem:$0x3FFC];
	_ =	sdelay $0x3  }
0x94: {  	_ =	strace s3  }
0x95: {  	s3 =	sld [smem:$0x3FFD];
	_ =	sdelay $0x3  }
0x96: {  	_ =	strace s3  }
0x97: {  	_ =	strace $0x8FFFFFFF  }
0x98: {  	s19 =	sld [smem:$0x3FDB];
	_ =	sdelay $0x1  }
0x99: {  	s4 =	simm.s32 $_scs_section_size  }
0x9a: {  	s5 =	simm.s32 $_size__tile_overlayer_lowered;
	s6 =	simm.s32 $_tile_overlayer_lowered  }
0x9b: {  	s22 =	simm.s32 $0x1BFF;
	s21 =	sshll.u32 s6, $0x1;
	s3 =	sadd.s32 s4, s19  }
0x9c: {  	s7 =	simm.s32 $0x0;
	s20 =	sshll.u32 s5, $0x1;
	s5 =	sadd.s32 s21, s3  }
0x9d: {  	[timem:s7], [sflag:s22] =	dma.local [hbm:s5], s20  }
0x9e: {  	_ =	swait.ge [sflag:s22], s20  }
0x9f: {  	s4 =	ssub.s32 $0x0, s20;
	[sflag:s22] =	ssyncset.done $0x0  }
0xa0: {  	[sflag:s22] =	ssyncadd.s32 s4;
	_ =	sdelay $0x1  }
0xa1: {  	s23 =	simm.s32 $0x1B8B  }
0xa2: {  	_ =	swait.ge [sflag:s23], $0x1  }
0xa3: {  	[sflag:s23] =	ssyncset.done $0x0  }
0xa4: {  	s25 =	simm.s32 $0x1B8E;
	s24 =	sld [smem:$0x3FFE];
	[sflag:s23] =	ssyncadd.s32 $0xFFFFFFFF  }
0xa5: {  	s26 =	simm.s32 $execute0_lowered;
	[smem:$0x3FD2] =	sst s25  }
0xa6: {  	s5 =	sshll.u32 s26, $0x1;
	_ =	strace $0x8000004C;
	[dreg:$0x1] =	wrdreg $0xFFFFFFFF  }
0xa7: {  	s28 =	simm.s32 $_size_execute0_lowered;
	s3 =	sadd.s32 s3, s5;
	[dreg:$0x0] =	wrdreg $0x0  }
0xa8: {  	s5 =	sshll.u32 s28, $0x1;
	[dreg:$0x2] =	wrdreg s3  }
0xa9: {  	[dreg:$0x3] =	wrdreg s5  }
0xaa: {  	[dreg:$0x4] =	wrdreg $0xC0  }
0xab: {  	_ =	task [dreg:s7], $0x5FFFF  }
0xac: {  	[dreg:$0x1] =	wrdreg $0xFFFFFFFF  }
0xad: {  	[dreg:$0x0] =	wrdreg $0x60  }
0xae: {  	[dreg:$0x2] =	wrdreg s2  }
0xaf: {  	[dreg:$0x3] =	wrdreg s24  }
0xb0: {  	[dreg:$0x4] =	wrdreg $0x0  }
0xb1: {  	[dreg:$0x5] =	wrdreg $0x9  }
0xb2: {  	_ =	task.clear_ibuf [dreg:s7], $0x6FFFF;
	_ =	strace $0x9000004C  }
0xb3: {  	s29 =	simm.s32 $0x9;
	_ =	strace $0x8000004E  }
0xb4: {  	_ =	swait.ge [sflag:s29], $0x1  }
0xb5: {  	[sflag:s29] =	ssyncadd.s32 $0xFFFFFFFF  }
0xb6: {  	_ =	strace $0x9000004E  }
0xb7: {  	_ =	sfence  }
0xb8: {  	s30 =	sld [smem:$0x0];
	_ =	sdelay $0x2  }
0xb9: {  	s31 =	sshll.u32 s1, $0xD;
	s1 =	sshrl.u32 s1, $0x2  }
0xba: {  	s3 =	sand.u32 $0x4000, s31;
	s1 =	sadd.s32 s1, s30  }
0xbb: {  	s0 =	sor.u32 s3, s0;
	s1 =	sshll.u32 s1, $0x11  }
0xbc: {  	s0 =	sor.u32 s1, s0  }
0xbd: {  	s0 =	sadd.s32 $0x8F2B, s0  }
0xbe: {  	[sflag:s0] =	ssyncadd.remote.s32 $0x1  }
0xbf: {  	_ =	sfence.sel $0xFFFF  }
0xc0: {  	[dreg:$0x0] =	wrdreg $0xFFFFFFFF;
	(pc) =	sbr.abs _section_cstart, $3  }
0xc1: {  	[dreg:$0x1] =	wrdreg $0xFFFFFFFF  }
0xc2: {  	_ =	task.clear_ibuf [dreg:s7], $0x2FFFF;
	_ =	strace $0x9FFFFFFF  }
0xc3: {  	(tm) =	ssettm $0x7FFFFFFF  }
tec
execute0_lowered:
.L_overlay_start_1:
0x0: {  	(tag) =	ssettag $0x1  }
0x1: {  	s1 =	rddreg [dreg:$0x0]  }
0x2: {  	s0 =	rddreg [dreg:$0x1]  }
0x3: {  	s2 =	rddreg [dreg:$0x2];
	s3 =	srdreg.scid  }
0x4: {  	s4 =	simm.s32 $0x0;
	s13 =	stileid.u32;
	s28 =	simm.s32 $0x7  }
0x5: {  	s29 =	simm.s32 $0x18;
	s30 =	simm.s32 $0x13F00;
	s31 =	simm.s32 $0x13E80  }
0x6: {  	s3 =	sand.u32 $0x1, s3;
	[smem:$0x7FF] =	sst s4;
	s6 =	smul.u32 $0x13C00, s13  }
0x7: {  	s8 =	sadd.s32 $0xCC00, s0;
	s9 =	sadd.s32 $0x2E00, s0;
	s10 =	smul.u32 $0x4F000, s13  }
0x8: {  	s11 =	sadd.s32 $0x16A00, s0;
	s24 =	sshll.u32 s13, $0x6;
	s5 =	smul.u32 $0x13C000, s3  }
0x9: {  	s7 =	sshll.u32 s3, $0x4;
	_ =	strace $0x8000004D;
	s20 =	ssub.s32 $0x2, s3  }
0xa: {  	[dreg:$0xa] =	wrdreg s11;
	s3 =	smul.u32 $0x27600, s3;
	s7 =	sor.u32 s13, s7  }
0xb: {  	s21 =	sshrl.u32 s20, $0x1;
	s22 =	sshrl.u32 s10, $0x2;
	s13 =	smul.u32 $0x2760, s13  }
0xc: {  	s5 =	sadd.s32 s6, s5;
	s19 =	smul.u32 $0x2760, s7;
	s7 =	sadd.s32 s22, s2  }
0xd: {  	s5 =	sshrl.u32 s5, $0x3;
	[dreg:$0xb] =	wrdreg s7;
	s7 =	sor.u32 $0x1C0B, s24  }
0xe: {  	s3 =	sadd.s32 s13, s3;
	s13 =	simm.s32 $0x9;
	s0 =	sadd.s32 s5, s0  }
0xf: {  	s5 =	ssub.s32 s20, s21;
	s23 =	sshrl.u32 s19, $0x3;
	s26 =	sadd.s32 $0x48, s19  }
0x10: {  	s6 =	sadd.s32 $0x78, s19;
	s16 =	sadd.s32 $0xF0, s3;
	s18 =	sadd.s32 $0xD8, s3  }
0x11: {  	s19 =	sadd.s32 $0xC0, s3;
	s24 =	sadd.s32 $0xA8, s3;
	s3 =	sadd.s32 $0x90, s3  }
0x12: {  	s25 =	sadd.s32 $0x6, s23;
	s14 =	sadd.s32 s8, s23;
	s15 =	sadd.s32 s9, s23  }
0x13: {  	s10 =	sadd.s32 $0xC, s23;
	s6 =	sshrl.u32 s6, $0x3;
	s17 =	sshrl.u32 s16, $0x3  }
0x14: {  	s21 =	sshrl.u32 s19, $0x3;
	s0 =	sadd.s32 $0x68200, s0;
	[dreg:$0xe] =	wrdreg s15  }
0x15: {  	s3 =	sshrl.u32 s3, $0x3;
	s5 =	smax.u32 s5, $0x1;
	[dreg:$0xc] =	wrdreg s14  }
0x16: {  	s12 =	sadd.s32 s8, s25;
	s15 =	sadd.s32 $0x3, s15;
	[dreg:$0x16] =	wrdreg s0  }
0x17: {  	s11 =	sadd.s32 s9, s25;
	s6 =	sadd.s32 s9, s6;
	[dreg:$0x17] =	wrdreg s5  }
0x18: {  	s22 =	sadd.s32 $0x12, s14;
	s23 =	sadd.s32 s21, s9;
	[dreg:$0xd] =	wrdreg s12  }
0x19: {  	s25 =	sadd.s32 s21, s8;
	s0 =	sshrl.u32 s24, $0x3;
	[dreg:$0xf] =	wrdreg s15  }
0x1a: {  	s21 =	simm.s32 $0x13C00;
	s24 =	simm.s32 $0x13D80;
	[dreg:$0x10] =	wrdreg s11  }
0x1b: {  	s5 =	simm.s32 $0x14B00;
	s14 =	simm.s32 $0x4;
	[dreg:$0x14] =	wrdreg s6  }
0x1c: {  	s12 =	sshrl.u32 s26, $0x3;
	s15 =	sadd.s32 s8, s10;
	[dreg:$0x15] =	wrdreg s22  }
0x1d: {  	s10 =	sadd.s32 s9, s10;
	s6 =	sadd.s32 s17, s8;
	[dreg:$0x6] =	wrdreg s23  }
0x1e: {  	[dreg:$0x7] =	wrdreg s25;
	s0 =	sadd.s32 s0, s9;
	s26 =	sadd.s32 s3, s9  }
0x1f: {  	s22 =	simm.s32 $0x13C80;
	s23 =	simm.s32 $0x13D00;
	[dreg:$0x12] =	wrdreg s15  }
0x20: {  	s25 =	simm.s32 $0x13E00;
	s3 =	simm.s32 $0x13C18;
	[dreg:$0x13] =	wrdreg s10  }
0x21: {  	s11 =	simm.s32 $0x3;
	s8 =	simm.s32 $0xA;
	[dreg:$0x4] =	wrdreg s6  }
0x22: {  	s12 =	sadd.s32 s9, s12;
	s10 =	sshrl.u32 s18, $0x3;
	[dreg:$0x8] =	wrdreg s0  }
0x23: {  	[dreg:$0x9] =	wrdreg s26;
	s26 =	simm.s32 $0x5;
	s0 =	simm.s32 $0x8  }
0x24: {  	s6 =	simm.s32 $0x1;
	s15 =	simm.s32 $0x0;
	[dreg:$0x11] =	wrdreg s12  }
0x25: {  	s20 =	sadd.s32 s10, s9;
	s9 =	simm.s32 $0x2;
	s12 =	simm.s32 $0x6  }
0x26: {  	s10 =	simm.s32 $0x13C98;
	[dreg:$0x5] =	wrdreg s20;
	s20 =	simm.s32 $0xB  }
.LBB2_1:
0x27: {  	s16 =	rddreg [dreg:$0xb]  }
0x28: {  	s17 =	rddreg [dreg:$0xa];
	s16 =	sshrl.u32 s16, $0x3  }
0x29: {  	[spmem:s16], [sflag:s7] =	dma.local [hbm:s17], $0x2780  }
0x2a: {  	_ =	swait.ge [sflag:s20], $0x2780  }
0x2b: {  	[sflag:s20] =	ssyncset.done $0x0  }
0x2c: {  	[sflag:s20] =	ssyncadd.s32 $0xFFFFD880  }
0x2d: {  	[bflag:$0x0] =	sbarrier.arrive $0xFFFF  }
0x2e: {  	s19 =	rddreg [dreg:$0xc]  }
0x2f: {  	[tilespmem:s21], [sflag:$0x5] =	stream.linear.gather [hbm4b:s19+s4], $0x30, $0x38;
	[tilespmem:$0x15700] =	vst v63  }
0x30: {  	s18 =	rddreg [dreg:$0xd]  }
0x31: {  	[tilespmem:s22], [sflag:$0x6] =	stream.linear.gather [hbm4b:s18+s4], $0x30, $0x38;
	[tilespmem:$0x15700] =	vst v63  }
0x32: {  	s19 =	rddreg [dreg:$0xe]  }
0x33: {  	[tilespmem:s23], [sflag:$0x7] =	stream.linear.gather [hbm4b:s19+s4], $0x18, $0x38;
	[tilespmem:$0x15700] =	vst v63  }
0x34: {  	s18 =	rddreg [dreg:$0xf]  }
0x35: {  	[tilespmem:s24], [sflag:$0x8] =	stream.linear.gather [hbm4b:s18+s4], $0x18, $0x38;
	[tilespmem:$0x15700] =	vst v63  }
0x36: {  	s19 =	rddreg [dreg:$0x10]  }
0x37: {  	[tilespmem:s25], [sflag:$0x9] =	stream.linear.gather [hbm4b:s19+s4], $0x18, $0x38;
	[tilespmem:$0x15700] =	vst v63  }
0x38: {  	_ =	swait.ge [sflag:s26], $0x30  }
0x39: {  	[sflag:s26] =	ssyncset.done $0x0  }
0x3a: {  	[sflag:s26] =	ssyncadd.s32 $0xFFFFFFD0  }
0x3b: {  	_ =	swait.ge [sflag:s28], $0x18  }
0x3c: {  	[sflag:s28] =	ssyncset.done $0x0  }
0x3d: {  	[sflag:s28] =	ssyncadd.s32 $0xFFFFFFE8  }
0x3e: {  	[tilespmem:s30], [sflag:$0x1] =	stream.indirect.gather [hbm4b:s1+s29], $0x80, s21, s29, $0xb8;
	[tilespmem:$0x15700] =	vst v63  }
0x3f: {  	s18 =	rddreg [dreg:$0x11]  }
0x40: {  	[tilespmem:s31], [sflag:$0xA] =	stream.linear.gather [hbm4b:s18+s4], $0x18, $0x38;
	[tilespmem:$0x15700] =	vst v63  }
0x41: {  	_ =	swait.ge [sflag:s0], $0x18  }
0x42: {  	[sflag:s0] =	ssyncset.done $0x0  }
0x43: {  	[sflag:s0] =	ssyncadd.s32 $0xFFFFFFE8  }
0x44: {  	[tilespmem:s5], [sflag:$0x2] =	stream.indirect.gather [hbm4b:s1+s29], $0x80, s3, s29, $0xb8;
	[tilespmem:$0x15700] =	vst v63  }
0x45: {  	_ =	swait.ge [sflag:s6], $0xC00  }
0x46: {  	[sflag:s6] =	ssyncset.done $0x0  }
0x47: {  	[sflag:s6] =	ssyncadd.s32 $0xFFFFF400  }
0x48: {  	[spmem:s2] =	stream.indirect.scatter.add.f32 [tilespmem:s30], [sflag:$0x3], $0x80, s23, s29, $0xb8;
	[tilespmem:$0x15700] =	vst v63  }
0x49: {  	_ =	swait.ge [sflag:s9], $0xC00  }
0x4a: {  	[sflag:s9] =	ssyncset.done $0x0  }
0x4b: {  	[sflag:s9] =	ssyncadd.s32 $0xFFFFF400  }
0x4c: {  	[spmem:s2] =	stream.indirect.scatter.add.f32 [tilespmem:s5], [sflag:$0x4], $0x80, s24, s29, $0xb8;
	[tilespmem:$0x15700] =	vst v63  }
0x4d: {  	s19 =	rddreg [dreg:$0x12]  }
0x4e: {  	[tilespmem:s21], [sflag:$0x5] =	stream.linear.gather [hbm4b:s19+s4], $0x30, $0x38;
	[tilespmem:$0x15700] =	vst v63  }
0x4f: {  	_ =	swait.ge [sflag:s11], $0xC00  }
0x50: {  	[sflag:s11] =	ssyncset.done $0x0  }
0x51: {  	s18 =	rddreg [dreg:$0x13];
	[sflag:s11] =	ssyncadd.s32 $0xFFFFF400  }
0x52: {  	[tilespmem:s23], [sflag:$0x7] =	stream.linear.gather [hbm4b:s18+s4], $0x18, $0x38;
	[tilespmem:$0x15700] =	vst v63  }
0x53: {  	_ =	swait.ge [sflag:s12], $0x30  }
0x54: {  	[sflag:s12] =	ssyncset.done $0x0  }
0x55: {  	[sflag:s12] =	ssyncadd.s32 $0xFFFFFFD0  }
0x56: {  	_ =	swait.ge [sflag:s13], $0x18  }
0x57: {  	[sflag:s13] =	ssyncset.done $0x0  }
0x58: {  	[sflag:s13] =	ssyncadd.s32 $0xFFFFFFE8  }
0x59: {  	[tilespmem:s30], [sflag:$0x1] =	stream.indirect.gather [hbm4b:s1+s29], $0x80, s22, s29, $0xb8;
	[tilespmem:$0x15700] =	vst v63  }
0x5a: {  	_ =	swait.ge [sflag:s14], $0xC00  }
0x5b: {  	[sflag:s14] =	ssyncset.done $0x0  }
0x5c: {  	s19 =	rddreg [dreg:$0x14];
	[sflag:s14] =	ssyncadd.s32 $0xFFFFF400  }
0x5d: {  	[tilespmem:s24], [sflag:$0x8] =	stream.linear.gather [hbm4b:s19+s4], $0x18, $0x38;
	[tilespmem:$0x15700] =	vst v63  }
0x5e: {  	_ =	swait.ge [sflag:s8], $0x18  }
0x5f: {  	[sflag:s8] =	ssyncset.done $0x0  }
0x60: {  	[sflag:s8] =	ssyncadd.s32 $0xFFFFFFE8  }
0x61: {  	[tilespmem:s5], [sflag:$0x2] =	stream.indirect.gather [hbm4b:s1+s29], $0x80, s10, s29, $0xb8;
	[tilespmem:$0x15700] =	vst v63  }
0x62: {  	_ =	swait.ge [sflag:s6], $0xC00  }
0x63: {  	[sflag:s6] =	ssyncset.done $0x0  }
0x64: {  	[sflag:s6] =	ssyncadd.s32 $0xFFFFF400  }
0x65: {  	[spmem:s2] =	stream.indirect.scatter.add.f32 [tilespmem:s30], [sflag:$0x3], $0x80, s25, s29, $0xb8;
	[tilespmem:$0x15700] =	vst v63  }
0x66: {  	_ =	swait.ge [sflag:s9], $0xC00  }
0x67: {  	[sflag:s9] =	ssyncset.done $0x0  }
0x68: {  	[sflag:s9] =	ssyncadd.s32 $0xFFFFF400  }
0x69: {  	[spmem:s2] =	stream.indirect.scatter.add.f32 [tilespmem:s5], [sflag:$0x4], $0x80, s31, s29, $0xb8;
	[tilespmem:$0x15700] =	vst v63  }
0x6a: {  	s18 =	rddreg [dreg:$0x15]  }
0x6b: {  	[tilespmem:s22], [sflag:$0x6] =	stream.linear.gather [hbm4b:s18+s4], $0x30, $0x38;
	[tilespmem:$0x15700] =	vst v63  }
0x6c: {  	_ =	swait.ge [sflag:s11], $0xC00  }
0x6d: {  	s19 =	rddreg [dreg:$0x9];
	[sflag:s11] =	ssyncset.done $0x0  }
0x6e: {  	[sflag:s11] =	ssyncadd.s32 $0xFFFFF400;
	s17 =	sadd.s32 $0x0, s19  }
0x6f: {  	[tilespmem:s25], [sflag:$0x9] =	stream.linear.gather [hbm4b:s17+s4], $0x18, $0x38;
	[tilespmem:$0x15700] =	vst v63  }
0x70: {  	_ =	swait.ge [sflag:s26], $0x30  }
0x71: {  	[sflag:s26] =	ssyncset.done $0x0  }
0x72: {  	[sflag:s26] =	ssyncadd.s32 $0xFFFFFFD0  }
0x73: {  	_ =	swait.ge [sflag:s28], $0x18  }
0x74: {  	[sflag:s28] =	ssyncset.done $0x0  }
0x75: {  	[sflag:s28] =	ssyncadd.s32 $0xFFFFFFE8  }
0x76: {  	[tilespmem:s30], [sflag:$0x1] =	stream.indirect.gather [hbm4b:s1+s29], $0x80, s21, s29, $0xb8;
	[tilespmem:$0x15700] =	vst v63  }
0x77: {  	_ =	swait.ge [sflag:s14], $0xC00  }
0x78: {  	s18 =	rddreg [dreg:$0x8];
	[sflag:s14] =	ssyncset.done $0x0  }
0x79: {  	[sflag:s14] =	ssyncadd.s32 $0xFFFFF400;
	s17 =	sadd.s32 $0x0, s18  }
0x7a: {  	[tilespmem:s31], [sflag:$0xA] =	stream.linear.gather [hbm4b:s17+s4], $0x18, $0x38;
	[tilespmem:$0x15700] =	vst v63  }
0x7b: {  	_ =	swait.ge [sflag:s0], $0x18  }
0x7c: {  	[sflag:s0] =	ssyncset.done $0x0  }
0x7d: {  	[sflag:s0] =	ssyncadd.s32 $0xFFFFFFE8  }
0x7e: {  	[tilespmem:s5], [sflag:$0x2] =	stream.indirect.gather [hbm4b:s1+s29], $0x80, s3, s29, $0xb8;
	[tilespmem:$0x15700] =	vst v63  }
0x7f: {  	_ =	swait.ge [sflag:s6], $0xC00  }
0x80: {  	[sflag:s6] =	ssyncset.done $0x0  }
0x81: {  	[sflag:s6] =	ssyncadd.s32 $0xFFFFF400  }
0x82: {  	[spmem:s2] =	stream.indirect.scatter.add.f32 [tilespmem:s30], [sflag:$0x3], $0x80, s23, s29, $0xb8;
	[tilespmem:$0x15700] =	vst v63  }
0x83: {  	_ =	swait.ge [sflag:s9], $0xC00  }
0x84: {  	[sflag:s9] =	ssyncset.done $0x0  }
0x85: {  	s19 =	rddreg [dreg:$0x7];
	[sflag:s9] =	ssyncadd.s32 $0xFFFFF400  }
0x86: {  	[spmem:s2] =	stream.indirect.scatter.add.f32 [tilespmem:s5], [sflag:$0x4], $0x80, s24, s29, $0xb8;
	[tilespmem:$0x15700] =	vst v63  }
0x87: {  	s17 =	sadd.s32 $0x0, s19  }
0x88: {  	[tilespmem:s21], [sflag:$0x5] =	stream.linear.gather [hbm4b:s17+s4], $0x30, $0x38;
	[tilespmem:$0x15700] =	vst v63  }
0x89: {  	_ =	swait.ge [sflag:s11], $0xC00  }
0x8a: {  	s18 =	rddreg [dreg:$0x6];
	[sflag:s11] =	ssyncset.done $0x0  }
0x8b: {  	[sflag:s11] =	ssyncadd.s32 $0xFFFFF400;
	s17 =	sadd.s32 $0x0, s18  }
0x8c: {  	[tilespmem:s23], [sflag:$0x7] =	stream.linear.gather [hbm4b:s17+s4], $0x18, $0x38;
	[tilespmem:$0x15700] =	vst v63  }
0x8d: {  	_ =	swait.ge [sflag:s12], $0x30  }
0x8e: {  	[sflag:s12] =	ssyncset.done $0x0  }
0x8f: {  	[sflag:s12] =	ssyncadd.s32 $0xFFFFFFD0  }
0x90: {  	_ =	swait.ge [sflag:s13], $0x18  }
0x91: {  	[sflag:s13] =	ssyncset.done $0x0  }
0x92: {  	[sflag:s13] =	ssyncadd.s32 $0xFFFFFFE8  }
0x93: {  	[tilespmem:s30], [sflag:$0x1] =	stream.indirect.gather [hbm4b:s1+s29], $0x80, s22, s29, $0xb8;
	[tilespmem:$0x15700] =	vst v63  }
0x94: {  	_ =	swait.ge [sflag:s14], $0xC00  }
0x95: {  	s19 =	rddreg [dreg:$0x5];
	[sflag:s14] =	ssyncset.done $0x0  }
0x96: {  	[sflag:s14] =	ssyncadd.s32 $0xFFFFF400;
	s17 =	sadd.s32 $0x0, s19  }
0x97: {  	[tilespmem:s24], [sflag:$0x8] =	stream.linear.gather [hbm4b:s17+s4], $0x18, $0x38;
	[tilespmem:$0x15700] =	vst v63  }
0x98: {  	_ =	swait.ge [sflag:s8], $0x18  }
0x99: {  	[sflag:s8] =	ssyncset.done $0x0  }
0x9a: {  	[sflag:s8] =	ssyncadd.s32 $0xFFFFFFE8  }
0x9b: {  	[tilespmem:s5], [sflag:$0x2] =	stream.indirect.gather [hbm4b:s1+s29], $0x80, s10, s29, $0xb8;
	[tilespmem:$0x15700] =	vst v63  }
0x9c: {  	_ =	swait.ge [sflag:s6], $0xC00  }
0x9d: {  	[sflag:s6] =	ssyncset.done $0x0  }
0x9e: {  	[sflag:s6] =	ssyncadd.s32 $0xFFFFF400  }
0x9f: {  	[spmem:s2] =	stream.indirect.scatter.add.f32 [tilespmem:s30], [sflag:$0x3], $0x80, s25, s29, $0xb8;
	[tilespmem:$0x15700] =	vst v63  }
0xa0: {  	_ =	swait.ge [sflag:s9], $0xC00  }
0xa1: {  	[sflag:s9] =	ssyncset.done $0x0;
	s18 =	rddreg [dreg:$0x4]  }
0xa2: {  	s17 =	simm.s32 $0xC;
	[sflag:s9] =	ssyncadd.s32 $0xFFFFF400;
	s18 =	sadd.s32 $0x0, s18  }
0xa3: {  	[spmem:s2] =	stream.indirect.scatter.add.f32 [tilespmem:s5], [sflag:$0x4], $0x80, s31, s29, $0xb8;
	[tilespmem:$0x15700] =	vst v63  }
.LBB2_2:
0xa4: {  	[tilespmem:s22], [sflag:$0x6] =	stream.linear.gather [hbm4b:s18+s4], $0x30, $0x38;
	[tilespmem:$0x15700] =	vst v63  }
0xa5: {  	_ =	swait.ge [sflag:s11], $0xC00  }
0xa6: {  	s18 =	smov.u32 s17;
	s19 =	rddreg [dreg:$0x9];
	[sflag:s11] =	ssyncset.done $0x0  }
0xa7: {  	[sflag:s11] =	ssyncadd.s32 $0xFFFFF400;
	s19 =	sadd.s32 s18, s19  }
0xa8: {  	[tilespmem:s25], [sflag:$0x9] =	stream.linear.gather [hbm4b:s19+s4], $0x18, $0x38;
	[tilespmem:$0x15700] =	vst v63  }
0xa9: {  	_ =	swait.ge [sflag:s26], $0x30  }
0xaa: {  	[sflag:s26] =	ssyncset.done $0x0  }
0xab: {  	[sflag:s26] =	ssyncadd.s32 $0xFFFFFFD0  }
0xac: {  	_ =	swait.ge [sflag:s28], $0x18  }
0xad: {  	[sflag:s28] =	ssyncset.done $0x0  }
0xae: {  	[sflag:s28] =	ssyncadd.s32 $0xFFFFFFE8  }
0xaf: {  	[tilespmem:s30], [sflag:$0x1] =	stream.indirect.gather [hbm4b:s1+s29], $0x80, s21, s29, $0xb8;
	[tilespmem:$0x15700] =	vst v63  }
0xb0: {  	_ =	swait.ge [sflag:s14], $0xC00  }
0xb1: {  	s19 =	rddreg [dreg:$0x8];
	[sflag:s14] =	ssyncset.done $0x0  }
0xb2: {  	[sflag:s14] =	ssyncadd.s32 $0xFFFFF400;
	s19 =	sadd.s32 s18, s19  }
0xb3: {  	[tilespmem:s31], [sflag:$0xA] =	stream.linear.gather [hbm4b:s19+s4], $0x18, $0x38;
	[tilespmem:$0x15700] =	vst v63  }
0xb4: {  	_ =	swait.ge [sflag:s0], $0x18  }
0xb5: {  	[sflag:s0] =	ssyncset.done $0x0  }
0xb6: {  	[sflag:s0] =	ssyncadd.s32 $0xFFFFFFE8  }
0xb7: {  	[tilespmem:s5], [sflag:$0x2] =	stream.indirect.gather [hbm4b:s1+s29], $0x80, s3, s29, $0xb8;
	[tilespmem:$0x15700] =	vst v63  }
0xb8: {  	_ =	swait.ge [sflag:s6], $0xC00  }
0xb9: {  	[sflag:s6] =	ssyncset.done $0x0  }
0xba: {  	[sflag:s6] =	ssyncadd.s32 $0xFFFFF400  }
0xbb: {  	[spmem:s2] =	stream.indirect.scatter.add.f32 [tilespmem:s30], [sflag:$0x3], $0x80, s23, s29, $0xb8;
	[tilespmem:$0x15700] =	vst v63  }
0xbc: {  	_ =	swait.ge [sflag:s9], $0xC00  }
0xbd: {  	[sflag:s9] =	ssyncset.done $0x0  }
0xbe: {  	s19 =	rddreg [dreg:$0x7];
	[sflag:s9] =	ssyncadd.s32 $0xFFFFF400  }
0xbf: {  	[spmem:s2] =	stream.indirect.scatter.add.f32 [tilespmem:s5], [sflag:$0x4], $0x80, s24, s29, $0xb8;
	[tilespmem:$0x15700] =	vst v63  }
0xc0: {  	s19 =	sadd.s32 s18, s19  }
0xc1: {  	[tilespmem:s21], [sflag:$0x5] =	stream.linear.gather [hbm4b:s19+s4], $0x30, $0x38;
	[tilespmem:$0x15700] =	vst v63  }
0xc2: {  	_ =	swait.ge [sflag:s11], $0xC00  }
0xc3: {  	s19 =	rddreg [dreg:$0x6];
	[sflag:s11] =	ssyncset.done $0x0  }
0xc4: {  	[sflag:s11] =	ssyncadd.s32 $0xFFFFF400;
	s19 =	sadd.s32 s18, s19  }
0xc5: {  	[tilespmem:s23], [sflag:$0x7] =	stream.linear.gather [hbm4b:s19+s4], $0x18, $0x38;
	[tilespmem:$0x15700] =	vst v63  }
0xc6: {  	_ =	swait.ge [sflag:s12], $0x30  }
0xc7: {  	[sflag:s12] =	ssyncset.done $0x0  }
0xc8: {  	[sflag:s12] =	ssyncadd.s32 $0xFFFFFFD0  }
0xc9: {  	_ =	swait.ge [sflag:s13], $0x18  }
0xca: {  	[sflag:s13] =	ssyncset.done $0x0  }
0xcb: {  	[sflag:s13] =	ssyncadd.s32 $0xFFFFFFE8  }
0xcc: {  	[tilespmem:s30], [sflag:$0x1] =	stream.indirect.gather [hbm4b:s1+s29], $0x80, s22, s29, $0xb8;
	[tilespmem:$0x15700] =	vst v63  }
0xcd: {  	_ =	swait.ge [sflag:s14], $0xC00  }
0xce: {  	s19 =	rddreg [dreg:$0x5];
	[sflag:s14] =	ssyncset.done $0x0  }
0xcf: {  	[sflag:s14] =	ssyncadd.s32 $0xFFFFF400;
	s19 =	sadd.s32 s18, s19  }
0xd0: {  	[tilespmem:s24], [sflag:$0x8] =	stream.linear.gather [hbm4b:s19+s4], $0x18, $0x38;
	[tilespmem:$0x15700] =	vst v63  }
0xd1: {  	_ =	swait.ge [sflag:s8], $0x18  }
0xd2: {  	[sflag:s8] =	ssyncset.done $0x0  }
0xd3: {  	[sflag:s8] =	ssyncadd.s32 $0xFFFFFFE8  }
0xd4: {  	[tilespmem:s5], [sflag:$0x2] =	stream.indirect.gather [hbm4b:s1+s29], $0x80, s10, s29, $0xb8;
	[tilespmem:$0x15700] =	vst v63  }
0xd5: {  	_ =	swait.ge [sflag:s6], $0xC00  }
0xd6: {  	[sflag:s6] =	ssyncset.done $0x0  }
0xd7: {  	p0 =	sne.s32 s17, $0x4D4;
	[sflag:s6] =	ssyncadd.s32 $0xFFFFF400  }
0xd8: {  	[spmem:s2] =	stream.indirect.scatter.add.f32 [tilespmem:s30], [sflag:$0x3], $0x80, s25, s29, $0xb8;
	[tilespmem:$0x15700] =	vst v63  }
.Ltmp0:
0xd9: {  	_ = 	snop;
	(pc) =	sbr.rel @p0 .LBB2_2-.Ltmp0, $4  }
0xda: {  	_ =	swait.ge [sflag:s9], $0xC00  }
0xdb: {  	[sflag:s9] =	ssyncset.done $0x0;
	s19 =	rddreg [dreg:$0x4]  }
0xdc: {  	s17 =	sadd.s32 $0xC, s17;
	[sflag:s9] =	ssyncadd.s32 $0xFFFFF400;
	s18 =	sadd.s32 s18, s19  }
0xdd: {  	[spmem:s2] =	stream.indirect.scatter.add.f32 [tilespmem:s5], [sflag:$0x4], $0x80, s31, s29, $0xb8;
	[tilespmem:$0x15700] =	vst v63  }
0xde: {  	[tilespmem:s22], [sflag:$0x6] =	stream.linear.gather [hbm4b:s18+s4], $0x30, $0x38;
	[tilespmem:$0x15700] =	vst v63  }
0xdf: {  	_ =	swait.ge [sflag:s11], $0xC00  }
0xe0: {  	[sflag:s11] =	ssyncset.done $0x0  }
0xe1: {  	[sflag:s11] =	ssyncadd.s32 $0xFFFFF400  }
0xe2: {  	_ =	swait.ge [sflag:s14], $0xC00  }
0xe3: {  	[sflag:s14] =	ssyncset.done $0x0  }
0xe4: {  	[sflag:s14] =	ssyncadd.s32 $0xFFFFF400  }
0xe5: {  	_ =	swait.ge [sflag:s26], $0x30  }
0xe6: {  	[sflag:s26] =	ssyncset.done $0x0  }
0xe7: {  	[sflag:s26] =	ssyncadd.s32 $0xFFFFFFD0  }
0xe8: {  	_ =	swait.ge [sflag:s12], $0x30  }
0xe9: {  	[sflag:s12] =	ssyncset.done $0x0  }
0xea: {  	[sflag:s12] =	ssyncadd.s32 $0xFFFFFFD0  }
0xeb: {  	_ =	swait.ge [sflag:s28], $0x18  }
0xec: {  	[sflag:s28] =	ssyncset.done $0x0  }
0xed: {  	[sflag:s28] =	ssyncadd.s32 $0xFFFFFFE8  }
0xee: {  	_ =	swait.ge [sflag:s0], $0x18  }
0xef: {  	[sflag:s0] =	ssyncset.done $0x0  }
0xf0: {  	[sflag:s0] =	ssyncadd.s32 $0xFFFFFFE8  }
0xf1: {  	[bflag:$0x0] =	sbarrier.arrive $0xFFFF  }
0xf2: {  	s17 =	rddreg [dreg:$0x16]  }
0xf3: {  	[hbm:s17], [sflag:s7] =	dma.local [spmem:s16], $0x2780  }
0xf4: {  	_ =	swait.ge [sflag:s20], $0x2780  }
0xf5: {  	s15 =	sadd.s32 $0x1, s15;
	s19 =	rddreg [dreg:$0x17]  }
0xf6: {  	p0 =	sne.s32 s15, s19  }
.Ltmp1:
0xf7: {  	_ = 	snop;
	(pc) =	sbr.rel @p0 .LBB2_1-.Ltmp1, $3  }
0xf8: {  	_ =	sdelay $0x1  }
0xf9: {  	[sflag:s20] =	ssyncset.done $0x0  }
0xfa: {  	[sflag:s20] =	ssyncadd.s32 $0xFFFFD880  }
0xfb: {  	_ =	sfence.sel $0x180000  }
0xfc: {  	[bflag:$0x0] =	sbarrier.arrive $0xFFFF  }
0xfd: {  	_ =	strace $0x9000004D  }
0xfe: {  	s0 =	stileid.u32;
	[bflag:$0x2] =	sbarrier.arrive $0xFFFF  }
0xff: {  	p0 =	sne.s32 s0, $0x0;
	s0 =	rddreg [dreg:$0x3]  }
0x100: {  	s0 =	sadd.s32 @!p0 $0x100000, s0  }
0x101: {  	[sflag:s0] =	ssyncadd.tile.s32 @!p0 $0x1;
	_ =	shalt  }
.Lfunc_end2:
_tile_overlayer_lowered:
.L_overlay_start_2:
0x102: {  	(tag) =	ssettag $0x2  }
0x103: {  	s0 =	rddreg [dreg:$0x0];
	s2 =	stileid.u32  }
0x104: {  	s1 =	rddreg [dreg:$0x1];
	p0 =	sne.s32 s2, $0x0  }
0x105: {  	s3 =	rddreg [dreg:$0x2];
	[bflag:$0x3] =	sbarrier.arrive $0xFFFF;
	s2 =	simm.s32 @!p0 $0x1C0B  }
0x106: {  	[timem:s3], [sflag:s2] =	dma.local @!p0 [hbm:s0], s1  }
0x107: {  	s0 =	simm.s32 @!p0 $0xB  }
0x108: {  	_ =	swait.ge @!p0 [sflag:s0], s1  }
0x109: {  	s1 =	ssub.s32 @!p0 $0x0, s1;
	[sflag:s0] =	ssyncset.done @!p0 $0x0  }
0x10a: {  	[sflag:s0] =	ssyncadd.s32 @!p0 s1  }
0x10b: {  	[bflag:$0x3] =	sbarrier.arrive $0xFFFF  }
0x10c: {  	_ =	shalt  }

// kernel: kernel.18.cloned.1.call-start
scs
__scs_entry_jumppad:
0x0: {  	(pc) =	sbr.rel $0x88, $3  }
0x1: {  	(tag) =	ssettag $0x0;
	lr =	simm.s32 $0x1  }
0x2: {  	[smem:$0x3F96] =	sst lr;
	_ =	strace $0xD0000000  }
0x3: {  	_ = 	snop  }
0x4: {  	_ = 	snop  }
0x5: {  	_ = 	snop  }
0x6: {  	_ = 	snop  }
0x7: {  	_ = 	snop  }
__scs_overlays_trampoline_lowered:
0x8: {  	[smem:$0x3FA5] =	sst s0  }
0x9: {  	[smem:$0x3FA6] =	sst s1  }
0xa: {  	[smem:$0x3FA7] =	sst s2  }
0xb: {  	[smem:$0x3FA8] =	sst s3  }
0xc: {  	[smem:$0x3FA9] =	sst s4  }
0xd: {  	[smem:$0x3FAA] =	sst s5  }
0xe: {  	[smem:$0x3FAB] =	sst s6  }
0xf: {  	[smem:$0x3FAC] =	sst s7  }
0x10: {  	[smem:$0x3FAD] =	sst s8  }
0x11: {  	[smem:$0x3FAE] =	sst s9;
	s0 =	simm.s32 @!p0 $0x0  }
0x12: {  	s1 =	sld [smem:$0x3F94];
	s0 =	simm.s32 @p0 $0x1  }
0x13: {  	[smem:$0x3FAF] =	sst s0;
	s0 =	simm.s32 @!p1 $0x0  }
0x14: {  	s2 =	sld [smem:$0x3F93];
	s0 =	simm.s32 @p1 $0x1  }
0x15: {  	[smem:$0x3FB0] =	sst s0;
	s0 =	simm.s32 @!p2 $0x0  }
0x16: {  	s3 =	sld [smem:$0x3FDB];
	s0 =	simm.s32 @p2 $0x1  }
0x17: {  	s4 =	simm.s32 $0x1BF5;
	[smem:$0x3FB2] =	sst s0  }
0x18: {  	s0 =	sld [smem:$0x3F95];
	_ =	swait.ge [sflag:s4], $0x0  }
0x19: {  	s7 =	sld [smem:$0x3F96]  }
0x1a: {  	s8 =	sadd.s32 $0xFFFFE003, lr  }
0x1b: {  	s9 =	sadd.s32 $0xFFFFFEF7, lr;
	s5 =	simm.s32 $0xFFFFFFFF;
	p2 =	slt.u32 s8, $0xFFFFF086  }
0x1c: {  	p1 =	slt.u32 s9, $0xF7A;
	s5 =	simm.s32 @!p2 $0x0  }
0x1d: {  	s5 =	simm.s32 @p1 $0x1;
	p0 =	seq.s32 s7, s2  }
0x1e: {  	s7 =	smul.u32 @!p0 $0xF7A, s2;
	p2 =	seq.s32 @!p0 s5, $0x0  }
0x1f: {  	s9 =	smul.u32 $0xF7A, s1;
	s8 =	simm.s32 @!p0 $0x1BF5;
	p2 =	por !p2, p0  }
0x20: {  	[sflag:s8] =	ssyncset.s32 @!p0 $0xFFFFF086;
	s6 =	sadd.s32 @!p0 s3, s7;
	s7 =	simm.s32 @!p0 $0x108  }
0x21: {  	s3 =	sadd.s32 s3, s9;
	s6 =	sadd.s32 @!p0 $0x88, s6;
	s7 =	simm.s32 @p2 $0x1082  }
0x22: {  	[simem:s7], [sflag:s8] =	dma.local @!p0 [hbm:s6], $0xF7A  }
0x23: {  	s9 =	sor.u32 $0xD0000000, s2;
	s6 =	simm.s32 $0x108;
	_ =	swait.ge @!p0 [sflag:s8], $0x0  }
0x24: {  	s3 =	sadd.s32 $0x88, s3;
	s6 =	simm.s32 @!p1 $0x1082;
	[sflag:s4] =	ssyncset.s32 $0xFFFFF086  }
0x25: {  	[simem:s6], [sflag:s4] =	dma.local [hbm:s3], $0xF7A  }
0x26: {  	[smem:$0x3F96] =	sst s1;
	(tag) =	ssettag s2;
	_ =	strace s9  }
0x27: {  	s1 =	sld [smem:$0x3FA6]  }
0x28: {  	s2 =	sld [smem:$0x3FA7]  }
0x29: {  	s4 =	sld [smem:$0x3FA9]  }
0x2a: {  	p0 =	seq.s32 s5, $0x0;
	s5 =	sld [smem:$0x3FAA]  }
0x2b: {  	s6 =	sld [smem:$0x3FAB]  }
0x2c: {  	s7 =	sld [smem:$0x3FAC]  }
0x2d: {  	s3 =	simm.s32 $0x108;
	s8 =	sld [smem:$0x3FAD]  }
0x2e: {  	s3 =	simm.s32 @!p0 $0x1082;
	s9 =	sld [smem:$0x3FAE]  }
0x2f: {  	lr =	sadd.s32 s0, s3;
	s0 =	sld [smem:$0x3FA5]  }
0x30: {  	s3 =	sld [smem:$0x3FA8]  }
0x31: {  	[smem:$0x3FB1] =	sst s10  }
0x32: {  	s10 =	sld [smem:$0x3FAF];
	_ =	sdelay $0x3  }
0x33: {  	p0 =	seq.s32 s10, $0x1;
	s10 =	sld [smem:$0x3FB1];
	_ =	sdelay $0x3  }
0x34: {  	[smem:$0x3FB1] =	sst s10  }
0x35: {  	s10 =	sld [smem:$0x3FB0];
	_ =	sdelay $0x3  }
0x36: {  	p1 =	seq.s32 s10, $0x1;
	s10 =	sld [smem:$0x3FB1];
	_ =	sdelay $0x3  }
0x37: {  	[smem:$0x3FB1] =	sst s10  }
0x38: {  	s10 =	sld [smem:$0x3FB2]  }
0x39: {  	_ = 	snop;
	(pc) =	sbr.ind lr, $3  }
0x3a: {  	_ = 	snop  }
0x3b: {  	_ = 	snop  }
0x3c: {  	p2 =	seq.s32 s10, $0x1;
	s10 =	sld [smem:$0x3FB1]  }
0x3d: {  	_ =	shalt  }
0x3e: {  	_ =	shalt  }
0x3f: {  	_ =	shalt  }
0x40: {  	_ =	shalt  }
0x41: {  	_ =	shalt  }
0x42: {  	_ =	shalt  }
0x43: {  	_ =	shalt  }
0x44: {  	_ =	shalt  }
0x45: {  	_ =	shalt  }
0x46: {  	_ =	shalt  }
0x47: {  	_ =	shalt  }
0x48: {  	_ =	shalt  }
0x49: {  	_ =	shalt  }
0x4a: {  	_ =	shalt  }
0x4b: {  	_ =	shalt  }
0x4c: {  	_ =	shalt  }
0x4d: {  	_ =	shalt  }
0x4e: {  	_ =	shalt  }
0x4f: {  	_ =	shalt  }
0x50: {  	_ =	shalt  }
0x51: {  	_ =	shalt  }
0x52: {  	_ =	shalt  }
0x53: {  	_ =	shalt  }
0x54: {  	_ =	shalt  }
0x55: {  	_ =	shalt  }
0x56: {  	_ =	shalt  }
0x57: {  	_ =	shalt  }
0x58: {  	_ =	shalt  }
0x59: {  	_ =	shalt  }
0x5a: {  	_ =	shalt  }
0x5b: {  	_ =	shalt  }
0x5c: {  	_ =	shalt  }
0x5d: {  	_ =	shalt  }
0x5e: {  	_ =	shalt  }
0x5f: {  	_ =	shalt  }
0x60: {  	_ =	shalt  }
0x61: {  	_ =	shalt  }
0x62: {  	_ =	shalt  }
0x63: {  	_ =	shalt  }
0x64: {  	_ =	shalt  }
0x65: {  	_ =	shalt  }
0x66: {  	_ =	shalt  }
0x67: {  	_ =	shalt  }
0x68: {  	_ =	shalt  }
0x69: {  	_ =	shalt  }
0x6a: {  	_ =	shalt  }
0x6b: {  	_ =	shalt  }
0x6c: {  	_ =	shalt  }
0x6d: {  	_ =	shalt  }
0x6e: {  	_ =	shalt  }
0x6f: {  	_ =	shalt  }
0x70: {  	_ =	shalt  }
0x71: {  	_ =	shalt  }
0x72: {  	_ =	shalt  }
0x73: {  	_ =	shalt  }
0x74: {  	_ =	shalt  }
0x75: {  	_ =	shalt  }
0x76: {  	_ =	shalt  }
0x77: {  	_ =	shalt  }
0x78: {  	_ =	shalt  }
0x79: {  	_ =	shalt  }
0x7a: {  	_ =	shalt  }
0x7b: {  	_ =	shalt  }
0x7c: {  	_ =	shalt  }
0x7d: {  	_ =	shalt  }
0x7e: {  	_ =	shalt  }
0x7f: {  	_ =	shalt  }
0x80: {  	_ =	shalt  }
0x81: {  	_ =	shalt  }
0x82: {  	_ =	shalt  }
0x83: {  	_ =	shalt  }
0x84: {  	_ =	shalt  }
0x85: {  	_ =	shalt  }
0x86: {  	_ =	shalt  }
0x87: {  	_ =	shalt  }
.Lfunc_end0:
.L_simem_size_0:
called_computation.3_lowered:
.L_overlay_start_0:
0x88: {  	s2 =	sld [smem:$0x3FD9]  }
0x89: {  	s3 =	sld [smem:$0x3FFE];
	_ =	sdelay $0x1  }
0x8a: {  	s1 =	srdreg.scid  }
0x8b: {  	s0 =	sand.u32 $0x1, s1  }
0x8c: {  	s17 =	sshll.u32 s0, $0xA;
	s2 =	sadd.s32 s3, s2  }
0x8d: {  	s2 =	sadd.s32 s2, s17  }
0x8e: {  	[smem:$0x3FBD] =	sst s2  }
0x8f: {  	_ = 	snop  }
0x90: {  	s2 =	sld [smem:$0x3FD0];
	(tm) =	ssettm $0x1  }
0x91: {  	s18 =	sld [smem:$0x3FFB];
	_ =	sdelay $0x3  }
0x92: {  	_ =	strace s18  }
0x93: {  	s3 =	sld [smem:$0x3FFC];
	_ =	sdelay $0x3  }
0x94: {  	_ =	strace s3  }
0x95: {  	s3 =	sld [smem:$0x3FFD];
	_ =	sdelay $0x3  }
0x96: {  	_ =	strace s3  }
0x97: {  	_ =	strace $0x8FFFFFFF  }
0x98: {  	s19 =	sld [smem:$0x3FDB];
	_ =	sdelay $0x1  }
0x99: {  	s4 =	simm.s32 $_scs_section_size  }
0x9a: {  	s5 =	simm.s32 $_size__tile_overlayer_lowered;
	s6 =	simm.s32 $_tile_overlayer_lowered  }
0x9b: {  	s22 =	simm.s32 $0x1BFF;
	s21 =	sshll.u32 s6, $0x1;
	s3 =	sadd.s32 s4, s19  }
0x9c: {  	s7 =	simm.s32 $0x0;
	s20 =	sshll.u32 s5, $0x1;
	s5 =	sadd.s32 s21, s3  }
0x9d: {  	[timem:s7], [sflag:s22] =	dma.local [hbm:s5], s20  }
0x9e: {  	_ =	swait.ge [sflag:s22], s20  }
0x9f: {  	s4 =	ssub.s32 $0x0, s20;
	[sflag:s22] =	ssyncset.done $0x0  }
0xa0: {  	[sflag:s22] =	ssyncadd.s32 s4;
	_ =	sdelay $0x1  }
0xa1: {  	s23 =	simm.s32 $0x1B8B  }
0xa2: {  	_ =	swait.ge [sflag:s23], $0x1  }
0xa3: {  	[sflag:s23] =	ssyncset.done $0x0  }
0xa4: {  	s25 =	simm.s32 $0x1B8E;
	s24 =	sld [smem:$0x3FFE];
	[sflag:s23] =	ssyncadd.s32 $0xFFFFFFFF  }
0xa5: {  	s26 =	simm.s32 $execute0_lowered;
	[smem:$0x3FD2] =	sst s25  }
0xa6: {  	s5 =	sshll.u32 s26, $0x1;
	_ =	strace $0x8000004F;
	[dreg:$0x1] =	wrdreg $0xFFFFFFFF  }
0xa7: {  	s28 =	simm.s32 $_size_execute0_lowered;
	s3 =	sadd.s32 s3, s5;
	[dreg:$0x0] =	wrdreg $0x0  }
0xa8: {  	s5 =	sshll.u32 s28, $0x1;
	[dreg:$0x2] =	wrdreg s3  }
0xa9: {  	[dreg:$0x3] =	wrdreg s5  }
0xaa: {  	[dreg:$0x4] =	wrdreg $0xC0  }
0xab: {  	_ =	task [dreg:s7], $0x5FFFF  }
0xac: {  	[dreg:$0x1] =	wrdreg $0xFFFFFFFF  }
0xad: {  	[dreg:$0x0] =	wrdreg $0x60  }
0xae: {  	[dreg:$0x2] =	wrdreg s2  }
0xaf: {  	[dreg:$0x3] =	wrdreg s24  }
0xb0: {  	[dreg:$0x4] =	wrdreg $0x0  }
0xb1: {  	[dreg:$0x5] =	wrdreg $0x9  }
0xb2: {  	_ =	task.clear_ibuf [dreg:s7], $0x6FFFF;
	_ =	strace $0x9000004F  }
0xb3: {  	s29 =	simm.s32 $0x9;
	_ =	strace $0x80000051  }
0xb4: {  	_ =	swait.ge [sflag:s29], $0x1  }
0xb5: {  	[sflag:s29] =	ssyncadd.s32 $0xFFFFFFFF  }
0xb6: {  	_ =	strace $0x90000051  }
0xb7: {  	_ =	sfence  }
0xb8: {  	s30 =	sld [smem:$0x0];
	_ =	sdelay $0x2  }
0xb9: {  	s31 =	sshll.u32 s1, $0xD;
	s1 =	sshrl.u32 s1, $0x2  }
0xba: {  	s3 =	sand.u32 $0x4000, s31;
	s1 =	sadd.s32 s1, s30  }
0xbb: {  	s0 =	sor.u32 s3, s0;
	s1 =	sshll.u32 s1, $0x11  }
0xbc: {  	s0 =	sor.u32 s1, s0  }
0xbd: {  	s0 =	sadd.s32 $0x8F2B, s0  }
0xbe: {  	[sflag:s0] =	ssyncadd.remote.s32 $0x1  }
0xbf: {  	_ =	sfence.sel $0xFFFF  }
0xc0: {  	[dreg:$0x0] =	wrdreg $0xFFFFFFFF;
	(pc) =	sbr.abs _section_cstart, $3  }
0xc1: {  	[dreg:$0x1] =	wrdreg $0xFFFFFFFF  }
0xc2: {  	_ =	task.clear_ibuf [dreg:s7], $0x2FFFF;
	_ =	strace $0x9FFFFFFF  }
0xc3: {  	(tm) =	ssettm $0x7FFFFFFF  }
tec
execute0_lowered:
.L_overlay_start_1:
0x0: {  	(tag) =	ssettag $0x1  }
0x1: {  	s1 =	rddreg [dreg:$0x0]  }
0x2: {  	s0 =	rddreg [dreg:$0x1]  }
0x3: {  	s2 =	rddreg [dreg:$0x2];
	s3 =	srdreg.scid  }
0x4: {  	s4 =	simm.s32 $0x0;
	s13 =	stileid.u32;
	s28 =	simm.s32 $0x7  }
0x5: {  	s29 =	simm.s32 $0x18;
	s30 =	simm.s32 $0x13F00;
	s31 =	simm.s32 $0x13E80  }
0x6: {  	s3 =	sand.u32 $0x1, s3;
	[smem:$0x7FF] =	sst s4;
	s6 =	smul.u32 $0x13C00, s13  }
0x7: {  	s8 =	sadd.s32 $0xCC00, s0;
	s9 =	sadd.s32 $0x2E00, s0;
	s10 =	smul.u32 $0x4F000, s13  }
0x8: {  	s11 =	sadd.s32 $0x16A00, s0;
	s24 =	sshll.u32 s13, $0x6;
	s5 =	smul.u32 $0x13C000, s3  }
0x9: {  	s7 =	sshll.u32 s3, $0x4;
	_ =	strace $0x80000050;
	s20 =	ssub.s32 $0x2, s3  }
0xa: {  	[dreg:$0xa] =	wrdreg s11;
	s3 =	smul.u32 $0x27600, s3;
	s7 =	sor.u32 s13, s7  }
0xb: {  	s21 =	sshrl.u32 s20, $0x1;
	s22 =	sshrl.u32 s10, $0x2;
	s13 =	smul.u32 $0x2760, s13  }
0xc: {  	s5 =	sadd.s32 s6, s5;
	s19 =	smul.u32 $0x2760, s7;
	s7 =	sadd.s32 s22, s2  }
0xd: {  	s5 =	sshrl.u32 s5, $0x3;
	[dreg:$0xb] =	wrdreg s7;
	s7 =	sor.u32 $0x1C0B, s24  }
0xe: {  	s3 =	sadd.s32 s13, s3;
	s13 =	simm.s32 $0x9;
	s0 =	sadd.s32 s5, s0  }
0xf: {  	s5 =	ssub.s32 s20, s21;
	s23 =	sshrl.u32 s19, $0x3;
	s26 =	sadd.s32 $0x48, s19  }
0x10: {  	s6 =	sadd.s32 $0x78, s19;
	s16 =	sadd.s32 $0xF0, s3;
	s18 =	sadd.s32 $0xD8, s3  }
0x11: {  	s19 =	sadd.s32 $0xC0, s3;
	s24 =	sadd.s32 $0xA8, s3;
	s3 =	sadd.s32 $0x90, s3  }
0x12: {  	s25 =	sadd.s32 $0x6, s23;
	s14 =	sadd.s32 s8, s23;
	s15 =	sadd.s32 s9, s23  }
0x13: {  	s10 =	sadd.s32 $0xC, s23;
	s6 =	sshrl.u32 s6, $0x3;
	s17 =	sshrl.u32 s16, $0x3  }
0x14: {  	s21 =	sshrl.u32 s19, $0x3;
	s0 =	sadd.s32 $0x68200, s0;
	[dreg:$0xe] =	wrdreg s15  }
0x15: {  	s3 =	sshrl.u32 s3, $0x3;
	s5 =	smax.u32 s5, $0x1;
	[dreg:$0xc] =	wrdreg s14  }
0x16: {  	s12 =	sadd.s32 s8, s25;
	s15 =	sadd.s32 $0x3, s15;
	[dreg:$0x16] =	wrdreg s0  }
0x17: {  	s11 =	sadd.s32 s9, s25;
	s6 =	sadd.s32 s9, s6;
	[dreg:$0x17] =	wrdreg s5  }
0x18: {  	s22 =	sadd.s32 $0x12, s14;
	s23 =	sadd.s32 s21, s9;
	[dreg:$0xd] =	wrdreg s12  }
0x19: {  	s25 =	sadd.s32 s21, s8;
	s0 =	sshrl.u32 s24, $0x3;
	[dreg:$0xf] =	wrdreg s15  }
0x1a: {  	s21 =	simm.s32 $0x13C00;
	s24 =	simm.s32 $0x13D80;
	[dreg:$0x10] =	wrdreg s11  }
0x1b: {  	s5 =	simm.s32 $0x14B00;
	s14 =	simm.s32 $0x4;
	[dreg:$0x14] =	wrdreg s6  }
0x1c: {  	s12 =	sshrl.u32 s26, $0x3;
	s15 =	sadd.s32 s8, s10;
	[dreg:$0x15] =	wrdreg s22  }
0x1d: {  	s10 =	sadd.s32 s9, s10;
	s6 =	sadd.s32 s17, s8;
	[dreg:$0x6] =	wrdreg s23  }
0x1e: {  	[dreg:$0x7] =	wrdreg s25;
	s0 =	sadd.s32 s0, s9;
	s26 =	sadd.s32 s3, s9  }
0x1f: {  	s22 =	simm.s32 $0x13C80;
	s23 =	simm.s32 $0x13D00;
	[dreg:$0x12] =	wrdreg s15  }
0x20: {  	s25 =	simm.s32 $0x13E00;
	s3 =	simm.s32 $0x13C18;
	[dreg:$0x13] =	wrdreg s10  }
0x21: {  	s11 =	simm.s32 $0x3;
	s8 =	simm.s32 $0xA;
	[dreg:$0x4] =	wrdreg s6  }
0x22: {  	s12 =	sadd.s32 s9, s12;
	s10 =	sshrl.u32 s18, $0x3;
	[dreg:$0x8] =	wrdreg s0  }
0x23: {  	[dreg:$0x9] =	wrdreg s26;
	s26 =	simm.s32 $0x5;
	s0 =	simm.s32 $0x8  }
0x24: {  	s6 =	simm.s32 $0x1;
	s15 =	simm.s32 $0x0;
	[dreg:$0x11] =	wrdreg s12  }
0x25: {  	s20 =	sadd.s32 s10, s9;
	s9 =	simm.s32 $0x2;
	s12 =	simm.s32 $0x6  }
0x26: {  	s10 =	simm.s32 $0x13C98;
	[dreg:$0x5] =	wrdreg s20;
	s20 =	simm.s32 $0xB  }
.LBB2_1:
0x27: {  	s16 =	rddreg [dreg:$0xb]  }
0x28: {  	s17 =	rddreg [dreg:$0xa];
	s16 =	sshrl.u32 s16, $0x3  }
0x29: {  	[spmem:s16], [sflag:s7] =	dma.local [hbm:s17], $0x2780  }
0x2a: {  	_ =	swait.ge [sflag:s20], $0x2780  }
0x2b: {  	[sflag:s20] =	ssyncset.done $0x0  }
0x2c: {  	[sflag:s20] =	ssyncadd.s32 $0xFFFFD880  }
0x2d: {  	[bflag:$0x0] =	sbarrier.arrive $0xFFFF  }
0x2e: {  	s19 =	rddreg [dreg:$0xc]  }
0x2f: {  	[tilespmem:s21], [sflag:$0x5] =	stream.linear.gather [hbm4b:s19+s4], $0x30, $0x38;
	[tilespmem:$0x15700] =	vst v63  }
0x30: {  	s18 =	rddreg [dreg:$0xd]  }
0x31: {  	[tilespmem:s22], [sflag:$0x6] =	stream.linear.gather [hbm4b:s18+s4], $0x30, $0x38;
	[tilespmem:$0x15700] =	vst v63  }
0x32: {  	s19 =	rddreg [dreg:$0xe]  }
0x33: {  	[tilespmem:s23], [sflag:$0x7] =	stream.linear.gather [hbm4b:s19+s4], $0x18, $0x38;
	[tilespmem:$0x15700] =	vst v63  }
0x34: {  	s18 =	rddreg [dreg:$0xf]  }
0x35: {  	[tilespmem:s24], [sflag:$0x8] =	stream.linear.gather [hbm4b:s18+s4], $0x18, $0x38;
	[tilespmem:$0x15700] =	vst v63  }
0x36: {  	s19 =	rddreg [dreg:$0x10]  }
0x37: {  	[tilespmem:s25], [sflag:$0x9] =	stream.linear.gather [hbm4b:s19+s4], $0x18, $0x38;
	[tilespmem:$0x15700] =	vst v63  }
0x38: {  	_ =	swait.ge [sflag:s26], $0x30  }
0x39: {  	[sflag:s26] =	ssyncset.done $0x0  }
0x3a: {  	[sflag:s26] =	ssyncadd.s32 $0xFFFFFFD0  }
0x3b: {  	_ =	swait.ge [sflag:s28], $0x18  }
0x3c: {  	[sflag:s28] =	ssyncset.done $0x0  }
0x3d: {  	[sflag:s28] =	ssyncadd.s32 $0xFFFFFFE8  }
0x3e: {  	[tilespmem:s30], [sflag:$0x1] =	stream.indirect.gather [hbm4b:s1+s29], $0x80, s21, s29, $0xb8;
	[tilespmem:$0x15700] =	vst v63  }
0x3f: {  	s18 =	rddreg [dreg:$0x11]  }
0x40: {  	[tilespmem:s31], [sflag:$0xA] =	stream.linear.gather [hbm4b:s18+s4], $0x18, $0x38;
	[tilespmem:$0x15700] =	vst v63  }
0x41: {  	_ =	swait.ge [sflag:s0], $0x18  }
0x42: {  	[sflag:s0] =	ssyncset.done $0x0  }
0x43: {  	[sflag:s0] =	ssyncadd.s32 $0xFFFFFFE8  }
0x44: {  	[tilespmem:s5], [sflag:$0x2] =	stream.indirect.gather [hbm4b:s1+s29], $0x80, s3, s29, $0xb8;
	[tilespmem:$0x15700] =	vst v63  }
0x45: {  	_ =	swait.ge [sflag:s6], $0xC00  }
0x46: {  	[sflag:s6] =	ssyncset.done $0x0  }
0x47: {  	[sflag:s6] =	ssyncadd.s32 $0xFFFFF400  }
0x48: {  	[spmem:s2] =	stream.indirect.scatter.add.f32 [tilespmem:s30], [sflag:$0x3], $0x80, s23, s29, $0xb8;
	[tilespmem:$0x15700] =	vst v63  }
0x49: {  	_ =	swait.ge [sflag:s9], $0xC00  }
0x4a: {  	[sflag:s9] =	ssyncset.done $0x0  }
0x4b: {  	[sflag:s9] =	ssyncadd.s32 $0xFFFFF400  }
0x4c: {  	[spmem:s2] =	stream.indirect.scatter.add.f32 [tilespmem:s5], [sflag:$0x4], $0x80, s24, s29, $0xb8;
	[tilespmem:$0x15700] =	vst v63  }
0x4d: {  	s19 =	rddreg [dreg:$0x12]  }
0x4e: {  	[tilespmem:s21], [sflag:$0x5] =	stream.linear.gather [hbm4b:s19+s4], $0x30, $0x38;
	[tilespmem:$0x15700] =	vst v63  }
0x4f: {  	_ =	swait.ge [sflag:s11], $0xC00  }
0x50: {  	[sflag:s11] =	ssyncset.done $0x0  }
0x51: {  	s18 =	rddreg [dreg:$0x13];
	[sflag:s11] =	ssyncadd.s32 $0xFFFFF400  }
0x52: {  	[tilespmem:s23], [sflag:$0x7] =	stream.linear.gather [hbm4b:s18+s4], $0x18, $0x38;
	[tilespmem:$0x15700] =	vst v63  }
0x53: {  	_ =	swait.ge [sflag:s12], $0x30  }
0x54: {  	[sflag:s12] =	ssyncset.done $0x0  }
0x55: {  	[sflag:s12] =	ssyncadd.s32 $0xFFFFFFD0  }
0x56: {  	_ =	swait.ge [sflag:s13], $0x18  }
0x57: {  	[sflag:s13] =	ssyncset.done $0x0  }
0x58: {  	[sflag:s13] =	ssyncadd.s32 $0xFFFFFFE8  }
0x59: {  	[tilespmem:s30], [sflag:$0x1] =	stream.indirect.gather [hbm4b:s1+s29], $0x80, s22, s29, $0xb8;
	[tilespmem:$0x15700] =	vst v63  }
0x5a: {  	_ =	swait.ge [sflag:s14], $0xC00  }
0x5b: {  	[sflag:s14] =	ssyncset.done $0x0  }
0x5c: {  	s19 =	rddreg [dreg:$0x14];
	[sflag:s14] =	ssyncadd.s32 $0xFFFFF400  }
0x5d: {  	[tilespmem:s24], [sflag:$0x8] =	stream.linear.gather [hbm4b:s19+s4], $0x18, $0x38;
	[tilespmem:$0x15700] =	vst v63  }
0x5e: {  	_ =	swait.ge [sflag:s8], $0x18  }
0x5f: {  	[sflag:s8] =	ssyncset.done $0x0  }
0x60: {  	[sflag:s8] =	ssyncadd.s32 $0xFFFFFFE8  }
0x61: {  	[tilespmem:s5], [sflag:$0x2] =	stream.indirect.gather [hbm4b:s1+s29], $0x80, s10, s29, $0xb8;
	[tilespmem:$0x15700] =	vst v63  }
0x62: {  	_ =	swait.ge [sflag:s6], $0xC00  }
0x63: {  	[sflag:s6] =	ssyncset.done $0x0  }
0x64: {  	[sflag:s6] =	ssyncadd.s32 $0xFFFFF400  }
0x65: {  	[spmem:s2] =	stream.indirect.scatter.add.f32 [tilespmem:s30], [sflag:$0x3], $0x80, s25, s29, $0xb8;
	[tilespmem:$0x15700] =	vst v63  }
0x66: {  	_ =	swait.ge [sflag:s9], $0xC00  }
0x67: {  	[sflag:s9] =	ssyncset.done $0x0  }
0x68: {  	[sflag:s9] =	ssyncadd.s32 $0xFFFFF400  }
0x69: {  	[spmem:s2] =	stream.indirect.scatter.add.f32 [tilespmem:s5], [sflag:$0x4], $0x80, s31, s29, $0xb8;
	[tilespmem:$0x15700] =	vst v63  }
0x6a: {  	s18 =	rddreg [dreg:$0x15]  }
0x6b: {  	[tilespmem:s22], [sflag:$0x6] =	stream.linear.gather [hbm4b:s18+s4], $0x30, $0x38;
	[tilespmem:$0x15700] =	vst v63  }
0x6c: {  	_ =	swait.ge [sflag:s11], $0xC00  }
0x6d: {  	s19 =	rddreg [dreg:$0x9];
	[sflag:s11] =	ssyncset.done $0x0  }
0x6e: {  	[sflag:s11] =	ssyncadd.s32 $0xFFFFF400;
	s17 =	sadd.s32 $0x0, s19  }
0x6f: {  	[tilespmem:s25], [sflag:$0x9] =	stream.linear.gather [hbm4b:s17+s4], $0x18, $0x38;
	[tilespmem:$0x15700] =	vst v63  }
0x70: {  	_ =	swait.ge [sflag:s26], $0x30  }
0x71: {  	[sflag:s26] =	ssyncset.done $0x0  }
0x72: {  	[sflag:s26] =	ssyncadd.s32 $0xFFFFFFD0  }
0x73: {  	_ =	swait.ge [sflag:s28], $0x18  }
0x74: {  	[sflag:s28] =	ssyncset.done $0x0  }
0x75: {  	[sflag:s28] =	ssyncadd.s32 $0xFFFFFFE8  }
0x76: {  	[tilespmem:s30], [sflag:$0x1] =	stream.indirect.gather [hbm4b:s1+s29], $0x80, s21, s29, $0xb8;
	[tilespmem:$0x15700] =	vst v63  }
0x77: {  	_ =	swait.ge [sflag:s14], $0xC00  }
0x78: {  	s18 =	rddreg [dreg:$0x8];
	[sflag:s14] =	ssyncset.done $0x0  }
0x79: {  	[sflag:s14] =	ssyncadd.s32 $0xFFFFF400;
	s17 =	sadd.s32 $0x0, s18  }
0x7a: {  	[tilespmem:s31], [sflag:$0xA] =	stream.linear.gather [hbm4b:s17+s4], $0x18, $0x38;
	[tilespmem:$0x15700] =	vst v63  }
0x7b: {  	_ =	swait.ge [sflag:s0], $0x18  }
0x7c: {  	[sflag:s0] =	ssyncset.done $0x0  }
0x7d: {  	[sflag:s0] =	ssyncadd.s32 $0xFFFFFFE8  }
0x7e: {  	[tilespmem:s5], [sflag:$0x2] =	stream.indirect.gather [hbm4b:s1+s29], $0x80, s3, s29, $0xb8;
	[tilespmem:$0x15700] =	vst v63  }
0x7f: {  	_ =	swait.ge [sflag:s6], $0xC00  }
0x80: {  	[sflag:s6] =	ssyncset.done $0x0  }
0x81: {  	[sflag:s6] =	ssyncadd.s32 $0xFFFFF400  }
0x82: {  	[spmem:s2] =	stream.indirect.scatter.add.f32 [tilespmem:s30], [sflag:$0x3], $0x80, s23, s29, $0xb8;
	[tilespmem:$0x15700] =	vst v63  }
0x83: {  	_ =	swait.ge [sflag:s9], $0xC00  }
0x84: {  	[sflag:s9] =	ssyncset.done $0x0  }
0x85: {  	s19 =	rddreg [dreg:$0x7];
	[sflag:s9] =	ssyncadd.s32 $0xFFFFF400  }
0x86: {  	[spmem:s2] =	stream.indirect.scatter.add.f32 [tilespmem:s5], [sflag:$0x4], $0x80, s24, s29, $0xb8;
	[tilespmem:$0x15700] =	vst v63  }
0x87: {  	s17 =	sadd.s32 $0x0, s19  }
0x88: {  	[tilespmem:s21], [sflag:$0x5] =	stream.linear.gather [hbm4b:s17+s4], $0x30, $0x38;
	[tilespmem:$0x15700] =	vst v63  }
0x89: {  	_ =	swait.ge [sflag:s11], $0xC00  }
0x8a: {  	s18 =	rddreg [dreg:$0x6];
	[sflag:s11] =	ssyncset.done $0x0  }
0x8b: {  	[sflag:s11] =	ssyncadd.s32 $0xFFFFF400;
	s17 =	sadd.s32 $0x0, s18  }
0x8c: {  	[tilespmem:s23], [sflag:$0x7] =	stream.linear.gather [hbm4b:s17+s4], $0x18, $0x38;
	[tilespmem:$0x15700] =	vst v63  }
0x8d: {  	_ =	swait.ge [sflag:s12], $0x30  }
0x8e: {  	[sflag:s12] =	ssyncset.done $0x0  }
0x8f: {  	[sflag:s12] =	ssyncadd.s32 $0xFFFFFFD0  }
0x90: {  	_ =	swait.ge [sflag:s13], $0x18  }
0x91: {  	[sflag:s13] =	ssyncset.done $0x0  }
0x92: {  	[sflag:s13] =	ssyncadd.s32 $0xFFFFFFE8  }
0x93: {  	[tilespmem:s30], [sflag:$0x1] =	stream.indirect.gather [hbm4b:s1+s29], $0x80, s22, s29, $0xb8;
	[tilespmem:$0x15700] =	vst v63  }
0x94: {  	_ =	swait.ge [sflag:s14], $0xC00  }
0x95: {  	s19 =	rddreg [dreg:$0x5];
	[sflag:s14] =	ssyncset.done $0x0  }
0x96: {  	[sflag:s14] =	ssyncadd.s32 $0xFFFFF400;
	s17 =	sadd.s32 $0x0, s19  }
0x97: {  	[tilespmem:s24], [sflag:$0x8] =	stream.linear.gather [hbm4b:s17+s4], $0x18, $0x38;
	[tilespmem:$0x15700] =	vst v63  }
0x98: {  	_ =	swait.ge [sflag:s8], $0x18  }
0x99: {  	[sflag:s8] =	ssyncset.done $0x0  }
0x9a: {  	[sflag:s8] =	ssyncadd.s32 $0xFFFFFFE8  }
0x9b: {  	[tilespmem:s5], [sflag:$0x2] =	stream.indirect.gather [hbm4b:s1+s29], $0x80, s10, s29, $0xb8;
	[tilespmem:$0x15700] =	vst v63  }
0x9c: {  	_ =	swait.ge [sflag:s6], $0xC00  }
0x9d: {  	[sflag:s6] =	ssyncset.done $0x0  }
0x9e: {  	[sflag:s6] =	ssyncadd.s32 $0xFFFFF400  }
0x9f: {  	[spmem:s2] =	stream.indirect.scatter.add.f32 [tilespmem:s30], [sflag:$0x3], $0x80, s25, s29, $0xb8;
	[tilespmem:$0x15700] =	vst v63  }
0xa0: {  	_ =	swait.ge [sflag:s9], $0xC00  }
0xa1: {  	[sflag:s9] =	ssyncset.done $0x0;
	s18 =	rddreg [dreg:$0x4]  }
0xa2: {  	s17 =	simm.s32 $0xC;
	[sflag:s9] =	ssyncadd.s32 $0xFFFFF400;
	s18 =	sadd.s32 $0x0, s18  }
0xa3: {  	[spmem:s2] =	stream.indirect.scatter.add.f32 [tilespmem:s5], [sflag:$0x4], $0x80, s31, s29, $0xb8;
	[tilespmem:$0x15700] =	vst v63  }
.LBB2_2:
0xa4: {  	[tilespmem:s22], [sflag:$0x6] =	stream.linear.gather [hbm4b:s18+s4], $0x30, $0x38;
	[tilespmem:$0x15700] =	vst v63  }
0xa5: {  	_ =	swait.ge [sflag:s11], $0xC00  }
0xa6: {  	s18 =	smov.u32 s17;
	s19 =	rddreg [dreg:$0x9];
	[sflag:s11] =	ssyncset.done $0x0  }
0xa7: {  	[sflag:s11] =	ssyncadd.s32 $0xFFFFF400;
	s19 =	sadd.s32 s18, s19  }
0xa8: {  	[tilespmem:s25], [sflag:$0x9] =	stream.linear.gather [hbm4b:s19+s4], $0x18, $0x38;
	[tilespmem:$0x15700] =	vst v63  }
0xa9: {  	_ =	swait.ge [sflag:s26], $0x30  }
0xaa: {  	[sflag:s26] =	ssyncset.done $0x0  }
0xab: {  	[sflag:s26] =	ssyncadd.s32 $0xFFFFFFD0  }
0xac: {  	_ =	swait.ge [sflag:s28], $0x18  }
0xad: {  	[sflag:s28] =	ssyncset.done $0x0  }
0xae: {  	[sflag:s28] =	ssyncadd.s32 $0xFFFFFFE8  }
0xaf: {  	[tilespmem:s30], [sflag:$0x1] =	stream.indirect.gather [hbm4b:s1+s29], $0x80, s21, s29, $0xb8;
	[tilespmem:$0x15700] =	vst v63  }
0xb0: {  	_ =	swait.ge [sflag:s14], $0xC00  }
0xb1: {  	s19 =	rddreg [dreg:$0x8];
	[sflag:s14] =	ssyncset.done $0x0  }
0xb2: {  	[sflag:s14] =	ssyncadd.s32 $0xFFFFF400;
	s19 =	sadd.s32 s18, s19  }
0xb3: {  	[tilespmem:s31], [sflag:$0xA] =	stream.linear.gather [hbm4b:s19+s4], $0x18, $0x38;
	[tilespmem:$0x15700] =	vst v63  }
0xb4: {  	_ =	swait.ge [sflag:s0], $0x18  }
0xb5: {  	[sflag:s0] =	ssyncset.done $0x0  }
0xb6: {  	[sflag:s0] =	ssyncadd.s32 $0xFFFFFFE8  }
0xb7: {  	[tilespmem:s5], [sflag:$0x2] =	stream.indirect.gather [hbm4b:s1+s29], $0x80, s3, s29, $0xb8;
	[tilespmem:$0x15700] =	vst v63  }
0xb8: {  	_ =	swait.ge [sflag:s6], $0xC00  }
0xb9: {  	[sflag:s6] =	ssyncset.done $0x0  }
0xba: {  	[sflag:s6] =	ssyncadd.s32 $0xFFFFF400  }
0xbb: {  	[spmem:s2] =	stream.indirect.scatter.add.f32 [tilespmem:s30], [sflag:$0x3], $0x80, s23, s29, $0xb8;
	[tilespmem:$0x15700] =	vst v63  }
0xbc: {  	_ =	swait.ge [sflag:s9], $0xC00  }
0xbd: {  	[sflag:s9] =	ssyncset.done $0x0  }
0xbe: {  	s19 =	rddreg [dreg:$0x7];
	[sflag:s9] =	ssyncadd.s32 $0xFFFFF400  }
0xbf: {  	[spmem:s2] =	stream.indirect.scatter.add.f32 [tilespmem:s5], [sflag:$0x4], $0x80, s24, s29, $0xb8;
	[tilespmem:$0x15700] =	vst v63  }
0xc0: {  	s19 =	sadd.s32 s18, s19  }
0xc1: {  	[tilespmem:s21], [sflag:$0x5] =	stream.linear.gather [hbm4b:s19+s4], $0x30, $0x38;
	[tilespmem:$0x15700] =	vst v63  }
0xc2: {  	_ =	swait.ge [sflag:s11], $0xC00  }
0xc3: {  	s19 =	rddreg [dreg:$0x6];
	[sflag:s11] =	ssyncset.done $0x0  }
0xc4: {  	[sflag:s11] =	ssyncadd.s32 $0xFFFFF400;
	s19 =	sadd.s32 s18, s19  }
0xc5: {  	[tilespmem:s23], [sflag:$0x7] =	stream.linear.gather [hbm4b:s19+s4], $0x18, $0x38;
	[tilespmem:$0x15700] =	vst v63  }
0xc6: {  	_ =	swait.ge [sflag:s12], $0x30  }
0xc7: {  	[sflag:s12] =	ssyncset.done $0x0  }
0xc8: {  	[sflag:s12] =	ssyncadd.s32 $0xFFFFFFD0  }
0xc9: {  	_ =	swait.ge [sflag:s13], $0x18  }
0xca: {  	[sflag:s13] =	ssyncset.done $0x0  }
0xcb: {  	[sflag:s13] =	ssyncadd.s32 $0xFFFFFFE8  }
0xcc: {  	[tilespmem:s30], [sflag:$0x1] =	stream.indirect.gather [hbm4b:s1+s29], $0x80, s22, s29, $0xb8;
	[tilespmem:$0x15700] =	vst v63  }
0xcd: {  	_ =	swait.ge [sflag:s14], $0xC00  }
0xce: {  	s19 =	rddreg [dreg:$0x5];
	[sflag:s14] =	ssyncset.done $0x0  }
0xcf: {  	[sflag:s14] =	ssyncadd.s32 $0xFFFFF400;
	s19 =	sadd.s32 s18, s19  }
0xd0: {  	[tilespmem:s24], [sflag:$0x8] =	stream.linear.gather [hbm4b:s19+s4], $0x18, $0x38;
	[tilespmem:$0x15700] =	vst v63  }
0xd1: {  	_ =	swait.ge [sflag:s8], $0x18  }
0xd2: {  	[sflag:s8] =	ssyncset.done $0x0  }
0xd3: {  	[sflag:s8] =	ssyncadd.s32 $0xFFFFFFE8  }
0xd4: {  	[tilespmem:s5], [sflag:$0x2] =	stream.indirect.gather [hbm4b:s1+s29], $0x80, s10, s29, $0xb8;
	[tilespmem:$0x15700] =	vst v63  }
0xd5: {  	_ =	swait.ge [sflag:s6], $0xC00  }
0xd6: {  	[sflag:s6] =	ssyncset.done $0x0  }
0xd7: {  	p0 =	sne.s32 s17, $0x4D4;
	[sflag:s6] =	ssyncadd.s32 $0xFFFFF400  }
0xd8: {  	[spmem:s2] =	stream.indirect.scatter.add.f32 [tilespmem:s30], [sflag:$0x3], $0x80, s25, s29, $0xb8;
	[tilespmem:$0x15700] =	vst v63  }
.Ltmp0:
0xd9: {  	_ = 	snop;
	(pc) =	sbr.rel @p0 .LBB2_2-.Ltmp0, $4  }
0xda: {  	_ =	swait.ge [sflag:s9], $0xC00  }
0xdb: {  	[sflag:s9] =	ssyncset.done $0x0;
	s19 =	rddreg [dreg:$0x4]  }
0xdc: {  	s17 =	sadd.s32 $0xC, s17;
	[sflag:s9] =	ssyncadd.s32 $0xFFFFF400;
	s18 =	sadd.s32 s18, s19  }
0xdd: {  	[spmem:s2] =	stream.indirect.scatter.add.f32 [tilespmem:s5], [sflag:$0x4], $0x80, s31, s29, $0xb8;
	[tilespmem:$0x15700] =	vst v63  }
0xde: {  	[tilespmem:s22], [sflag:$0x6] =	stream.linear.gather [hbm4b:s18+s4], $0x30, $0x38;
	[tilespmem:$0x15700] =	vst v63  }
0xdf: {  	_ =	swait.ge [sflag:s11], $0xC00  }
0xe0: {  	[sflag:s11] =	ssyncset.done $0x0  }
0xe1: {  	[sflag:s11] =	ssyncadd.s32 $0xFFFFF400  }
0xe2: {  	_ =	swait.ge [sflag:s14], $0xC00  }
0xe3: {  	[sflag:s14] =	ssyncset.done $0x0  }
0xe4: {  	[sflag:s14] =	ssyncadd.s32 $0xFFFFF400  }
0xe5: {  	_ =	swait.ge [sflag:s26], $0x30  }
0xe6: {  	[sflag:s26] =	ssyncset.done $0x0  }
0xe7: {  	[sflag:s26] =	ssyncadd.s32 $0xFFFFFFD0  }
0xe8: {  	_ =	swait.ge [sflag:s12], $0x30  }
0xe9: {  	[sflag:s12] =	ssyncset.done $0x0  }
0xea: {  	[sflag:s12] =	ssyncadd.s32 $0xFFFFFFD0  }
0xeb: {  	_ =	swait.ge [sflag:s28], $0x18  }
0xec: {  	[sflag:s28] =	ssyncset.done $0x0  }
0xed: {  	[sflag:s28] =	ssyncadd.s32 $0xFFFFFFE8  }
0xee: {  	_ =	swait.ge [sflag:s0], $0x18  }
0xef: {  	[sflag:s0] =	ssyncset.done $0x0  }
0xf0: {  	[sflag:s0] =	ssyncadd.s32 $0xFFFFFFE8  }
0xf1: {  	[bflag:$0x0] =	sbarrier.arrive $0xFFFF  }
0xf2: {  	s17 =	rddreg [dreg:$0x16]  }
0xf3: {  	[hbm:s17], [sflag:s7] =	dma.local [spmem:s16], $0x2780  }
0xf4: {  	_ =	swait.ge [sflag:s20], $0x2780  }
0xf5: {  	s15 =	sadd.s32 $0x1, s15;
	s19 =	rddreg [dreg:$0x17]  }
0xf6: {  	p0 =	sne.s32 s15, s19  }
.Ltmp1:
0xf7: {  	_ = 	snop;
	(pc) =	sbr.rel @p0 .LBB2_1-.Ltmp1, $3  }
0xf8: {  	_ =	sdelay $0x1  }
0xf9: {  	[sflag:s20] =	ssyncset.done $0x0  }
0xfa: {  	[sflag:s20] =	ssyncadd.s32 $0xFFFFD880  }
0xfb: {  	_ =	sfence.sel $0x180000  }
0xfc: {  	[bflag:$0x0] =	sbarrier.arrive $0xFFFF  }
0xfd: {  	_ =	strace $0x90000050  }
0xfe: {  	s0 =	stileid.u32;
	[bflag:$0x2] =	sbarrier.arrive $0xFFFF  }
0xff: {  	p0 =	sne.s32 s0, $0x0;
	s0 =	rddreg [dreg:$0x3]  }
0x100: {  	s0 =	sadd.s32 @!p0 $0x100000, s0  }
0x101: {  	[sflag:s0] =	ssyncadd.tile.s32 @!p0 $0x1;
	_ =	shalt  }
.Lfunc_end2:
_tile_overlayer_lowered:
.L_overlay_start_2:
0x102: {  	(tag) =	ssettag $0x2  }
0x103: {  	s0 =	rddreg [dreg:$0x0];
	s2 =	stileid.u32  }
0x104: {  	s1 =	rddreg [dreg:$0x1];
	p0 =	sne.s32 s2, $0x0  }
0x105: {  	s3 =	rddreg [dreg:$0x2];
	[bflag:$0x3] =	sbarrier.arrive $0xFFFF;
	s2 =	simm.s32 @!p0 $0x1C0B  }
0x106: {  	[timem:s3], [sflag:s2] =	dma.local @!p0 [hbm:s0], s1  }
0x107: {  	s0 =	simm.s32 @!p0 $0xB  }
0x108: {  	_ =	swait.ge @!p0 [sflag:s0], s1  }
0x109: {  	s1 =	ssub.s32 @!p0 $0x0, s1;
	[sflag:s0] =	ssyncset.done @!p0 $0x0  }
0x10a: {  	[sflag:s0] =	ssyncadd.s32 @!p0 s1  }
0x10b: {  	[bflag:$0x3] =	sbarrier.arrive $0xFFFF  }
0x10c: {  	_ =	shalt  }

// kernel: kernel.9.cloned.1.call-start
scs
__scs_entry_jumppad:
0x0: {  	(pc) =	sbr.rel $0x88, $3  }
0x1: {  	(tag) =	ssettag $0x0;
	lr =	simm.s32 $0x1  }
0x2: {  	[smem:$0x3F96] =	sst lr;
	_ =	strace $0xD0000000  }
0x3: {  	_ = 	snop  }
0x4: {  	_ = 	snop  }
0x5: {  	_ = 	snop  }
0x6: {  	_ = 	snop  }
0x7: {  	_ = 	snop  }
__scs_overlays_trampoline_lowered:
0x8: {  	[smem:$0x3FA5] =	sst s0  }
0x9: {  	[smem:$0x3FA6] =	sst s1  }
0xa: {  	[smem:$0x3FA7] =	sst s2  }
0xb: {  	[smem:$0x3FA8] =	sst s3  }
0xc: {  	[smem:$0x3FA9] =	sst s4  }
0xd: {  	[smem:$0x3FAA] =	sst s5  }
0xe: {  	[smem:$0x3FAB] =	sst s6  }
0xf: {  	[smem:$0x3FAC] =	sst s7  }
0x10: {  	[smem:$0x3FAD] =	sst s8  }
0x11: {  	[smem:$0x3FAE] =	sst s9;
	s0 =	simm.s32 @!p0 $0x0  }
0x12: {  	s1 =	sld [smem:$0x3F94];
	s0 =	simm.s32 @p0 $0x1  }
0x13: {  	[smem:$0x3FAF] =	sst s0;
	s0 =	simm.s32 @!p1 $0x0  }
0x14: {  	s2 =	sld [smem:$0x3F93];
	s0 =	simm.s32 @p1 $0x1  }
0x15: {  	[smem:$0x3FB0] =	sst s0;
	s0 =	simm.s32 @!p2 $0x0  }
0x16: {  	s3 =	sld [smem:$0x3FDB];
	s0 =	simm.s32 @p2 $0x1  }
0x17: {  	s4 =	simm.s32 $0x1BF5;
	[smem:$0x3FB2] =	sst s0  }
0x18: {  	s0 =	sld [smem:$0x3F95];
	_ =	swait.ge [sflag:s4], $0x0  }
0x19: {  	s7 =	sld [smem:$0x3F96]  }
0x1a: {  	s8 =	sadd.s32 $0xFFFFE003, lr  }
0x1b: {  	s9 =	sadd.s32 $0xFFFFFEF7, lr;
	s5 =	simm.s32 $0xFFFFFFFF;
	p2 =	slt.u32 s8, $0xFFFFF086  }
0x1c: {  	p1 =	slt.u32 s9, $0xF7A;
	s5 =	simm.s32 @!p2 $0x0  }
0x1d: {  	s5 =	simm.s32 @p1 $0x1;
	p0 =	seq.s32 s7, s2  }
0x1e: {  	s7 =	smul.u32 @!p0 $0xF7A, s2;
	p2 =	seq.s32 @!p0 s5, $0x0  }
0x1f: {  	s9 =	smul.u32 $0xF7A, s1;
	s8 =	simm.s32 @!p0 $0x1BF5;
	p2 =	por !p2, p0  }
0x20: {  	[sflag:s8] =	ssyncset.s32 @!p0 $0xFFFFF086;
	s6 =	sadd.s32 @!p0 s3, s7;
	s7 =	simm.s32 @!p0 $0x108  }
0x21: {  	s3 =	sadd.s32 s3, s9;
	s6 =	sadd.s32 @!p0 $0x88, s6;
	s7 =	simm.s32 @p2 $0x1082  }
0x22: {  	[simem:s7], [sflag:s8] =	dma.local @!p0 [hbm:s6], $0xF7A  }
0x23: {  	s9 =	sor.u32 $0xD0000000, s2;
	s6 =	simm.s32 $0x108;
	_ =	swait.ge @!p0 [sflag:s8], $0x0  }
0x24: {  	s3 =	sadd.s32 $0x88, s3;
	s6 =	simm.s32 @!p1 $0x1082;
	[sflag:s4] =	ssyncset.s32 $0xFFFFF086  }
0x25: {  	[simem:s6], [sflag:s4] =	dma.local [hbm:s3], $0xF7A  }
0x26: {  	[smem:$0x3F96] =	sst s1;
	(tag) =	ssettag s2;
	_ =	strace s9  }
0x27: {  	s1 =	sld [smem:$0x3FA6]  }
0x28: {  	s2 =	sld [smem:$0x3FA7]  }
0x29: {  	s4 =	sld [smem:$0x3FA9]  }
0x2a: {  	p0 =	seq.s32 s5, $0x0;
	s5 =	sld [smem:$0x3FAA]  }
0x2b: {  	s6 =	sld [smem:$0x3FAB]  }
0x2c: {  	s7 =	sld [smem:$0x3FAC]  }
0x2d: {  	s3 =	simm.s32 $0x108;
	s8 =	sld [smem:$0x3FAD]  }
0x2e: {  	s3 =	simm.s32 @!p0 $0x1082;
	s9 =	sld [smem:$0x3FAE]  }
0x2f: {  	lr =	sadd.s32 s0, s3;
	s0 =	sld [smem:$0x3FA5]  }
0x30: {  	s3 =	sld [smem:$0x3FA8]  }
0x31: {  	[smem:$0x3FB1] =	sst s10  }
0x32: {  	s10 =	sld [smem:$0x3FAF];
	_ =	sdelay $0x3  }
0x33: {  	p0 =	seq.s32 s10, $0x1;
	s10 =	sld [smem:$0x3FB1];
	_ =	sdelay $0x3  }
0x34: {  	[smem:$0x3FB1] =	sst s10  }
0x35: {  	s10 =	sld [smem:$0x3FB0];
	_ =	sdelay $0x3  }
0x36: {  	p1 =	seq.s32 s10, $0x1;
	s10 =	sld [smem:$0x3FB1];
	_ =	sdelay $0x3  }
0x37: {  	[smem:$0x3FB1] =	sst s10  }
0x38: {  	s10 =	sld [smem:$0x3FB2]  }
0x39: {  	_ = 	snop;
	(pc) =	sbr.ind lr, $3  }
0x3a: {  	_ = 	snop  }
0x3b: {  	_ = 	snop  }
0x3c: {  	p2 =	seq.s32 s10, $0x1;
	s10 =	sld [smem:$0x3FB1]  }
0x3d: {  	_ =	shalt  }
0x3e: {  	_ =	shalt  }
0x3f: {  	_ =	shalt  }
0x40: {  	_ =	shalt  }
0x41: {  	_ =	shalt  }
0x42: {  	_ =	shalt  }
0x43: {  	_ =	shalt  }
0x44: {  	_ =	shalt  }
0x45: {  	_ =	shalt  }
0x46: {  	_ =	shalt  }
0x47: {  	_ =	shalt  }
0x48: {  	_ =	shalt  }
0x49: {  	_ =	shalt  }
0x4a: {  	_ =	shalt  }
0x4b: {  	_ =	shalt  }
0x4c: {  	_ =	shalt  }
0x4d: {  	_ =	shalt  }
0x4e: {  	_ =	shalt  }
0x4f: {  	_ =	shalt  }
0x50: {  	_ =	shalt  }
0x51: {  	_ =	shalt  }
0x52: {  	_ =	shalt  }
0x53: {  	_ =	shalt  }
0x54: {  	_ =	shalt  }
0x55: {  	_ =	shalt  }
0x56: {  	_ =	shalt  }
0x57: {  	_ =	shalt  }
0x58: {  	_ =	shalt  }
0x59: {  	_ =	shalt  }
0x5a: {  	_ =	shalt  }
0x5b: {  	_ =	shalt  }
0x5c: {  	_ =	shalt  }
0x5d: {  	_ =	shalt  }
0x5e: {  	_ =	shalt  }
0x5f: {  	_ =	shalt  }
0x60: {  	_ =	shalt  }
0x61: {  	_ =	shalt  }
0x62: {  	_ =	shalt  }
0x63: {  	_ =	shalt  }
0x64: {  	_ =	shalt  }
0x65: {  	_ =	shalt  }
0x66: {  	_ =	shalt  }
0x67: {  	_ =	shalt  }
0x68: {  	_ =	shalt  }
0x69: {  	_ =	shalt  }
0x6a: {  	_ =	shalt  }
0x6b: {  	_ =	shalt  }
0x6c: {  	_ =	shalt  }
0x6d: {  	_ =	shalt  }
0x6e: {  	_ =	shalt  }
0x6f: {  	_ =	shalt  }
0x70: {  	_ =	shalt  }
0x71: {  	_ =	shalt  }
0x72: {  	_ =	shalt  }
0x73: {  	_ =	shalt  }
0x74: {  	_ =	shalt  }
0x75: {  	_ =	shalt  }
0x76: {  	_ =	shalt  }
0x77: {  	_ =	shalt  }
0x78: {  	_ =	shalt  }
0x79: {  	_ =	shalt  }
0x7a: {  	_ =	shalt  }
0x7b: {  	_ =	shalt  }
0x7c: {  	_ =	shalt  }
0x7d: {  	_ =	shalt  }
0x7e: {  	_ =	shalt  }
0x7f: {  	_ =	shalt  }
0x80: {  	_ =	shalt  }
0x81: {  	_ =	shalt  }
0x82: {  	_ =	shalt  }
0x83: {  	_ =	shalt  }
0x84: {  	_ =	shalt  }
0x85: {  	_ =	shalt  }
0x86: {  	_ =	shalt  }
0x87: {  	_ =	shalt  }
.Lfunc_end0:
.L_simem_size_0:
called_computation_lowered:
.L_overlay_start_0:
0x88: {  	s2 =	sld [smem:$0x3FD9]  }
0x89: {  	s3 =	sld [smem:$0x3FFE];
	_ =	sdelay $0x1  }
0x8a: {  	s1 =	srdreg.scid  }
0x8b: {  	s0 =	sand.u32 $0x1, s1  }
0x8c: {  	s17 =	sshll.u32 s0, $0xA;
	s2 =	sadd.s32 s3, s2  }
0x8d: {  	s2 =	sadd.s32 s2, s17  }
0x8e: {  	[smem:$0x3FBD] =	sst s2  }
0x8f: {  	_ = 	snop  }
0x90: {  	s2 =	sld [smem:$0x3FD0];
	(tm) =	ssettm $0x1  }
0x91: {  	s18 =	sld [smem:$0x3FFB];
	_ =	sdelay $0x3  }
0x92: {  	_ =	strace s18  }
0x93: {  	s3 =	sld [smem:$0x3FFC];
	_ =	sdelay $0x3  }
0x94: {  	_ =	strace s3  }
0x95: {  	s3 =	sld [smem:$0x3FFD];
	_ =	sdelay $0x3  }
0x96: {  	_ =	strace s3  }
0x97: {  	_ =	strace $0x8FFFFFFF  }
0x98: {  	s19 =	sld [smem:$0x3FDB];
	_ =	sdelay $0x1  }
0x99: {  	s4 =	simm.s32 $_scs_section_size  }
0x9a: {  	s5 =	simm.s32 $_size__tile_overlayer_lowered;
	s6 =	simm.s32 $_tile_overlayer_lowered  }
0x9b: {  	s22 =	simm.s32 $0x1BFF;
	s21 =	sshll.u32 s6, $0x1;
	s3 =	sadd.s32 s4, s19  }
0x9c: {  	s7 =	simm.s32 $0x0;
	s20 =	sshll.u32 s5, $0x1;
	s5 =	sadd.s32 s21, s3  }
0x9d: {  	[timem:s7], [sflag:s22] =	dma.local [hbm:s5], s20  }
0x9e: {  	_ =	swait.ge [sflag:s22], s20  }
0x9f: {  	s4 =	ssub.s32 $0x0, s20;
	[sflag:s22] =	ssyncset.done $0x0  }
0xa0: {  	[sflag:s22] =	ssyncadd.s32 s4;
	_ =	sdelay $0x1  }
0xa1: {  	s23 =	simm.s32 $0x1B8B  }
0xa2: {  	_ =	swait.ge [sflag:s23], $0x1  }
0xa3: {  	[sflag:s23] =	ssyncset.done $0x0  }
0xa4: {  	s25 =	simm.s32 $0x1B8E;
	s24 =	sld [smem:$0x3FFE];
	[sflag:s23] =	ssyncadd.s32 $0xFFFFFFFF  }
0xa5: {  	s26 =	simm.s32 $execute0_lowered;
	[smem:$0x3FD2] =	sst s25  }
0xa6: {  	s5 =	sshll.u32 s26, $0x1;
	_ =	strace $0x80000046;
	[dreg:$0x1] =	wrdreg $0xFFFFFFFF  }
0xa7: {  	s28 =	simm.s32 $_size_execute0_lowered;
	s3 =	sadd.s32 s3, s5;
	[dreg:$0x0] =	wrdreg $0x0  }
0xa8: {  	s5 =	sshll.u32 s28, $0x1;
	[dreg:$0x2] =	wrdreg s3  }
0xa9: {  	[dreg:$0x3] =	wrdreg s5  }
0xaa: {  	[dreg:$0x4] =	wrdreg $0xC0  }
0xab: {  	_ =	task [dreg:s7], $0x5FFFF  }
0xac: {  	[dreg:$0x1] =	wrdreg $0xFFFFFFFF  }
0xad: {  	[dreg:$0x0] =	wrdreg $0x60  }
0xae: {  	[dreg:$0x2] =	wrdreg s2  }
0xaf: {  	[dreg:$0x3] =	wrdreg s24  }
0xb0: {  	[dreg:$0x4] =	wrdreg $0x0  }
0xb1: {  	[dreg:$0x5] =	wrdreg $0x9  }
0xb2: {  	_ =	task.clear_ibuf [dreg:s7], $0x6FFFF;
	_ =	strace $0x90000046  }
0xb3: {  	s29 =	simm.s32 $0x9;
	_ =	strace $0x80000048  }
0xb4: {  	_ =	swait.ge [sflag:s29], $0x1  }
0xb5: {  	[sflag:s29] =	ssyncadd.s32 $0xFFFFFFFF  }
0xb6: {  	_ =	strace $0x90000048  }
0xb7: {  	_ =	sfence  }
0xb8: {  	s30 =	sld [smem:$0x0];
	_ =	sdelay $0x2  }
0xb9: {  	s31 =	sshll.u32 s1, $0xD;
	s1 =	sshrl.u32 s1, $0x2  }
0xba: {  	s3 =	sand.u32 $0x4000, s31;
	s1 =	sadd.s32 s1, s30  }
0xbb: {  	s0 =	sor.u32 s3, s0;
	s1 =	sshll.u32 s1, $0x11  }
0xbc: {  	s0 =	sor.u32 s1, s0  }
0xbd: {  	s0 =	sadd.s32 $0x8F2B, s0  }
0xbe: {  	[sflag:s0] =	ssyncadd.remote.s32 $0x1  }
0xbf: {  	_ =	sfence.sel $0xFFFF  }
0xc0: {  	[dreg:$0x0] =	wrdreg $0xFFFFFFFF;
	(pc) =	sbr.abs _section_cstart, $3  }
0xc1: {  	[dreg:$0x1] =	wrdreg $0xFFFFFFFF  }
0xc2: {  	_ =	task.clear_ibuf [dreg:s7], $0x2FFFF;
	_ =	strace $0x9FFFFFFF  }
0xc3: {  	(tm) =	ssettm $0x7FFFFFFF  }
tec
execute0_lowered:
.L_overlay_start_1:
0x0: {  	(tag) =	ssettag $0x1  }
0x1: {  	s1 =	rddreg [dreg:$0x0]  }
0x2: {  	s0 =	rddreg [dreg:$0x1]  }
0x3: {  	s2 =	rddreg [dreg:$0x2];
	s3 =	srdreg.scid  }
0x4: {  	s4 =	simm.s32 $0x0;
	s13 =	stileid.u32;
	s28 =	simm.s32 $0x7  }
0x5: {  	s29 =	simm.s32 $0x18;
	s30 =	simm.s32 $0x13F00;
	s31 =	simm.s32 $0x13E80  }
0x6: {  	s3 =	sand.u32 $0x1, s3;
	[smem:$0x7FF] =	sst s4;
	s6 =	smul.u32 $0x13C00, s13  }
0x7: {  	s8 =	sadd.s32 $0xCC00, s0;
	s9 =	sadd.s32 $0x2E00, s0;
	s10 =	smul.u32 $0x4F000, s13  }
0x8: {  	s11 =	sadd.s32 $0x16A00, s0;
	s24 =	sshll.u32 s13, $0x6;
	s5 =	smul.u32 $0x13C000, s3  }
0x9: {  	s7 =	sshll.u32 s3, $0x4;
	_ =	strace $0x80000047;
	s20 =	ssub.s32 $0x2, s3  }
0xa: {  	[dreg:$0xa] =	wrdreg s11;
	s3 =	smul.u32 $0x27600, s3;
	s7 =	sor.u32 s13, s7  }
0xb: {  	s21 =	sshrl.u32 s20, $0x1;
	s22 =	sshrl.u32 s10, $0x2;
	s13 =	smul.u32 $0x2760, s13  }
0xc: {  	s5 =	sadd.s32 s6, s5;
	s19 =	smul.u32 $0x2760, s7;
	s7 =	sadd.s32 s22, s2  }
0xd: {  	s5 =	sshrl.u32 s5, $0x3;
	[dreg:$0xb] =	wrdreg s7;
	s7 =	sor.u32 $0x1C0B, s24  }
0xe: {  	s3 =	sadd.s32 s13, s3;
	s13 =	simm.s32 $0x9;
	s0 =	sadd.s32 s5, s0  }
0xf: {  	s5 =	ssub.s32 s20, s21;
	s23 =	sshrl.u32 s19, $0x3;
	s26 =	sadd.s32 $0x48, s19  }
0x10: {  	s6 =	sadd.s32 $0x78, s19;
	s16 =	sadd.s32 $0xF0, s3;
	s18 =	sadd.s32 $0xD8, s3  }
0x11: {  	s19 =	sadd.s32 $0xC0, s3;
	s24 =	sadd.s32 $0xA8, s3;
	s3 =	sadd.s32 $0x90, s3  }
0x12: {  	s25 =	sadd.s32 $0x6, s23;
	s14 =	sadd.s32 s8, s23;
	s15 =	sadd.s32 s9, s23  }
0x13: {  	s10 =	sadd.s32 $0xC, s23;
	s6 =	sshrl.u32 s6, $0x3;
	s17 =	sshrl.u32 s16, $0x3  }
0x14: {  	s21 =	sshrl.u32 s19, $0x3;
	s0 =	sadd.s32 $0x19200, s0;
	[dreg:$0xe] =	wrdreg s15  }
0x15: {  	s3 =	sshrl.u32 s3, $0x3;
	s5 =	smax.u32 s5, $0x1;
	[dreg:$0xc] =	wrdreg s14  }
0x16: {  	s12 =	sadd.s32 s8, s25;
	s15 =	sadd.s32 $0x3, s15;
	[dreg:$0x16] =	wrdreg s0  }
0x17: {  	s11 =	sadd.s32 s9, s25;
	s6 =	sadd.s32 s9, s6;
	[dreg:$0x17] =	wrdreg s5  }
0x18: {  	s22 =	sadd.s32 $0x12, s14;
	s23 =	sadd.s32 s21, s9;
	[dreg:$0xd] =	wrdreg s12  }
0x19: {  	s25 =	sadd.s32 s21, s8;
	s0 =	sshrl.u32 s24, $0x3;
	[dreg:$0xf] =	wrdreg s15  }
0x1a: {  	s21 =	simm.s32 $0x13C00;
	s24 =	simm.s32 $0x13D80;
	[dreg:$0x10] =	wrdreg s11  }
0x1b: {  	s5 =	simm.s32 $0x14B00;
	s14 =	simm.s32 $0x4;
	[dreg:$0x14] =	wrdreg s6  }
0x1c: {  	s12 =	sshrl.u32 s26, $0x3;
	s15 =	sadd.s32 s8, s10;
	[dreg:$0x15] =	wrdreg s22  }
0x1d: {  	s10 =	sadd.s32 s9, s10;
	s6 =	sadd.s32 s17, s8;
	[dreg:$0x6] =	wrdreg s23  }
0x1e: {  	[dreg:$0x7] =	wrdreg s25;
	s0 =	sadd.s32 s0, s9;
	s26 =	sadd.s32 s3, s9  }
0x1f: {  	s22 =	simm.s32 $0x13C80;
	s23 =	simm.s32 $0x13D00;
	[dreg:$0x12] =	wrdreg s15  }
0x20: {  	s25 =	simm.s32 $0x13E00;
	s3 =	simm.s32 $0x13C18;
	[dreg:$0x13] =	wrdreg s10  }
0x21: {  	s11 =	simm.s32 $0x3;
	s8 =	simm.s32 $0xA;
	[dreg:$0x4] =	wrdreg s6  }
0x22: {  	s12 =	sadd.s32 s9, s12;
	s10 =	sshrl.u32 s18, $0x3;
	[dreg:$0x8] =	wrdreg s0  }
0x23: {  	[dreg:$0x9] =	wrdreg s26;
	s26 =	simm.s32 $0x5;
	s0 =	simm.s32 $0x8  }
0x24: {  	s6 =	simm.s32 $0x1;
	s15 =	simm.s32 $0x0;
	[dreg:$0x11] =	wrdreg s12  }
0x25: {  	s20 =	sadd.s32 s10, s9;
	s9 =	simm.s32 $0x2;
	s12 =	simm.s32 $0x6  }
0x26: {  	s10 =	simm.s32 $0x13C98;
	[dreg:$0x5] =	wrdreg s20;
	s20 =	simm.s32 $0xB  }
.LBB2_1:
0x27: {  	s16 =	rddreg [dreg:$0xb]  }
0x28: {  	s17 =	rddreg [dreg:$0xa];
	s16 =	sshrl.u32 s16, $0x3  }
0x29: {  	[spmem:s16], [sflag:s7] =	dma.local [hbm:s17], $0x2780  }
0x2a: {  	_ =	swait.ge [sflag:s20], $0x2780  }
0x2b: {  	[sflag:s20] =	ssyncset.done $0x0  }
0x2c: {  	[sflag:s20] =	ssyncadd.s32 $0xFFFFD880  }
0x2d: {  	[bflag:$0x0] =	sbarrier.arrive $0xFFFF  }
0x2e: {  	s19 =	rddreg [dreg:$0xc]  }
0x2f: {  	[tilespmem:s21], [sflag:$0x5] =	stream.linear.gather [hbm4b:s19+s4], $0x30, $0x38;
	[tilespmem:$0x15700] =	vst v63  }
0x30: {  	s18 =	rddreg [dreg:$0xd]  }
0x31: {  	[tilespmem:s22], [sflag:$0x6] =	stream.linear.gather [hbm4b:s18+s4], $0x30, $0x38;
	[tilespmem:$0x15700] =	vst v63  }
0x32: {  	s19 =	rddreg [dreg:$0xe]  }
0x33: {  	[tilespmem:s23], [sflag:$0x7] =	stream.linear.gather [hbm4b:s19+s4], $0x18, $0x38;
	[tilespmem:$0x15700] =	vst v63  }
0x34: {  	s18 =	rddreg [dreg:$0xf]  }
0x35: {  	[tilespmem:s24], [sflag:$0x8] =	stream.linear.gather [hbm4b:s18+s4], $0x18, $0x38;
	[tilespmem:$0x15700] =	vst v63  }
0x36: {  	s19 =	rddreg [dreg:$0x10]  }
0x37: {  	[tilespmem:s25], [sflag:$0x9] =	stream.linear.gather [hbm4b:s19+s4], $0x18, $0x38;
	[tilespmem:$0x15700] =	vst v63  }
0x38: {  	_ =	swait.ge [sflag:s26], $0x30  }
0x39: {  	[sflag:s26] =	ssyncset.done $0x0  }
0x3a: {  	[sflag:s26] =	ssyncadd.s32 $0xFFFFFFD0  }
0x3b: {  	_ =	swait.ge [sflag:s28], $0x18  }
0x3c: {  	[sflag:s28] =	ssyncset.done $0x0  }
0x3d: {  	[sflag:s28] =	ssyncadd.s32 $0xFFFFFFE8  }
0x3e: {  	[tilespmem:s30], [sflag:$0x1] =	stream.indirect.gather [hbm4b:s1+s29], $0x80, s21, s29, $0xb8;
	[tilespmem:$0x15700] =	vst v63  }
0x3f: {  	s18 =	rddreg [dreg:$0x11]  }
0x40: {  	[tilespmem:s31], [sflag:$0xA] =	stream.linear.gather [hbm4b:s18+s4], $0x18, $0x38;
	[tilespmem:$0x15700] =	vst v63  }
0x41: {  	_ =	swait.ge [sflag:s0], $0x18  }
0x42: {  	[sflag:s0] =	ssyncset.done $0x0  }
0x43: {  	[sflag:s0] =	ssyncadd.s32 $0xFFFFFFE8  }
0x44: {  	[tilespmem:s5], [sflag:$0x2] =	stream.indirect.gather [hbm4b:s1+s29], $0x80, s3, s29, $0xb8;
	[tilespmem:$0x15700] =	vst v63  }
0x45: {  	_ =	swait.ge [sflag:s6], $0xC00  }
0x46: {  	[sflag:s6] =	ssyncset.done $0x0  }
0x47: {  	[sflag:s6] =	ssyncadd.s32 $0xFFFFF400  }
0x48: {  	[spmem:s2] =	stream.indirect.scatter.add.f32 [tilespmem:s30], [sflag:$0x3], $0x80, s23, s29, $0xb8;
	[tilespmem:$0x15700] =	vst v63  }
0x49: {  	_ =	swait.ge [sflag:s9], $0xC00  }
0x4a: {  	[sflag:s9] =	ssyncset.done $0x0  }
0x4b: {  	[sflag:s9] =	ssyncadd.s32 $0xFFFFF400  }
0x4c: {  	[spmem:s2] =	stream.indirect.scatter.add.f32 [tilespmem:s5], [sflag:$0x4], $0x80, s24, s29, $0xb8;
	[tilespmem:$0x15700] =	vst v63  }
0x4d: {  	s19 =	rddreg [dreg:$0x12]  }
0x4e: {  	[tilespmem:s21], [sflag:$0x5] =	stream.linear.gather [hbm4b:s19+s4], $0x30, $0x38;
	[tilespmem:$0x15700] =	vst v63  }
0x4f: {  	_ =	swait.ge [sflag:s11], $0xC00  }
0x50: {  	[sflag:s11] =	ssyncset.done $0x0  }
0x51: {  	s18 =	rddreg [dreg:$0x13];
	[sflag:s11] =	ssyncadd.s32 $0xFFFFF400  }
0x52: {  	[tilespmem:s23], [sflag:$0x7] =	stream.linear.gather [hbm4b:s18+s4], $0x18, $0x38;
	[tilespmem:$0x15700] =	vst v63  }
0x53: {  	_ =	swait.ge [sflag:s12], $0x30  }
0x54: {  	[sflag:s12] =	ssyncset.done $0x0  }
0x55: {  	[sflag:s12] =	ssyncadd.s32 $0xFFFFFFD0  }
0x56: {  	_ =	swait.ge [sflag:s13], $0x18  }
0x57: {  	[sflag:s13] =	ssyncset.done $0x0  }
0x58: {  	[sflag:s13] =	ssyncadd.s32 $0xFFFFFFE8  }
0x59: {  	[tilespmem:s30], [sflag:$0x1] =	stream.indirect.gather [hbm4b:s1+s29], $0x80, s22, s29, $0xb8;
	[tilespmem:$0x15700] =	vst v63  }
0x5a: {  	_ =	swait.ge [sflag:s14], $0xC00  }
0x5b: {  	[sflag:s14] =	ssyncset.done $0x0  }
0x5c: {  	s19 =	rddreg [dreg:$0x14];
	[sflag:s14] =	ssyncadd.s32 $0xFFFFF400  }
0x5d: {  	[tilespmem:s24], [sflag:$0x8] =	stream.linear.gather [hbm4b:s19+s4], $0x18, $0x38;
	[tilespmem:$0x15700] =	vst v63  }
0x5e: {  	_ =	swait.ge [sflag:s8], $0x18  }
0x5f: {  	[sflag:s8] =	ssyncset.done $0x0  }
0x60: {  	[sflag:s8] =	ssyncadd.s32 $0xFFFFFFE8  }
0x61: {  	[tilespmem:s5], [sflag:$0x2] =	stream.indirect.gather [hbm4b:s1+s29], $0x80, s10, s29, $0xb8;
	[tilespmem:$0x15700] =	vst v63  }
0x62: {  	_ =	swait.ge [sflag:s6], $0xC00  }
0x63: {  	[sflag:s6] =	ssyncset.done $0x0  }
0x64: {  	[sflag:s6] =	ssyncadd.s32 $0xFFFFF400  }
0x65: {  	[spmem:s2] =	stream.indirect.scatter.add.f32 [tilespmem:s30], [sflag:$0x3], $0x80, s25, s29, $0xb8;
	[tilespmem:$0x15700] =	vst v63  }
0x66: {  	_ =	swait.ge [sflag:s9], $0xC00  }
0x67: {  	[sflag:s9] =	ssyncset.done $0x0  }
0x68: {  	[sflag:s9] =	ssyncadd.s32 $0xFFFFF400  }
0x69: {  	[spmem:s2] =	stream.indirect.scatter.add.f32 [tilespmem:s5], [sflag:$0x4], $0x80, s31, s29, $0xb8;
	[tilespmem:$0x15700] =	vst v63  }
0x6a: {  	s18 =	rddreg [dreg:$0x15]  }
0x6b: {  	[tilespmem:s22], [sflag:$0x6] =	stream.linear.gather [hbm4b:s18+s4], $0x30, $0x38;
	[tilespmem:$0x15700] =	vst v63  }
0x6c: {  	_ =	swait.ge [sflag:s11], $0xC00  }
0x6d: {  	s19 =	rddreg [dreg:$0x9];
	[sflag:s11] =	ssyncset.done $0x0  }
0x6e: {  	[sflag:s11] =	ssyncadd.s32 $0xFFFFF400;
	s17 =	sadd.s32 $0x0, s19  }
0x6f: {  	[tilespmem:s25], [sflag:$0x9] =	stream.linear.gather [hbm4b:s17+s4], $0x18, $0x38;
	[tilespmem:$0x15700] =	vst v63  }
0x70: {  	_ =	swait.ge [sflag:s26], $0x30  }
0x71: {  	[sflag:s26] =	ssyncset.done $0x0  }
0x72: {  	[sflag:s26] =	ssyncadd.s32 $0xFFFFFFD0  }
0x73: {  	_ =	swait.ge [sflag:s28], $0x18  }
0x74: {  	[sflag:s28] =	ssyncset.done $0x0  }
0x75: {  	[sflag:s28] =	ssyncadd.s32 $0xFFFFFFE8  }
0x76: {  	[tilespmem:s30], [sflag:$0x1] =	stream.indirect.gather [hbm4b:s1+s29], $0x80, s21, s29, $0xb8;
	[tilespmem:$0x15700] =	vst v63  }
0x77: {  	_ =	swait.ge [sflag:s14], $0xC00  }
0x78: {  	s18 =	rddreg [dreg:$0x8];
	[sflag:s14] =	ssyncset.done $0x0  }
0x79: {  	[sflag:s14] =	ssyncadd.s32 $0xFFFFF400;
	s17 =	sadd.s32 $0x0, s18  }
0x7a: {  	[tilespmem:s31], [sflag:$0xA] =	stream.linear.gather [hbm4b:s17+s4], $0x18, $0x38;
	[tilespmem:$0x15700] =	vst v63  }
0x7b: {  	_ =	swait.ge [sflag:s0], $0x18  }
0x7c: {  	[sflag:s0] =	ssyncset.done $0x0  }
0x7d: {  	[sflag:s0] =	ssyncadd.s32 $0xFFFFFFE8  }
0x7e: {  	[tilespmem:s5], [sflag:$0x2] =	stream.indirect.gather [hbm4b:s1+s29], $0x80, s3, s29, $0xb8;
	[tilespmem:$0x15700] =	vst v63  }
0x7f: {  	_ =	swait.ge [sflag:s6], $0xC00  }
0x80: {  	[sflag:s6] =	ssyncset.done $0x0  }
0x81: {  	[sflag:s6] =	ssyncadd.s32 $0xFFFFF400  }
0x82: {  	[spmem:s2] =	stream.indirect.scatter.add.f32 [tilespmem:s30], [sflag:$0x3], $0x80, s23, s29, $0xb8;
	[tilespmem:$0x15700] =	vst v63  }
0x83: {  	_ =	swait.ge [sflag:s9], $0xC00  }
0x84: {  	[sflag:s9] =	ssyncset.done $0x0  }
0x85: {  	s19 =	rddreg [dreg:$0x7];
	[sflag:s9] =	ssyncadd.s32 $0xFFFFF400  }
0x86: {  	[spmem:s2] =	stream.indirect.scatter.add.f32 [tilespmem:s5], [sflag:$0x4], $0x80, s24, s29, $0xb8;
	[tilespmem:$0x15700] =	vst v63  }
0x87: {  	s17 =	sadd.s32 $0x0, s19  }
0x88: {  	[tilespmem:s21], [sflag:$0x5] =	stream.linear.gather [hbm4b:s17+s4], $0x30, $0x38;
	[tilespmem:$0x15700] =	vst v63  }
0x89: {  	_ =	swait.ge [sflag:s11], $0xC00  }
0x8a: {  	s18 =	rddreg [dreg:$0x6];
	[sflag:s11] =	ssyncset.done $0x0  }
0x8b: {  	[sflag:s11] =	ssyncadd.s32 $0xFFFFF400;
	s17 =	sadd.s32 $0x0, s18  }
0x8c: {  	[tilespmem:s23], [sflag:$0x7] =	stream.linear.gather [hbm4b:s17+s4], $0x18, $0x38;
	[tilespmem:$0x15700] =	vst v63  }
0x8d: {  	_ =	swait.ge [sflag:s12], $0x30  }
0x8e: {  	[sflag:s12] =	ssyncset.done $0x0  }
0x8f: {  	[sflag:s12] =	ssyncadd.s32 $0xFFFFFFD0  }
0x90: {  	_ =	swait.ge [sflag:s13], $0x18  }
0x91: {  	[sflag:s13] =	ssyncset.done $0x0  }
0x92: {  	[sflag:s13] =	ssyncadd.s32 $0xFFFFFFE8  }
0x93: {  	[tilespmem:s30], [sflag:$0x1] =	stream.indirect.gather [hbm4b:s1+s29], $0x80, s22, s29, $0xb8;
	[tilespmem:$0x15700] =	vst v63  }
0x94: {  	_ =	swait.ge [sflag:s14], $0xC00  }
0x95: {  	s19 =	rddreg [dreg:$0x5];
	[sflag:s14] =	ssyncset.done $0x0  }
0x96: {  	[sflag:s14] =	ssyncadd.s32 $0xFFFFF400;
	s17 =	sadd.s32 $0x0, s19  }
0x97: {  	[tilespmem:s24], [sflag:$0x8] =	stream.linear.gather [hbm4b:s17+s4], $0x18, $0x38;
	[tilespmem:$0x15700] =	vst v63  }
0x98: {  	_ =	swait.ge [sflag:s8], $0x18  }
0x99: {  	[sflag:s8] =	ssyncset.done $0x0  }
0x9a: {  	[sflag:s8] =	ssyncadd.s32 $0xFFFFFFE8  }
0x9b: {  	[tilespmem:s5], [sflag:$0x2] =	stream.indirect.gather [hbm4b:s1+s29], $0x80, s10, s29, $0xb8;
	[tilespmem:$0x15700] =	vst v63  }
0x9c: {  	_ =	swait.ge [sflag:s6], $0xC00  }
0x9d: {  	[sflag:s6] =	ssyncset.done $0x0  }
0x9e: {  	[sflag:s6] =	ssyncadd.s32 $0xFFFFF400  }
0x9f: {  	[spmem:s2] =	stream.indirect.scatter.add.f32 [tilespmem:s30], [sflag:$0x3], $0x80, s25, s29, $0xb8;
	[tilespmem:$0x15700] =	vst v63  }
0xa0: {  	_ =	swait.ge [sflag:s9], $0xC00  }
0xa1: {  	[sflag:s9] =	ssyncset.done $0x0;
	s18 =	rddreg [dreg:$0x4]  }
0xa2: {  	s17 =	simm.s32 $0xC;
	[sflag:s9] =	ssyncadd.s32 $0xFFFFF400;
	s18 =	sadd.s32 $0x0, s18  }
0xa3: {  	[spmem:s2] =	stream.indirect.scatter.add.f32 [tilespmem:s5], [sflag:$0x4], $0x80, s31, s29, $0xb8;
	[tilespmem:$0x15700] =	vst v63  }
.LBB2_2:
0xa4: {  	[tilespmem:s22], [sflag:$0x6] =	stream.linear.gather [hbm4b:s18+s4], $0x30, $0x38;
	[tilespmem:$0x15700] =	vst v63  }
0xa5: {  	_ =	swait.ge [sflag:s11], $0xC00  }
0xa6: {  	s18 =	smov.u32 s17;
	s19 =	rddreg [dreg:$0x9];
	[sflag:s11] =	ssyncset.done $0x0  }
0xa7: {  	[sflag:s11] =	ssyncadd.s32 $0xFFFFF400;
	s19 =	sadd.s32 s18, s19  }
0xa8: {  	[tilespmem:s25], [sflag:$0x9] =	stream.linear.gather [hbm4b:s19+s4], $0x18, $0x38;
	[tilespmem:$0x15700] =	vst v63  }
0xa9: {  	_ =	swait.ge [sflag:s26], $0x30  }
0xaa: {  	[sflag:s26] =	ssyncset.done $0x0  }
0xab: {  	[sflag:s26] =	ssyncadd.s32 $0xFFFFFFD0  }
0xac: {  	_ =	swait.ge [sflag:s28], $0x18  }
0xad: {  	[sflag:s28] =	ssyncset.done $0x0  }
0xae: {  	[sflag:s28] =	ssyncadd.s32 $0xFFFFFFE8  }
0xaf: {  	[tilespmem:s30], [sflag:$0x1] =	stream.indirect.gather [hbm4b:s1+s29], $0x80, s21, s29, $0xb8;
	[tilespmem:$0x15700] =	vst v63  }
0xb0: {  	_ =	swait.ge [sflag:s14], $0xC00  }
0xb1: {  	s19 =	rddreg [dreg:$0x8];
	[sflag:s14] =	ssyncset.done $0x0  }
0xb2: {  	[sflag:s14] =	ssyncadd.s32 $0xFFFFF400;
	s19 =	sadd.s32 s18, s19  }
0xb3: {  	[tilespmem:s31], [sflag:$0xA] =	stream.linear.gather [hbm4b:s19+s4], $0x18, $0x38;
	[tilespmem:$0x15700] =	vst v63  }
0xb4: {  	_ =	swait.ge [sflag:s0], $0x18  }
0xb5: {  	[sflag:s0] =	ssyncset.done $0x0  }
0xb6: {  	[sflag:s0] =	ssyncadd.s32 $0xFFFFFFE8  }
0xb7: {  	[tilespmem:s5], [sflag:$0x2] =	stream.indirect.gather [hbm4b:s1+s29], $0x80, s3, s29, $0xb8;
	[tilespmem:$0x15700] =	vst v63  }
0xb8: {  	_ =	swait.ge [sflag:s6], $0xC00  }
0xb9: {  	[sflag:s6] =	ssyncset.done $0x0  }
0xba: {  	[sflag:s6] =	ssyncadd.s32 $0xFFFFF400  }
0xbb: {  	[spmem:s2] =	stream.indirect.scatter.add.f32 [tilespmem:s30], [sflag:$0x3], $0x80, s23, s29, $0xb8;
	[tilespmem:$0x15700] =	vst v63  }
0xbc: {  	_ =	swait.ge [sflag:s9], $0xC00  }
0xbd: {  	[sflag:s9] =	ssyncset.done $0x0  }
0xbe: {  	s19 =	rddreg [dreg:$0x7];
	[sflag:s9] =	ssyncadd.s32 $0xFFFFF400  }
0xbf: {  	[spmem:s2] =	stream.indirect.scatter.add.f32 [tilespmem:s5], [sflag:$0x4], $0x80, s24, s29, $0xb8;
	[tilespmem:$0x15700] =	vst v63  }
0xc0: {  	s19 =	sadd.s32 s18, s19  }
0xc1: {  	[tilespmem:s21], [sflag:$0x5] =	stream.linear.gather [hbm4b:s19+s4], $0x30, $0x38;
	[tilespmem:$0x15700] =	vst v63  }
0xc2: {  	_ =	swait.ge [sflag:s11], $0xC00  }
0xc3: {  	s19 =	rddreg [dreg:$0x6];
	[sflag:s11] =	ssyncset.done $0x0  }
0xc4: {  	[sflag:s11] =	ssyncadd.s32 $0xFFFFF400;
	s19 =	sadd.s32 s18, s19  }
0xc5: {  	[tilespmem:s23], [sflag:$0x7] =	stream.linear.gather [hbm4b:s19+s4], $0x18, $0x38;
	[tilespmem:$0x15700] =	vst v63  }
0xc6: {  	_ =	swait.ge [sflag:s12], $0x30  }
0xc7: {  	[sflag:s12] =	ssyncset.done $0x0  }
0xc8: {  	[sflag:s12] =	ssyncadd.s32 $0xFFFFFFD0  }
0xc9: {  	_ =	swait.ge [sflag:s13], $0x18  }
0xca: {  	[sflag:s13] =	ssyncset.done $0x0  }
0xcb: {  	[sflag:s13] =	ssyncadd.s32 $0xFFFFFFE8  }
0xcc: {  	[tilespmem:s30], [sflag:$0x1] =	stream.indirect.gather [hbm4b:s1+s29], $0x80, s22, s29, $0xb8;
	[tilespmem:$0x15700] =	vst v63  }
0xcd: {  	_ =	swait.ge [sflag:s14], $0xC00  }
0xce: {  	s19 =	rddreg [dreg:$0x5];
	[sflag:s14] =	ssyncset.done $0x0  }
0xcf: {  	[sflag:s14] =	ssyncadd.s32 $0xFFFFF400;
	s19 =	sadd.s32 s18, s19  }
0xd0: {  	[tilespmem:s24], [sflag:$0x8] =	stream.linear.gather [hbm4b:s19+s4], $0x18, $0x38;
	[tilespmem:$0x15700] =	vst v63  }
0xd1: {  	_ =	swait.ge [sflag:s8], $0x18  }
0xd2: {  	[sflag:s8] =	ssyncset.done $0x0  }
0xd3: {  	[sflag:s8] =	ssyncadd.s32 $0xFFFFFFE8  }
0xd4: {  	[tilespmem:s5], [sflag:$0x2] =	stream.indirect.gather [hbm4b:s1+s29], $0x80, s10, s29, $0xb8;
	[tilespmem:$0x15700] =	vst v63  }
0xd5: {  	_ =	swait.ge [sflag:s6], $0xC00  }
0xd6: {  	[sflag:s6] =	ssyncset.done $0x0  }
0xd7: {  	p0 =	sne.s32 s17, $0x4D4;
	[sflag:s6] =	ssyncadd.s32 $0xFFFFF400  }
0xd8: {  	[spmem:s2] =	stream.indirect.scatter.add.f32 [tilespmem:s30], [sflag:$0x3], $0x80, s25, s29, $0xb8;
	[tilespmem:$0x15700] =	vst v63  }
.Ltmp0:
0xd9: {  	_ = 	snop;
	(pc) =	sbr.rel @p0 .LBB2_2-.Ltmp0, $4  }
0xda: {  	_ =	swait.ge [sflag:s9], $0xC00  }
0xdb: {  	[sflag:s9] =	ssyncset.done $0x0;
	s19 =	rddreg [dreg:$0x4]  }
0xdc: {  	s17 =	sadd.s32 $0xC, s17;
	[sflag:s9] =	ssyncadd.s32 $0xFFFFF400;
	s18 =	sadd.s32 s18, s19  }
0xdd: {  	[spmem:s2] =	stream.indirect.scatter.add.f32 [tilespmem:s5], [sflag:$0x4], $0x80, s31, s29, $0xb8;
	[tilespmem:$0x15700] =	vst v63  }
0xde: {  	[tilespmem:s22], [sflag:$0x6] =	stream.linear.gather [hbm4b:s18+s4], $0x30, $0x38;
	[tilespmem:$0x15700] =	vst v63  }
0xdf: {  	_ =	swait.ge [sflag:s11], $0xC00  }
0xe0: {  	[sflag:s11] =	ssyncset.done $0x0  }
0xe1: {  	[sflag:s11] =	ssyncadd.s32 $0xFFFFF400  }
0xe2: {  	_ =	swait.ge [sflag:s14], $0xC00  }
0xe3: {  	[sflag:s14] =	ssyncset.done $0x0  }
0xe4: {  	[sflag:s14] =	ssyncadd.s32 $0xFFFFF400  }
0xe5: {  	_ =	swait.ge [sflag:s26], $0x30  }
0xe6: {  	[sflag:s26] =	ssyncset.done $0x0  }
0xe7: {  	[sflag:s26] =	ssyncadd.s32 $0xFFFFFFD0  }
0xe8: {  	_ =	swait.ge [sflag:s12], $0x30  }
0xe9: {  	[sflag:s12] =	ssyncset.done $0x0  }
0xea: {  	[sflag:s12] =	ssyncadd.s32 $0xFFFFFFD0  }
0xeb: {  	_ =	swait.ge [sflag:s28], $0x18  }
0xec: {  	[sflag:s28] =	ssyncset.done $0x0  }
0xed: {  	[sflag:s28] =	ssyncadd.s32 $0xFFFFFFE8  }
0xee: {  	_ =	swait.ge [sflag:s0], $0x18  }
0xef: {  	[sflag:s0] =	ssyncset.done $0x0  }
0xf0: {  	[sflag:s0] =	ssyncadd.s32 $0xFFFFFFE8  }
0xf1: {  	[bflag:$0x0] =	sbarrier.arrive $0xFFFF  }
0xf2: {  	s17 =	rddreg [dreg:$0x16]  }
0xf3: {  	[hbm:s17], [sflag:s7] =	dma.local [spmem:s16], $0x2780  }
0xf4: {  	_ =	swait.ge [sflag:s20], $0x2780  }
0xf5: {  	s15 =	sadd.s32 $0x1, s15;
	s19 =	rddreg [dreg:$0x17]  }
0xf6: {  	p0 =	sne.s32 s15, s19  }
.Ltmp1:
0xf7: {  	_ = 	snop;
	(pc) =	sbr.rel @p0 .LBB2_1-.Ltmp1, $3  }
0xf8: {  	_ =	sdelay $0x1  }
0xf9: {  	[sflag:s20] =	ssyncset.done $0x0  }
0xfa: {  	[sflag:s20] =	ssyncadd.s32 $0xFFFFD880  }
0xfb: {  	_ =	sfence.sel $0x180000  }
0xfc: {  	[bflag:$0x0] =	sbarrier.arrive $0xFFFF  }
0xfd: {  	_ =	strace $0x90000047  }
0xfe: {  	s0 =	stileid.u32;
	[bflag:$0x2] =	sbarrier.arrive $0xFFFF  }
0xff: {  	p0 =	sne.s32 s0, $0x0;
	s0 =	rddreg [dreg:$0x3]  }
0x100: {  	s0 =	sadd.s32 @!p0 $0x100000, s0  }
0x101: {  	[sflag:s0] =	ssyncadd.tile.s32 @!p0 $0x1;
	_ =	shalt  }
.Lfunc_end2:
_tile_overlayer_lowered:
.L_overlay_start_2:
0x102: {  	(tag) =	ssettag $0x2  }
0x103: {  	s0 =	rddreg [dreg:$0x0];
	s2 =	stileid.u32  }
0x104: {  	s1 =	rddreg [dreg:$0x1];
	p0 =	sne.s32 s2, $0x0  }
0x105: {  	s3 =	rddreg [dreg:$0x2];
	[bflag:$0x3] =	sbarrier.arrive $0xFFFF;
	s2 =	simm.s32 @!p0 $0x1C0B  }
0x106: {  	[timem:s3], [sflag:s2] =	dma.local @!p0 [hbm:s0], s1  }
0x107: {  	s0 =	simm.s32 @!p0 $0xB  }
0x108: {  	_ =	swait.ge @!p0 [sflag:s0], s1  }
0x109: {  	s1 =	ssub.s32 @!p0 $0x0, s1;
	[sflag:s0] =	ssyncset.done @!p0 $0x0  }
0x10a: {  	[sflag:s0] =	ssyncadd.s32 @!p0 s1  }
0x10b: {  	[bflag:$0x3] =	sbarrier.arrive $0xFFFF  }
0x10c: {  	_ =	shalt  }

</sc_bundles>
